<compile_context>
chip_gen: v7x
topology: tpu7x:2x2x1
jax: 0.10.2.dev20260603
libtpu: 0.0.44.dev20260713+nightly
codegen_flags: <defaults>
</compile_context>

<pallas_src>
import functools

import jax
import jax.numpy as jnp
from jax import lax
from jax.experimental import pallas as pl
from jax.experimental.pallas import tpu as pltpu
from jax.experimental.pallas import tpu_sc as plsc

N = 10000
E = 320000
DN = 128
DE = 16
EP = E // 8

NC = 2
NS = 16
NW = NC * NS
EPW = E // NW
SUB = 100
CH = 2000
NSUB = CH // SUB
NCH = EPW // CH
SPW = EPW // SUB
NP = 10240
RPS = NP // NS
CROWS = CH * DE // DN


def _proj_body(nf_ref, wn_ref, ps_ref, pt_ref):
    p = jnp.dot(nf_ref[...], wn_ref[...], preferred_element_type=jnp.float32)
    ps_ref[...] = p[:, :DE]
    pt_ref[...] = p[:, DE:]


def _proj(node_features, wn):
    bn = 1000
    return pl.pallas_call(
        _proj_body,
        grid=(N // bn,),
        in_specs=[
            pl.BlockSpec((bn, DN), lambda i: (i, 0)),
            pl.BlockSpec((DN, 2 * DE), lambda i: (0, 0)),
        ],
        out_specs=[
            pl.BlockSpec((bn, DE), lambda i: (i, 0)),
            pl.BlockSpec((bn, DE), lambda i: (i, 0)),
        ],
        out_shape=[
            jax.ShapeDtypeStruct((N, DE), jnp.float32),
            jax.ShapeDtypeStruct((N, DE), jnp.float32),
        ],
    )(node_features, wn)


_sc_mesh = plsc.VectorSubcoreMesh(
    core_axis_name="c", subcore_axis_name="s", num_cores=NC, num_subcores=NS
)


@functools.partial(
    pl.kernel,
    out_type=(
        jax.ShapeDtypeStruct((E, DE), jnp.float32),
        jax.ShapeDtypeStruct((E, DE), jnp.float32),
    ),
    mesh=_sc_mesh,
    scratch_types=[
        pltpu.VMEM((NSUB, SUB), jnp.int32),
        pltpu.VMEM((NSUB, SUB), jnp.int32),
        pltpu.VMEM((CH, DE), jnp.float32),
        pltpu.VMEM((CH, DE), jnp.float32),
        pltpu.SemaphoreType.DMA,
    ],
    compiler_params=pltpu.CompilerParams(use_tc_tiling_on_sc=False),
)
def _sc_gather(src_hbm, tgt_hbm, psrc_hbm, ptgt_hbm,
               gsrc_hbm, gtgt_hbm,
               sidx_v, tidx_v, gsrc_v, gtgt_v, sem):
    c = lax.axis_index("c")
    s = lax.axis_index("s")
    w = s * NC + c

    def chunk_body(k, carry):
        base = w * EPW + k * CH
        irow = w * SPW + k * NSUB
        pltpu.sync_copy(src_hbm.at[pl.ds(irow, NSUB)], sidx_v)
        pltpu.sync_copy(tgt_hbm.at[pl.ds(irow, NSUB)], tidx_v)
        hs = []
        for j in range(NSUB):
            hs.append(pltpu.async_copy(
                psrc_hbm.at[sidx_v.at[j]],
                gsrc_v.at[pl.ds(j * SUB, SUB)], sem))
            hs.append(pltpu.async_copy(
                ptgt_hbm.at[tidx_v.at[j]],
                gtgt_v.at[pl.ds(j * SUB, SUB)], sem))
        for h in hs:
            h.wait()
        pltpu.sync_copy(gsrc_v, gsrc_hbm.at[pl.ds(base, CH)])
        pltpu.sync_copy(gtgt_v, gtgt_hbm.at[pl.ds(base, CH)])
        return carry

    lax.fori_loop(0, NCH, chunk_body, 0)


def _eln_body(x_ref, gs_ref, gt_ref, a_ref, m_ref, b1_ref, g1_ref, be1_ref,
              out_ref):
    x = x_ref[...]
    y = (lax.dot(x, a_ref[...], preferred_element_type=jnp.float32)
         + b1_ref[...] + gs_ref[...] + gt_ref[...])
    mu = lax.dot(y, m_ref[...], preferred_element_type=jnp.float32)
    d = y - mu
    var = lax.dot(d * d, m_ref[...], preferred_element_type=jnp.float32)
    out_ref[...] = d * lax.rsqrt(var + 1e-5) * g1_ref[...] + be1_ref[...]


def _eln(xp, gsp, gtp, a128, m128, b1t, g1t, be1t):
    bp = 2000
    return pl.pallas_call(
        _eln_body,
        grid=(EP // bp,),
        in_specs=[
            pl.BlockSpec((bp, DN), lambda i: (i, 0)),
            pl.BlockSpec((bp, DN), lambda i: (i, 0)),
            pl.BlockSpec((bp, DN), lambda i: (i, 0)),
            pl.BlockSpec((DN, DN), lambda i: (0, 0)),
            pl.BlockSpec((DN, DN), lambda i: (0, 0)),
            pl.BlockSpec((1, DN), lambda i: (0, 0)),
            pl.BlockSpec((1, DN), lambda i: (0, 0)),
            pl.BlockSpec((1, DN), lambda i: (0, 0)),
        ],
        out_specs=pl.BlockSpec((bp, DN), lambda i: (i, 0)),
        out_shape=jax.ShapeDtypeStruct((EP, DN), jnp.float32),
    )(xp, gsp, gtp, a128, m128, b1t, g1t, be1t)


@functools.partial(
    pl.kernel,
    out_type=jax.ShapeDtypeStruct((NC, NP, 2 * DE), jnp.float32),
    mesh=_sc_mesh,
    scratch_types=[
        pltpu.VMEM((NSUB, SUB), jnp.int32),
        pltpu.VMEM((NSUB, SUB), jnp.int32),
        pltpu.VMEM((CH, 2 * DE), jnp.float32),
        pltpu.VMEM((RPS, 2 * DE), jnp.float32),
        pltpu.VMEM_SHARED((NP, 2 * DE), jnp.float32),
        pltpu.SemaphoreType.DMA,
    ],
    compiler_params=pltpu.CompilerParams(use_tc_tiling_on_sc=False),
)
def _sc_scatter(newe_hbm, src_hbm, tgt_hbm, part_hbm,
                sidx_v, tidx_v, vals_v, zbuf_v, acc_sh, sem):
    c = lax.axis_index("c")
    s = lax.axis_index("s")
    w = s * NC + c

    z16 = jnp.zeros((DE,), jnp.float32)
    o16 = jnp.full((DE,), 1.0, jnp.float32)

    def zb_body(i, carry):
        zbuf_v[i, pl.ds(0, DE)] = z16
        zbuf_v[i, pl.ds(DE, DE)] = z16
        return carry

    lax.fori_loop(0, RPS, zb_body, 0)
    pltpu.sync_copy(zbuf_v, acc_sh.at[pl.ds(s * RPS, RPS)])

    def ones_body(i, carry):
        vals_v[i, pl.ds(DE, DE)] = o16
        return carry

    lax.fori_loop(0, CH, ones_body, 0)

    plsc.subcore_barrier()

    def chunk_body(k, carry):
        base = w * EPW + k * CH
        irow = w * SPW + k * NSUB
        pltpu.sync_copy(src_hbm.at[pl.ds(irow, NSUB)], sidx_v)
        pltpu.sync_copy(tgt_hbm.at[pl.ds(irow, NSUB)], tidx_v)
        pltpu.sync_copy(newe_hbm.at[pl.ds(base, CH)],
                        vals_v.at[:, pl.ds(0, DE)])
        for j in range(NSUB):
            vrow = vals_v.at[pl.ds(j * SUB, SUB)]
            pltpu.sync_copy(vrow, acc_sh.at[sidx_v.at[j]], add=True)
            pltpu.sync_copy(vrow, acc_sh.at[tidx_v.at[j]], add=True)
        return carry

    lax.fori_loop(0, NCH, chunk_body, 0)

    plsc.subcore_barrier()
    pltpu.sync_copy(acc_sh.at[pl.ds(s * RPS, RPS)],
                    part_hbm.at[c, pl.ds(s * RPS, RPS)])


def _final_body(nf_ref, p0_ref, p1_ref, w2a_ref, w2b_ref, b2_ref, g2_ref,
                be2_ref, out_ref):
    sums = p0_ref[...] + p1_ref[...]
    emean = sums[:, :DE] / (sums[:, DE:DE + 1] + 1e-10)
    nf = nf_ref[...]
    h = (nf
         + jnp.dot(nf, w2a_ref[...], preferred_element_type=jnp.float32)
         + jnp.dot(emean, w2b_ref[...], preferred_element_type=jnp.float32)
         + b2_ref[...])
    mu = jnp.mean(h, axis=-1, keepdims=True)
    d = h - mu
    var = jnp.mean(d * d, axis=-1, keepdims=True)
    out_ref[...] = d * lax.rsqrt(var + 1e-5) * g2_ref[...] + be2_ref[...]


def _final(node_features, p0, p1, w2a, w2b, b2row, g2row, be2row):
    bn = 400
    return pl.pallas_call(
        _final_body,
        grid=(N // bn,),
        in_specs=[
            pl.BlockSpec((bn, DN), lambda i: (i, 0)),
            pl.BlockSpec((bn, 2 * DE), lambda i: (i, 0)),
            pl.BlockSpec((bn, 2 * DE), lambda i: (i, 0)),
            pl.BlockSpec((DN, DN), lambda i: (0, 0)),
            pl.BlockSpec((DE, DN), lambda i: (0, 0)),
            pl.BlockSpec((1, DN), lambda i: (0, 0)),
            pl.BlockSpec((1, DN), lambda i: (0, 0)),
            pl.BlockSpec((1, DN), lambda i: (0, 0)),
        ],
        out_specs=pl.BlockSpec((bn, DN), lambda i: (i, 0)),
        out_shape=jax.ShapeDtypeStruct((N, DN), jnp.float32),
    )(node_features, p0, p1, w2a, w2b, b2row, g2row, be2row)


def kernel(node_features, edge_features, edge_index, W1, b1, g1, be1,
           W2, b2, g2, be2):
    src3 = edge_index[0].reshape(E // SUB, SUB)
    tgt3 = edge_index[1].reshape(E // SUB, SUB)

    wn = jnp.concatenate([W1[DE:DE + DN], W1[DE + DN:]], axis=1)
    psrc, ptgt = _proj(node_features, wn)

    gsrc, gtgt = _sc_gather(src3, tgt3, psrc, ptgt)

    eye8 = jnp.eye(8, dtype=jnp.float32)
    a128 = jnp.eye(DN, dtype=jnp.float32) + jnp.kron(eye8, W1[:DE])
    m128 = jnp.kron(eye8, jnp.full((DE, DE), 1.0 / DE, jnp.float32))
    b1t = jnp.tile(b1, 8).reshape(1, DN)
    g1t = jnp.tile(g1, 8).reshape(1, DN)
    be1t = jnp.tile(be1, 8).reshape(1, DN)

    newe_p = _eln(edge_features.reshape(EP, DN),
                  gsrc.reshape(EP, DN), gtgt.reshape(EP, DN),
                  a128, m128, b1t, g1t, be1t)
    new_edges = newe_p.reshape(E, DE)

    partials = _sc_scatter(new_edges, src3, tgt3)

    new_nodes = _final(node_features, partials[0, :N], partials[1, :N],
                       W2[:DN], W2[DN:], b2.reshape(1, DN),
                       g2.reshape(1, DN), be2.reshape(1, DN))
    return (new_nodes, new_edges)

# --- scband reference (transcript-rebuilt; emitter-appended) ---
"""Pipeline reference for scband-reconciliation-bridge-88218628260362 (READ-ONLY COPY).

The authoritative reference and input builder live on the scoring server;
editing this copy changes nothing except your own understanding.
"""

import jax, jax.numpy as jnp
import numpy as np


def layer_norm(x, g, b, eps=1e-5):
    mu = jnp.mean(x, axis=-1, keepdims=True)
    var = jnp.var(x, axis=-1, keepdims=True)
    return (x - mu) / jnp.sqrt(var + eps) * g + b


def setup_inputs(seed: int = 0):
    key = jax.random.key(seed)
    ks = jax.random.split(key, 8)
    N, E, dn, de = 10000, 320000, 128, 16
    node_features = jax.random.normal(ks[0], (N, dn), dtype=jnp.float32)
    edge_features = jax.random.normal(ks[1], (E, de), dtype=jnp.float32)
    edge_index = jax.random.randint(ks[2], (2, E), 0, N, dtype=jnp.int32)
    W1 = jax.random.normal(ks[3], (de + 2 * dn, de), dtype=jnp.float32) / np.sqrt(de + 2 * dn)
    b1 = jnp.zeros((de,), dtype=jnp.float32)
    g1 = jnp.ones((de,), dtype=jnp.float32)
    be1 = jnp.zeros((de,), dtype=jnp.float32)
    W2 = jax.random.normal(ks[4], (dn + de, dn), dtype=jnp.float32) / np.sqrt(dn + de)
    b2 = jnp.zeros((dn,), dtype=jnp.float32)
    g2 = jnp.ones((dn,), dtype=jnp.float32)
    be2 = jnp.zeros((dn,), dtype=jnp.float32)
    return {"node_features": node_features, "edge_features": edge_features, "edge_index": edge_index,
            "W1": W1, "b1": b1, "g1": g1, "be1": be1, "W2": W2, "b2": b2, "g2": g2, "be2": be2}


def reference(node_features, edge_features, edge_index, W1, b1, g1, be1, W2, b2, g2, be2):
    src = edge_index[0]
    tgt = edge_index[1]
    src_feats = node_features[src]
    tgt_feats = node_features[tgt]
    edge_ctx = jnp.concatenate([edge_features, src_feats, tgt_feats], axis=-1)
    new_edges = layer_norm(edge_features + edge_ctx @ W1 + b1, g1, be1)
    N = node_features.shape[0]
    de = edge_features.shape[1]
    all_nodes = jnp.concatenate([src, tgt])
    all_edges = jnp.concatenate([new_edges, new_edges], axis=0)
    edge_sum = jnp.zeros((N, de), dtype=jnp.float32).at[all_nodes].add(all_edges)
    edge_count = jnp.zeros((N, 1), dtype=jnp.float32).at[all_nodes].add(jnp.ones((all_nodes.shape[0], 1), dtype=jnp.float32))
    edge_mean = edge_sum / (edge_count + 1e-10)
    node_ctx = jnp.concatenate([node_features, edge_mean], axis=-1)
    new_nodes = layer_norm(node_features + node_ctx @ W2 + b2, g2, be2)
    return (new_nodes, new_edges)

if __name__ == "__main__":
    import jax
    _d = setup_inputs()
    print(jax.jit(kernel)(*tuple(_d.values())))

</pallas_src>

<mosaic_0001>
#map = affine_map<(d0, d1) -> (0, 0)>
#map1 = affine_map<(d0, d1) -> (0, 0, 0)>
module attributes {stable_mosaic.version = 14 : i64} {
  func.func @_sc_scatter(%arg0: i32, %arg1: i32, %arg2: memref<320000x16xf32, #tpu.memory_space<hbm>>, %arg3: memref<3200x100xi32, #tpu.memory_space<hbm>>, %arg4: memref<3200x100xi32, #tpu.memory_space<hbm>>, %arg5: memref<2x10240x32xf32, #tpu.memory_space<hbm>>, %arg6: memref<20x100xi32, #tpu.memory_space<vmem>>, %arg7: memref<20x100xi32, #tpu.memory_space<vmem>>, %arg8: memref<2000x32xf32, #tpu.memory_space<vmem>>, %arg9: memref<640x32xf32, #tpu.memory_space<vmem>>, %arg10: memref<10240x32xf32, #tpu.memory_space<vmem_shared>>, %arg11: memref<!tpu.dma_semaphore, #tpu.memory_space<semaphore_mem>>) attributes {dimension_semantics = [#tpu.dimension_semantics<core_parallel>, #tpu.dimension_semantics<subcore_parallel>], iteration_bounds = array<i64: 2, 16>, scalar_prefetch = 0 : i64, scratch_operands = 6 : i64, tpu.core_type = #tpu.core_type<sc_vector_subcore>, window_params = [{transform_indices = #map}, {transform_indices = #map}, {transform_indices = #map}, {transform_indices = #map1}]} {
    %mul3A = arith.constant 2 : i32
    %mul3A_0 = arith.muli %arg1, %mul3A : i32
    %add3A = arith.addi %mul3A_0, %arg0 : i32
    %broadcast_in_dim3A = arith.constant 0.000000e+00 : f32
    %broadcast_in_dim3A_1 = vector.broadcast %broadcast_in_dim3A : f32 to vector<16xf32>
    %broadcast_in_dim3A_2 = arith.constant 1.000000e+00 : f32
    %broadcast_in_dim3A_3 = vector.broadcast %broadcast_in_dim3A_2 : f32 to vector<16xf32>
    %scan3A = arith.constant 0 : i32
    %scan3A_4 = arith.constant 0 : i32
    %scan3A_5 = arith.constant 640 : i32
    %scan3A_6 = arith.addi %scan3A_4, %scan3A_5 : i32
    %scan3A_7 = arith.constant 1 : i32
    scf.for %scan3A_28 = %scan3A_4 to %scan3A_6 step %scan3A_7  : i32 {
      %swap3A = arith.index_cast %scan3A_28 : i32 to index
      %swap3A_29 = arith.constant 0 : index
      %swap3A_30 = tpu.vector_load %arg9[%swap3A, %swap3A_29] {strides = array<i32>} : memref<640x32xf32, #tpu.memory_space<vmem>>, vector<1x16xf32>,
      %swap3A_31 = vector.shape_cast %swap3A_30 : vector<1x16xf32> to vector<16xf32>
      %swap3A_32 = vector.shape_cast %broadcast_in_dim3A_1 : vector<16xf32> to vector<1x16xf32>
      tpu.vector_store %arg9[%swap3A, %swap3A_29], %swap3A_32 {strides = array<i32>} : memref<640x32xf32, #tpu.memory_space<vmem>>, vector<1x16xf32>,
      %swap3A_33 = arith.index_cast %scan3A_28 : i32 to index
      %swap3A_34 = arith.constant 16 : index
      %swap3A_35 = tpu.vector_load %arg9[%swap3A_33, %swap3A_34] {strides = array<i32>} : memref<640x32xf32, #tpu.memory_space<vmem>>, vector<1x16xf32>,
      %swap3A_36 = vector.shape_cast %swap3A_35 : vector<1x16xf32> to vector<16xf32>
      %swap3A_37 = vector.shape_cast %broadcast_in_dim3A_1 : vector<16xf32> to vector<1x16xf32>
      tpu.vector_store %arg9[%swap3A_33, %swap3A_34], %swap3A_37 {strides = array<i32>} : memref<640x32xf32, #tpu.memory_space<vmem>>, vector<1x16xf32>,
    }
    %scan3A_8 = arith.constant 640 : i32
    %mul3A_9 = arith.constant 640 : i32
    %mul3A_10 = arith.muli %arg1, %mul3A_9 : i32
    "tpu.region"() ({
      %run_scoped3A = tpu.sem_alloc : memref<!tpu.dma_semaphore, #tpu.memory_space<semaphore_mem>>
      %dma_start3A = arith.constant 0 : i32
      %dma_start3A_28 = tpu.memref_slice %arg10[%mul3A_10, %dma_start3A] : memref<10240x32xf32, #tpu.memory_space<vmem_shared>> -> memref<640x32xf32, #tpu.memory_space<vmem_shared>>
      %dma_start3A_29 = arith.constant 0 : i32
      %dma_start3A_30 = tpu.memref_slice %arg10[%mul3A_10, %dma_start3A_29] : memref<10240x32xf32, #tpu.memory_space<vmem_shared>> -> memref<640x32xf32, #tpu.memory_space<vmem_shared>>
      tpu.enqueue_dma source(%arg9 : memref<640x32xf32, #tpu.memory_space<vmem>>) target(%dma_start3A_30 : memref<640x32xf32, #tpu.memory_space<vmem_shared>>) target_semaphore(%run_scoped3A : memref<!tpu.dma_semaphore, #tpu.memory_space<semaphore_mem>>)
      %dma_wait3A = arith.constant 0 : i32
      %dma_wait3A_31 = tpu.memref_slice %arg10[%mul3A_10, %dma_wait3A] : memref<10240x32xf32, #tpu.memory_space<vmem_shared>> -> memref<640x32xf32, #tpu.memory_space<vmem_shared>>
      %dma_wait3A_32 = arith.constant 0 : i32
      %dma_wait3A_33 = tpu.memref_slice %arg10[%mul3A_10, %dma_wait3A_32] : memref<10240x32xf32, #tpu.memory_space<vmem_shared>> -> memref<640x32xf32, #tpu.memory_space<vmem_shared>>
      tpu.wait_dma2 semaphore(%run_scoped3A : memref<!tpu.dma_semaphore, #tpu.memory_space<semaphore_mem>>) src(%arg9 : memref<640x32xf32, #tpu.memory_space<vmem>>) dst(%dma_wait3A_33 : memref<640x32xf32, #tpu.memory_space<vmem_shared>>)
      tpu.yield
    }) : () -> ()
    %scan3A_11 = arith.constant 0 : i32
    %scan3A_12 = arith.constant 0 : i32
    %scan3A_13 = arith.constant 2000 : i32
    %scan3A_14 = arith.addi %scan3A_12, %scan3A_13 : i32
    %scan3A_15 = arith.constant 1 : i32
    scf.for %scan3A_28 = %scan3A_12 to %scan3A_14 step %scan3A_15  : i32 {
      %swap3A = arith.index_cast %scan3A_28 : i32 to index
      %swap3A_29 = arith.constant 16 : index
      %swap3A_30 = tpu.vector_load %arg8[%swap3A, %swap3A_29] {strides = array<i32>} : memref<2000x32xf32, #tpu.memory_space<vmem>>, vector<1x16xf32>,
      %swap3A_31 = vector.shape_cast %swap3A_30 : vector<1x16xf32> to vector<16xf32>
      %swap3A_32 = vector.shape_cast %broadcast_in_dim3A_3 : vector<16xf32> to vector<1x16xf32>
      tpu.vector_store %arg8[%swap3A, %swap3A_29], %swap3A_32 {strides = array<i32>} : memref<2000x32xf32, #tpu.memory_space<vmem>>, vector<1x16xf32>,
    }
    %scan3A_16 = arith.constant 2000 : i32
    %barrier3A = arith.constant 0 : index
    tpu.barrier barrier_id(%barrier3A)
    %scan3A_17 = arith.constant 0 : i32
    %scan3A_18 = arith.constant 0 : i32
    %scan3A_19 = arith.constant 5 : i32
    %scan3A_20 = arith.addi %scan3A_18, %scan3A_19 : i32
    %scan3A_21 = arith.constant 1 : i32
    scf.for %scan3A_28 = %scan3A_18 to %scan3A_20 step %scan3A_21  : i32 {
      %mul3A_29 = arith.constant 10000 : i32
      %mul3A_30 = arith.muli %add3A, %mul3A_29 : i32
      %mul3A_31 = arith.constant 2000 : i32
      %mul3A_32 = arith.muli %scan3A_28, %mul3A_31 : i32
      %add3A_33 = arith.addi %mul3A_30, %mul3A_32 : i32
      %mul3A_34 = arith.constant 100 : i32
      %mul3A_35 = arith.muli %add3A, %mul3A_34 : i32
      %mul3A_36 = arith.constant 20 : i32
      %mul3A_37 = arith.muli %scan3A_28, %mul3A_36 : i32
      %add3A_38 = arith.addi %mul3A_35, %mul3A_37 : i32
      "tpu.region"() ({
        %run_scoped3A_78 = tpu.sem_alloc : memref<!tpu.dma_semaphore, #tpu.memory_space<semaphore_mem>>
        %dma_start3A = arith.constant 0 : i32
        %dma_start3A_79 = tpu.memref_slice %arg3[%add3A_38, %dma_start3A] : memref<3200x100xi32, #tpu.memory_space<hbm>> -> memref<20x100xi32, #tpu.memory_space<hbm>>
        %dma_start3A_80 = arith.constant 0 : i32
        %dma_start3A_81 = tpu.memref_slice %arg3[%add3A_38, %dma_start3A_80] : memref<3200x100xi32, #tpu.memory_space<hbm>> -> memref<20x100xi32, #tpu.memory_space<hbm>>
        tpu.enqueue_dma source(%dma_start3A_81 : memref<20x100xi32, #tpu.memory_space<hbm>>) target(%arg6 : memref<20x100xi32, #tpu.memory_space<vmem>>) target_semaphore(%run_scoped3A_78 : memref<!tpu.dma_semaphore, #tpu.memory_space<semaphore_mem>>)
        %dma_wait3A = arith.constant 0 : i32
        %dma_wait3A_82 = tpu.memref_slice %arg3[%add3A_38, %dma_wait3A] : memref<3200x100xi32, #tpu.memory_space<hbm>> -> memref<20x100xi32, #tpu.memory_space<hbm>>
        %dma_wait3A_83 = arith.constant 0 : i32
        %dma_wait3A_84 = tpu.memref_slice %arg3[%add3A_38, %dma_wait3A_83] : memref<3200x100xi32, #tpu.memory_space<hbm>> -> memref<20x100xi32, #tpu.memory_space<hbm>>
        tpu.wait_dma2 semaphore(%run_scoped3A_78 : memref<!tpu.dma_semaphore, #tpu.memory_space<semaphore_mem>>) src(%dma_wait3A_84 : memref<20x100xi32, #tpu.memory_space<hbm>>) dst(%arg6 : memref<20x100xi32, #tpu.memory_space<vmem>>)
        tpu.yield
      }) : () -> ()
      "tpu.region"() ({
        %run_scoped3A_78 = tpu.sem_alloc : memref<!tpu.dma_semaphore, #tpu.memory_space<semaphore_mem>>
        %dma_start3A = arith.constant 0 : i32
        %dma_start3A_79 = tpu.memref_slice %arg4[%add3A_38, %dma_start3A] : memref<3200x100xi32, #tpu.memory_space<hbm>> -> memref<20x100xi32, #tpu.memory_space<hbm>>
        %dma_start3A_80 = arith.constant 0 : i32
        %dma_start3A_81 = tpu.memref_slice %arg4[%add3A_38, %dma_start3A_80] : memref<3200x100xi32, #tpu.memory_space<hbm>> -> memref<20x100xi32, #tpu.memory_space<hbm>>
        tpu.enqueue_dma source(%dma_start3A_81 : memref<20x100xi32, #tpu.memory_space<hbm>>) target(%arg7 : memref<20x100xi32, #tpu.memory_space<vmem>>) target_semaphore(%run_scoped3A_78 : memref<!tpu.dma_semaphore, #tpu.memory_space<semaphore_mem>>)
        %dma_wait3A = arith.constant 0 : i32
        %dma_wait3A_82 = tpu.memref_slice %arg4[%add3A_38, %dma_wait3A] : memref<3200x100xi32, #tpu.memory_space<hbm>> -> memref<20x100xi32, #tpu.memory_space<hbm>>
        %dma_wait3A_83 = arith.constant 0 : i32
        %dma_wait3A_84 = tpu.memref_slice %arg4[%add3A_38, %dma_wait3A_83] : memref<3200x100xi32, #tpu.memory_space<hbm>> -> memref<20x100xi32, #tpu.memory_space<hbm>>
        tpu.wait_dma2 semaphore(%run_scoped3A_78 : memref<!tpu.dma_semaphore, #tpu.memory_space<semaphore_mem>>) src(%dma_wait3A_84 : memref<20x100xi32, #tpu.memory_space<hbm>>) dst(%arg7 : memref<20x100xi32, #tpu.memory_space<vmem>>)
        tpu.yield
      }) : () -> ()
      "tpu.region"() ({
        %run_scoped3A_78 = tpu.sem_alloc : memref<!tpu.dma_semaphore, #tpu.memory_space<semaphore_mem>>
        %dma_start3A = arith.constant 0 : i32
        %dma_start3A_79 = arith.constant 0 : i32
        %dma_start3A_80 = tpu.memref_slice %arg8[%dma_start3A, %dma_start3A_79] : memref<2000x32xf32, #tpu.memory_space<vmem>> -> memref<2000x16xf32, #tpu.memory_space<vmem>>
        %dma_start3A_81 = arith.constant 0 : i32
        %dma_start3A_82 = tpu.memref_slice %arg2[%add3A_33, %dma_start3A_81] : memref<320000x16xf32, #tpu.memory_space<hbm>> -> memref<2000x16xf32, #tpu.memory_space<hbm>>
        %dma_start3A_83 = arith.constant 0 : i32
        %dma_start3A_84 = arith.constant 0 : i32
        %dma_start3A_85 = tpu.memref_slice %arg8[%dma_start3A_83, %dma_start3A_84] : memref<2000x32xf32, #tpu.memory_space<vmem>> -> memref<2000x16xf32, #tpu.memory_space<vmem>>
        %dma_start3A_86 = arith.constant 0 : i32
        %dma_start3A_87 = tpu.memref_slice %arg2[%add3A_33, %dma_start3A_86] : memref<320000x16xf32, #tpu.memory_space<hbm>> -> memref<2000x16xf32, #tpu.memory_space<hbm>>
        tpu.enqueue_dma source(%dma_start3A_87 : memref<2000x16xf32, #tpu.memory_space<hbm>>) target(%dma_start3A_85 : memref<2000x16xf32, #tpu.memory_space<vmem>>) target_semaphore(%run_scoped3A_78 : memref<!tpu.dma_semaphore, #tpu.memory_space<semaphore_mem>>)
        %dma_wait3A = arith.constant 0 : i32
        %dma_wait3A_88 = arith.constant 0 : i32
        %dma_wait3A_89 = tpu.memref_slice %arg8[%dma_wait3A, %dma_wait3A_88] : memref<2000x32xf32, #tpu.memory_space<vmem>> -> memref<2000x16xf32, #tpu.memory_space<vmem>>
        %dma_wait3A_90 = arith.constant 0 : i32
        %dma_wait3A_91 = tpu.memref_slice %arg2[%add3A_33, %dma_wait3A_90] : memref<320000x16xf32, #tpu.memory_space<hbm>> -> memref<2000x16xf32, #tpu.memory_space<hbm>>
        %dma_wait3A_92 = arith.constant 0 : i32
        %dma_wait3A_93 = arith.constant 0 : i32
        %dma_wait3A_94 = tpu.memref_slice %arg8[%dma_wait3A_92, %dma_wait3A_93] : memref<2000x32xf32, #tpu.memory_space<vmem>> -> memref<2000x16xf32, #tpu.memory_space<vmem>>
        %dma_wait3A_95 = arith.constant 0 : i32
        %dma_wait3A_96 = tpu.memref_slice %arg2[%add3A_33, %dma_wait3A_95] : memref<320000x16xf32, #tpu.memory_space<hbm>> -> memref<2000x16xf32, #tpu.memory_space<hbm>>
        tpu.wait_dma2 semaphore(%run_scoped3A_78 : memref<!tpu.dma_semaphore, #tpu.memory_space<semaphore_mem>>) src(%dma_wait3A_96 : memref<2000x16xf32, #tpu.memory_space<hbm>>) dst(%dma_wait3A_94 : memref<2000x16xf32, #tpu.memory_space<vmem>>)
        tpu.yield
      }) : () -> ()
      %run_scoped3A = arith.constant 0 : i32
      "tpu.region"() ({
        %run_scoped3A_78 = tpu.sem_alloc : memref<!tpu.dma_semaphore, #tpu.memory_space<semaphore_mem>>
        %dma_start3A = arith.constant 0 : i32
        %dma_start3A_79 = arith.constant 0 : i32
        %dma_start3A_80 = tpu.memref_slice %arg8[%dma_start3A, %dma_start3A_79] : memref<2000x32xf32, #tpu.memory_space<vmem>> -> memref<100x32xf32, #tpu.memory_space<vmem>>
        %dma_start3A_81 = arith.constant 0 : i32
        %dma_start3A_82 = tpu.memref_slice %arg6[%run_scoped3A, %dma_start3A_81] : memref<20x100xi32, #tpu.memory_space<vmem>> -> memref<1x100xi32, #tpu.memory_space<vmem>>
        %dma_start3A_83 = tpu.memref_squeeze %dma_start3A_82 : memref<1x100xi32, #tpu.memory_space<vmem>> -> memref<100xi32, #tpu.memory_space<vmem>>
        %dma_start3A_84 = arith.constant 0 : i32
        %dma_start3A_85 = arith.constant 0 : i32
        %dma_start3A_86 = tpu.memref_slice %arg10[%dma_start3A_84, %dma_start3A_85] : memref<10240x32xf32, #tpu.memory_space<vmem_shared>> -> memref<10240x32xf32, #tpu.memory_space<vmem_shared>>
        tpu.enqueue_indirect_dma source(%dma_start3A_80 : memref<100x32xf32, #tpu.memory_space<vmem>>) target(%dma_start3A_86 : memref<10240x32xf32, #tpu.memory_space<vmem_shared>>) offsets(%dma_start3A_83 : memref<100xi32, #tpu.memory_space<vmem>>) semaphore(%run_scoped3A_78 : memref<!tpu.dma_semaphore, #tpu.memory_space<semaphore_mem>>) {add = true}
        %dma_wait3A = arith.constant 0 : i32
        %dma_wait3A_87 = arith.constant 0 : i32
        %dma_wait3A_88 = tpu.memref_slice %arg8[%dma_wait3A, %dma_wait3A_87] : memref<2000x32xf32, #tpu.memory_space<vmem>> -> memref<100x32xf32, #tpu.memory_space<vmem>>
        %dma_wait3A_89 = arith.constant 0 : i32
        %dma_wait3A_90 = tpu.memref_slice %arg6[%run_scoped3A, %dma_wait3A_89] : memref<20x100xi32, #tpu.memory_space<vmem>> -> memref<1x100xi32, #tpu.memory_space<vmem>>
        %dma_wait3A_91 = tpu.memref_squeeze %dma_wait3A_90 : memref<1x100xi32, #tpu.memory_space<vmem>> -> memref<100xi32, #tpu.memory_space<vmem>>
        %dma_wait3A_92 = arith.constant 0 : i32
        %dma_wait3A_93 = arith.constant 0 : i32
        %dma_wait3A_94 = tpu.memref_slice %arg10[%dma_wait3A_92, %dma_wait3A_93] : memref<10240x32xf32, #tpu.memory_space<vmem_shared>> -> memref<10240x32xf32, #tpu.memory_space<vmem_shared>>
        tpu.wait_indirect_dma semaphore(%run_scoped3A_78 : memref<!tpu.dma_semaphore, #tpu.memory_space<semaphore_mem>>) src(%dma_wait3A_88 : memref<100x32xf32, #tpu.memory_space<vmem>>) dst(%dma_wait3A_94 : memref<10240x32xf32, #tpu.memory_space<vmem_shared>>)
        tpu.yield
      }) : () -> ()
      %run_scoped3A_39 = arith.constant 0 : i32
      "tpu.region"() ({
        %run_scoped3A_78 = tpu.sem_alloc : memref<!tpu.dma_semaphore, #tpu.memory_space<semaphore_mem>>
        %dma_start3A = arith.constant 0 : i32
        %dma_start3A_79 = arith.constant 0 : i32
        %dma_start3A_80 = tpu.memref_slice %arg8[%dma_start3A, %dma_start3A_79] : memref<2000x32xf32, #tpu.memory_space<vmem>> -> memref<100x32xf32, #tpu.memory_space<vmem>>
        %dma_start3A_81 = arith.constant 0 : i32
        %dma_start3A_82 = tpu.memref_slice %arg7[%run_scoped3A_39, %dma_start3A_81] : memref<20x100xi32, #tpu.memory_space<vmem>> -> memref<1x100xi32, #tpu.memory_space<vmem>>
        %dma_start3A_83 = tpu.memref_squeeze %dma_start3A_82 : memref<1x100xi32, #tpu.memory_space<vmem>> -> memref<100xi32, #tpu.memory_space<vmem>>
        %dma_start3A_84 = arith.constant 0 : i32
        %dma_start3A_85 = arith.constant 0 : i32
        %dma_start3A_86 = tpu.memref_slice %arg10[%dma_start3A_84, %dma_start3A_85] : memref<10240x32xf32, #tpu.memory_space<vmem_shared>> -> memref<10240x32xf32, #tpu.memory_space<vmem_shared>>
        tpu.enqueue_indirect_dma source(%dma_start3A_80 : memref<100x32xf32, #tpu.memory_space<vmem>>) target(%dma_start3A_86 : memref<10240x32xf32, #tpu.memory_space<vmem_shared>>) offsets(%dma_start3A_83 : memref<100xi32, #tpu.memory_space<vmem>>) semaphore(%run_scoped3A_78 : memref<!tpu.dma_semaphore, #tpu.memory_space<semaphore_mem>>) {add = true}
        %dma_wait3A = arith.constant 0 : i32
        %dma_wait3A_87 = arith.constant 0 : i32
        %dma_wait3A_88 = tpu.memref_slice %arg8[%dma_wait3A, %dma_wait3A_87] : memref<2000x32xf32, #tpu.memory_space<vmem>> -> memref<100x32xf32, #tpu.memory_space<vmem>>
        %dma_wait3A_89 = arith.constant 0 : i32
        %dma_wait3A_90 = tpu.memref_slice %arg7[%run_scoped3A_39, %dma_wait3A_89] : memref<20x100xi32, #tpu.memory_space<vmem>> -> memref<1x100xi32, #tpu.memory_space<vmem>>
        %dma_wait3A_91 = tpu.memref_squeeze %dma_wait3A_90 : memref<1x100xi32, #tpu.memory_space<vmem>> -> memref<100xi32, #tpu.memory_space<vmem>>
        %dma_wait3A_92 = arith.constant 0 : i32
        %dma_wait3A_93 = arith.constant 0 : i32
        %dma_wait3A_94 = tpu.memref_slice %arg10[%dma_wait3A_92, %dma_wait3A_93] : memref<10240x32xf32, #tpu.memory_space<vmem_shared>> -> memref<10240x32xf32, #tpu.memory_space<vmem_shared>>
        tpu.wait_indirect_dma semaphore(%run_scoped3A_78 : memref<!tpu.dma_semaphore, #tpu.memory_space<semaphore_mem>>) src(%dma_wait3A_88 : memref<100x32xf32, #tpu.memory_space<vmem>>) dst(%dma_wait3A_94 : memref<10240x32xf32, #tpu.memory_space<vmem_shared>>)
        tpu.yield
      }) : () -> ()
      %run_scoped3A_40 = arith.constant 1 : i32
      "tpu.region"() ({
        %run_scoped3A_78 = tpu.sem_alloc : memref<!tpu.dma_semaphore, #tpu.memory_space<semaphore_mem>>
        %dma_start3A = arith.constant 100 : i32
        %dma_start3A_79 = arith.constant 0 : i32
        %dma_start3A_80 = tpu.memref_slice %arg8[%dma_start3A, %dma_start3A_79] : memref<2000x32xf32, #tpu.memory_space<vmem>> -> memref<100x32xf32, #tpu.memory_space<vmem>>
        %dma_start3A_81 = arith.constant 0 : i32
        %dma_start3A_82 = tpu.memref_slice %arg6[%run_scoped3A_40, %dma_start3A_81] : memref<20x100xi32, #tpu.memory_space<vmem>> -> memref<1x100xi32, #tpu.memory_space<vmem>>
        %dma_start3A_83 = tpu.memref_squeeze %dma_start3A_82 : memref<1x100xi32, #tpu.memory_space<vmem>> -> memref<100xi32, #tpu.memory_space<vmem>>
        %dma_start3A_84 = arith.constant 0 : i32
        %dma_start3A_85 = arith.constant 0 : i32
        %dma_start3A_86 = tpu.memref_slice %arg10[%dma_start3A_84, %dma_start3A_85] : memref<10240x32xf32, #tpu.memory_space<vmem_shared>> -> memref<10240x32xf32, #tpu.memory_space<vmem_shared>>
        tpu.enqueue_indirect_dma source(%dma_start3A_80 : memref<100x32xf32, #tpu.memory_space<vmem>>) target(%dma_start3A_86 : memref<10240x32xf32, #tpu.memory_space<vmem_shared>>) offsets(%dma_start3A_83 : memref<100xi32, #tpu.memory_space<vmem>>) semaphore(%run_scoped3A_78 : memref<!tpu.dma_semaphore, #tpu.memory_space<semaphore_mem>>) {add = true}
        %dma_wait3A = arith.constant 100 : i32
        %dma_wait3A_87 = arith.constant 0 : i32
        %dma_wait3A_88 = tpu.memref_slice %arg8[%dma_wait3A, %dma_wait3A_87] : memref<2000x32xf32, #tpu.memory_space<vmem>> -> memref<100x32xf32, #tpu.memory_space<vmem>>
        %dma_wait3A_89 = arith.constant 0 : i32
        %dma_wait3A_90 = tpu.memref_slice %arg6[%run_scoped3A_40, %dma_wait3A_89] : memref<20x100xi32, #tpu.memory_space<vmem>> -> memref<1x100xi32, #tpu.memory_space<vmem>>
        %dma_wait3A_91 = tpu.memref_squeeze %dma_wait3A_90 : memref<1x100xi32, #tpu.memory_space<vmem>> -> memref<100xi32, #tpu.memory_space<vmem>>
        %dma_wait3A_92 = arith.constant 0 : i32
        %dma_wait3A_93 = arith.constant 0 : i32
        %dma_wait3A_94 = tpu.memref_slice %arg10[%dma_wait3A_92, %dma_wait3A_93] : memref<10240x32xf32, #tpu.memory_space<vmem_shared>> -> memref<10240x32xf32, #tpu.memory_space<vmem_shared>>
        tpu.wait_indirect_dma semaphore(%run_scoped3A_78 : memref<!tpu.dma_semaphore, #tpu.memory_space<semaphore_mem>>) src(%dma_wait3A_88 : memref<100x32xf32, #tpu.memory_space<vmem>>) dst(%dma_wait3A_94 : memref<10240x32xf32, #tpu.memory_space<vmem_shared>>)
        tpu.yield
      }) : () -> ()
      %run_scoped3A_41 = arith.constant 1 : i32
      "tpu.region"() ({
        %run_scoped3A_78 = tpu.sem_alloc : memref<!tpu.dma_semaphore, #tpu.memory_space<semaphore_mem>>
        %dma_start3A = arith.constant 100 : i32
        %dma_start3A_79 = arith.constant 0 : i32
        %dma_start3A_80 = tpu.memref_slice %arg8[%dma_start3A, %dma_start3A_79] : memref<2000x32xf32, #tpu.memory_space<vmem>> -> memref<100x32xf32, #tpu.memory_space<vmem>>
        %dma_start3A_81 = arith.constant 0 : i32
        %dma_start3A_82 = tpu.memref_slice %arg7[%run_scoped3A_41, %dma_start3A_81] : memref<20x100xi32, #tpu.memory_space<vmem>> -> memref<1x100xi32, #tpu.memory_space<vmem>>
        %dma_start3A_83 = tpu.memref_squeeze %dma_start3A_82 : memref<1x100xi32, #tpu.memory_space<vmem>> -> memref<100xi32, #tpu.memory_space<vmem>>
        %dma_start3A_84 = arith.constant 0 : i32
        %dma_start3A_85 = arith.constant 0 : i32
        %dma_start3A_86 = tpu.memref_slice %arg10[%dma_start3A_84, %dma_start3A_85] : memref<10240x32xf32, #tpu.memory_space<vmem_shared>> -> memref<10240x32xf32, #tpu.memory_space<vmem_shared>>
        tpu.enqueue_indirect_dma source(%dma_start3A_80 : memref<100x32xf32, #tpu.memory_space<vmem>>) target(%dma_start3A_86 : memref<10240x32xf32, #tpu.memory_space<vmem_shared>>) offsets(%dma_start3A_83 : memref<100xi32, #tpu.memory_space<vmem>>) semaphore(%run_scoped3A_78 : memref<!tpu.dma_semaphore, #tpu.memory_space<semaphore_mem>>) {add = true}
        %dma_wait3A = arith.constant 100 : i32
        %dma_wait3A_87 = arith.constant 0 : i32
        %dma_wait3A_88 = tpu.memref_slice %arg8[%dma_wait3A, %dma_wait3A_87] : memref<2000x32xf32, #tpu.memory_space<vmem>> -> memref<100x32xf32, #tpu.memory_space<vmem>>
        %dma_wait3A_89 = arith.constant 0 : i32
        %dma_wait3A_90 = tpu.memref_slice %arg7[%run_scoped3A_41, %dma_wait3A_89] : memref<20x100xi32, #tpu.memory_space<vmem>> -> memref<1x100xi32, #tpu.memory_space<vmem>>
        %dma_wait3A_91 = tpu.memref_squeeze %dma_wait3A_90 : memref<1x100xi32, #tpu.memory_space<vmem>> -> memref<100xi32, #tpu.memory_space<vmem>>
        %dma_wait3A_92 = arith.constant 0 : i32
        %dma_wait3A_93 = arith.constant 0 : i32
        %dma_wait3A_94 = tpu.memref_slice %arg10[%dma_wait3A_92, %dma_wait3A_93] : memref<10240x32xf32, #tpu.memory_space<vmem_shared>> -> memref<10240x32xf32, #tpu.memory_space<vmem_shared>>
        tpu.wait_indirect_dma semaphore(%run_scoped3A_78 : memref<!tpu.dma_semaphore, #tpu.memory_space<semaphore_mem>>) src(%dma_wait3A_88 : memref<100x32xf32, #tpu.memory_space<vmem>>) dst(%dma_wait3A_94 : memref<10240x32xf32, #tpu.memory_space<vmem_shared>>)
        tpu.yield
      }) : () -> ()
      %run_scoped3A_42 = arith.constant 2 : i32
      "tpu.region"() ({
        %run_scoped3A_78 = tpu.sem_alloc : memref<!tpu.dma_semaphore, #tpu.memory_space<semaphore_mem>>
        %dma_start3A = arith.constant 200 : i32
        %dma_start3A_79 = arith.constant 0 : i32
        %dma_start3A_80 = tpu.memref_slice %arg8[%dma_start3A, %dma_start3A_79] : memref<2000x32xf32, #tpu.memory_space<vmem>> -> memref<100x32xf32, #tpu.memory_space<vmem>>
        %dma_start3A_81 = arith.constant 0 : i32
        %dma_start3A_82 = tpu.memref_slice %arg6[%run_scoped3A_42, %dma_start3A_81] : memref<20x100xi32, #tpu.memory_space<vmem>> -> memref<1x100xi32, #tpu.memory_space<vmem>>
        %dma_start3A_83 = tpu.memref_squeeze %dma_start3A_82 : memref<1x100xi32, #tpu.memory_space<vmem>> -> memref<100xi32, #tpu.memory_space<vmem>>
        %dma_start3A_84 = arith.constant 0 : i32
        %dma_start3A_85 = arith.constant 0 : i32
        %dma_start3A_86 = tpu.memref_slice %arg10[%dma_start3A_84, %dma_start3A_85] : memref<10240x32xf32, #tpu.memory_space<vmem_shared>> -> memref<10240x32xf32, #tpu.memory_space<vmem_shared>>
        tpu.enqueue_indirect_dma source(%dma_start3A_80 : memref<100x32xf32, #tpu.memory_space<vmem>>) target(%dma_start3A_86 : memref<10240x32xf32, #tpu.memory_space<vmem_shared>>) offsets(%dma_start3A_83 : memref<100xi32, #tpu.memory_space<vmem>>) semaphore(%run_scoped3A_78 : memref<!tpu.dma_semaphore, #tpu.memory_space<semaphore_mem>>) {add = true}
        %dma_wait3A = arith.constant 200 : i32
        %dma_wait3A_87 = arith.constant 0 : i32
        %dma_wait3A_88 = tpu.memref_slice %arg8[%dma_wait3A, %dma_wait3A_87] : memref<2000x32xf32, #tpu.memory_space<vmem>> -> memref<100x32xf32, #tpu.memory_space<vmem>>
        %dma_wait3A_89 = arith.constant 0 : i32
        %dma_wait3A_90 = tpu.memref_slice %arg6[%run_scoped3A_42, %dma_wait3A_89] : memref<20x100xi32, #tpu.memory_space<vmem>> -> memref<1x100xi32, #tpu.memory_space<vmem>>
        %dma_wait3A_91 = tpu.memref_squeeze %dma_wait3A_90 : memref<1x100xi32, #tpu.memory_space<vmem>> -> memref<100xi32, #tpu.memory_space<vmem>>
        %dma_wait3A_92 = arith.constant 0 : i32
        %dma_wait3A_93 = arith.constant 0 : i32
        %dma_wait3A_94 = tpu.memref_slice %arg10[%dma_wait3A_92, %dma_wait3A_93] : memref<10240x32xf32, #tpu.memory_space<vmem_shared>> -> memref<10240x32xf32, #tpu.memory_space<vmem_shared>>
        tpu.wait_indirect_dma semaphore(%run_scoped3A_78 : memref<!tpu.dma_semaphore, #tpu.memory_space<semaphore_mem>>) src(%dma_wait3A_88 : memref<100x32xf32, #tpu.memory_space<vmem>>) dst(%dma_wait3A_94 : memref<10240x32xf32, #tpu.memory_space<vmem_shared>>)
        tpu.yield
      }) : () -> ()
      %run_scoped3A_43 = arith.constant 2 : i32
      "tpu.region"() ({
        %run_scoped3A_78 = tpu.sem_alloc : memref<!tpu.dma_semaphore, #tpu.memory_space<semaphore_mem>>
        %dma_start3A = arith.constant 200 : i32
        %dma_start3A_79 = arith.constant 0 : i32
        %dma_start3A_80 = tpu.memref_slice %arg8[%dma_start3A, %dma_start3A_79] : memref<2000x32xf32, #tpu.memory_space<vmem>> -> memref<100x32xf32, #tpu.memory_space<vmem>>
        %dma_start3A_81 = arith.constant 0 : i32
        %dma_start3A_82 = tpu.memref_slice %arg7[%run_scoped3A_43, %dma_start3A_81] : memref<20x100xi32, #tpu.memory_space<vmem>> -> memref<1x100xi32, #tpu.memory_space<vmem>>
        %dma_start3A_83 = tpu.memref_squeeze %dma_start3A_82 : memref<1x100xi32, #tpu.memory_space<vmem>> -> memref<100xi32, #tpu.memory_space<vmem>>
        %dma_start3A_84 = arith.constant 0 : i32
        %dma_start3A_85 = arith.constant 0 : i32
        %dma_start3A_86 = tpu.memref_slice %arg10[%dma_start3A_84, %dma_start3A_85] : memref<10240x32xf32, #tpu.memory_space<vmem_shared>> -> memref<10240x32xf32, #tpu.memory_space<vmem_shared>>
        tpu.enqueue_indirect_dma source(%dma_start3A_80 : memref<100x32xf32, #tpu.memory_space<vmem>>) target(%dma_start3A_86 : memref<10240x32xf32, #tpu.memory_space<vmem_shared>>) offsets(%dma_start3A_83 : memref<100xi32, #tpu.memory_space<vmem>>) semaphore(%run_scoped3A_78 : memref<!tpu.dma_semaphore, #tpu.memory_space<semaphore_mem>>) {add = true}
        %dma_wait3A = arith.constant 200 : i32
        %dma_wait3A_87 = arith.constant 0 : i32
        %dma_wait3A_88 = tpu.memref_slice %arg8[%dma_wait3A, %dma_wait3A_87] : memref<2000x32xf32, #tpu.memory_space<vmem>> -> memref<100x32xf32, #tpu.memory_space<vmem>>
        %dma_wait3A_89 = arith.constant 0 : i32
        %dma_wait3A_90 = tpu.memref_slice %arg7[%run_scoped3A_43, %dma_wait3A_89] : memref<20x100xi32, #tpu.memory_space<vmem>> -> memref<1x100xi32, #tpu.memory_space<vmem>>
        %dma_wait3A_91 = tpu.memref_squeeze %dma_wait3A_90 : memref<1x100xi32, #tpu.memory_space<vmem>> -> memref<100xi32, #tpu.memory_space<vmem>>
        %dma_wait3A_92 = arith.constant 0 : i32
        %dma_wait3A_93 = arith.constant 0 : i32
        %dma_wait3A_94 = tpu.memref_slice %arg10[%dma_wait3A_92, %dma_wait3A_93] : memref<10240x32xf32, #tpu.memory_space<vmem_shared>> -> memref<10240x32xf32, #tpu.memory_space<vmem_shared>>
        tpu.wait_indirect_dma semaphore(%run_scoped3A_78 : memref<!tpu.dma_semaphore, #tpu.memory_space<semaphore_mem>>) src(%dma_wait3A_88 : memref<100x32xf32, #tpu.memory_space<vmem>>) dst(%dma_wait3A_94 : memref<10240x32xf32, #tpu.memory_space<vmem_shared>>)
        tpu.yield
      }) : () -> ()
      %run_scoped3A_44 = arith.constant 3 : i32
      "tpu.region"() ({
        %run_scoped3A_78 = tpu.sem_alloc : memref<!tpu.dma_semaphore, #tpu.memory_space<semaphore_mem>>
        %dma_start3A = arith.constant 300 : i32
        %dma_start3A_79 = arith.constant 0 : i32
        %dma_start3A_80 = tpu.memref_slice %arg8[%dma_start3A, %dma_start3A_79] : memref<2000x32xf32, #tpu.memory_space<vmem>> -> memref<100x32xf32, #tpu.memory_space<vmem>>
        %dma_start3A_81 = arith.constant 0 : i32
        %dma_start3A_82 = tpu.memref_slice %arg6[%run_scoped3A_44, %dma_start3A_81] : memref<20x100xi32, #tpu.memory_space<vmem>> -> memref<1x100xi32, #tpu.memory_space<vmem>>
        %dma_start3A_83 = tpu.memref_squeeze %dma_start3A_82 : memref<1x100xi32, #tpu.memory_space<vmem>> -> memref<100xi32, #tpu.memory_space<vmem>>
        %dma_start3A_84 = arith.constant 0 : i32
        %dma_start3A_85 = arith.constant 0 : i32
        %dma_start3A_86 = tpu.memref_slice %arg10[%dma_start3A_84, %dma_start3A_85] : memref<10240x32xf32, #tpu.memory_space<vmem_shared>> -> memref<10240x32xf32, #tpu.memory_space<vmem_shared>>
        tpu.enqueue_indirect_dma source(%dma_start3A_80 : memref<100x32xf32, #tpu.memory_space<vmem>>) target(%dma_start3A_86 : memref<10240x32xf32, #tpu.memory_space<vmem_shared>>) offsets(%dma_start3A_83 : memref<100xi32, #tpu.memory_space<vmem>>) semaphore(%run_scoped3A_78 : memref<!tpu.dma_semaphore, #tpu.memory_space<semaphore_mem>>) {add = true}
        %dma_wait3A = arith.constant 300 : i32
        %dma_wait3A_87 = arith.constant 0 : i32
        %dma_wait3A_88 = tpu.memref_slice %arg8[%dma_wait3A, %dma_wait3A_87] : memref<2000x32xf32, #tpu.memory_space<vmem>> -> memref<100x32xf32, #tpu.memory_space<vmem>>
        %dma_wait3A_89 = arith.constant 0 : i32
        %dma_wait3A_90 = tpu.memref_slice %arg6[%run_scoped3A_44, %dma_wait3A_89] : memref<20x100xi32, #tpu.memory_space<vmem>> -> memref<1x100xi32, #tpu.memory_space<vmem>>
        %dma_wait3A_91 = tpu.memref_squeeze %dma_wait3A_90 : memref<1x100xi32, #tpu.memory_space<vmem>> -> memref<100xi32, #tpu.memory_space<vmem>>
        %dma_wait3A_92 = arith.constant 0 : i32
        %dma_wait3A_93 = arith.constant 0 : i32
        %dma_wait3A_94 = tpu.memref_slice %arg10[%dma_wait3A_92, %dma_wait3A_93] : memref<10240x32xf32, #tpu.memory_space<vmem_shared>> -> memref<10240x32xf32, #tpu.memory_space<vmem_shared>>
        tpu.wait_indirect_dma semaphore(%run_scoped3A_78 : memref<!tpu.dma_semaphore, #tpu.memory_space<semaphore_mem>>) src(%dma_wait3A_88 : memref<100x32xf32, #tpu.memory_space<vmem>>) dst(%dma_wait3A_94 : memref<10240x32xf32, #tpu.memory_space<vmem_shared>>)
        tpu.yield
      }) : () -> ()
      %run_scoped3A_45 = arith.constant 3 : i32
      "tpu.region"() ({
        %run_scoped3A_78 = tpu.sem_alloc : memref<!tpu.dma_semaphore, #tpu.memory_space<semaphore_mem>>
        %dma_start3A = arith.constant 300 : i32
        %dma_start3A_79 = arith.constant 0 : i32
        %dma_start3A_80 = tpu.memref_slice %arg8[%dma_start3A, %dma_start3A_79] : memref<2000x32xf32, #tpu.memory_space<vmem>> -> memref<100x32xf32, #tpu.memory_space<vmem>>
        %dma_start3A_81 = arith.constant 0 : i32
        %dma_start3A_82 = tpu.memref_slice %arg7[%run_scoped3A_45, %dma_start3A_81] : memref<20x100xi32, #tpu.memory_space<vmem>> -> memref<1x100xi32, #tpu.memory_space<vmem>>
        %dma_start3A_83 = tpu.memref_squeeze %dma_start3A_82 : memref<1x100xi32, #tpu.memory_space<vmem>> -> memref<100xi32, #tpu.memory_space<vmem>>
        %dma_start3A_84 = arith.constant 0 : i32
        %dma_start3A_85 = arith.constant 0 : i32
        %dma_start3A_86 = tpu.memref_slice %arg10[%dma_start3A_84, %dma_start3A_85] : memref<10240x32xf32, #tpu.memory_space<vmem_shared>> -> memref<10240x32xf32, #tpu.memory_space<vmem_shared>>
        tpu.enqueue_indirect_dma source(%dma_start3A_80 : memref<100x32xf32, #tpu.memory_space<vmem>>) target(%dma_start3A_86 : memref<10240x32xf32, #tpu.memory_space<vmem_shared>>) offsets(%dma_start3A_83 : memref<100xi32, #tpu.memory_space<vmem>>) semaphore(%run_scoped3A_78 : memref<!tpu.dma_semaphore, #tpu.memory_space<semaphore_mem>>) {add = true}
        %dma_wait3A = arith.constant 300 : i32
        %dma_wait3A_87 = arith.constant 0 : i32
        %dma_wait3A_88 = tpu.memref_slice %arg8[%dma_wait3A, %dma_wait3A_87] : memref<2000x32xf32, #tpu.memory_space<vmem>> -> memref<100x32xf32, #tpu.memory_space<vmem>>
        %dma_wait3A_89 = arith.constant 0 : i32
        %dma_wait3A_90 = tpu.memref_slice %arg7[%run_scoped3A_45, %dma_wait3A_89] : memref<20x100xi32, #tpu.memory_space<vmem>> -> memref<1x100xi32, #tpu.memory_space<vmem>>
        %dma_wait3A_91 = tpu.memref_squeeze %dma_wait3A_90 : memref<1x100xi32, #tpu.memory_space<vmem>> -> memref<100xi32, #tpu.memory_space<vmem>>
        %dma_wait3A_92 = arith.constant 0 : i32
        %dma_wait3A_93 = arith.constant 0 : i32
        %dma_wait3A_94 = tpu.memref_slice %arg10[%dma_wait3A_92, %dma_wait3A_93] : memref<10240x32xf32, #tpu.memory_space<vmem_shared>> -> memref<10240x32xf32, #tpu.memory_space<vmem_shared>>
        tpu.wait_indirect_dma semaphore(%run_scoped3A_78 : memref<!tpu.dma_semaphore, #tpu.memory_space<semaphore_mem>>) src(%dma_wait3A_88 : memref<100x32xf32, #tpu.memory_space<vmem>>) dst(%dma_wait3A_94 : memref<10240x32xf32, #tpu.memory_space<vmem_shared>>)
        tpu.yield
      }) : () -> ()
      %run_scoped3A_46 = arith.constant 4 : i32
      "tpu.region"() ({
        %run_scoped3A_78 = tpu.sem_alloc : memref<!tpu.dma_semaphore, #tpu.memory_space<semaphore_mem>>
        %dma_start3A = arith.constant 400 : i32
        %dma_start3A_79 = arith.constant 0 : i32
        %dma_start3A_80 = tpu.memref_slice %arg8[%dma_start3A, %dma_start3A_79] : memref<2000x32xf32, #tpu.memory_space<vmem>> -> memref<100x32xf32, #tpu.memory_space<vmem>>
        %dma_start3A_81 = arith.constant 0 : i32
        %dma_start3A_82 = tpu.memref_slice %arg6[%run_scoped3A_46, %dma_start3A_81] : memref<20x100xi32, #tpu.memory_space<vmem>> -> memref<1x100xi32, #tpu.memory_space<vmem>>
        %dma_start3A_83 = tpu.memref_squeeze %dma_start3A_82 : memref<1x100xi32, #tpu.memory_space<vmem>> -> memref<100xi32, #tpu.memory_space<vmem>>
        %dma_start3A_84 = arith.constant 0 : i32
        %dma_start3A_85 = arith.constant 0 : i32
        %dma_start3A_86 = tpu.memref_slice %arg10[%dma_start3A_84, %dma_start3A_85] : memref<10240x32xf32, #tpu.memory_space<vmem_shared>> -> memref<10240x32xf32, #tpu.memory_space<vmem_shared>>
        tpu.enqueue_indirect_dma source(%dma_start3A_80 : memref<100x32xf32, #tpu.memory_space<vmem>>) target(%dma_start3A_86 : memref<10240x32xf32, #tpu.memory_space<vmem_shared>>) offsets(%dma_start3A_83 : memref<100xi32, #tpu.memory_space<vmem>>) semaphore(%run_scoped3A_78 : memref<!tpu.dma_semaphore, #tpu.memory_space<semaphore_mem>>) {add = true}
        %dma_wait3A = arith.constant 400 : i32
        %dma_wait3A_87 = arith.constant 0 : i32
        %dma_wait3A_88 = tpu.memref_slice %arg8[%dma_wait3A, %dma_wait3A_87] : memref<2000x32xf32, #tpu.memory_space<vmem>> -> memref<100x32xf32, #tpu.memory_space<vmem>>
        %dma_wait3A_89 = arith.constant 0 : i32
        %dma_wait3A_90 = tpu.memref_slice %arg6[%run_scoped3A_46, %dma_wait3A_89] : memref<20x100xi32, #tpu.memory_space<vmem>> -> memref<1x100xi32, #tpu.memory_space<vmem>>
        %dma_wait3A_91 = tpu.memref_squeeze %dma_wait3A_90 : memref<1x100xi32, #tpu.memory_space<vmem>> -> memref<100xi32, #tpu.memory_space<vmem>>
        %dma_wait3A_92 = arith.constant 0 : i32
        %dma_wait3A_93 = arith.constant 0 : i32
        %dma_wait3A_94 = tpu.memref_slice %arg10[%dma_wait3A_92, %dma_wait3A_93] : memref<10240x32xf32, #tpu.memory_space<vmem_shared>> -> memref<10240x32xf32, #tpu.memory_space<vmem_shared>>
        tpu.wait_indirect_dma semaphore(%run_scoped3A_78 : memref<!tpu.dma_semaphore, #tpu.memory_space<semaphore_mem>>) src(%dma_wait3A_88 : memref<100x32xf32, #tpu.memory_space<vmem>>) dst(%dma_wait3A_94 : memref<10240x32xf32, #tpu.memory_space<vmem_shared>>)
        tpu.yield
      }) : () -> ()
      %run_scoped3A_47 = arith.constant 4 : i32
      "tpu.region"() ({
        %run_scoped3A_78 = tpu.sem_alloc : memref<!tpu.dma_semaphore, #tpu.memory_space<semaphore_mem>>
        %dma_start3A = arith.constant 400 : i32
        %dma_start3A_79 = arith.constant 0 : i32
        %dma_start3A_80 = tpu.memref_slice %arg8[%dma_start3A, %dma_start3A_79] : memref<2000x32xf32, #tpu.memory_space<vmem>> -> memref<100x32xf32, #tpu.memory_space<vmem>>
        %dma_start3A_81 = arith.constant 0 : i32
        %dma_start3A_82 = tpu.memref_slice %arg7[%run_scoped3A_47, %dma_start3A_81] : memref<20x100xi32, #tpu.memory_space<vmem>> -> memref<1x100xi32, #tpu.memory_space<vmem>>
        %dma_start3A_83 = tpu.memref_squeeze %dma_start3A_82 : memref<1x100xi32, #tpu.memory_space<vmem>> -> memref<100xi32, #tpu.memory_space<vmem>>
        %dma_start3A_84 = arith.constant 0 : i32
        %dma_start3A_85 = arith.constant 0 : i32
        %dma_start3A_86 = tpu.memref_slice %arg10[%dma_start3A_84, %dma_start3A_85] : memref<10240x32xf32, #tpu.memory_space<vmem_shared>> -> memref<10240x32xf32, #tpu.memory_space<vmem_shared>>
        tpu.enqueue_indirect_dma source(%dma_start3A_80 : memref<100x32xf32, #tpu.memory_space<vmem>>) target(%dma_start3A_86 : memref<10240x32xf32, #tpu.memory_space<vmem_shared>>) offsets(%dma_start3A_83 : memref<100xi32, #tpu.memory_space<vmem>>) semaphore(%run_scoped3A_78 : memref<!tpu.dma_semaphore, #tpu.memory_space<semaphore_mem>>) {add = true}
        %dma_wait3A = arith.constant 400 : i32
        %dma_wait3A_87 = arith.constant 0 : i32
        %dma_wait3A_88 = tpu.memref_slice %arg8[%dma_wait3A, %dma_wait3A_87] : memref<2000x32xf32, #tpu.memory_space<vmem>> -> memref<100x32xf32, #tpu.memory_space<vmem>>
        %dma_wait3A_89 = arith.constant 0 : i32
        %dma_wait3A_90 = tpu.memref_slice %arg7[%run_scoped3A_47, %dma_wait3A_89] : memref<20x100xi32, #tpu.memory_space<vmem>> -> memref<1x100xi32, #tpu.memory_space<vmem>>
        %dma_wait3A_91 = tpu.memref_squeeze %dma_wait3A_90 : memref<1x100xi32, #tpu.memory_space<vmem>> -> memref<100xi32, #tpu.memory_space<vmem>>
        %dma_wait3A_92 = arith.constant 0 : i32
        %dma_wait3A_93 = arith.constant 0 : i32
        %dma_wait3A_94 = tpu.memref_slice %arg10[%dma_wait3A_92, %dma_wait3A_93] : memref<10240x32xf32, #tpu.memory_space<vmem_shared>> -> memref<10240x32xf32, #tpu.memory_space<vmem_shared>>
        tpu.wait_indirect_dma semaphore(%run_scoped3A_78 : memref<!tpu.dma_semaphore, #tpu.memory_space<semaphore_mem>>) src(%dma_wait3A_88 : memref<100x32xf32, #tpu.memory_space<vmem>>) dst(%dma_wait3A_94 : memref<10240x32xf32, #tpu.memory_space<vmem_shared>>)
        tpu.yield
      }) : () -> ()
      %run_scoped3A_48 = arith.constant 5 : i32
      "tpu.region"() ({
        %run_scoped3A_78 = tpu.sem_alloc : memref<!tpu.dma_semaphore, #tpu.memory_space<semaphore_mem>>
        %dma_start3A = arith.constant 500 : i32
        %dma_start3A_79 = arith.constant 0 : i32
        %dma_start3A_80 = tpu.memref_slice %arg8[%dma_start3A, %dma_start3A_79] : memref<2000x32xf32, #tpu.memory_space<vmem>> -> memref<100x32xf32, #tpu.memory_space<vmem>>
        %dma_start3A_81 = arith.constant 0 : i32
        %dma_start3A_82 = tpu.memref_slice %arg6[%run_scoped3A_48, %dma_start3A_81] : memref<20x100xi32, #tpu.memory_space<vmem>> -> memref<1x100xi32, #tpu.memory_space<vmem>>
        %dma_start3A_83 = tpu.memref_squeeze %dma_start3A_82 : memref<1x100xi32, #tpu.memory_space<vmem>> -> memref<100xi32, #tpu.memory_space<vmem>>
        %dma_start3A_84 = arith.constant 0 : i32
        %dma_start3A_85 = arith.constant 0 : i32
        %dma_start3A_86 = tpu.memref_slice %arg10[%dma_start3A_84, %dma_start3A_85] : memref<10240x32xf32, #tpu.memory_space<vmem_shared>> -> memref<10240x32xf32, #tpu.memory_space<vmem_shared>>
        tpu.enqueue_indirect_dma source(%dma_start3A_80 : memref<100x32xf32, #tpu.memory_space<vmem>>) target(%dma_start3A_86 : memref<10240x32xf32, #tpu.memory_space<vmem_shared>>) offsets(%dma_start3A_83 : memref<100xi32, #tpu.memory_space<vmem>>) semaphore(%run_scoped3A_78 : memref<!tpu.dma_semaphore, #tpu.memory_space<semaphore_mem>>) {add = true}
        %dma_wait3A = arith.constant 500 : i32
        %dma_wait3A_87 = arith.constant 0 : i32
        %dma_wait3A_88 = tpu.memref_slice %arg8[%dma_wait3A, %dma_wait3A_87] : memref<2000x32xf32, #tpu.memory_space<vmem>> -> memref<100x32xf32, #tpu.memory_space<vmem>>
        %dma_wait3A_89 = arith.constant 0 : i32
        %dma_wait3A_90 = tpu.memref_slice %arg6[%run_scoped3A_48, %dma_wait3A_89] : memref<20x100xi32, #tpu.memory_space<vmem>> -> memref<1x100xi32, #tpu.memory_space<vmem>>
        %dma_wait3A_91 = tpu.memref_squeeze %dma_wait3A_90 : memref<1x100xi32, #tpu.memory_space<vmem>> -> memref<100xi32, #tpu.memory_space<vmem>>
        %dma_wait3A_92 = arith.constant 0 : i32
        %dma_wait3A_93 = arith.constant 0 : i32
        %dma_wait3A_94 = tpu.memref_slice %arg10[%dma_wait3A_92, %dma_wait3A_93] : memref<10240x32xf32, #tpu.memory_space<vmem_shared>> -> memref<10240x32xf32, #tpu.memory_space<vmem_shared>>
        tpu.wait_indirect_dma semaphore(%run_scoped3A_78 : memref<!tpu.dma_semaphore, #tpu.memory_space<semaphore_mem>>) src(%dma_wait3A_88 : memref<100x32xf32, #tpu.memory_space<vmem>>) dst(%dma_wait3A_94 : memref<10240x32xf32, #tpu.memory_space<vmem_shared>>)
        tpu.yield
      }) : () -> ()
      %run_scoped3A_49 = arith.constant 5 : i32
      "tpu.region"() ({
        %run_scoped3A_78 = tpu.sem_alloc : memref<!tpu.dma_semaphore, #tpu.memory_space<semaphore_mem>>
        %dma_start3A = arith.constant 500 : i32
        %dma_start3A_79 = arith.constant 0 : i32
        %dma_start3A_80 = tpu.memref_slice %arg8[%dma_start3A, %dma_start3A_79] : memref<2000x32xf32, #tpu.memory_space<vmem>> -> memref<100x32xf32, #tpu.memory_space<vmem>>
        %dma_start3A_81 = arith.constant 0 : i32
        %dma_start3A_82 = tpu.memref_slice %arg7[%run_scoped3A_49, %dma_start3A_81] : memref<20x100xi32, #tpu.memory_space<vmem>> -> memref<1x100xi32, #tpu.memory_space<vmem>>
        %dma_start3A_83 = tpu.memref_squeeze %dma_start3A_82 : memref<1x100xi32, #tpu.memory_space<vmem>> -> memref<100xi32, #tpu.memory_space<vmem>>
        %dma_start3A_84 = arith.constant 0 : i32
        %dma_start3A_85 = arith.constant 0 : i32
        %dma_start3A_86 = tpu.memref_slice %arg10[%dma_start3A_84, %dma_start3A_85] : memref<10240x32xf32, #tpu.memory_space<vmem_shared>> -> memref<10240x32xf32, #tpu.memory_space<vmem_shared>>
        tpu.enqueue_indirect_dma source(%dma_start3A_80 : memref<100x32xf32, #tpu.memory_space<vmem>>) target(%dma_start3A_86 : memref<10240x32xf32, #tpu.memory_space<vmem_shared>>) offsets(%dma_start3A_83 : memref<100xi32, #tpu.memory_space<vmem>>) semaphore(%run_scoped3A_78 : memref<!tpu.dma_semaphore, #tpu.memory_space<semaphore_mem>>) {add = true}
        %dma_wait3A = arith.constant 500 : i32
        %dma_wait3A_87 = arith.constant 0 : i32
        %dma_wait3A_88 = tpu.memref_slice %arg8[%dma_wait3A, %dma_wait3A_87] : memref<2000x32xf32, #tpu.memory_space<vmem>> -> memref<100x32xf32, #tpu.memory_space<vmem>>
        %dma_wait3A_89 = arith.constant 0 : i32
        %dma_wait3A_90 = tpu.memref_slice %arg7[%run_scoped3A_49, %dma_wait3A_89] : memref<20x100xi32, #tpu.memory_space<vmem>> -> memref<1x100xi32, #tpu.memory_space<vmem>>
        %dma_wait3A_91 = tpu.memref_squeeze %dma_wait3A_90 : memref<1x100xi32, #tpu.memory_space<vmem>> -> memref<100xi32, #tpu.memory_space<vmem>>
        %dma_wait3A_92 = arith.constant 0 : i32
        %dma_wait3A_93 = arith.constant 0 : i32
        %dma_wait3A_94 = tpu.memref_slice %arg10[%dma_wait3A_92, %dma_wait3A_93] : memref<10240x32xf32, #tpu.memory_space<vmem_shared>> -> memref<10240x32xf32, #tpu.memory_space<vmem_shared>>
        tpu.wait_indirect_dma semaphore(%run_scoped3A_78 : memref<!tpu.dma_semaphore, #tpu.memory_space<semaphore_mem>>) src(%dma_wait3A_88 : memref<100x32xf32, #tpu.memory_space<vmem>>) dst(%dma_wait3A_94 : memref<10240x32xf32, #tpu.memory_space<vmem_shared>>)
        tpu.yield
      }) : () -> ()
      %run_scoped3A_50 = arith.constant 6 : i32
      "tpu.region"() ({
        %run_scoped3A_78 = tpu.sem_alloc : memref<!tpu.dma_semaphore, #tpu.memory_space<semaphore_mem>>
        %dma_start3A = arith.constant 600 : i32
        %dma_start3A_79 = arith.constant 0 : i32
        %dma_start3A_80 = tpu.memref_slice %arg8[%dma_start3A, %dma_start3A_79] : memref<2000x32xf32, #tpu.memory_space<vmem>> -> memref<100x32xf32, #tpu.memory_space<vmem>>
        %dma_start3A_81 = arith.constant 0 : i32
        %dma_start3A_82 = tpu.memref_slice %arg6[%run_scoped3A_50, %dma_start3A_81] : memref<20x100xi32, #tpu.memory_space<vmem>> -> memref<1x100xi32, #tpu.memory_space<vmem>>
        %dma_start3A_83 = tpu.memref_squeeze %dma_start3A_82 : memref<1x100xi32, #tpu.memory_space<vmem>> -> memref<100xi32, #tpu.memory_space<vmem>>
        %dma_start3A_84 = arith.constant 0 : i32
        %dma_start3A_85 = arith.constant 0 : i32
        %dma_start3A_86 = tpu.memref_slice %arg10[%dma_start3A_84, %dma_start3A_85] : memref<10240x32xf32, #tpu.memory_space<vmem_shared>> -> memref<10240x32xf32, #tpu.memory_space<vmem_shared>>
        tpu.enqueue_indirect_dma source(%dma_start3A_80 : memref<100x32xf32, #tpu.memory_space<vmem>>) target(%dma_start3A_86 : memref<10240x32xf32, #tpu.memory_space<vmem_shared>>) offsets(%dma_start3A_83 : memref<100xi32, #tpu.memory_space<vmem>>) semaphore(%run_scoped3A_78 : memref<!tpu.dma_semaphore, #tpu.memory_space<semaphore_mem>>) {add = true}
        %dma_wait3A = arith.constant 600 : i32
        %dma_wait3A_87 = arith.constant 0 : i32
        %dma_wait3A_88 = tpu.memref_slice %arg8[%dma_wait3A, %dma_wait3A_87] : memref<2000x32xf32, #tpu.memory_space<vmem>> -> memref<100x32xf32, #tpu.memory_space<vmem>>
        %dma_wait3A_89 = arith.constant 0 : i32
        %dma_wait3A_90 = tpu.memref_slice %arg6[%run_scoped3A_50, %dma_wait3A_89] : memref<20x100xi32, #tpu.memory_space<vmem>> -> memref<1x100xi32, #tpu.memory_space<vmem>>
        %dma_wait3A_91 = tpu.memref_squeeze %dma_wait3A_90 : memref<1x100xi32, #tpu.memory_space<vmem>> -> memref<100xi32, #tpu.memory_space<vmem>>
        %dma_wait3A_92 = arith.constant 0 : i32
        %dma_wait3A_93 = arith.constant 0 : i32
        %dma_wait3A_94 = tpu.memref_slice %arg10[%dma_wait3A_92, %dma_wait3A_93] : memref<10240x32xf32, #tpu.memory_space<vmem_shared>> -> memref<10240x32xf32, #tpu.memory_space<vmem_shared>>
        tpu.wait_indirect_dma semaphore(%run_scoped3A_78 : memref<!tpu.dma_semaphore, #tpu.memory_space<semaphore_mem>>) src(%dma_wait3A_88 : memref<100x32xf32, #tpu.memory_space<vmem>>) dst(%dma_wait3A_94 : memref<10240x32xf32, #tpu.memory_space<vmem_shared>>)
        tpu.yield
      }) : () -> ()
      %run_scoped3A_51 = arith.constant 6 : i32
      "tpu.region"() ({
        %run_scoped3A_78 = tpu.sem_alloc : memref<!tpu.dma_semaphore, #tpu.memory_space<semaphore_mem>>
        %dma_start3A = arith.constant 600 : i32
        %dma_start3A_79 = arith.constant 0 : i32
        %dma_start3A_80 = tpu.memref_slice %arg8[%dma_start3A, %dma_start3A_79] : memref<2000x32xf32, #tpu.memory_space<vmem>> -> memref<100x32xf32, #tpu.memory_space<vmem>>
        %dma_start3A_81 = arith.constant 0 : i32
        %dma_start3A_82 = tpu.memref_slice %arg7[%run_scoped3A_51, %dma_start3A_81] : memref<20x100xi32, #tpu.memory_space<vmem>> -> memref<1x100xi32, #tpu.memory_space<vmem>>
        %dma_start3A_83 = tpu.memref_squeeze %dma_start3A_82 : memref<1x100xi32, #tpu.memory_space<vmem>> -> memref<100xi32, #tpu.memory_space<vmem>>
        %dma_start3A_84 = arith.constant 0 : i32
        %dma_start3A_85 = arith.constant 0 : i32
        %dma_start3A_86 = tpu.memref_slice %arg10[%dma_start3A_84, %dma_start3A_85] : memref<10240x32xf32, #tpu.memory_space<vmem_shared>> -> memref<10240x32xf32, #tpu.memory_space<vmem_shared>>
        tpu.enqueue_indirect_dma source(%dma_start3A_80 : memref<100x32xf32, #tpu.memory_space<vmem>>) target(%dma_start3A_86 : memref<10240x32xf32, #tpu.memory_space<vmem_shared>>) offsets(%dma_start3A_83 : memref<100xi32, #tpu.memory_space<vmem>>) semaphore(%run_scoped3A_78 : memref<!tpu.dma_semaphore, #tpu.memory_space<semaphore_mem>>) {add = true}
        %dma_wait3A = arith.constant 600 : i32
        %dma_wait3A_87 = arith.constant 0 : i32
        %dma_wait3A_88 = tpu.memref_slice %arg8[%dma_wait3A, %dma_wait3A_87] : memref<2000x32xf32, #tpu.memory_space<vmem>> -> memref<100x32xf32, #tpu.memory_space<vmem>>
        %dma_wait3A_89 = arith.constant 0 : i32
        %dma_wait3A_90 = tpu.memref_slice %arg7[%run_scoped3A_51, %dma_wait3A_89] : memref<20x100xi32, #tpu.memory_space<vmem>> -> memref<1x100xi32, #tpu.memory_space<vmem>>
        %dma_wait3A_91 = tpu.memref_squeeze %dma_wait3A_90 : memref<1x100xi32, #tpu.memory_space<vmem>> -> memref<100xi32, #tpu.memory_space<vmem>>
        %dma_wait3A_92 = arith.constant 0 : i32
        %dma_wait3A_93 = arith.constant 0 : i32
        %dma_wait3A_94 = tpu.memref_slice %arg10[%dma_wait3A_92, %dma_wait3A_93] : memref<10240x32xf32, #tpu.memory_space<vmem_shared>> -> memref<10240x32xf32, #tpu.memory_space<vmem_shared>>
        tpu.wait_indirect_dma semaphore(%run_scoped3A_78 : memref<!tpu.dma_semaphore, #tpu.memory_space<semaphore_mem>>) src(%dma_wait3A_88 : memref<100x32xf32, #tpu.memory_space<vmem>>) dst(%dma_wait3A_94 : memref<10240x32xf32, #tpu.memory_space<vmem_shared>>)
        tpu.yield
      }) : () -> ()
      %run_scoped3A_52 = arith.constant 7 : i32
      "tpu.region"() ({
        %run_scoped3A_78 = tpu.sem_alloc : memref<!tpu.dma_semaphore, #tpu.memory_space<semaphore_mem>>
        %dma_start3A = arith.constant 700 : i32
        %dma_start3A_79 = arith.constant 0 : i32
        %dma_start3A_80 = tpu.memref_slice %arg8[%dma_start3A, %dma_start3A_79] : memref<2000x32xf32, #tpu.memory_space<vmem>> -> memref<100x32xf32, #tpu.memory_space<vmem>>
        %dma_start3A_81 = arith.constant 0 : i32
        %dma_start3A_82 = tpu.memref_slice %arg6[%run_scoped3A_52, %dma_start3A_81] : memref<20x100xi32, #tpu.memory_space<vmem>> -> memref<1x100xi32, #tpu.memory_space<vmem>>
        %dma_start3A_83 = tpu.memref_squeeze %dma_start3A_82 : memref<1x100xi32, #tpu.memory_space<vmem>> -> memref<100xi32, #tpu.memory_space<vmem>>
        %dma_start3A_84 = arith.constant 0 : i32
        %dma_start3A_85 = arith.constant 0 : i32
        %dma_start3A_86 = tpu.memref_slice %arg10[%dma_start3A_84, %dma_start3A_85] : memref<10240x32xf32, #tpu.memory_space<vmem_shared>> -> memref<10240x32xf32, #tpu.memory_space<vmem_shared>>
        tpu.enqueue_indirect_dma source(%dma_start3A_80 : memref<100x32xf32, #tpu.memory_space<vmem>>) target(%dma_start3A_86 : memref<10240x32xf32, #tpu.memory_space<vmem_shared>>) offsets(%dma_start3A_83 : memref<100xi32, #tpu.memory_space<vmem>>) semaphore(%run_scoped3A_78 : memref<!tpu.dma_semaphore, #tpu.memory_space<semaphore_mem>>) {add = true}
        %dma_wait3A = arith.constant 700 : i32
        %dma_wait3A_87 = arith.constant 0 : i32
        %dma_wait3A_88 = tpu.memref_slice %arg8[%dma_wait3A, %dma_wait3A_87] : memref<2000x32xf32, #tpu.memory_space<vmem>> -> memref<100x32xf32, #tpu.memory_space<vmem>>
        %dma_wait3A_89 = arith.constant 0 : i32
        %dma_wait3A_90 = tpu.memref_slice %arg6[%run_scoped3A_52, %dma_wait3A_89] : memref<20x100xi32, #tpu.memory_space<vmem>> -> memref<1x100xi32, #tpu.memory_space<vmem>>
        %dma_wait3A_91 = tpu.memref_squeeze %dma_wait3A_90 : memref<1x100xi32, #tpu.memory_space<vmem>> -> memref<100xi32, #tpu.memory_space<vmem>>
        %dma_wait3A_92 = arith.constant 0 : i32
        %dma_wait3A_93 = arith.constant 0 : i32
        %dma_wait3A_94 = tpu.memref_slice %arg10[%dma_wait3A_92, %dma_wait3A_93] : memref<10240x32xf32, #tpu.memory_space<vmem_shared>> -> memref<10240x32xf32, #tpu.memory_space<vmem_shared>>
        tpu.wait_indirect_dma semaphore(%run_scoped3A_78 : memref<!tpu.dma_semaphore, #tpu.memory_space<semaphore_mem>>) src(%dma_wait3A_88 : memref<100x32xf32, #tpu.memory_space<vmem>>) dst(%dma_wait3A_94 : memref<10240x32xf32, #tpu.memory_space<vmem_shared>>)
        tpu.yield
      }) : () -> ()
      %run_scoped3A_53 = arith.constant 7 : i32
      "tpu.region"() ({
        %run_scoped3A_78 = tpu.sem_alloc : memref<!tpu.dma_semaphore, #tpu.memory_space<semaphore_mem>>
        %dma_start3A = arith.constant 700 : i32
        %dma_start3A_79 = arith.constant 0 : i32
        %dma_start3A_80 = tpu.memref_slice %arg8[%dma_start3A, %dma_start3A_79] : memref<2000x32xf32, #tpu.memory_space<vmem>> -> memref<100x32xf32, #tpu.memory_space<vmem>>
        %dma_start3A_81 = arith.constant 0 : i32
        %dma_start3A_82 = tpu.memref_slice %arg7[%run_scoped3A_53, %dma_start3A_81] : memref<20x100xi32, #tpu.memory_space<vmem>> -> memref<1x100xi32, #tpu.memory_space<vmem>>
        %dma_start3A_83 = tpu.memref_squeeze %dma_start3A_82 : memref<1x100xi32, #tpu.memory_space<vmem>> -> memref<100xi32, #tpu.memory_space<vmem>>
        %dma_start3A_84 = arith.constant 0 : i32
        %dma_start3A_85 = arith.constant 0 : i32
        %dma_start3A_86 = tpu.memref_slice %arg10[%dma_start3A_84, %dma_start3A_85] : memref<10240x32xf32, #tpu.memory_space<vmem_shared>> -> memref<10240x32xf32, #tpu.memory_space<vmem_shared>>
        tpu.enqueue_indirect_dma source(%dma_start3A_80 : memref<100x32xf32, #tpu.memory_space<vmem>>) target(%dma_start3A_86 : memref<10240x32xf32, #tpu.memory_space<vmem_shared>>) offsets(%dma_start3A_83 : memref<100xi32, #tpu.memory_space<vmem>>) semaphore(%run_scoped3A_78 : memref<!tpu.dma_semaphore, #tpu.memory_space<semaphore_mem>>) {add = true}
        %dma_wait3A = arith.constant 700 : i32
        %dma_wait3A_87 = arith.constant 0 : i32
        %dma_wait3A_88 = tpu.memref_slice %arg8[%dma_wait3A, %dma_wait3A_87] : memref<2000x32xf32, #tpu.memory_space<vmem>> -> memref<100x32xf32, #tpu.memory_space<vmem>>
        %dma_wait3A_89 = arith.constant 0 : i32
        %dma_wait3A_90 = tpu.memref_slice %arg7[%run_scoped3A_53, %dma_wait3A_89] : memref<20x100xi32, #tpu.memory_space<vmem>> -> memref<1x100xi32, #tpu.memory_space<vmem>>
        %dma_wait3A_91 = tpu.memref_squeeze %dma_wait3A_90 : memref<1x100xi32, #tpu.memory_space<vmem>> -> memref<100xi32, #tpu.memory_space<vmem>>
        %dma_wait3A_92 = arith.constant 0 : i32
        %dma_wait3A_93 = arith.constant 0 : i32
        %dma_wait3A_94 = tpu.memref_slice %arg10[%dma_wait3A_92, %dma_wait3A_93] : memref<10240x32xf32, #tpu.memory_space<vmem_shared>> -> memref<10240x32xf32, #tpu.memory_space<vmem_shared>>
        tpu.wait_indirect_dma semaphore(%run_scoped3A_78 : memref<!tpu.dma_semaphore, #tpu.memory_space<semaphore_mem>>) src(%dma_wait3A_88 : memref<100x32xf32, #tpu.memory_space<vmem>>) dst(%dma_wait3A_94 : memref<10240x32xf32, #tpu.memory_space<vmem_shared>>)
        tpu.yield
      }) : () -> ()
      %run_scoped3A_54 = arith.constant 8 : i32
      "tpu.region"() ({
        %run_scoped3A_78 = tpu.sem_alloc : memref<!tpu.dma_semaphore, #tpu.memory_space<semaphore_mem>>
        %dma_start3A = arith.constant 800 : i32
        %dma_start3A_79 = arith.constant 0 : i32
        %dma_start3A_80 = tpu.memref_slice %arg8[%dma_start3A, %dma_start3A_79] : memref<2000x32xf32, #tpu.memory_space<vmem>> -> memref<100x32xf32, #tpu.memory_space<vmem>>
        %dma_start3A_81 = arith.constant 0 : i32
        %dma_start3A_82 = tpu.memref_slice %arg6[%run_scoped3A_54, %dma_start3A_81] : memref<20x100xi32, #tpu.memory_space<vmem>> -> memref<1x100xi32, #tpu.memory_space<vmem>>
        %dma_start3A_83 = tpu.memref_squeeze %dma_start3A_82 : memref<1x100xi32, #tpu.memory_space<vmem>> -> memref<100xi32, #tpu.memory_space<vmem>>
        %dma_start3A_84 = arith.constant 0 : i32
        %dma_start3A_85 = arith.constant 0 : i32
        %dma_start3A_86 = tpu.memref_slice %arg10[%dma_start3A_84, %dma_start3A_85] : memref<10240x32xf32, #tpu.memory_space<vmem_shared>> -> memref<10240x32xf32, #tpu.memory_space<vmem_shared>>
        tpu.enqueue_indirect_dma source(%dma_start3A_80 : memref<100x32xf32, #tpu.memory_space<vmem>>) target(%dma_start3A_86 : memref<10240x32xf32, #tpu.memory_space<vmem_shared>>) offsets(%dma_start3A_83 : memref<100xi32, #tpu.memory_space<vmem>>) semaphore(%run_scoped3A_78 : memref<!tpu.dma_semaphore, #tpu.memory_space<semaphore_mem>>) {add = true}
        %dma_wait3A = arith.constant 800 : i32
        %dma_wait3A_87 = arith.constant 0 : i32
        %dma_wait3A_88 = tpu.memref_slice %arg8[%dma_wait3A, %dma_wait3A_87] : memref<2000x32xf32, #tpu.memory_space<vmem>> -> memref<100x32xf32, #tpu.memory_space<vmem>>
        %dma_wait3A_89 = arith.constant 0 : i32
        %dma_wait3A_90 = tpu.memref_slice %arg6[%run_scoped3A_54, %dma_wait3A_89] : memref<20x100xi32, #tpu.memory_space<vmem>> -> memref<1x100xi32, #tpu.memory_space<vmem>>
        %dma_wait3A_91 = tpu.memref_squeeze %dma_wait3A_90 : memref<1x100xi32, #tpu.memory_space<vmem>> -> memref<100xi32, #tpu.memory_space<vmem>>
        %dma_wait3A_92 = arith.constant 0 : i32
        %dma_wait3A_93 = arith.constant 0 : i32
        %dma_wait3A_94 = tpu.memref_slice %arg10[%dma_wait3A_92, %dma_wait3A_93] : memref<10240x32xf32, #tpu.memory_space<vmem_shared>> -> memref<10240x32xf32, #tpu.memory_space<vmem_shared>>
        tpu.wait_indirect_dma semaphore(%run_scoped3A_78 : memref<!tpu.dma_semaphore, #tpu.memory_space<semaphore_mem>>) src(%dma_wait3A_88 : memref<100x32xf32, #tpu.memory_space<vmem>>) dst(%dma_wait3A_94 : memref<10240x32xf32, #tpu.memory_space<vmem_shared>>)
        tpu.yield
      }) : () -> ()
      %run_scoped3A_55 = arith.constant 8 : i32
      "tpu.region"() ({
        %run_scoped3A_78 = tpu.sem_alloc : memref<!tpu.dma_semaphore, #tpu.memory_space<semaphore_mem>>
        %dma_start3A = arith.constant 800 : i32
        %dma_start3A_79 = arith.constant 0 : i32
        %dma_start3A_80 = tpu.memref_slice %arg8[%dma_start3A, %dma_start3A_79] : memref<2000x32xf32, #tpu.memory_space<vmem>> -> memref<100x32xf32, #tpu.memory_space<vmem>>
        %dma_start3A_81 = arith.constant 0 : i32
        %dma_start3A_82 = tpu.memref_slice %arg7[%run_scoped3A_55, %dma_start3A_81] : memref<20x100xi32, #tpu.memory_space<vmem>> -> memref<1x100xi32, #tpu.memory_space<vmem>>
        %dma_start3A_83 = tpu.memref_squeeze %dma_start3A_82 : memref<1x100xi32, #tpu.memory_space<vmem>> -> memref<100xi32, #tpu.memory_space<vmem>>
        %dma_start3A_84 = arith.constant 0 : i32
        %dma_start3A_85 = arith.constant 0 : i32
        %dma_start3A_86 = tpu.memref_slice %arg10[%dma_start3A_84, %dma_start3A_85] : memref<10240x32xf32, #tpu.memory_space<vmem_shared>> -> memref<10240x32xf32, #tpu.memory_space<vmem_shared>>
        tpu.enqueue_indirect_dma source(%dma_start3A_80 : memref<100x32xf32, #tpu.memory_space<vmem>>) target(%dma_start3A_86 : memref<10240x32xf32, #tpu.memory_space<vmem_shared>>) offsets(%dma_start3A_83 : memref<100xi32, #tpu.memory_space<vmem>>) semaphore(%run_scoped3A_78 : memref<!tpu.dma_semaphore, #tpu.memory_space<semaphore_mem>>) {add = true}
        %dma_wait3A = arith.constant 800 : i32
        %dma_wait3A_87 = arith.constant 0 : i32
        %dma_wait3A_88 = tpu.memref_slice %arg8[%dma_wait3A, %dma_wait3A_87] : memref<2000x32xf32, #tpu.memory_space<vmem>> -> memref<100x32xf32, #tpu.memory_space<vmem>>
        %dma_wait3A_89 = arith.constant 0 : i32
        %dma_wait3A_90 = tpu.memref_slice %arg7[%run_scoped3A_55, %dma_wait3A_89] : memref<20x100xi32, #tpu.memory_space<vmem>> -> memref<1x100xi32, #tpu.memory_space<vmem>>
        %dma_wait3A_91 = tpu.memref_squeeze %dma_wait3A_90 : memref<1x100xi32, #tpu.memory_space<vmem>> -> memref<100xi32, #tpu.memory_space<vmem>>
        %dma_wait3A_92 = arith.constant 0 : i32
        %dma_wait3A_93 = arith.constant 0 : i32
        %dma_wait3A_94 = tpu.memref_slice %arg10[%dma_wait3A_92, %dma_wait3A_93] : memref<10240x32xf32, #tpu.memory_space<vmem_shared>> -> memref<10240x32xf32, #tpu.memory_space<vmem_shared>>
        tpu.wait_indirect_dma semaphore(%run_scoped3A_78 : memref<!tpu.dma_semaphore, #tpu.memory_space<semaphore_mem>>) src(%dma_wait3A_88 : memref<100x32xf32, #tpu.memory_space<vmem>>) dst(%dma_wait3A_94 : memref<10240x32xf32, #tpu.memory_space<vmem_shared>>)
        tpu.yield
      }) : () -> ()
      %run_scoped3A_56 = arith.constant 9 : i32
      "tpu.region"() ({
        %run_scoped3A_78 = tpu.sem_alloc : memref<!tpu.dma_semaphore, #tpu.memory_space<semaphore_mem>>
        %dma_start3A = arith.constant 900 : i32
        %dma_start3A_79 = arith.constant 0 : i32
        %dma_start3A_80 = tpu.memref_slice %arg8[%dma_start3A, %dma_start3A_79] : memref<2000x32xf32, #tpu.memory_space<vmem>> -> memref<100x32xf32, #tpu.memory_space<vmem>>
        %dma_start3A_81 = arith.constant 0 : i32
        %dma_start3A_82 = tpu.memref_slice %arg6[%run_scoped3A_56, %dma_start3A_81] : memref<20x100xi32, #tpu.memory_space<vmem>> -> memref<1x100xi32, #tpu.memory_space<vmem>>
        %dma_start3A_83 = tpu.memref_squeeze %dma_start3A_82 : memref<1x100xi32, #tpu.memory_space<vmem>> -> memref<100xi32, #tpu.memory_space<vmem>>
        %dma_start3A_84 = arith.constant 0 : i32
        %dma_start3A_85 = arith.constant 0 : i32
        %dma_start3A_86 = tpu.memref_slice %arg10[%dma_start3A_84, %dma_start3A_85] : memref<10240x32xf32, #tpu.memory_space<vmem_shared>> -> memref<10240x32xf32, #tpu.memory_space<vmem_shared>>
        tpu.enqueue_indirect_dma source(%dma_start3A_80 : memref<100x32xf32, #tpu.memory_space<vmem>>) target(%dma_start3A_86 : memref<10240x32xf32, #tpu.memory_space<vmem_shared>>) offsets(%dma_start3A_83 : memref<100xi32, #tpu.memory_space<vmem>>) semaphore(%run_scoped3A_78 : memref<!tpu.dma_semaphore, #tpu.memory_space<semaphore_mem>>) {add = true}
        %dma_wait3A = arith.constant 900 : i32
        %dma_wait3A_87 = arith.constant 0 : i32
        %dma_wait3A_88 = tpu.memref_slice %arg8[%dma_wait3A, %dma_wait3A_87] : memref<2000x32xf32, #tpu.memory_space<vmem>> -> memref<100x32xf32, #tpu.memory_space<vmem>>
        %dma_wait3A_89 = arith.constant 0 : i32
        %dma_wait3A_90 = tpu.memref_slice %arg6[%run_scoped3A_56, %dma_wait3A_89] : memref<20x100xi32, #tpu.memory_space<vmem>> -> memref<1x100xi32, #tpu.memory_space<vmem>>
        %dma_wait3A_91 = tpu.memref_squeeze %dma_wait3A_90 : memref<1x100xi32, #tpu.memory_space<vmem>> -> memref<100xi32, #tpu.memory_space<vmem>>
        %dma_wait3A_92 = arith.constant 0 : i32
        %dma_wait3A_93 = arith.constant 0 : i32
        %dma_wait3A_94 = tpu.memref_slice %arg10[%dma_wait3A_92, %dma_wait3A_93] : memref<10240x32xf32, #tpu.memory_space<vmem_shared>> -> memref<10240x32xf32, #tpu.memory_space<vmem_shared>>
        tpu.wait_indirect_dma semaphore(%run_scoped3A_78 : memref<!tpu.dma_semaphore, #tpu.memory_space<semaphore_mem>>) src(%dma_wait3A_88 : memref<100x32xf32, #tpu.memory_space<vmem>>) dst(%dma_wait3A_94 : memref<10240x32xf32, #tpu.memory_space<vmem_shared>>)
        tpu.yield
      }) : () -> ()
      %run_scoped3A_57 = arith.constant 9 : i32
      "tpu.region"() ({
        %run_scoped3A_78 = tpu.sem_alloc : memref<!tpu.dma_semaphore, #tpu.memory_space<semaphore_mem>>
        %dma_start3A = arith.constant 900 : i32
        %dma_start3A_79 = arith.constant 0 : i32
        %dma_start3A_80 = tpu.memref_slice %arg8[%dma_start3A, %dma_start3A_79] : memref<2000x32xf32, #tpu.memory_space<vmem>> -> memref<100x32xf32, #tpu.memory_space<vmem>>
        %dma_start3A_81 = arith.constant 0 : i32
        %dma_start3A_82 = tpu.memref_slice %arg7[%run_scoped3A_57, %dma_start3A_81] : memref<20x100xi32, #tpu.memory_space<vmem>> -> memref<1x100xi32, #tpu.memory_space<vmem>>
        %dma_start3A_83 = tpu.memref_squeeze %dma_start3A_82 : memref<1x100xi32, #tpu.memory_space<vmem>> -> memref<100xi32, #tpu.memory_space<vmem>>
        %dma_start3A_84 = arith.constant 0 : i32
        %dma_start3A_85 = arith.constant 0 : i32
        %dma_start3A_86 = tpu.memref_slice %arg10[%dma_start3A_84, %dma_start3A_85] : memref<10240x32xf32, #tpu.memory_space<vmem_shared>> -> memref<10240x32xf32, #tpu.memory_space<vmem_shared>>
        tpu.enqueue_indirect_dma source(%dma_start3A_80 : memref<100x32xf32, #tpu.memory_space<vmem>>) target(%dma_start3A_86 : memref<10240x32xf32, #tpu.memory_space<vmem_shared>>) offsets(%dma_start3A_83 : memref<100xi32, #tpu.memory_space<vmem>>) semaphore(%run_scoped3A_78 : memref<!tpu.dma_semaphore, #tpu.memory_space<semaphore_mem>>) {add = true}
        %dma_wait3A = arith.constant 900 : i32
        %dma_wait3A_87 = arith.constant 0 : i32
        %dma_wait3A_88 = tpu.memref_slice %arg8[%dma_wait3A, %dma_wait3A_87] : memref<2000x32xf32, #tpu.memory_space<vmem>> -> memref<100x32xf32, #tpu.memory_space<vmem>>
        %dma_wait3A_89 = arith.constant 0 : i32
        %dma_wait3A_90 = tpu.memref_slice %arg7[%run_scoped3A_57, %dma_wait3A_89] : memref<20x100xi32, #tpu.memory_space<vmem>> -> memref<1x100xi32, #tpu.memory_space<vmem>>
        %dma_wait3A_91 = tpu.memref_squeeze %dma_wait3A_90 : memref<1x100xi32, #tpu.memory_space<vmem>> -> memref<100xi32, #tpu.memory_space<vmem>>
        %dma_wait3A_92 = arith.constant 0 : i32
        %dma_wait3A_93 = arith.constant 0 : i32
        %dma_wait3A_94 = tpu.memref_slice %arg10[%dma_wait3A_92, %dma_wait3A_93] : memref<10240x32xf32, #tpu.memory_space<vmem_shared>> -> memref<10240x32xf32, #tpu.memory_space<vmem_shared>>
        tpu.wait_indirect_dma semaphore(%run_scoped3A_78 : memref<!tpu.dma_semaphore, #tpu.memory_space<semaphore_mem>>) src(%dma_wait3A_88 : memref<100x32xf32, #tpu.memory_space<vmem>>) dst(%dma_wait3A_94 : memref<10240x32xf32, #tpu.memory_space<vmem_shared>>)
        tpu.yield
      }) : () -> ()
      %run_scoped3A_58 = arith.constant 10 : i32
      "tpu.region"() ({
        %run_scoped3A_78 = tpu.sem_alloc : memref<!tpu.dma_semaphore, #tpu.memory_space<semaphore_mem>>
        %dma_start3A = arith.constant 1000 : i32
        %dma_start3A_79 = arith.constant 0 : i32
        %dma_start3A_80 = tpu.memref_slice %arg8[%dma_start3A, %dma_start3A_79] : memref<2000x32xf32, #tpu.memory_space<vmem>> -> memref<100x32xf32, #tpu.memory_space<vmem>>
        %dma_start3A_81 = arith.constant 0 : i32
        %dma_start3A_82 = tpu.memref_slice %arg6[%run_scoped3A_58, %dma_start3A_81] : memref<20x100xi32, #tpu.memory_space<vmem>> -> memref<1x100xi32, #tpu.memory_space<vmem>>
        %dma_start3A_83 = tpu.memref_squeeze %dma_start3A_82 : memref<1x100xi32, #tpu.memory_space<vmem>> -> memref<100xi32, #tpu.memory_space<vmem>>
        %dma_start3A_84 = arith.constant 0 : i32
        %dma_start3A_85 = arith.constant 0 : i32
        %dma_start3A_86 = tpu.memref_slice %arg10[%dma_start3A_84, %dma_start3A_85] : memref<10240x32xf32, #tpu.memory_space<vmem_shared>> -> memref<10240x32xf32, #tpu.memory_space<vmem_shared>>
        tpu.enqueue_indirect_dma source(%dma_start3A_80 : memref<100x32xf32, #tpu.memory_space<vmem>>) target(%dma_start3A_86 : memref<10240x32xf32, #tpu.memory_space<vmem_shared>>) offsets(%dma_start3A_83 : memref<100xi32, #tpu.memory_space<vmem>>) semaphore(%run_scoped3A_78 : memref<!tpu.dma_semaphore, #tpu.memory_space<semaphore_mem>>) {add = true}
        %dma_wait3A = arith.constant 1000 : i32
        %dma_wait3A_87 = arith.constant 0 : i32
        %dma_wait3A_88 = tpu.memref_slice %arg8[%dma_wait3A, %dma_wait3A_87] : memref<2000x32xf32, #tpu.memory_space<vmem>> -> memref<100x32xf32, #tpu.memory_space<vmem>>
        %dma_wait3A_89 = arith.constant 0 : i32
        %dma_wait3A_90 = tpu.memref_slice %arg6[%run_scoped3A_58, %dma_wait3A_89] : memref<20x100xi32, #tpu.memory_space<vmem>> -> memref<1x100xi32, #tpu.memory_space<vmem>>
        %dma_wait3A_91 = tpu.memref_squeeze %dma_wait3A_90 : memref<1x100xi32, #tpu.memory_space<vmem>> -> memref<100xi32, #tpu.memory_space<vmem>>
        %dma_wait3A_92 = arith.constant 0 : i32
        %dma_wait3A_93 = arith.constant 0 : i32
        %dma_wait3A_94 = tpu.memref_slice %arg10[%dma_wait3A_92, %dma_wait3A_93] : memref<10240x32xf32, #tpu.memory_space<vmem_shared>> -> memref<10240x32xf32, #tpu.memory_space<vmem_shared>>
        tpu.wait_indirect_dma semaphore(%run_scoped3A_78 : memref<!tpu.dma_semaphore, #tpu.memory_space<semaphore_mem>>) src(%dma_wait3A_88 : memref<100x32xf32, #tpu.memory_space<vmem>>) dst(%dma_wait3A_94 : memref<10240x32xf32, #tpu.memory_space<vmem_shared>>)
        tpu.yield
      }) : () -> ()
      %run_scoped3A_59 = arith.constant 10 : i32
      "tpu.region"() ({
        %run_scoped3A_78 = tpu.sem_alloc : memref<!tpu.dma_semaphore, #tpu.memory_space<semaphore_mem>>
        %dma_start3A = arith.constant 1000 : i32
        %dma_start3A_79 = arith.constant 0 : i32
        %dma_start3A_80 = tpu.memref_slice %arg8[%dma_start3A, %dma_start3A_79] : memref<2000x32xf32, #tpu.memory_space<vmem>> -> memref<100x32xf32, #tpu.memory_space<vmem>>
        %dma_start3A_81 = arith.constant 0 : i32
        %dma_start3A_82 = tpu.memref_slice %arg7[%run_scoped3A_59, %dma_start3A_81] : memref<20x100xi32, #tpu.memory_space<vmem>> -> memref<1x100xi32, #tpu.memory_space<vmem>>
        %dma_start3A_83 = tpu.memref_squeeze %dma_start3A_82 : memref<1x100xi32, #tpu.memory_space<vmem>> -> memref<100xi32, #tpu.memory_space<vmem>>
        %dma_start3A_84 = arith.constant 0 : i32
        %dma_start3A_85 = arith.constant 0 : i32
        %dma_start3A_86 = tpu.memref_slice %arg10[%dma_start3A_84, %dma_start3A_85] : memref<10240x32xf32, #tpu.memory_space<vmem_shared>> -> memref<10240x32xf32, #tpu.memory_space<vmem_shared>>
        tpu.enqueue_indirect_dma source(%dma_start3A_80 : memref<100x32xf32, #tpu.memory_space<vmem>>) target(%dma_start3A_86 : memref<10240x32xf32, #tpu.memory_space<vmem_shared>>) offsets(%dma_start3A_83 : memref<100xi32, #tpu.memory_space<vmem>>) semaphore(%run_scoped3A_78 : memref<!tpu.dma_semaphore, #tpu.memory_space<semaphore_mem>>) {add = true}
        %dma_wait3A = arith.constant 1000 : i32
        %dma_wait3A_87 = arith.constant 0 : i32
        %dma_wait3A_88 = tpu.memref_slice %arg8[%dma_wait3A, %dma_wait3A_87] : memref<2000x32xf32, #tpu.memory_space<vmem>> -> memref<100x32xf32, #tpu.memory_space<vmem>>
        %dma_wait3A_89 = arith.constant 0 : i32
        %dma_wait3A_90 = tpu.memref_slice %arg7[%run_scoped3A_59, %dma_wait3A_89] : memref<20x100xi32, #tpu.memory_space<vmem>> -> memref<1x100xi32, #tpu.memory_space<vmem>>
        %dma_wait3A_91 = tpu.memref_squeeze %dma_wait3A_90 : memref<1x100xi32, #tpu.memory_space<vmem>> -> memref<100xi32, #tpu.memory_space<vmem>>
        %dma_wait3A_92 = arith.constant 0 : i32
        %dma_wait3A_93 = arith.constant 0 : i32
        %dma_wait3A_94 = tpu.memref_slice %arg10[%dma_wait3A_92, %dma_wait3A_93] : memref<10240x32xf32, #tpu.memory_space<vmem_shared>> -> memref<10240x32xf32, #tpu.memory_space<vmem_shared>>
        tpu.wait_indirect_dma semaphore(%run_scoped3A_78 : memref<!tpu.dma_semaphore, #tpu.memory_space<semaphore_mem>>) src(%dma_wait3A_88 : memref<100x32xf32, #tpu.memory_space<vmem>>) dst(%dma_wait3A_94 : memref<10240x32xf32, #tpu.memory_space<vmem_shared>>)
        tpu.yield
      }) : () -> ()
      %run_scoped3A_60 = arith.constant 11 : i32
      "tpu.region"() ({
        %run_scoped3A_78 = tpu.sem_alloc : memref<!tpu.dma_semaphore, #tpu.memory_space<semaphore_mem>>
        %dma_start3A = arith.constant 1100 : i32
        %dma_start3A_79 = arith.constant 0 : i32
        %dma_start3A_80 = tpu.memref_slice %arg8[%dma_start3A, %dma_start3A_79] : memref<2000x32xf32, #tpu.memory_space<vmem>> -> memref<100x32xf32, #tpu.memory_space<vmem>>
        %dma_start3A_81 = arith.constant 0 : i32
        %dma_start3A_82 = tpu.memref_slice %arg6[%run_scoped3A_60, %dma_start3A_81] : memref<20x100xi32, #tpu.memory_space<vmem>> -> memref<1x100xi32, #tpu.memory_space<vmem>>
        %dma_start3A_83 = tpu.memref_squeeze %dma_start3A_82 : memref<1x100xi32, #tpu.memory_space<vmem>> -> memref<100xi32, #tpu.memory_space<vmem>>
        %dma_start3A_84 = arith.constant 0 : i32
        %dma_start3A_85 = arith.constant 0 : i32
        %dma_start3A_86 = tpu.memref_slice %arg10[%dma_start3A_84, %dma_start3A_85] : memref<10240x32xf32, #tpu.memory_space<vmem_shared>> -> memref<10240x32xf32, #tpu.memory_space<vmem_shared>>
        tpu.enqueue_indirect_dma source(%dma_start3A_80 : memref<100x32xf32, #tpu.memory_space<vmem>>) target(%dma_start3A_86 : memref<10240x32xf32, #tpu.memory_space<vmem_shared>>) offsets(%dma_start3A_83 : memref<100xi32, #tpu.memory_space<vmem>>) semaphore(%run_scoped3A_78 : memref<!tpu.dma_semaphore, #tpu.memory_space<semaphore_mem>>) {add = true}
        %dma_wait3A = arith.constant 1100 : i32
        %dma_wait3A_87 = arith.constant 0 : i32
        %dma_wait3A_88 = tpu.memref_slice %arg8[%dma_wait3A, %dma_wait3A_87] : memref<2000x32xf32, #tpu.memory_space<vmem>> -> memref<100x32xf32, #tpu.memory_space<vmem>>
        %dma_wait3A_89 = arith.constant 0 : i32
        %dma_wait3A_90 = tpu.memref_slice %arg6[%run_scoped3A_60, %dma_wait3A_89] : memref<20x100xi32, #tpu.memory_space<vmem>> -> memref<1x100xi32, #tpu.memory_space<vmem>>
        %dma_wait3A_91 = tpu.memref_squeeze %dma_wait3A_90 : memref<1x100xi32, #tpu.memory_space<vmem>> -> memref<100xi32, #tpu.memory_space<vmem>>
        %dma_wait3A_92 = arith.constant 0 : i32
        %dma_wait3A_93 = arith.constant 0 : i32
        %dma_wait3A_94 = tpu.memref_slice %arg10[%dma_wait3A_92, %dma_wait3A_93] : memref<10240x32xf32, #tpu.memory_space<vmem_shared>> -> memref<10240x32xf32, #tpu.memory_space<vmem_shared>>
        tpu.wait_indirect_dma semaphore(%run_scoped3A_78 : memref<!tpu.dma_semaphore, #tpu.memory_space<semaphore_mem>>) src(%dma_wait3A_88 : memref<100x32xf32, #tpu.memory_space<vmem>>) dst(%dma_wait3A_94 : memref<10240x32xf32, #tpu.memory_space<vmem_shared>>)
        tpu.yield
      }) : () -> ()
      %run_scoped3A_61 = arith.constant 11 : i32
      "tpu.region"() ({
        %run_scoped3A_78 = tpu.sem_alloc : memref<!tpu.dma_semaphore, #tpu.memory_space<semaphore_mem>>
        %dma_start3A = arith.constant 1100 : i32
        %dma_start3A_79 = arith.constant 0 : i32
        %dma_start3A_80 = tpu.memref_slice %arg8[%dma_start3A, %dma_start3A_79] : memref<2000x32xf32, #tpu.memory_space<vmem>> -> memref<100x32xf32, #tpu.memory_space<vmem>>
        %dma_start3A_81 = arith.constant 0 : i32
        %dma_start3A_82 = tpu.memref_slice %arg7[%run_scoped3A_61, %dma_start3A_81] : memref<20x100xi32, #tpu.memory_space<vmem>> -> memref<1x100xi32, #tpu.memory_space<vmem>>
        %dma_start3A_83 = tpu.memref_squeeze %dma_start3A_82 : memref<1x100xi32, #tpu.memory_space<vmem>> -> memref<100xi32, #tpu.memory_space<vmem>>
        %dma_start3A_84 = arith.constant 0 : i32
        %dma_start3A_85 = arith.constant 0 : i32
        %dma_start3A_86 = tpu.memref_slice %arg10[%dma_start3A_84, %dma_start3A_85] : memref<10240x32xf32, #tpu.memory_space<vmem_shared>> -> memref<10240x32xf32, #tpu.memory_space<vmem_shared>>
        tpu.enqueue_indirect_dma source(%dma_start3A_80 : memref<100x32xf32, #tpu.memory_space<vmem>>) target(%dma_start3A_86 : memref<10240x32xf32, #tpu.memory_space<vmem_shared>>) offsets(%dma_start3A_83 : memref<100xi32, #tpu.memory_space<vmem>>) semaphore(%run_scoped3A_78 : memref<!tpu.dma_semaphore, #tpu.memory_space<semaphore_mem>>) {add = true}
        %dma_wait3A = arith.constant 1100 : i32
        %dma_wait3A_87 = arith.constant 0 : i32
        %dma_wait3A_88 = tpu.memref_slice %arg8[%dma_wait3A, %dma_wait3A_87] : memref<2000x32xf32, #tpu.memory_space<vmem>> -> memref<100x32xf32, #tpu.memory_space<vmem>>
        %dma_wait3A_89 = arith.constant 0 : i32
        %dma_wait3A_90 = tpu.memref_slice %arg7[%run_scoped3A_61, %dma_wait3A_89] : memref<20x100xi32, #tpu.memory_space<vmem>> -> memref<1x100xi32, #tpu.memory_space<vmem>>
        %dma_wait3A_91 = tpu.memref_squeeze %dma_wait3A_90 : memref<1x100xi32, #tpu.memory_space<vmem>> -> memref<100xi32, #tpu.memory_space<vmem>>
        %dma_wait3A_92 = arith.constant 0 : i32
        %dma_wait3A_93 = arith.constant 0 : i32
        %dma_wait3A_94 = tpu.memref_slice %arg10[%dma_wait3A_92, %dma_wait3A_93] : memref<10240x32xf32, #tpu.memory_space<vmem_shared>> -> memref<10240x32xf32, #tpu.memory_space<vmem_shared>>
        tpu.wait_indirect_dma semaphore(%run_scoped3A_78 : memref<!tpu.dma_semaphore, #tpu.memory_space<semaphore_mem>>) src(%dma_wait3A_88 : memref<100x32xf32, #tpu.memory_space<vmem>>) dst(%dma_wait3A_94 : memref<10240x32xf32, #tpu.memory_space<vmem_shared>>)
        tpu.yield
      }) : () -> ()
      %run_scoped3A_62 = arith.constant 12 : i32
      "tpu.region"() ({
        %run_scoped3A_78 = tpu.sem_alloc : memref<!tpu.dma_semaphore, #tpu.memory_space<semaphore_mem>>
        %dma_start3A = arith.constant 1200 : i32
        %dma_start3A_79 = arith.constant 0 : i32
        %dma_start3A_80 = tpu.memref_slice %arg8[%dma_start3A, %dma_start3A_79] : memref<2000x32xf32, #tpu.memory_space<vmem>> -> memref<100x32xf32, #tpu.memory_space<vmem>>
        %dma_start3A_81 = arith.constant 0 : i32
        %dma_start3A_82 = tpu.memref_slice %arg6[%run_scoped3A_62, %dma_start3A_81] : memref<20x100xi32, #tpu.memory_space<vmem>> -> memref<1x100xi32, #tpu.memory_space<vmem>>
        %dma_start3A_83 = tpu.memref_squeeze %dma_start3A_82 : memref<1x100xi32, #tpu.memory_space<vmem>> -> memref<100xi32, #tpu.memory_space<vmem>>
        %dma_start3A_84 = arith.constant 0 : i32
        %dma_start3A_85 = arith.constant 0 : i32
        %dma_start3A_86 = tpu.memref_slice %arg10[%dma_start3A_84, %dma_start3A_85] : memref<10240x32xf32, #tpu.memory_space<vmem_shared>> -> memref<10240x32xf32, #tpu.memory_space<vmem_shared>>
        tpu.enqueue_indirect_dma source(%dma_start3A_80 : memref<100x32xf32, #tpu.memory_space<vmem>>) target(%dma_start3A_86 : memref<10240x32xf32, #tpu.memory_space<vmem_shared>>) offsets(%dma_start3A_83 : memref<100xi32, #tpu.memory_space<vmem>>) semaphore(%run_scoped3A_78 : memref<!tpu.dma_semaphore, #tpu.memory_space<semaphore_mem>>) {add = true}
        %dma_wait3A = arith.constant 1200 : i32
        %dma_wait3A_87 = arith.constant 0 : i32
        %dma_wait3A_88 = tpu.memref_slice %arg8[%dma_wait3A, %dma_wait3A_87] : memref<2000x32xf32, #tpu.memory_space<vmem>> -> memref<100x32xf32, #tpu.memory_space<vmem>>
        %dma_wait3A_89 = arith.constant 0 : i32
        %dma_wait3A_90 = tpu.memref_slice %arg6[%run_scoped3A_62, %dma_wait3A_89] : memref<20x100xi32, #tpu.memory_space<vmem>> -> memref<1x100xi32, #tpu.memory_space<vmem>>
        %dma_wait3A_91 = tpu.memref_squeeze %dma_wait3A_90 : memref<1x100xi32, #tpu.memory_space<vmem>> -> memref<100xi32, #tpu.memory_space<vmem>>
        %dma_wait3A_92 = arith.constant 0 : i32
        %dma_wait3A_93 = arith.constant 0 : i32
        %dma_wait3A_94 = tpu.memref_slice %arg10[%dma_wait3A_92, %dma_wait3A_93] : memref<10240x32xf32, #tpu.memory_space<vmem_shared>> -> memref<10240x32xf32, #tpu.memory_space<vmem_shared>>
        tpu.wait_indirect_dma semaphore(%run_scoped3A_78 : memref<!tpu.dma_semaphore, #tpu.memory_space<semaphore_mem>>) src(%dma_wait3A_88 : memref<100x32xf32, #tpu.memory_space<vmem>>) dst(%dma_wait3A_94 : memref<10240x32xf32, #tpu.memory_space<vmem_shared>>)
        tpu.yield
      }) : () -> ()
      %run_scoped3A_63 = arith.constant 12 : i32
      "tpu.region"() ({
        %run_scoped3A_78 = tpu.sem_alloc : memref<!tpu.dma_semaphore, #tpu.memory_space<semaphore_mem>>
        %dma_start3A = arith.constant 1200 : i32
        %dma_start3A_79 = arith.constant 0 : i32
        %dma_start3A_80 = tpu.memref_slice %arg8[%dma_start3A, %dma_start3A_79] : memref<2000x32xf32, #tpu.memory_space<vmem>> -> memref<100x32xf32, #tpu.memory_space<vmem>>
        %dma_start3A_81 = arith.constant 0 : i32
        %dma_start3A_82 = tpu.memref_slice %arg7[%run_scoped3A_63, %dma_start3A_81] : memref<20x100xi32, #tpu.memory_space<vmem>> -> memref<1x100xi32, #tpu.memory_space<vmem>>
        %dma_start3A_83 = tpu.memref_squeeze %dma_start3A_82 : memref<1x100xi32, #tpu.memory_space<vmem>> -> memref<100xi32, #tpu.memory_space<vmem>>
        %dma_start3A_84 = arith.constant 0 : i32
        %dma_start3A_85 = arith.constant 0 : i32
        %dma_start3A_86 = tpu.memref_slice %arg10[%dma_start3A_84, %dma_start3A_85] : memref<10240x32xf32, #tpu.memory_space<vmem_shared>> -> memref<10240x32xf32, #tpu.memory_space<vmem_shared>>
        tpu.enqueue_indirect_dma source(%dma_start3A_80 : memref<100x32xf32, #tpu.memory_space<vmem>>) target(%dma_start3A_86 : memref<10240x32xf32, #tpu.memory_space<vmem_shared>>) offsets(%dma_start3A_83 : memref<100xi32, #tpu.memory_space<vmem>>) semaphore(%run_scoped3A_78 : memref<!tpu.dma_semaphore, #tpu.memory_space<semaphore_mem>>) {add = true}
        %dma_wait3A = arith.constant 1200 : i32
        %dma_wait3A_87 = arith.constant 0 : i32
        %dma_wait3A_88 = tpu.memref_slice %arg8[%dma_wait3A, %dma_wait3A_87] : memref<2000x32xf32, #tpu.memory_space<vmem>> -> memref<100x32xf32, #tpu.memory_space<vmem>>
        %dma_wait3A_89 = arith.constant 0 : i32
        %dma_wait3A_90 = tpu.memref_slice %arg7[%run_scoped3A_63, %dma_wait3A_89] : memref<20x100xi32, #tpu.memory_space<vmem>> -> memref<1x100xi32, #tpu.memory_space<vmem>>
        %dma_wait3A_91 = tpu.memref_squeeze %dma_wait3A_90 : memref<1x100xi32, #tpu.memory_space<vmem>> -> memref<100xi32, #tpu.memory_space<vmem>>
        %dma_wait3A_92 = arith.constant 0 : i32
        %dma_wait3A_93 = arith.constant 0 : i32
        %dma_wait3A_94 = tpu.memref_slice %arg10[%dma_wait3A_92, %dma_wait3A_93] : memref<10240x32xf32, #tpu.memory_space<vmem_shared>> -> memref<10240x32xf32, #tpu.memory_space<vmem_shared>>
        tpu.wait_indirect_dma semaphore(%run_scoped3A_78 : memref<!tpu.dma_semaphore, #tpu.memory_space<semaphore_mem>>) src(%dma_wait3A_88 : memref<100x32xf32, #tpu.memory_space<vmem>>) dst(%dma_wait3A_94 : memref<10240x32xf32, #tpu.memory_space<vmem_shared>>)
        tpu.yield
      }) : () -> ()
      %run_scoped3A_64 = arith.constant 13 : i32
      "tpu.region"() ({
        %run_scoped3A_78 = tpu.sem_alloc : memref<!tpu.dma_semaphore, #tpu.memory_space<semaphore_mem>>
        %dma_start3A = arith.constant 1300 : i32
        %dma_start3A_79 = arith.constant 0 : i32
        %dma_start3A_80 = tpu.memref_slice %arg8[%dma_start3A, %dma_start3A_79] : memref<2000x32xf32, #tpu.memory_space<vmem>> -> memref<100x32xf32, #tpu.memory_space<vmem>>
        %dma_start3A_81 = arith.constant 0 : i32
        %dma_start3A_82 = tpu.memref_slice %arg6[%run_scoped3A_64, %dma_start3A_81] : memref<20x100xi32, #tpu.memory_space<vmem>> -> memref<1x100xi32, #tpu.memory_space<vmem>>
        %dma_start3A_83 = tpu.memref_squeeze %dma_start3A_82 : memref<1x100xi32, #tpu.memory_space<vmem>> -> memref<100xi32, #tpu.memory_space<vmem>>
        %dma_start3A_84 = arith.constant 0 : i32
        %dma_start3A_85 = arith.constant 0 : i32
        %dma_start3A_86 = tpu.memref_slice %arg10[%dma_start3A_84, %dma_start3A_85] : memref<10240x32xf32, #tpu.memory_space<vmem_shared>> -> memref<10240x32xf32, #tpu.memory_space<vmem_shared>>
        tpu.enqueue_indirect_dma source(%dma_start3A_80 : memref<100x32xf32, #tpu.memory_space<vmem>>) target(%dma_start3A_86 : memref<10240x32xf32, #tpu.memory_space<vmem_shared>>) offsets(%dma_start3A_83 : memref<100xi32, #tpu.memory_space<vmem>>) semaphore(%run_scoped3A_78 : memref<!tpu.dma_semaphore, #tpu.memory_space<semaphore_mem>>) {add = true}
        %dma_wait3A = arith.constant 1300 : i32
        %dma_wait3A_87 = arith.constant 0 : i32
        %dma_wait3A_88 = tpu.memref_slice %arg8[%dma_wait3A, %dma_wait3A_87] : memref<2000x32xf32, #tpu.memory_space<vmem>> -> memref<100x32xf32, #tpu.memory_space<vmem>>
        %dma_wait3A_89 = arith.constant 0 : i32
        %dma_wait3A_90 = tpu.memref_slice %arg6[%run_scoped3A_64, %dma_wait3A_89] : memref<20x100xi32, #tpu.memory_space<vmem>> -> memref<1x100xi32, #tpu.memory_space<vmem>>
        %dma_wait3A_91 = tpu.memref_squeeze %dma_wait3A_90 : memref<1x100xi32, #tpu.memory_space<vmem>> -> memref<100xi32, #tpu.memory_space<vmem>>
        %dma_wait3A_92 = arith.constant 0 : i32
        %dma_wait3A_93 = arith.constant 0 : i32
        %dma_wait3A_94 = tpu.memref_slice %arg10[%dma_wait3A_92, %dma_wait3A_93] : memref<10240x32xf32, #tpu.memory_space<vmem_shared>> -> memref<10240x32xf32, #tpu.memory_space<vmem_shared>>
        tpu.wait_indirect_dma semaphore(%run_scoped3A_78 : memref<!tpu.dma_semaphore, #tpu.memory_space<semaphore_mem>>) src(%dma_wait3A_88 : memref<100x32xf32, #tpu.memory_space<vmem>>) dst(%dma_wait3A_94 : memref<10240x32xf32, #tpu.memory_space<vmem_shared>>)
        tpu.yield
      }) : () -> ()
      %run_scoped3A_65 = arith.constant 13 : i32
      "tpu.region"() ({
        %run_scoped3A_78 = tpu.sem_alloc : memref<!tpu.dma_semaphore, #tpu.memory_space<semaphore_mem>>
        %dma_start3A = arith.constant 1300 : i32
        %dma_start3A_79 = arith.constant 0 : i32
        %dma_start3A_80 = tpu.memref_slice %arg8[%dma_start3A, %dma_start3A_79] : memref<2000x32xf32, #tpu.memory_space<vmem>> -> memref<100x32xf32, #tpu.memory_space<vmem>>
        %dma_start3A_81 = arith.constant 0 : i32
        %dma_start3A_82 = tpu.memref_slice %arg7[%run_scoped3A_65, %dma_start3A_81] : memref<20x100xi32, #tpu.memory_space<vmem>> -> memref<1x100xi32, #tpu.memory_space<vmem>>
        %dma_start3A_83 = tpu.memref_squeeze %dma_start3A_82 : memref<1x100xi32, #tpu.memory_space<vmem>> -> memref<100xi32, #tpu.memory_space<vmem>>
        %dma_start3A_84 = arith.constant 0 : i32
        %dma_start3A_85 = arith.constant 0 : i32
        %dma_start3A_86 = tpu.memref_slice %arg10[%dma_start3A_84, %dma_start3A_85] : memref<10240x32xf32, #tpu.memory_space<vmem_shared>> -> memref<10240x32xf32, #tpu.memory_space<vmem_shared>>
        tpu.enqueue_indirect_dma source(%dma_start3A_80 : memref<100x32xf32, #tpu.memory_space<vmem>>) target(%dma_start3A_86 : memref<10240x32xf32, #tpu.memory_space<vmem_shared>>) offsets(%dma_start3A_83 : memref<100xi32, #tpu.memory_space<vmem>>) semaphore(%run_scoped3A_78 : memref<!tpu.dma_semaphore, #tpu.memory_space<semaphore_mem>>) {add = true}
        %dma_wait3A = arith.constant 1300 : i32
        %dma_wait3A_87 = arith.constant 0 : i32
        %dma_wait3A_88 = tpu.memref_slice %arg8[%dma_wait3A, %dma_wait3A_87] : memref<2000x32xf32, #tpu.memory_space<vmem>> -> memref<100x32xf32, #tpu.memory_space<vmem>>
        %dma_wait3A_89 = arith.constant 0 : i32
        %dma_wait3A_90 = tpu.memref_slice %arg7[%run_scoped3A_65, %dma_wait3A_89] : memref<20x100xi32, #tpu.memory_space<vmem>> -> memref<1x100xi32, #tpu.memory_space<vmem>>
        %dma_wait3A_91 = tpu.memref_squeeze %dma_wait3A_90 : memref<1x100xi32, #tpu.memory_space<vmem>> -> memref<100xi32, #tpu.memory_space<vmem>>
        %dma_wait3A_92 = arith.constant 0 : i32
        %dma_wait3A_93 = arith.constant 0 : i32
        %dma_wait3A_94 = tpu.memref_slice %arg10[%dma_wait3A_92, %dma_wait3A_93] : memref<10240x32xf32, #tpu.memory_space<vmem_shared>> -> memref<10240x32xf32, #tpu.memory_space<vmem_shared>>
        tpu.wait_indirect_dma semaphore(%run_scoped3A_78 : memref<!tpu.dma_semaphore, #tpu.memory_space<semaphore_mem>>) src(%dma_wait3A_88 : memref<100x32xf32, #tpu.memory_space<vmem>>) dst(%dma_wait3A_94 : memref<10240x32xf32, #tpu.memory_space<vmem_shared>>)
        tpu.yield
      }) : () -> ()
      %run_scoped3A_66 = arith.constant 14 : i32
      "tpu.region"() ({
        %run_scoped3A_78 = tpu.sem_alloc : memref<!tpu.dma_semaphore, #tpu.memory_space<semaphore_mem>>
        %dma_start3A = arith.constant 1400 : i32
        %dma_start3A_79 = arith.constant 0 : i32
        %dma_start3A_80 = tpu.memref_slice %arg8[%dma_start3A, %dma_start3A_79] : memref<2000x32xf32, #tpu.memory_space<vmem>> -> memref<100x32xf32, #tpu.memory_space<vmem>>
        %dma_start3A_81 = arith.constant 0 : i32
        %dma_start3A_82 = tpu.memref_slice %arg6[%run_scoped3A_66, %dma_start3A_81] : memref<20x100xi32, #tpu.memory_space<vmem>> -> memref<1x100xi32, #tpu.memory_space<vmem>>
        %dma_start3A_83 = tpu.memref_squeeze %dma_start3A_82 : memref<1x100xi32, #tpu.memory_space<vmem>> -> memref<100xi32, #tpu.memory_space<vmem>>
        %dma_start3A_84 = arith.constant 0 : i32
        %dma_start3A_85 = arith.constant 0 : i32
        %dma_start3A_86 = tpu.memref_slice %arg10[%dma_start3A_84, %dma_start3A_85] : memref<10240x32xf32, #tpu.memory_space<vmem_shared>> -> memref<10240x32xf32, #tpu.memory_space<vmem_shared>>
        tpu.enqueue_indirect_dma source(%dma_start3A_80 : memref<100x32xf32, #tpu.memory_space<vmem>>) target(%dma_start3A_86 : memref<10240x32xf32, #tpu.memory_space<vmem_shared>>) offsets(%dma_start3A_83 : memref<100xi32, #tpu.memory_space<vmem>>) semaphore(%run_scoped3A_78 : memref<!tpu.dma_semaphore, #tpu.memory_space<semaphore_mem>>) {add = true}
        %dma_wait3A = arith.constant 1400 : i32
        %dma_wait3A_87 = arith.constant 0 : i32
        %dma_wait3A_88 = tpu.memref_slice %arg8[%dma_wait3A, %dma_wait3A_87] : memref<2000x32xf32, #tpu.memory_space<vmem>> -> memref<100x32xf32, #tpu.memory_space<vmem>>
        %dma_wait3A_89 = arith.constant 0 : i32
        %dma_wait3A_90 = tpu.memref_slice %arg6[%run_scoped3A_66, %dma_wait3A_89] : memref<20x100xi32, #tpu.memory_space<vmem>> -> memref<1x100xi32, #tpu.memory_space<vmem>>
        %dma_wait3A_91 = tpu.memref_squeeze %dma_wait3A_90 : memref<1x100xi32, #tpu.memory_space<vmem>> -> memref<100xi32, #tpu.memory_space<vmem>>
        %dma_wait3A_92 = arith.constant 0 : i32
        %dma_wait3A_93 = arith.constant 0 : i32
        %dma_wait3A_94 = tpu.memref_slice %arg10[%dma_wait3A_92, %dma_wait3A_93] : memref<10240x32xf32, #tpu.memory_space<vmem_shared>> -> memref<10240x32xf32, #tpu.memory_space<vmem_shared>>
        tpu.wait_indirect_dma semaphore(%run_scoped3A_78 : memref<!tpu.dma_semaphore, #tpu.memory_space<semaphore_mem>>) src(%dma_wait3A_88 : memref<100x32xf32, #tpu.memory_space<vmem>>) dst(%dma_wait3A_94 : memref<10240x32xf32, #tpu.memory_space<vmem_shared>>)
        tpu.yield
      }) : () -> ()
      %run_scoped3A_67 = arith.constant 14 : i32
      "tpu.region"() ({
        %run_scoped3A_78 = tpu.sem_alloc : memref<!tpu.dma_semaphore, #tpu.memory_space<semaphore_mem>>
        %dma_start3A = arith.constant 1400 : i32
        %dma_start3A_79 = arith.constant 0 : i32
        %dma_start3A_80 = tpu.memref_slice %arg8[%dma_start3A, %dma_start3A_79] : memref<2000x32xf32, #tpu.memory_space<vmem>> -> memref<100x32xf32, #tpu.memory_space<vmem>>
        %dma_start3A_81 = arith.constant 0 : i32
        %dma_start3A_82 = tpu.memref_slice %arg7[%run_scoped3A_67, %dma_start3A_81] : memref<20x100xi32, #tpu.memory_space<vmem>> -> memref<1x100xi32, #tpu.memory_space<vmem>>
        %dma_start3A_83 = tpu.memref_squeeze %dma_start3A_82 : memref<1x100xi32, #tpu.memory_space<vmem>> -> memref<100xi32, #tpu.memory_space<vmem>>
        %dma_start3A_84 = arith.constant 0 : i32
        %dma_start3A_85 = arith.constant 0 : i32
        %dma_start3A_86 = tpu.memref_slice %arg10[%dma_start3A_84, %dma_start3A_85] : memref<10240x32xf32, #tpu.memory_space<vmem_shared>> -> memref<10240x32xf32, #tpu.memory_space<vmem_shared>>
        tpu.enqueue_indirect_dma source(%dma_start3A_80 : memref<100x32xf32, #tpu.memory_space<vmem>>) target(%dma_start3A_86 : memref<10240x32xf32, #tpu.memory_space<vmem_shared>>) offsets(%dma_start3A_83 : memref<100xi32, #tpu.memory_space<vmem>>) semaphore(%run_scoped3A_78 : memref<!tpu.dma_semaphore, #tpu.memory_space<semaphore_mem>>) {add = true}
        %dma_wait3A = arith.constant 1400 : i32
        %dma_wait3A_87 = arith.constant 0 : i32
        %dma_wait3A_88 = tpu.memref_slice %arg8[%dma_wait3A, %dma_wait3A_87] : memref<2000x32xf32, #tpu.memory_space<vmem>> -> memref<100x32xf32, #tpu.memory_space<vmem>>
        %dma_wait3A_89 = arith.constant 0 : i32
        %dma_wait3A_90 = tpu.memref_slice %arg7[%run_scoped3A_67, %dma_wait3A_89] : memref<20x100xi32, #tpu.memory_space<vmem>> -> memref<1x100xi32, #tpu.memory_space<vmem>>
        %dma_wait3A_91 = tpu.memref_squeeze %dma_wait3A_90 : memref<1x100xi32, #tpu.memory_space<vmem>> -> memref<100xi32, #tpu.memory_space<vmem>>
        %dma_wait3A_92 = arith.constant 0 : i32
        %dma_wait3A_93 = arith.constant 0 : i32
        %dma_wait3A_94 = tpu.memref_slice %arg10[%dma_wait3A_92, %dma_wait3A_93] : memref<10240x32xf32, #tpu.memory_space<vmem_shared>> -> memref<10240x32xf32, #tpu.memory_space<vmem_shared>>
        tpu.wait_indirect_dma semaphore(%run_scoped3A_78 : memref<!tpu.dma_semaphore, #tpu.memory_space<semaphore_mem>>) src(%dma_wait3A_88 : memref<100x32xf32, #tpu.memory_space<vmem>>) dst(%dma_wait3A_94 : memref<10240x32xf32, #tpu.memory_space<vmem_shared>>)
        tpu.yield
      }) : () -> ()
      %run_scoped3A_68 = arith.constant 15 : i32
      "tpu.region"() ({
        %run_scoped3A_78 = tpu.sem_alloc : memref<!tpu.dma_semaphore, #tpu.memory_space<semaphore_mem>>
        %dma_start3A = arith.constant 1500 : i32
        %dma_start3A_79 = arith.constant 0 : i32
        %dma_start3A_80 = tpu.memref_slice %arg8[%dma_start3A, %dma_start3A_79] : memref<2000x32xf32, #tpu.memory_space<vmem>> -> memref<100x32xf32, #tpu.memory_space<vmem>>
        %dma_start3A_81 = arith.constant 0 : i32
        %dma_start3A_82 = tpu.memref_slice %arg6[%run_scoped3A_68, %dma_start3A_81] : memref<20x100xi32, #tpu.memory_space<vmem>> -> memref<1x100xi32, #tpu.memory_space<vmem>>
        %dma_start3A_83 = tpu.memref_squeeze %dma_start3A_82 : memref<1x100xi32, #tpu.memory_space<vmem>> -> memref<100xi32, #tpu.memory_space<vmem>>
        %dma_start3A_84 = arith.constant 0 : i32
        %dma_start3A_85 = arith.constant 0 : i32
        %dma_start3A_86 = tpu.memref_slice %arg10[%dma_start3A_84, %dma_start3A_85] : memref<10240x32xf32, #tpu.memory_space<vmem_shared>> -> memref<10240x32xf32, #tpu.memory_space<vmem_shared>>
        tpu.enqueue_indirect_dma source(%dma_start3A_80 : memref<100x32xf32, #tpu.memory_space<vmem>>) target(%dma_start3A_86 : memref<10240x32xf32, #tpu.memory_space<vmem_shared>>) offsets(%dma_start3A_83 : memref<100xi32, #tpu.memory_space<vmem>>) semaphore(%run_scoped3A_78 : memref<!tpu.dma_semaphore, #tpu.memory_space<semaphore_mem>>) {add = true}
        %dma_wait3A = arith.constant 1500 : i32
        %dma_wait3A_87 = arith.constant 0 : i32
        %dma_wait3A_88 = tpu.memref_slice %arg8[%dma_wait3A, %dma_wait3A_87] : memref<2000x32xf32, #tpu.memory_space<vmem>> -> memref<100x32xf32, #tpu.memory_space<vmem>>
        %dma_wait3A_89 = arith.constant 0 : i32
        %dma_wait3A_90 = tpu.memref_slice %arg6[%run_scoped3A_68, %dma_wait3A_89] : memref<20x100xi32, #tpu.memory_space<vmem>> -> memref<1x100xi32, #tpu.memory_space<vmem>>
        %dma_wait3A_91 = tpu.memref_squeeze %dma_wait3A_90 : memref<1x100xi32, #tpu.memory_space<vmem>> -> memref<100xi32, #tpu.memory_space<vmem>>
        %dma_wait3A_92 = arith.constant 0 : i32
        %dma_wait3A_93 = arith.constant 0 : i32
        %dma_wait3A_94 = tpu.memref_slice %arg10[%dma_wait3A_92, %dma_wait3A_93] : memref<10240x32xf32, #tpu.memory_space<vmem_shared>> -> memref<10240x32xf32, #tpu.memory_space<vmem_shared>>
        tpu.wait_indirect_dma semaphore(%run_scoped3A_78 : memref<!tpu.dma_semaphore, #tpu.memory_space<semaphore_mem>>) src(%dma_wait3A_88 : memref<100x32xf32, #tpu.memory_space<vmem>>) dst(%dma_wait3A_94 : memref<10240x32xf32, #tpu.memory_space<vmem_shared>>)
        tpu.yield
      }) : () -> ()
      %run_scoped3A_69 = arith.constant 15 : i32
      "tpu.region"() ({
        %run_scoped3A_78 = tpu.sem_alloc : memref<!tpu.dma_semaphore, #tpu.memory_space<semaphore_mem>>
        %dma_start3A = arith.constant 1500 : i32
        %dma_start3A_79 = arith.constant 0 : i32
        %dma_start3A_80 = tpu.memref_slice %arg8[%dma_start3A, %dma_start3A_79] : memref<2000x32xf32, #tpu.memory_space<vmem>> -> memref<100x32xf32, #tpu.memory_space<vmem>>
        %dma_start3A_81 = arith.constant 0 : i32
        %dma_start3A_82 = tpu.memref_slice %arg7[%run_scoped3A_69, %dma_start3A_81] : memref<20x100xi32, #tpu.memory_space<vmem>> -> memref<1x100xi32, #tpu.memory_space<vmem>>
        %dma_start3A_83 = tpu.memref_squeeze %dma_start3A_82 : memref<1x100xi32, #tpu.memory_space<vmem>> -> memref<100xi32, #tpu.memory_space<vmem>>
        %dma_start3A_84 = arith.constant 0 : i32
        %dma_start3A_85 = arith.constant 0 : i32
        %dma_start3A_86 = tpu.memref_slice %arg10[%dma_start3A_84, %dma_start3A_85] : memref<10240x32xf32, #tpu.memory_space<vmem_shared>> -> memref<10240x32xf32, #tpu.memory_space<vmem_shared>>
        tpu.enqueue_indirect_dma source(%dma_start3A_80 : memref<100x32xf32, #tpu.memory_space<vmem>>) target(%dma_start3A_86 : memref<10240x32xf32, #tpu.memory_space<vmem_shared>>) offsets(%dma_start3A_83 : memref<100xi32, #tpu.memory_space<vmem>>) semaphore(%run_scoped3A_78 : memref<!tpu.dma_semaphore, #tpu.memory_space<semaphore_mem>>) {add = true}
        %dma_wait3A = arith.constant 1500 : i32
        %dma_wait3A_87 = arith.constant 0 : i32
        %dma_wait3A_88 = tpu.memref_slice %arg8[%dma_wait3A, %dma_wait3A_87] : memref<2000x32xf32, #tpu.memory_space<vmem>> -> memref<100x32xf32, #tpu.memory_space<vmem>>
        %dma_wait3A_89 = arith.constant 0 : i32
        %dma_wait3A_90 = tpu.memref_slice %arg7[%run_scoped3A_69, %dma_wait3A_89] : memref<20x100xi32, #tpu.memory_space<vmem>> -> memref<1x100xi32, #tpu.memory_space<vmem>>
        %dma_wait3A_91 = tpu.memref_squeeze %dma_wait3A_90 : memref<1x100xi32, #tpu.memory_space<vmem>> -> memref<100xi32, #tpu.memory_space<vmem>>
        %dma_wait3A_92 = arith.constant 0 : i32
        %dma_wait3A_93 = arith.constant 0 : i32
        %dma_wait3A_94 = tpu.memref_slice %arg10[%dma_wait3A_92, %dma_wait3A_93] : memref<10240x32xf32, #tpu.memory_space<vmem_shared>> -> memref<10240x32xf32, #tpu.memory_space<vmem_shared>>
        tpu.wait_indirect_dma semaphore(%run_scoped3A_78 : memref<!tpu.dma_semaphore, #tpu.memory_space<semaphore_mem>>) src(%dma_wait3A_88 : memref<100x32xf32, #tpu.memory_space<vmem>>) dst(%dma_wait3A_94 : memref<10240x32xf32, #tpu.memory_space<vmem_shared>>)
        tpu.yield
      }) : () -> ()
      %run_scoped3A_70 = arith.constant 16 : i32
      "tpu.region"() ({
        %run_scoped3A_78 = tpu.sem_alloc : memref<!tpu.dma_semaphore, #tpu.memory_space<semaphore_mem>>
        %dma_start3A = arith.constant 1600 : i32
        %dma_start3A_79 = arith.constant 0 : i32
        %dma_start3A_80 = tpu.memref_slice %arg8[%dma_start3A, %dma_start3A_79] : memref<2000x32xf32, #tpu.memory_space<vmem>> -> memref<100x32xf32, #tpu.memory_space<vmem>>
        %dma_start3A_81 = arith.constant 0 : i32
        %dma_start3A_82 = tpu.memref_slice %arg6[%run_scoped3A_70, %dma_start3A_81] : memref<20x100xi32, #tpu.memory_space<vmem>> -> memref<1x100xi32, #tpu.memory_space<vmem>>
        %dma_start3A_83 = tpu.memref_squeeze %dma_start3A_82 : memref<1x100xi32, #tpu.memory_space<vmem>> -> memref<100xi32, #tpu.memory_space<vmem>>
        %dma_start3A_84 = arith.constant 0 : i32
        %dma_start3A_85 = arith.constant 0 : i32
        %dma_start3A_86 = tpu.memref_slice %arg10[%dma_start3A_84, %dma_start3A_85] : memref<10240x32xf32, #tpu.memory_space<vmem_shared>> -> memref<10240x32xf32, #tpu.memory_space<vmem_shared>>
        tpu.enqueue_indirect_dma source(%dma_start3A_80 : memref<100x32xf32, #tpu.memory_space<vmem>>) target(%dma_start3A_86 : memref<10240x32xf32, #tpu.memory_space<vmem_shared>>) offsets(%dma_start3A_83 : memref<100xi32, #tpu.memory_space<vmem>>) semaphore(%run_scoped3A_78 : memref<!tpu.dma_semaphore, #tpu.memory_space<semaphore_mem>>) {add = true}
        %dma_wait3A = arith.constant 1600 : i32
        %dma_wait3A_87 = arith.constant 0 : i32
        %dma_wait3A_88 = tpu.memref_slice %arg8[%dma_wait3A, %dma_wait3A_87] : memref<2000x32xf32, #tpu.memory_space<vmem>> -> memref<100x32xf32, #tpu.memory_space<vmem>>
        %dma_wait3A_89 = arith.constant 0 : i32
        %dma_wait3A_90 = tpu.memref_slice %arg6[%run_scoped3A_70, %dma_wait3A_89] : memref<20x100xi32, #tpu.memory_space<vmem>> -> memref<1x100xi32, #tpu.memory_space<vmem>>
        %dma_wait3A_91 = tpu.memref_squeeze %dma_wait3A_90 : memref<1x100xi32, #tpu.memory_space<vmem>> -> memref<100xi32, #tpu.memory_space<vmem>>
        %dma_wait3A_92 = arith.constant 0 : i32
        %dma_wait3A_93 = arith.constant 0 : i32
        %dma_wait3A_94 = tpu.memref_slice %arg10[%dma_wait3A_92, %dma_wait3A_93] : memref<10240x32xf32, #tpu.memory_space<vmem_shared>> -> memref<10240x32xf32, #tpu.memory_space<vmem_shared>>
        tpu.wait_indirect_dma semaphore(%run_scoped3A_78 : memref<!tpu.dma_semaphore, #tpu.memory_space<semaphore_mem>>) src(%dma_wait3A_88 : memref<100x32xf32, #tpu.memory_space<vmem>>) dst(%dma_wait3A_94 : memref<10240x32xf32, #tpu.memory_space<vmem_shared>>)
        tpu.yield
      }) : () -> ()
      %run_scoped3A_71 = arith.constant 16 : i32
      "tpu.region"() ({
        %run_scoped3A_78 = tpu.sem_alloc : memref<!tpu.dma_semaphore, #tpu.memory_space<semaphore_mem>>
        %dma_start3A = arith.constant 1600 : i32
        %dma_start3A_79 = arith.constant 0 : i32
        %dma_start3A_80 = tpu.memref_slice %arg8[%dma_start3A, %dma_start3A_79] : memref<2000x32xf32, #tpu.memory_space<vmem>> -> memref<100x32xf32, #tpu.memory_space<vmem>>
        %dma_start3A_81 = arith.constant 0 : i32
        %dma_start3A_82 = tpu.memref_slice %arg7[%run_scoped3A_71, %dma_start3A_81] : memref<20x100xi32, #tpu.memory_space<vmem>> -> memref<1x100xi32, #tpu.memory_space<vmem>>
        %dma_start3A_83 = tpu.memref_squeeze %dma_start3A_82 : memref<1x100xi32, #tpu.memory_space<vmem>> -> memref<100xi32, #tpu.memory_space<vmem>>
        %dma_start3A_84 = arith.constant 0 : i32
        %dma_start3A_85 = arith.constant 0 : i32
        %dma_start3A_86 = tpu.memref_slice %arg10[%dma_start3A_84, %dma_start3A_85] : memref<10240x32xf32, #tpu.memory_space<vmem_shared>> -> memref<10240x32xf32, #tpu.memory_space<vmem_shared>>
        tpu.enqueue_indirect_dma source(%dma_start3A_80 : memref<100x32xf32, #tpu.memory_space<vmem>>) target(%dma_start3A_86 : memref<10240x32xf32, #tpu.memory_space<vmem_shared>>) offsets(%dma_start3A_83 : memref<100xi32, #tpu.memory_space<vmem>>) semaphore(%run_scoped3A_78 : memref<!tpu.dma_semaphore, #tpu.memory_space<semaphore_mem>>) {add = true}
        %dma_wait3A = arith.constant 1600 : i32
        %dma_wait3A_87 = arith.constant 0 : i32
        %dma_wait3A_88 = tpu.memref_slice %arg8[%dma_wait3A, %dma_wait3A_87] : memref<2000x32xf32, #tpu.memory_space<vmem>> -> memref<100x32xf32, #tpu.memory_space<vmem>>
        %dma_wait3A_89 = arith.constant 0 : i32
        %dma_wait3A_90 = tpu.memref_slice %arg7[%run_scoped3A_71, %dma_wait3A_89] : memref<20x100xi32, #tpu.memory_space<vmem>> -> memref<1x100xi32, #tpu.memory_space<vmem>>
        %dma_wait3A_91 = tpu.memref_squeeze %dma_wait3A_90 : memref<1x100xi32, #tpu.memory_space<vmem>> -> memref<100xi32, #tpu.memory_space<vmem>>
        %dma_wait3A_92 = arith.constant 0 : i32
        %dma_wait3A_93 = arith.constant 0 : i32
        %dma_wait3A_94 = tpu.memref_slice %arg10[%dma_wait3A_92, %dma_wait3A_93] : memref<10240x32xf32, #tpu.memory_space<vmem_shared>> -> memref<10240x32xf32, #tpu.memory_space<vmem_shared>>
        tpu.wait_indirect_dma semaphore(%run_scoped3A_78 : memref<!tpu.dma_semaphore, #tpu.memory_space<semaphore_mem>>) src(%dma_wait3A_88 : memref<100x32xf32, #tpu.memory_space<vmem>>) dst(%dma_wait3A_94 : memref<10240x32xf32, #tpu.memory_space<vmem_shared>>)
        tpu.yield
      }) : () -> ()
      %run_scoped3A_72 = arith.constant 17 : i32
      "tpu.region"() ({
        %run_scoped3A_78 = tpu.sem_alloc : memref<!tpu.dma_semaphore, #tpu.memory_space<semaphore_mem>>
        %dma_start3A = arith.constant 1700 : i32
        %dma_start3A_79 = arith.constant 0 : i32
        %dma_start3A_80 = tpu.memref_slice %arg8[%dma_start3A, %dma_start3A_79] : memref<2000x32xf32, #tpu.memory_space<vmem>> -> memref<100x32xf32, #tpu.memory_space<vmem>>
        %dma_start3A_81 = arith.constant 0 : i32
        %dma_start3A_82 = tpu.memref_slice %arg6[%run_scoped3A_72, %dma_start3A_81] : memref<20x100xi32, #tpu.memory_space<vmem>> -> memref<1x100xi32, #tpu.memory_space<vmem>>
        %dma_start3A_83 = tpu.memref_squeeze %dma_start3A_82 : memref<1x100xi32, #tpu.memory_space<vmem>> -> memref<100xi32, #tpu.memory_space<vmem>>
        %dma_start3A_84 = arith.constant 0 : i32
        %dma_start3A_85 = arith.constant 0 : i32
        %dma_start3A_86 = tpu.memref_slice %arg10[%dma_start3A_84, %dma_start3A_85] : memref<10240x32xf32, #tpu.memory_space<vmem_shared>> -> memref<10240x32xf32, #tpu.memory_space<vmem_shared>>
        tpu.enqueue_indirect_dma source(%dma_start3A_80 : memref<100x32xf32, #tpu.memory_space<vmem>>) target(%dma_start3A_86 : memref<10240x32xf32, #tpu.memory_space<vmem_shared>>) offsets(%dma_start3A_83 : memref<100xi32, #tpu.memory_space<vmem>>) semaphore(%run_scoped3A_78 : memref<!tpu.dma_semaphore, #tpu.memory_space<semaphore_mem>>) {add = true}
        %dma_wait3A = arith.constant 1700 : i32
        %dma_wait3A_87 = arith.constant 0 : i32
        %dma_wait3A_88 = tpu.memref_slice %arg8[%dma_wait3A, %dma_wait3A_87] : memref<2000x32xf32, #tpu.memory_space<vmem>> -> memref<100x32xf32, #tpu.memory_space<vmem>>
        %dma_wait3A_89 = arith.constant 0 : i32
        %dma_wait3A_90 = tpu.memref_slice %arg6[%run_scoped3A_72, %dma_wait3A_89] : memref<20x100xi32, #tpu.memory_space<vmem>> -> memref<1x100xi32, #tpu.memory_space<vmem>>
        %dma_wait3A_91 = tpu.memref_squeeze %dma_wait3A_90 : memref<1x100xi32, #tpu.memory_space<vmem>> -> memref<100xi32, #tpu.memory_space<vmem>>
        %dma_wait3A_92 = arith.constant 0 : i32
        %dma_wait3A_93 = arith.constant 0 : i32
        %dma_wait3A_94 = tpu.memref_slice %arg10[%dma_wait3A_92, %dma_wait3A_93] : memref<10240x32xf32, #tpu.memory_space<vmem_shared>> -> memref<10240x32xf32, #tpu.memory_space<vmem_shared>>
        tpu.wait_indirect_dma semaphore(%run_scoped3A_78 : memref<!tpu.dma_semaphore, #tpu.memory_space<semaphore_mem>>) src(%dma_wait3A_88 : memref<100x32xf32, #tpu.memory_space<vmem>>) dst(%dma_wait3A_94 : memref<10240x32xf32, #tpu.memory_space<vmem_shared>>)
        tpu.yield
      }) : () -> ()
      %run_scoped3A_73 = arith.constant 17 : i32
      "tpu.region"() ({
        %run_scoped3A_78 = tpu.sem_alloc : memref<!tpu.dma_semaphore, #tpu.memory_space<semaphore_mem>>
        %dma_start3A = arith.constant 1700 : i32
        %dma_start3A_79 = arith.constant 0 : i32
        %dma_start3A_80 = tpu.memref_slice %arg8[%dma_start3A, %dma_start3A_79] : memref<2000x32xf32, #tpu.memory_space<vmem>> -> memref<100x32xf32, #tpu.memory_space<vmem>>
        %dma_start3A_81 = arith.constant 0 : i32
        %dma_start3A_82 = tpu.memref_slice %arg7[%run_scoped3A_73, %dma_start3A_81] : memref<20x100xi32, #tpu.memory_space<vmem>> -> memref<1x100xi32, #tpu.memory_space<vmem>>
        %dma_start3A_83 = tpu.memref_squeeze %dma_start3A_82 : memref<1x100xi32, #tpu.memory_space<vmem>> -> memref<100xi32, #tpu.memory_space<vmem>>
        %dma_start3A_84 = arith.constant 0 : i32
        %dma_start3A_85 = arith.constant 0 : i32
        %dma_start3A_86 = tpu.memref_slice %arg10[%dma_start3A_84, %dma_start3A_85] : memref<10240x32xf32, #tpu.memory_space<vmem_shared>> -> memref<10240x32xf32, #tpu.memory_space<vmem_shared>>
        tpu.enqueue_indirect_dma source(%dma_start3A_80 : memref<100x32xf32, #tpu.memory_space<vmem>>) target(%dma_start3A_86 : memref<10240x32xf32, #tpu.memory_space<vmem_shared>>) offsets(%dma_start3A_83 : memref<100xi32, #tpu.memory_space<vmem>>) semaphore(%run_scoped3A_78 : memref<!tpu.dma_semaphore, #tpu.memory_space<semaphore_mem>>) {add = true}
        %dma_wait3A = arith.constant 1700 : i32
        %dma_wait3A_87 = arith.constant 0 : i32
        %dma_wait3A_88 = tpu.memref_slice %arg8[%dma_wait3A, %dma_wait3A_87] : memref<2000x32xf32, #tpu.memory_space<vmem>> -> memref<100x32xf32, #tpu.memory_space<vmem>>
        %dma_wait3A_89 = arith.constant 0 : i32
        %dma_wait3A_90 = tpu.memref_slice %arg7[%run_scoped3A_73, %dma_wait3A_89] : memref<20x100xi32, #tpu.memory_space<vmem>> -> memref<1x100xi32, #tpu.memory_space<vmem>>
        %dma_wait3A_91 = tpu.memref_squeeze %dma_wait3A_90 : memref<1x100xi32, #tpu.memory_space<vmem>> -> memref<100xi32, #tpu.memory_space<vmem>>
        %dma_wait3A_92 = arith.constant 0 : i32
        %dma_wait3A_93 = arith.constant 0 : i32
        %dma_wait3A_94 = tpu.memref_slice %arg10[%dma_wait3A_92, %dma_wait3A_93] : memref<10240x32xf32, #tpu.memory_space<vmem_shared>> -> memref<10240x32xf32, #tpu.memory_space<vmem_shared>>
        tpu.wait_indirect_dma semaphore(%run_scoped3A_78 : memref<!tpu.dma_semaphore, #tpu.memory_space<semaphore_mem>>) src(%dma_wait3A_88 : memref<100x32xf32, #tpu.memory_space<vmem>>) dst(%dma_wait3A_94 : memref<10240x32xf32, #tpu.memory_space<vmem_shared>>)
        tpu.yield
      }) : () -> ()
      %run_scoped3A_74 = arith.constant 18 : i32
      "tpu.region"() ({
        %run_scoped3A_78 = tpu.sem_alloc : memref<!tpu.dma_semaphore, #tpu.memory_space<semaphore_mem>>
        %dma_start3A = arith.constant 1800 : i32
        %dma_start3A_79 = arith.constant 0 : i32
        %dma_start3A_80 = tpu.memref_slice %arg8[%dma_start3A, %dma_start3A_79] : memref<2000x32xf32, #tpu.memory_space<vmem>> -> memref<100x32xf32, #tpu.memory_space<vmem>>
        %dma_start3A_81 = arith.constant 0 : i32
        %dma_start3A_82 = tpu.memref_slice %arg6[%run_scoped3A_74, %dma_start3A_81] : memref<20x100xi32, #tpu.memory_space<vmem>> -> memref<1x100xi32, #tpu.memory_space<vmem>>
        %dma_start3A_83 = tpu.memref_squeeze %dma_start3A_82 : memref<1x100xi32, #tpu.memory_space<vmem>> -> memref<100xi32, #tpu.memory_space<vmem>>
        %dma_start3A_84 = arith.constant 0 : i32
        %dma_start3A_85 = arith.constant 0 : i32
        %dma_start3A_86 = tpu.memref_slice %arg10[%dma_start3A_84, %dma_start3A_85] : memref<10240x32xf32, #tpu.memory_space<vmem_shared>> -> memref<10240x32xf32, #tpu.memory_space<vmem_shared>>
        tpu.enqueue_indirect_dma source(%dma_start3A_80 : memref<100x32xf32, #tpu.memory_space<vmem>>) target(%dma_start3A_86 : memref<10240x32xf32, #tpu.memory_space<vmem_shared>>) offsets(%dma_start3A_83 : memref<100xi32, #tpu.memory_space<vmem>>) semaphore(%run_scoped3A_78 : memref<!tpu.dma_semaphore, #tpu.memory_space<semaphore_mem>>) {add = true}
        %dma_wait3A = arith.constant 1800 : i32
        %dma_wait3A_87 = arith.constant 0 : i32
        %dma_wait3A_88 = tpu.memref_slice %arg8[%dma_wait3A, %dma_wait3A_87] : memref<2000x32xf32, #tpu.memory_space<vmem>> -> memref<100x32xf32, #tpu.memory_space<vmem>>
        %dma_wait3A_89 = arith.constant 0 : i32
        %dma_wait3A_90 = tpu.memref_slice %arg6[%run_scoped3A_74, %dma_wait3A_89] : memref<20x100xi32, #tpu.memory_space<vmem>> -> memref<1x100xi32, #tpu.memory_space<vmem>>
        %dma_wait3A_91 = tpu.memref_squeeze %dma_wait3A_90 : memref<1x100xi32, #tpu.memory_space<vmem>> -> memref<100xi32, #tpu.memory_space<vmem>>
        %dma_wait3A_92 = arith.constant 0 : i32
        %dma_wait3A_93 = arith.constant 0 : i32
        %dma_wait3A_94 = tpu.memref_slice %arg10[%dma_wait3A_92, %dma_wait3A_93] : memref<10240x32xf32, #tpu.memory_space<vmem_shared>> -> memref<10240x32xf32, #tpu.memory_space<vmem_shared>>
        tpu.wait_indirect_dma semaphore(%run_scoped3A_78 : memref<!tpu.dma_semaphore, #tpu.memory_space<semaphore_mem>>) src(%dma_wait3A_88 : memref<100x32xf32, #tpu.memory_space<vmem>>) dst(%dma_wait3A_94 : memref<10240x32xf32, #tpu.memory_space<vmem_shared>>)
        tpu.yield
      }) : () -> ()
      %run_scoped3A_75 = arith.constant 18 : i32
      "tpu.region"() ({
        %run_scoped3A_78 = tpu.sem_alloc : memref<!tpu.dma_semaphore, #tpu.memory_space<semaphore_mem>>
        %dma_start3A = arith.constant 1800 : i32
        %dma_start3A_79 = arith.constant 0 : i32
        %dma_start3A_80 = tpu.memref_slice %arg8[%dma_start3A, %dma_start3A_79] : memref<2000x32xf32, #tpu.memory_space<vmem>> -> memref<100x32xf32, #tpu.memory_space<vmem>>
        %dma_start3A_81 = arith.constant 0 : i32
        %dma_start3A_82 = tpu.memref_slice %arg7[%run_scoped3A_75, %dma_start3A_81] : memref<20x100xi32, #tpu.memory_space<vmem>> -> memref<1x100xi32, #tpu.memory_space<vmem>>
        %dma_start3A_83 = tpu.memref_squeeze %dma_start3A_82 : memref<1x100xi32, #tpu.memory_space<vmem>> -> memref<100xi32, #tpu.memory_space<vmem>>
        %dma_start3A_84 = arith.constant 0 : i32
        %dma_start3A_85 = arith.constant 0 : i32
        %dma_start3A_86 = tpu.memref_slice %arg10[%dma_start3A_84, %dma_start3A_85] : memref<10240x32xf32, #tpu.memory_space<vmem_shared>> -> memref<10240x32xf32, #tpu.memory_space<vmem_shared>>
        tpu.enqueue_indirect_dma source(%dma_start3A_80 : memref<100x32xf32, #tpu.memory_space<vmem>>) target(%dma_start3A_86 : memref<10240x32xf32, #tpu.memory_space<vmem_shared>>) offsets(%dma_start3A_83 : memref<100xi32, #tpu.memory_space<vmem>>) semaphore(%run_scoped3A_78 : memref<!tpu.dma_semaphore, #tpu.memory_space<semaphore_mem>>) {add = true}
        %dma_wait3A = arith.constant 1800 : i32
        %dma_wait3A_87 = arith.constant 0 : i32
        %dma_wait3A_88 = tpu.memref_slice %arg8[%dma_wait3A, %dma_wait3A_87] : memref<2000x32xf32, #tpu.memory_space<vmem>> -> memref<100x32xf32, #tpu.memory_space<vmem>>
        %dma_wait3A_89 = arith.constant 0 : i32
        %dma_wait3A_90 = tpu.memref_slice %arg7[%run_scoped3A_75, %dma_wait3A_89] : memref<20x100xi32, #tpu.memory_space<vmem>> -> memref<1x100xi32, #tpu.memory_space<vmem>>
        %dma_wait3A_91 = tpu.memref_squeeze %dma_wait3A_90 : memref<1x100xi32, #tpu.memory_space<vmem>> -> memref<100xi32, #tpu.memory_space<vmem>>
        %dma_wait3A_92 = arith.constant 0 : i32
        %dma_wait3A_93 = arith.constant 0 : i32
        %dma_wait3A_94 = tpu.memref_slice %arg10[%dma_wait3A_92, %dma_wait3A_93] : memref<10240x32xf32, #tpu.memory_space<vmem_shared>> -> memref<10240x32xf32, #tpu.memory_space<vmem_shared>>
        tpu.wait_indirect_dma semaphore(%run_scoped3A_78 : memref<!tpu.dma_semaphore, #tpu.memory_space<semaphore_mem>>) src(%dma_wait3A_88 : memref<100x32xf32, #tpu.memory_space<vmem>>) dst(%dma_wait3A_94 : memref<10240x32xf32, #tpu.memory_space<vmem_shared>>)
        tpu.yield
      }) : () -> ()
      %run_scoped3A_76 = arith.constant 19 : i32
      "tpu.region"() ({
        %run_scoped3A_78 = tpu.sem_alloc : memref<!tpu.dma_semaphore, #tpu.memory_space<semaphore_mem>>
        %dma_start3A = arith.constant 1900 : i32
        %dma_start3A_79 = arith.constant 0 : i32
        %dma_start3A_80 = tpu.memref_slice %arg8[%dma_start3A, %dma_start3A_79] : memref<2000x32xf32, #tpu.memory_space<vmem>> -> memref<100x32xf32, #tpu.memory_space<vmem>>
        %dma_start3A_81 = arith.constant 0 : i32
        %dma_start3A_82 = tpu.memref_slice %arg6[%run_scoped3A_76, %dma_start3A_81] : memref<20x100xi32, #tpu.memory_space<vmem>> -> memref<1x100xi32, #tpu.memory_space<vmem>>
        %dma_start3A_83 = tpu.memref_squeeze %dma_start3A_82 : memref<1x100xi32, #tpu.memory_space<vmem>> -> memref<100xi32, #tpu.memory_space<vmem>>
        %dma_start3A_84 = arith.constant 0 : i32
        %dma_start3A_85 = arith.constant 0 : i32
        %dma_start3A_86 = tpu.memref_slice %arg10[%dma_start3A_84, %dma_start3A_85] : memref<10240x32xf32, #tpu.memory_space<vmem_shared>> -> memref<10240x32xf32, #tpu.memory_space<vmem_shared>>
        tpu.enqueue_indirect_dma source(%dma_start3A_80 : memref<100x32xf32, #tpu.memory_space<vmem>>) target(%dma_start3A_86 : memref<10240x32xf32, #tpu.memory_space<vmem_shared>>) offsets(%dma_start3A_83 : memref<100xi32, #tpu.memory_space<vmem>>) semaphore(%run_scoped3A_78 : memref<!tpu.dma_semaphore, #tpu.memory_space<semaphore_mem>>) {add = true}
        %dma_wait3A = arith.constant 1900 : i32
        %dma_wait3A_87 = arith.constant 0 : i32
        %dma_wait3A_88 = tpu.memref_slice %arg8[%dma_wait3A, %dma_wait3A_87] : memref<2000x32xf32, #tpu.memory_space<vmem>> -> memref<100x32xf32, #tpu.memory_space<vmem>>
        %dma_wait3A_89 = arith.constant 0 : i32
        %dma_wait3A_90 = tpu.memref_slice %arg6[%run_scoped3A_76, %dma_wait3A_89] : memref<20x100xi32, #tpu.memory_space<vmem>> -> memref<1x100xi32, #tpu.memory_space<vmem>>
        %dma_wait3A_91 = tpu.memref_squeeze %dma_wait3A_90 : memref<1x100xi32, #tpu.memory_space<vmem>> -> memref<100xi32, #tpu.memory_space<vmem>>
        %dma_wait3A_92 = arith.constant 0 : i32
        %dma_wait3A_93 = arith.constant 0 : i32
        %dma_wait3A_94 = tpu.memref_slice %arg10[%dma_wait3A_92, %dma_wait3A_93] : memref<10240x32xf32, #tpu.memory_space<vmem_shared>> -> memref<10240x32xf32, #tpu.memory_space<vmem_shared>>
        tpu.wait_indirect_dma semaphore(%run_scoped3A_78 : memref<!tpu.dma_semaphore, #tpu.memory_space<semaphore_mem>>) src(%dma_wait3A_88 : memref<100x32xf32, #tpu.memory_space<vmem>>) dst(%dma_wait3A_94 : memref<10240x32xf32, #tpu.memory_space<vmem_shared>>)
        tpu.yield
      }) : () -> ()
      %run_scoped3A_77 = arith.constant 19 : i32
      "tpu.region"() ({
        %run_scoped3A_78 = tpu.sem_alloc : memref<!tpu.dma_semaphore, #tpu.memory_space<semaphore_mem>>
        %dma_start3A = arith.constant 1900 : i32
        %dma_start3A_79 = arith.constant 0 : i32
        %dma_start3A_80 = tpu.memref_slice %arg8[%dma_start3A, %dma_start3A_79] : memref<2000x32xf32, #tpu.memory_space<vmem>> -> memref<100x32xf32, #tpu.memory_space<vmem>>
        %dma_start3A_81 = arith.constant 0 : i32
        %dma_start3A_82 = tpu.memref_slice %arg7[%run_scoped3A_77, %dma_start3A_81] : memref<20x100xi32, #tpu.memory_space<vmem>> -> memref<1x100xi32, #tpu.memory_space<vmem>>
        %dma_start3A_83 = tpu.memref_squeeze %dma_start3A_82 : memref<1x100xi32, #tpu.memory_space<vmem>> -> memref<100xi32, #tpu.memory_space<vmem>>
        %dma_start3A_84 = arith.constant 0 : i32
        %dma_start3A_85 = arith.constant 0 : i32
        %dma_start3A_86 = tpu.memref_slice %arg10[%dma_start3A_84, %dma_start3A_85] : memref<10240x32xf32, #tpu.memory_space<vmem_shared>> -> memref<10240x32xf32, #tpu.memory_space<vmem_shared>>
        tpu.enqueue_indirect_dma source(%dma_start3A_80 : memref<100x32xf32, #tpu.memory_space<vmem>>) target(%dma_start3A_86 : memref<10240x32xf32, #tpu.memory_space<vmem_shared>>) offsets(%dma_start3A_83 : memref<100xi32, #tpu.memory_space<vmem>>) semaphore(%run_scoped3A_78 : memref<!tpu.dma_semaphore, #tpu.memory_space<semaphore_mem>>) {add = true}
        %dma_wait3A = arith.constant 1900 : i32
        %dma_wait3A_87 = arith.constant 0 : i32
        %dma_wait3A_88 = tpu.memref_slice %arg8[%dma_wait3A, %dma_wait3A_87] : memref<2000x32xf32, #tpu.memory_space<vmem>> -> memref<100x32xf32, #tpu.memory_space<vmem>>
        %dma_wait3A_89 = arith.constant 0 : i32
        %dma_wait3A_90 = tpu.memref_slice %arg7[%run_scoped3A_77, %dma_wait3A_89] : memref<20x100xi32, #tpu.memory_space<vmem>> -> memref<1x100xi32, #tpu.memory_space<vmem>>
        %dma_wait3A_91 = tpu.memref_squeeze %dma_wait3A_90 : memref<1x100xi32, #tpu.memory_space<vmem>> -> memref<100xi32, #tpu.memory_space<vmem>>
        %dma_wait3A_92 = arith.constant 0 : i32
        %dma_wait3A_93 = arith.constant 0 : i32
        %dma_wait3A_94 = tpu.memref_slice %arg10[%dma_wait3A_92, %dma_wait3A_93] : memref<10240x32xf32, #tpu.memory_space<vmem_shared>> -> memref<10240x32xf32, #tpu.memory_space<vmem_shared>>
        tpu.wait_indirect_dma semaphore(%run_scoped3A_78 : memref<!tpu.dma_semaphore, #tpu.memory_space<semaphore_mem>>) src(%dma_wait3A_88 : memref<100x32xf32, #tpu.memory_space<vmem>>) dst(%dma_wait3A_94 : memref<10240x32xf32, #tpu.memory_space<vmem_shared>>)
        tpu.yield
      }) : () -> ()
    }
    %scan3A_22 = arith.constant 5 : i32
    %barrier3A_23 = arith.constant 0 : index
    tpu.barrier barrier_id(%barrier3A_23)
    %mul3A_24 = arith.constant 640 : i32
    %mul3A_25 = arith.muli %arg1, %mul3A_24 : i32
    %mul3A_26 = arith.constant 640 : i32
    %mul3A_27 = arith.muli %arg1, %mul3A_26 : i32
    "tpu.region"() ({
      %run_scoped3A = tpu.sem_alloc : memref<!tpu.dma_semaphore, #tpu.memory_space<semaphore_mem>>
      %dma_start3A = arith.constant 0 : i32
      %dma_start3A_28 = tpu.memref_slice %arg5[%arg0, %mul3A_27, %dma_start3A] : memref<2x10240x32xf32, #tpu.memory_space<hbm>> -> memref<1x640x32xf32, #tpu.memory_space<hbm>>
      %dma_start3A_29 = tpu.memref_squeeze %dma_start3A_28 : memref<1x640x32xf32, #tpu.memory_space<hbm>> -> memref<640x32xf32, #tpu.memory_space<hbm>>
      %dma_start3A_30 = arith.constant 0 : i32
      %dma_start3A_31 = tpu.memref_slice %arg10[%mul3A_25, %dma_start3A_30] : memref<10240x32xf32, #tpu.memory_space<vmem_shared>> -> memref<640x32xf32, #tpu.memory_space<vmem_shared>>
      tpu.enqueue_dma source(%dma_start3A_31 : memref<640x32xf32, #tpu.memory_space<vmem_shared>>) target(%dma_start3A_29 : memref<640x32xf32, #tpu.memory_space<hbm>>) target_semaphore(%run_scoped3A : memref<!tpu.dma_semaphore, #tpu.memory_space<semaphore_mem>>)
      %dma_wait3A = arith.constant 0 : i32
      %dma_wait3A_32 = tpu.memref_slice %arg5[%arg0, %mul3A_27, %dma_wait3A] : memref<2x10240x32xf32, #tpu.memory_space<hbm>> -> memref<1x640x32xf32, #tpu.memory_space<hbm>>
      %dma_wait3A_33 = tpu.memref_squeeze %dma_wait3A_32 : memref<1x640x32xf32, #tpu.memory_space<hbm>> -> memref<640x32xf32, #tpu.memory_space<hbm>>
      %dma_wait3A_34 = arith.constant 0 : i32
      %dma_wait3A_35 = tpu.memref_slice %arg10[%mul3A_25, %dma_wait3A_34] : memref<10240x32xf32, #tpu.memory_space<vmem_shared>> -> memref<640x32xf32, #tpu.memory_space<vmem_shared>>
      tpu.wait_dma2 semaphore(%run_scoped3A : memref<!tpu.dma_semaphore, #tpu.memory_space<semaphore_mem>>) src(%dma_wait3A_35 : memref<640x32xf32, #tpu.memory_space<vmem_shared>>) dst(%dma_wait3A_33 : memref<640x32xf32, #tpu.memory_space<hbm>>)
      tpu.yield
    }) : () -> ()
    return
  }
}

#map = affine_map<(d0, d1) -> (0, 0)>
module attributes {stable_mosaic.version = 14 : i64} {
  func.func @_sc_gather(%arg0: i32, %arg1: i32, %arg2: memref<3200x100xi32, #tpu.memory_space<hbm>>, %arg3: memref<3200x100xi32, #tpu.memory_space<hbm>>, %arg4: memref<10000x16xf32, #tpu.memory_space<hbm>>, %arg5: memref<10000x16xf32, #tpu.memory_space<hbm>>, %arg6: memref<320000x16xf32, #tpu.memory_space<hbm>>, %arg7: memref<320000x16xf32, #tpu.memory_space<hbm>>, %arg8: memref<20x100xi32, #tpu.memory_space<vmem>>, %arg9: memref<20x100xi32, #tpu.memory_space<vmem>>, %arg10: memref<2000x16xf32, #tpu.memory_space<vmem>>, %arg11: memref<2000x16xf32, #tpu.memory_space<vmem>>, %arg12: memref<!tpu.dma_semaphore, #tpu.memory_space<semaphore_mem>>) attributes {dimension_semantics = [#tpu.dimension_semantics<core_parallel>, #tpu.dimension_semantics<subcore_parallel>], iteration_bounds = array<i64: 2, 16>, scalar_prefetch = 0 : i64, scratch_operands = 5 : i64, tpu.core_type = #tpu.core_type<sc_vector_subcore>, window_params = [{transform_indices = #map}, {transform_indices = #map}, {transform_indices = #map}, {transform_indices = #map}, {transform_indices = #map}, {transform_indices = #map}]} {
    %mul3A = arith.constant 2 : i32
    %mul3A_0 = arith.muli %arg1, %mul3A : i32
    %add3A = arith.addi %mul3A_0, %arg0 : i32
    %scan3A = arith.constant 0 : i32
    %scan3A_1 = arith.constant 0 : i32
    %scan3A_2 = arith.constant 5 : i32
    %scan3A_3 = arith.addi %scan3A_1, %scan3A_2 : i32
    %scan3A_4 = arith.constant 1 : i32
    scf.for %scan3A_6 = %scan3A_1 to %scan3A_3 step %scan3A_4  : i32 {
      %mul3A_7 = arith.constant 10000 : i32
      %mul3A_8 = arith.muli %add3A, %mul3A_7 : i32
      %mul3A_9 = arith.constant 2000 : i32
      %mul3A_10 = arith.muli %scan3A_6, %mul3A_9 : i32
      %add3A_11 = arith.addi %mul3A_8, %mul3A_10 : i32
      %mul3A_12 = arith.constant 100 : i32
      %mul3A_13 = arith.muli %add3A, %mul3A_12 : i32
      %mul3A_14 = arith.constant 20 : i32
      %mul3A_15 = arith.muli %scan3A_6, %mul3A_14 : i32
      %add3A_16 = arith.addi %mul3A_13, %mul3A_15 : i32
      "tpu.region"() ({
        %run_scoped3A = tpu.sem_alloc : memref<!tpu.dma_semaphore, #tpu.memory_space<semaphore_mem>>
        %dma_start3A_815 = arith.constant 0 : i32
        %dma_start3A_816 = tpu.memref_slice %arg2[%add3A_16, %dma_start3A_815] : memref<3200x100xi32, #tpu.memory_space<hbm>> -> memref<20x100xi32, #tpu.memory_space<hbm>>
        %dma_start3A_817 = arith.constant 0 : i32
        %dma_start3A_818 = tpu.memref_slice %arg2[%add3A_16, %dma_start3A_817] : memref<3200x100xi32, #tpu.memory_space<hbm>> -> memref<20x100xi32, #tpu.memory_space<hbm>>
        tpu.enqueue_dma source(%dma_start3A_818 : memref<20x100xi32, #tpu.memory_space<hbm>>) target(%arg8 : memref<20x100xi32, #tpu.memory_space<vmem>>) target_semaphore(%run_scoped3A : memref<!tpu.dma_semaphore, #tpu.memory_space<semaphore_mem>>)
        %dma_wait3A_819 = arith.constant 0 : i32
        %dma_wait3A_820 = tpu.memref_slice %arg2[%add3A_16, %dma_wait3A_819] : memref<3200x100xi32, #tpu.memory_space<hbm>> -> memref<20x100xi32, #tpu.memory_space<hbm>>
        %dma_wait3A_821 = arith.constant 0 : i32
        %dma_wait3A_822 = tpu.memref_slice %arg2[%add3A_16, %dma_wait3A_821] : memref<3200x100xi32, #tpu.memory_space<hbm>> -> memref<20x100xi32, #tpu.memory_space<hbm>>
        tpu.wait_dma2 semaphore(%run_scoped3A : memref<!tpu.dma_semaphore, #tpu.memory_space<semaphore_mem>>) src(%dma_wait3A_822 : memref<20x100xi32, #tpu.memory_space<hbm>>) dst(%arg8 : memref<20x100xi32, #tpu.memory_space<vmem>>)
        tpu.yield
      }) : () -> ()
      "tpu.region"() ({
        %run_scoped3A = tpu.sem_alloc : memref<!tpu.dma_semaphore, #tpu.memory_space<semaphore_mem>>
        %dma_start3A_815 = arith.constant 0 : i32
        %dma_start3A_816 = tpu.memref_slice %arg3[%add3A_16, %dma_start3A_815] : memref<3200x100xi32, #tpu.memory_space<hbm>> -> memref<20x100xi32, #tpu.memory_space<hbm>>
        %dma_start3A_817 = arith.constant 0 : i32
        %dma_start3A_818 = tpu.memref_slice %arg3[%add3A_16, %dma_start3A_817] : memref<3200x100xi32, #tpu.memory_space<hbm>> -> memref<20x100xi32, #tpu.memory_space<hbm>>
        tpu.enqueue_dma source(%dma_start3A_818 : memref<20x100xi32, #tpu.memory_space<hbm>>) target(%arg9 : memref<20x100xi32, #tpu.memory_space<vmem>>) target_semaphore(%run_scoped3A : memref<!tpu.dma_semaphore, #tpu.memory_space<semaphore_mem>>)
        %dma_wait3A_819 = arith.constant 0 : i32
        %dma_wait3A_820 = tpu.memref_slice %arg3[%add3A_16, %dma_wait3A_819] : memref<3200x100xi32, #tpu.memory_space<hbm>> -> memref<20x100xi32, #tpu.memory_space<hbm>>
        %dma_wait3A_821 = arith.constant 0 : i32
        %dma_wait3A_822 = tpu.memref_slice %arg3[%add3A_16, %dma_wait3A_821] : memref<3200x100xi32, #tpu.memory_space<hbm>> -> memref<20x100xi32, #tpu.memory_space<hbm>>
        tpu.wait_dma2 semaphore(%run_scoped3A : memref<!tpu.dma_semaphore, #tpu.memory_space<semaphore_mem>>) src(%dma_wait3A_822 : memref<20x100xi32, #tpu.memory_space<hbm>>) dst(%arg9 : memref<20x100xi32, #tpu.memory_space<vmem>>)
        tpu.yield
      }) : () -> ()
      %dma_start3A = arith.constant 0 : i32
      %dma_start3A_17 = arith.constant 0 : i32
      %dma_start3A_18 = arith.constant 0 : i32
      %dma_start3A_19 = tpu.memref_slice %arg10[%dma_start3A_17, %dma_start3A_18] : memref<2000x16xf32, #tpu.memory_space<vmem>> -> memref<100x16xf32, #tpu.memory_space<vmem>>
      %dma_start3A_20 = arith.constant 0 : i32
      %dma_start3A_21 = tpu.memref_slice %arg8[%dma_start3A, %dma_start3A_20] : memref<20x100xi32, #tpu.memory_space<vmem>> -> memref<1x100xi32, #tpu.memory_space<vmem>>
      %dma_start3A_22 = tpu.memref_squeeze %dma_start3A_21 : memref<1x100xi32, #tpu.memory_space<vmem>> -> memref<100xi32, #tpu.memory_space<vmem>>
      %dma_start3A_23 = arith.constant 0 : i32
      %dma_start3A_24 = arith.constant 0 : i32
      %dma_start3A_25 = tpu.memref_slice %arg4[%dma_start3A_23, %dma_start3A_24] : memref<10000x16xf32, #tpu.memory_space<hbm>> -> memref<10000x16xf32, #tpu.memory_space<hbm>>
      tpu.enqueue_indirect_dma source(%dma_start3A_25 : memref<10000x16xf32, #tpu.memory_space<hbm>>) target(%dma_start3A_19 : memref<100x16xf32, #tpu.memory_space<vmem>>) offsets(%dma_start3A_22 : memref<100xi32, #tpu.memory_space<vmem>>) semaphore(%arg12 : memref<!tpu.dma_semaphore, #tpu.memory_space<semaphore_mem>>)
      %dma_start3A_26 = arith.constant 0 : i32
      %dma_start3A_27 = arith.constant 0 : i32
      %dma_start3A_28 = arith.constant 0 : i32
      %dma_start3A_29 = tpu.memref_slice %arg11[%dma_start3A_27, %dma_start3A_28] : memref<2000x16xf32, #tpu.memory_space<vmem>> -> memref<100x16xf32, #tpu.memory_space<vmem>>
      %dma_start3A_30 = arith.constant 0 : i32
      %dma_start3A_31 = tpu.memref_slice %arg9[%dma_start3A_26, %dma_start3A_30] : memref<20x100xi32, #tpu.memory_space<vmem>> -> memref<1x100xi32, #tpu.memory_space<vmem>>
      %dma_start3A_32 = tpu.memref_squeeze %dma_start3A_31 : memref<1x100xi32, #tpu.memory_space<vmem>> -> memref<100xi32, #tpu.memory_space<vmem>>
      %dma_start3A_33 = arith.constant 0 : i32
      %dma_start3A_34 = arith.constant 0 : i32
      %dma_start3A_35 = tpu.memref_slice %arg5[%dma_start3A_33, %dma_start3A_34] : memref<10000x16xf32, #tpu.memory_space<hbm>> -> memref<10000x16xf32, #tpu.memory_space<hbm>>
      tpu.enqueue_indirect_dma source(%dma_start3A_35 : memref<10000x16xf32, #tpu.memory_space<hbm>>) target(%dma_start3A_29 : memref<100x16xf32, #tpu.memory_space<vmem>>) offsets(%dma_start3A_32 : memref<100xi32, #tpu.memory_space<vmem>>) semaphore(%arg12 : memref<!tpu.dma_semaphore, #tpu.memory_space<semaphore_mem>>)
      %dma_start3A_36 = arith.constant 1 : i32
      %dma_start3A_37 = arith.constant 100 : i32
      %dma_start3A_38 = arith.constant 0 : i32
      %dma_start3A_39 = tpu.memref_slice %arg10[%dma_start3A_37, %dma_start3A_38] : memref<2000x16xf32, #tpu.memory_space<vmem>> -> memref<100x16xf32, #tpu.memory_space<vmem>>
      %dma_start3A_40 = arith.constant 0 : i32
      %dma_start3A_41 = tpu.memref_slice %arg8[%dma_start3A_36, %dma_start3A_40] : memref<20x100xi32, #tpu.memory_space<vmem>> -> memref<1x100xi32, #tpu.memory_space<vmem>>
      %dma_start3A_42 = tpu.memref_squeeze %dma_start3A_41 : memref<1x100xi32, #tpu.memory_space<vmem>> -> memref<100xi32, #tpu.memory_space<vmem>>
      %dma_start3A_43 = arith.constant 0 : i32
      %dma_start3A_44 = arith.constant 0 : i32
      %dma_start3A_45 = tpu.memref_slice %arg4[%dma_start3A_43, %dma_start3A_44] : memref<10000x16xf32, #tpu.memory_space<hbm>> -> memref<10000x16xf32, #tpu.memory_space<hbm>>
      tpu.enqueue_indirect_dma source(%dma_start3A_45 : memref<10000x16xf32, #tpu.memory_space<hbm>>) target(%dma_start3A_39 : memref<100x16xf32, #tpu.memory_space<vmem>>) offsets(%dma_start3A_42 : memref<100xi32, #tpu.memory_space<vmem>>) semaphore(%arg12 : memref<!tpu.dma_semaphore, #tpu.memory_space<semaphore_mem>>)
      %dma_start3A_46 = arith.constant 1 : i32
      %dma_start3A_47 = arith.constant 100 : i32
      %dma_start3A_48 = arith.constant 0 : i32
      %dma_start3A_49 = tpu.memref_slice %arg11[%dma_start3A_47, %dma_start3A_48] : memref<2000x16xf32, #tpu.memory_space<vmem>> -> memref<100x16xf32, #tpu.memory_space<vmem>>
      %dma_start3A_50 = arith.constant 0 : i32
      %dma_start3A_51 = tpu.memref_slice %arg9[%dma_start3A_46, %dma_start3A_50] : memref<20x100xi32, #tpu.memory_space<vmem>> -> memref<1x100xi32, #tpu.memory_space<vmem>>
      %dma_start3A_52 = tpu.memref_squeeze %dma_start3A_51 : memref<1x100xi32, #tpu.memory_space<vmem>> -> memref<100xi32, #tpu.memory_space<vmem>>
      %dma_start3A_53 = arith.constant 0 : i32
      %dma_start3A_54 = arith.constant 0 : i32
      %dma_start3A_55 = tpu.memref_slice %arg5[%dma_start3A_53, %dma_start3A_54] : memref<10000x16xf32, #tpu.memory_space<hbm>> -> memref<10000x16xf32, #tpu.memory_space<hbm>>
      tpu.enqueue_indirect_dma source(%dma_start3A_55 : memref<10000x16xf32, #tpu.memory_space<hbm>>) target(%dma_start3A_49 : memref<100x16xf32, #tpu.memory_space<vmem>>) offsets(%dma_start3A_52 : memref<100xi32, #tpu.memory_space<vmem>>) semaphore(%arg12 : memref<!tpu.dma_semaphore, #tpu.memory_space<semaphore_mem>>)
      %dma_start3A_56 = arith.constant 2 : i32
      %dma_start3A_57 = arith.constant 200 : i32
      %dma_start3A_58 = arith.constant 0 : i32
      %dma_start3A_59 = tpu.memref_slice %arg10[%dma_start3A_57, %dma_start3A_58] : memref<2000x16xf32, #tpu.memory_space<vmem>> -> memref<100x16xf32, #tpu.memory_space<vmem>>
      %dma_start3A_60 = arith.constant 0 : i32
      %dma_start3A_61 = tpu.memref_slice %arg8[%dma_start3A_56, %dma_start3A_60] : memref<20x100xi32, #tpu.memory_space<vmem>> -> memref<1x100xi32, #tpu.memory_space<vmem>>
      %dma_start3A_62 = tpu.memref_squeeze %dma_start3A_61 : memref<1x100xi32, #tpu.memory_space<vmem>> -> memref<100xi32, #tpu.memory_space<vmem>>
      %dma_start3A_63 = arith.constant 0 : i32
      %dma_start3A_64 = arith.constant 0 : i32
      %dma_start3A_65 = tpu.memref_slice %arg4[%dma_start3A_63, %dma_start3A_64] : memref<10000x16xf32, #tpu.memory_space<hbm>> -> memref<10000x16xf32, #tpu.memory_space<hbm>>
      tpu.enqueue_indirect_dma source(%dma_start3A_65 : memref<10000x16xf32, #tpu.memory_space<hbm>>) target(%dma_start3A_59 : memref<100x16xf32, #tpu.memory_space<vmem>>) offsets(%dma_start3A_62 : memref<100xi32, #tpu.memory_space<vmem>>) semaphore(%arg12 : memref<!tpu.dma_semaphore, #tpu.memory_space<semaphore_mem>>)
      %dma_start3A_66 = arith.constant 2 : i32
      %dma_start3A_67 = arith.constant 200 : i32
      %dma_start3A_68 = arith.constant 0 : i32
      %dma_start3A_69 = tpu.memref_slice %arg11[%dma_start3A_67, %dma_start3A_68] : memref<2000x16xf32, #tpu.memory_space<vmem>> -> memref<100x16xf32, #tpu.memory_space<vmem>>
      %dma_start3A_70 = arith.constant 0 : i32
      %dma_start3A_71 = tpu.memref_slice %arg9[%dma_start3A_66, %dma_start3A_70] : memref<20x100xi32, #tpu.memory_space<vmem>> -> memref<1x100xi32, #tpu.memory_space<vmem>>
      %dma_start3A_72 = tpu.memref_squeeze %dma_start3A_71 : memref<1x100xi32, #tpu.memory_space<vmem>> -> memref<100xi32, #tpu.memory_space<vmem>>
      %dma_start3A_73 = arith.constant 0 : i32
      %dma_start3A_74 = arith.constant 0 : i32
      %dma_start3A_75 = tpu.memref_slice %arg5[%dma_start3A_73, %dma_start3A_74] : memref<10000x16xf32, #tpu.memory_space<hbm>> -> memref<10000x16xf32, #tpu.memory_space<hbm>>
      tpu.enqueue_indirect_dma source(%dma_start3A_75 : memref<10000x16xf32, #tpu.memory_space<hbm>>) target(%dma_start3A_69 : memref<100x16xf32, #tpu.memory_space<vmem>>) offsets(%dma_start3A_72 : memref<100xi32, #tpu.memory_space<vmem>>) semaphore(%arg12 : memref<!tpu.dma_semaphore, #tpu.memory_space<semaphore_mem>>)
      %dma_start3A_76 = arith.constant 3 : i32
      %dma_start3A_77 = arith.constant 300 : i32
      %dma_start3A_78 = arith.constant 0 : i32
      %dma_start3A_79 = tpu.memref_slice %arg10[%dma_start3A_77, %dma_start3A_78] : memref<2000x16xf32, #tpu.memory_space<vmem>> -> memref<100x16xf32, #tpu.memory_space<vmem>>
      %dma_start3A_80 = arith.constant 0 : i32
      %dma_start3A_81 = tpu.memref_slice %arg8[%dma_start3A_76, %dma_start3A_80] : memref<20x100xi32, #tpu.memory_space<vmem>> -> memref<1x100xi32, #tpu.memory_space<vmem>>
      %dma_start3A_82 = tpu.memref_squeeze %dma_start3A_81 : memref<1x100xi32, #tpu.memory_space<vmem>> -> memref<100xi32, #tpu.memory_space<vmem>>
      %dma_start3A_83 = arith.constant 0 : i32
      %dma_start3A_84 = arith.constant 0 : i32
      %dma_start3A_85 = tpu.memref_slice %arg4[%dma_start3A_83, %dma_start3A_84] : memref<10000x16xf32, #tpu.memory_space<hbm>> -> memref<10000x16xf32, #tpu.memory_space<hbm>>
      tpu.enqueue_indirect_dma source(%dma_start3A_85 : memref<10000x16xf32, #tpu.memory_space<hbm>>) target(%dma_start3A_79 : memref<100x16xf32, #tpu.memory_space<vmem>>) offsets(%dma_start3A_82 : memref<100xi32, #tpu.memory_space<vmem>>) semaphore(%arg12 : memref<!tpu.dma_semaphore, #tpu.memory_space<semaphore_mem>>)
      %dma_start3A_86 = arith.constant 3 : i32
      %dma_start3A_87 = arith.constant 300 : i32
      %dma_start3A_88 = arith.constant 0 : i32
      %dma_start3A_89 = tpu.memref_slice %arg11[%dma_start3A_87, %dma_start3A_88] : memref<2000x16xf32, #tpu.memory_space<vmem>> -> memref<100x16xf32, #tpu.memory_space<vmem>>
      %dma_start3A_90 = arith.constant 0 : i32
      %dma_start3A_91 = tpu.memref_slice %arg9[%dma_start3A_86, %dma_start3A_90] : memref<20x100xi32, #tpu.memory_space<vmem>> -> memref<1x100xi32, #tpu.memory_space<vmem>>
      %dma_start3A_92 = tpu.memref_squeeze %dma_start3A_91 : memref<1x100xi32, #tpu.memory_space<vmem>> -> memref<100xi32, #tpu.memory_space<vmem>>
      %dma_start3A_93 = arith.constant 0 : i32
      %dma_start3A_94 = arith.constant 0 : i32
      %dma_start3A_95 = tpu.memref_slice %arg5[%dma_start3A_93, %dma_start3A_94] : memref<10000x16xf32, #tpu.memory_space<hbm>> -> memref<10000x16xf32, #tpu.memory_space<hbm>>
      tpu.enqueue_indirect_dma source(%dma_start3A_95 : memref<10000x16xf32, #tpu.memory_space<hbm>>) target(%dma_start3A_89 : memref<100x16xf32, #tpu.memory_space<vmem>>) offsets(%dma_start3A_92 : memref<100xi32, #tpu.memory_space<vmem>>) semaphore(%arg12 : memref<!tpu.dma_semaphore, #tpu.memory_space<semaphore_mem>>)
      %dma_start3A_96 = arith.constant 4 : i32
      %dma_start3A_97 = arith.constant 400 : i32
      %dma_start3A_98 = arith.constant 0 : i32
      %dma_start3A_99 = tpu.memref_slice %arg10[%dma_start3A_97, %dma_start3A_98] : memref<2000x16xf32, #tpu.memory_space<vmem>> -> memref<100x16xf32, #tpu.memory_space<vmem>>
      %dma_start3A_100 = arith.constant 0 : i32
      %dma_start3A_101 = tpu.memref_slice %arg8[%dma_start3A_96, %dma_start3A_100] : memref<20x100xi32, #tpu.memory_space<vmem>> -> memref<1x100xi32, #tpu.memory_space<vmem>>
      %dma_start3A_102 = tpu.memref_squeeze %dma_start3A_101 : memref<1x100xi32, #tpu.memory_space<vmem>> -> memref<100xi32, #tpu.memory_space<vmem>>
      %dma_start3A_103 = arith.constant 0 : i32
      %dma_start3A_104 = arith.constant 0 : i32
      %dma_start3A_105 = tpu.memref_slice %arg4[%dma_start3A_103, %dma_start3A_104] : memref<10000x16xf32, #tpu.memory_space<hbm>> -> memref<10000x16xf32, #tpu.memory_space<hbm>>
      tpu.enqueue_indirect_dma source(%dma_start3A_105 : memref<10000x16xf32, #tpu.memory_space<hbm>>) target(%dma_start3A_99 : memref<100x16xf32, #tpu.memory_space<vmem>>) offsets(%dma_start3A_102 : memref<100xi32, #tpu.memory_space<vmem>>) semaphore(%arg12 : memref<!tpu.dma_semaphore, #tpu.memory_space<semaphore_mem>>)
      %dma_start3A_106 = arith.constant 4 : i32
      %dma_start3A_107 = arith.constant 400 : i32
      %dma_start3A_108 = arith.constant 0 : i32
      %dma_start3A_109 = tpu.memref_slice %arg11[%dma_start3A_107, %dma_start3A_108] : memref<2000x16xf32, #tpu.memory_space<vmem>> -> memref<100x16xf32, #tpu.memory_space<vmem>>
      %dma_start3A_110 = arith.constant 0 : i32
      %dma_start3A_111 = tpu.memref_slice %arg9[%dma_start3A_106, %dma_start3A_110] : memref<20x100xi32, #tpu.memory_space<vmem>> -> memref<1x100xi32, #tpu.memory_space<vmem>>
      %dma_start3A_112 = tpu.memref_squeeze %dma_start3A_111 : memref<1x100xi32, #tpu.memory_space<vmem>> -> memref<100xi32, #tpu.memory_space<vmem>>
      %dma_start3A_113 = arith.constant 0 : i32
      %dma_start3A_114 = arith.constant 0 : i32
      %dma_start3A_115 = tpu.memref_slice %arg5[%dma_start3A_113, %dma_start3A_114] : memref<10000x16xf32, #tpu.memory_space<hbm>> -> memref<10000x16xf32, #tpu.memory_space<hbm>>
      tpu.enqueue_indirect_dma source(%dma_start3A_115 : memref<10000x16xf32, #tpu.memory_space<hbm>>) target(%dma_start3A_109 : memref<100x16xf32, #tpu.memory_space<vmem>>) offsets(%dma_start3A_112 : memref<100xi32, #tpu.memory_space<vmem>>) semaphore(%arg12 : memref<!tpu.dma_semaphore, #tpu.memory_space<semaphore_mem>>)
      %dma_start3A_116 = arith.constant 5 : i32
      %dma_start3A_117 = arith.constant 500 : i32
      %dma_start3A_118 = arith.constant 0 : i32
      %dma_start3A_119 = tpu.memref_slice %arg10[%dma_start3A_117, %dma_start3A_118] : memref<2000x16xf32, #tpu.memory_space<vmem>> -> memref<100x16xf32, #tpu.memory_space<vmem>>
      %dma_start3A_120 = arith.constant 0 : i32
      %dma_start3A_121 = tpu.memref_slice %arg8[%dma_start3A_116, %dma_start3A_120] : memref<20x100xi32, #tpu.memory_space<vmem>> -> memref<1x100xi32, #tpu.memory_space<vmem>>
      %dma_start3A_122 = tpu.memref_squeeze %dma_start3A_121 : memref<1x100xi32, #tpu.memory_space<vmem>> -> memref<100xi32, #tpu.memory_space<vmem>>
      %dma_start3A_123 = arith.constant 0 : i32
      %dma_start3A_124 = arith.constant 0 : i32
      %dma_start3A_125 = tpu.memref_slice %arg4[%dma_start3A_123, %dma_start3A_124] : memref<10000x16xf32, #tpu.memory_space<hbm>> -> memref<10000x16xf32, #tpu.memory_space<hbm>>
      tpu.enqueue_indirect_dma source(%dma_start3A_125 : memref<10000x16xf32, #tpu.memory_space<hbm>>) target(%dma_start3A_119 : memref<100x16xf32, #tpu.memory_space<vmem>>) offsets(%dma_start3A_122 : memref<100xi32, #tpu.memory_space<vmem>>) semaphore(%arg12 : memref<!tpu.dma_semaphore, #tpu.memory_space<semaphore_mem>>)
      %dma_start3A_126 = arith.constant 5 : i32
      %dma_start3A_127 = arith.constant 500 : i32
      %dma_start3A_128 = arith.constant 0 : i32
      %dma_start3A_129 = tpu.memref_slice %arg11[%dma_start3A_127, %dma_start3A_128] : memref<2000x16xf32, #tpu.memory_space<vmem>> -> memref<100x16xf32, #tpu.memory_space<vmem>>
      %dma_start3A_130 = arith.constant 0 : i32
      %dma_start3A_131 = tpu.memref_slice %arg9[%dma_start3A_126, %dma_start3A_130] : memref<20x100xi32, #tpu.memory_space<vmem>> -> memref<1x100xi32, #tpu.memory_space<vmem>>
      %dma_start3A_132 = tpu.memref_squeeze %dma_start3A_131 : memref<1x100xi32, #tpu.memory_space<vmem>> -> memref<100xi32, #tpu.memory_space<vmem>>
      %dma_start3A_133 = arith.constant 0 : i32
      %dma_start3A_134 = arith.constant 0 : i32
      %dma_start3A_135 = tpu.memref_slice %arg5[%dma_start3A_133, %dma_start3A_134] : memref<10000x16xf32, #tpu.memory_space<hbm>> -> memref<10000x16xf32, #tpu.memory_space<hbm>>
      tpu.enqueue_indirect_dma source(%dma_start3A_135 : memref<10000x16xf32, #tpu.memory_space<hbm>>) target(%dma_start3A_129 : memref<100x16xf32, #tpu.memory_space<vmem>>) offsets(%dma_start3A_132 : memref<100xi32, #tpu.memory_space<vmem>>) semaphore(%arg12 : memref<!tpu.dma_semaphore, #tpu.memory_space<semaphore_mem>>)
      %dma_start3A_136 = arith.constant 6 : i32
      %dma_start3A_137 = arith.constant 600 : i32
      %dma_start3A_138 = arith.constant 0 : i32
      %dma_start3A_139 = tpu.memref_slice %arg10[%dma_start3A_137, %dma_start3A_138] : memref<2000x16xf32, #tpu.memory_space<vmem>> -> memref<100x16xf32, #tpu.memory_space<vmem>>
      %dma_start3A_140 = arith.constant 0 : i32
      %dma_start3A_141 = tpu.memref_slice %arg8[%dma_start3A_136, %dma_start3A_140] : memref<20x100xi32, #tpu.memory_space<vmem>> -> memref<1x100xi32, #tpu.memory_space<vmem>>
      %dma_start3A_142 = tpu.memref_squeeze %dma_start3A_141 : memref<1x100xi32, #tpu.memory_space<vmem>> -> memref<100xi32, #tpu.memory_space<vmem>>
      %dma_start3A_143 = arith.constant 0 : i32
      %dma_start3A_144 = arith.constant 0 : i32
      %dma_start3A_145 = tpu.memref_slice %arg4[%dma_start3A_143, %dma_start3A_144] : memref<10000x16xf32, #tpu.memory_space<hbm>> -> memref<10000x16xf32, #tpu.memory_space<hbm>>
      tpu.enqueue_indirect_dma source(%dma_start3A_145 : memref<10000x16xf32, #tpu.memory_space<hbm>>) target(%dma_start3A_139 : memref<100x16xf32, #tpu.memory_space<vmem>>) offsets(%dma_start3A_142 : memref<100xi32, #tpu.memory_space<vmem>>) semaphore(%arg12 : memref<!tpu.dma_semaphore, #tpu.memory_space<semaphore_mem>>)
      %dma_start3A_146 = arith.constant 6 : i32
      %dma_start3A_147 = arith.constant 600 : i32
      %dma_start3A_148 = arith.constant 0 : i32
      %dma_start3A_149 = tpu.memref_slice %arg11[%dma_start3A_147, %dma_start3A_148] : memref<2000x16xf32, #tpu.memory_space<vmem>> -> memref<100x16xf32, #tpu.memory_space<vmem>>
      %dma_start3A_150 = arith.constant 0 : i32
      %dma_start3A_151 = tpu.memref_slice %arg9[%dma_start3A_146, %dma_start3A_150] : memref<20x100xi32, #tpu.memory_space<vmem>> -> memref<1x100xi32, #tpu.memory_space<vmem>>
      %dma_start3A_152 = tpu.memref_squeeze %dma_start3A_151 : memref<1x100xi32, #tpu.memory_space<vmem>> -> memref<100xi32, #tpu.memory_space<vmem>>
      %dma_start3A_153 = arith.constant 0 : i32
      %dma_start3A_154 = arith.constant 0 : i32
      %dma_start3A_155 = tpu.memref_slice %arg5[%dma_start3A_153, %dma_start3A_154] : memref<10000x16xf32, #tpu.memory_space<hbm>> -> memref<10000x16xf32, #tpu.memory_space<hbm>>
      tpu.enqueue_indirect_dma source(%dma_start3A_155 : memref<10000x16xf32, #tpu.memory_space<hbm>>) target(%dma_start3A_149 : memref<100x16xf32, #tpu.memory_space<vmem>>) offsets(%dma_start3A_152 : memref<100xi32, #tpu.memory_space<vmem>>) semaphore(%arg12 : memref<!tpu.dma_semaphore, #tpu.memory_space<semaphore_mem>>)
      %dma_start3A_156 = arith.constant 7 : i32
      %dma_start3A_157 = arith.constant 700 : i32
      %dma_start3A_158 = arith.constant 0 : i32
      %dma_start3A_159 = tpu.memref_slice %arg10[%dma_start3A_157, %dma_start3A_158] : memref<2000x16xf32, #tpu.memory_space<vmem>> -> memref<100x16xf32, #tpu.memory_space<vmem>>
      %dma_start3A_160 = arith.constant 0 : i32
      %dma_start3A_161 = tpu.memref_slice %arg8[%dma_start3A_156, %dma_start3A_160] : memref<20x100xi32, #tpu.memory_space<vmem>> -> memref<1x100xi32, #tpu.memory_space<vmem>>
      %dma_start3A_162 = tpu.memref_squeeze %dma_start3A_161 : memref<1x100xi32, #tpu.memory_space<vmem>> -> memref<100xi32, #tpu.memory_space<vmem>>
      %dma_start3A_163 = arith.constant 0 : i32
      %dma_start3A_164 = arith.constant 0 : i32
      %dma_start3A_165 = tpu.memref_slice %arg4[%dma_start3A_163, %dma_start3A_164] : memref<10000x16xf32, #tpu.memory_space<hbm>> -> memref<10000x16xf32, #tpu.memory_space<hbm>>
      tpu.enqueue_indirect_dma source(%dma_start3A_165 : memref<10000x16xf32, #tpu.memory_space<hbm>>) target(%dma_start3A_159 : memref<100x16xf32, #tpu.memory_space<vmem>>) offsets(%dma_start3A_162 : memref<100xi32, #tpu.memory_space<vmem>>) semaphore(%arg12 : memref<!tpu.dma_semaphore, #tpu.memory_space<semaphore_mem>>)
      %dma_start3A_166 = arith.constant 7 : i32
      %dma_start3A_167 = arith.constant 700 : i32
      %dma_start3A_168 = arith.constant 0 : i32
      %dma_start3A_169 = tpu.memref_slice %arg11[%dma_start3A_167, %dma_start3A_168] : memref<2000x16xf32, #tpu.memory_space<vmem>> -> memref<100x16xf32, #tpu.memory_space<vmem>>
      %dma_start3A_170 = arith.constant 0 : i32
      %dma_start3A_171 = tpu.memref_slice %arg9[%dma_start3A_166, %dma_start3A_170] : memref<20x100xi32, #tpu.memory_space<vmem>> -> memref<1x100xi32, #tpu.memory_space<vmem>>
      %dma_start3A_172 = tpu.memref_squeeze %dma_start3A_171 : memref<1x100xi32, #tpu.memory_space<vmem>> -> memref<100xi32, #tpu.memory_space<vmem>>
      %dma_start3A_173 = arith.constant 0 : i32
      %dma_start3A_174 = arith.constant 0 : i32
      %dma_start3A_175 = tpu.memref_slice %arg5[%dma_start3A_173, %dma_start3A_174] : memref<10000x16xf32, #tpu.memory_space<hbm>> -> memref<10000x16xf32, #tpu.memory_space<hbm>>
      tpu.enqueue_indirect_dma source(%dma_start3A_175 : memref<10000x16xf32, #tpu.memory_space<hbm>>) target(%dma_start3A_169 : memref<100x16xf32, #tpu.memory_space<vmem>>) offsets(%dma_start3A_172 : memref<100xi32, #tpu.memory_space<vmem>>) semaphore(%arg12 : memref<!tpu.dma_semaphore, #tpu.memory_space<semaphore_mem>>)
      %dma_start3A_176 = arith.constant 8 : i32
      %dma_start3A_177 = arith.constant 800 : i32
      %dma_start3A_178 = arith.constant 0 : i32
      %dma_start3A_179 = tpu.memref_slice %arg10[%dma_start3A_177, %dma_start3A_178] : memref<2000x16xf32, #tpu.memory_space<vmem>> -> memref<100x16xf32, #tpu.memory_space<vmem>>
      %dma_start3A_180 = arith.constant 0 : i32
      %dma_start3A_181 = tpu.memref_slice %arg8[%dma_start3A_176, %dma_start3A_180] : memref<20x100xi32, #tpu.memory_space<vmem>> -> memref<1x100xi32, #tpu.memory_space<vmem>>
      %dma_start3A_182 = tpu.memref_squeeze %dma_start3A_181 : memref<1x100xi32, #tpu.memory_space<vmem>> -> memref<100xi32, #tpu.memory_space<vmem>>
      %dma_start3A_183 = arith.constant 0 : i32
      %dma_start3A_184 = arith.constant 0 : i32
      %dma_start3A_185 = tpu.memref_slice %arg4[%dma_start3A_183, %dma_start3A_184] : memref<10000x16xf32, #tpu.memory_space<hbm>> -> memref<10000x16xf32, #tpu.memory_space<hbm>>
      tpu.enqueue_indirect_dma source(%dma_start3A_185 : memref<10000x16xf32, #tpu.memory_space<hbm>>) target(%dma_start3A_179 : memref<100x16xf32, #tpu.memory_space<vmem>>) offsets(%dma_start3A_182 : memref<100xi32, #tpu.memory_space<vmem>>) semaphore(%arg12 : memref<!tpu.dma_semaphore, #tpu.memory_space<semaphore_mem>>)
      %dma_start3A_186 = arith.constant 8 : i32
      %dma_start3A_187 = arith.constant 800 : i32
      %dma_start3A_188 = arith.constant 0 : i32
      %dma_start3A_189 = tpu.memref_slice %arg11[%dma_start3A_187, %dma_start3A_188] : memref<2000x16xf32, #tpu.memory_space<vmem>> -> memref<100x16xf32, #tpu.memory_space<vmem>>
      %dma_start3A_190 = arith.constant 0 : i32
      %dma_start3A_191 = tpu.memref_slice %arg9[%dma_start3A_186, %dma_start3A_190] : memref<20x100xi32, #tpu.memory_space<vmem>> -> memref<1x100xi32, #tpu.memory_space<vmem>>
      %dma_start3A_192 = tpu.memref_squeeze %dma_start3A_191 : memref<1x100xi32, #tpu.memory_space<vmem>> -> memref<100xi32, #tpu.memory_space<vmem>>
      %dma_start3A_193 = arith.constant 0 : i32
      %dma_start3A_194 = arith.constant 0 : i32
      %dma_start3A_195 = tpu.memref_slice %arg5[%dma_start3A_193, %dma_start3A_194] : memref<10000x16xf32, #tpu.memory_space<hbm>> -> memref<10000x16xf32, #tpu.memory_space<hbm>>
      tpu.enqueue_indirect_dma source(%dma_start3A_195 : memref<10000x16xf32, #tpu.memory_space<hbm>>) target(%dma_start3A_189 : memref<100x16xf32, #tpu.memory_space<vmem>>) offsets(%dma_start3A_192 : memref<100xi32, #tpu.memory_space<vmem>>) semaphore(%arg12 : memref<!tpu.dma_semaphore, #tpu.memory_space<semaphore_mem>>)
      %dma_start3A_196 = arith.constant 9 : i32
      %dma_start3A_197 = arith.constant 900 : i32
      %dma_start3A_198 = arith.constant 0 : i32
      %dma_start3A_199 = tpu.memref_slice %arg10[%dma_start3A_197, %dma_start3A_198] : memref<2000x16xf32, #tpu.memory_space<vmem>> -> memref<100x16xf32, #tpu.memory_space<vmem>>
      %dma_start3A_200 = arith.constant 0 : i32
      %dma_start3A_201 = tpu.memref_slice %arg8[%dma_start3A_196, %dma_start3A_200] : memref<20x100xi32, #tpu.memory_space<vmem>> -> memref<1x100xi32, #tpu.memory_space<vmem>>
      %dma_start3A_202 = tpu.memref_squeeze %dma_start3A_201 : memref<1x100xi32, #tpu.memory_space<vmem>> -> memref<100xi32, #tpu.memory_space<vmem>>
      %dma_start3A_203 = arith.constant 0 : i32
      %dma_start3A_204 = arith.constant 0 : i32
      %dma_start3A_205 = tpu.memref_slice %arg4[%dma_start3A_203, %dma_start3A_204] : memref<10000x16xf32, #tpu.memory_space<hbm>> -> memref<10000x16xf32, #tpu.memory_space<hbm>>
      tpu.enqueue_indirect_dma source(%dma_start3A_205 : memref<10000x16xf32, #tpu.memory_space<hbm>>) target(%dma_start3A_199 : memref<100x16xf32, #tpu.memory_space<vmem>>) offsets(%dma_start3A_202 : memref<100xi32, #tpu.memory_space<vmem>>) semaphore(%arg12 : memref<!tpu.dma_semaphore, #tpu.memory_space<semaphore_mem>>)
      %dma_start3A_206 = arith.constant 9 : i32
      %dma_start3A_207 = arith.constant 900 : i32
      %dma_start3A_208 = arith.constant 0 : i32
      %dma_start3A_209 = tpu.memref_slice %arg11[%dma_start3A_207, %dma_start3A_208] : memref<2000x16xf32, #tpu.memory_space<vmem>> -> memref<100x16xf32, #tpu.memory_space<vmem>>
      %dma_start3A_210 = arith.constant 0 : i32
      %dma_start3A_211 = tpu.memref_slice %arg9[%dma_start3A_206, %dma_start3A_210] : memref<20x100xi32, #tpu.memory_space<vmem>> -> memref<1x100xi32, #tpu.memory_space<vmem>>
      %dma_start3A_212 = tpu.memref_squeeze %dma_start3A_211 : memref<1x100xi32, #tpu.memory_space<vmem>> -> memref<100xi32, #tpu.memory_space<vmem>>
      %dma_start3A_213 = arith.constant 0 : i32
      %dma_start3A_214 = arith.constant 0 : i32
      %dma_start3A_215 = tpu.memref_slice %arg5[%dma_start3A_213, %dma_start3A_214] : memref<10000x16xf32, #tpu.memory_space<hbm>> -> memref<10000x16xf32, #tpu.memory_space<hbm>>
      tpu.enqueue_indirect_dma source(%dma_start3A_215 : memref<10000x16xf32, #tpu.memory_space<hbm>>) target(%dma_start3A_209 : memref<100x16xf32, #tpu.memory_space<vmem>>) offsets(%dma_start3A_212 : memref<100xi32, #tpu.memory_space<vmem>>) semaphore(%arg12 : memref<!tpu.dma_semaphore, #tpu.memory_space<semaphore_mem>>)
      %dma_start3A_216 = arith.constant 10 : i32
      %dma_start3A_217 = arith.constant 1000 : i32
      %dma_start3A_218 = arith.constant 0 : i32
      %dma_start3A_219 = tpu.memref_slice %arg10[%dma_start3A_217, %dma_start3A_218] : memref<2000x16xf32, #tpu.memory_space<vmem>> -> memref<100x16xf32, #tpu.memory_space<vmem>>
      %dma_start3A_220 = arith.constant 0 : i32
      %dma_start3A_221 = tpu.memref_slice %arg8[%dma_start3A_216, %dma_start3A_220] : memref<20x100xi32, #tpu.memory_space<vmem>> -> memref<1x100xi32, #tpu.memory_space<vmem>>
      %dma_start3A_222 = tpu.memref_squeeze %dma_start3A_221 : memref<1x100xi32, #tpu.memory_space<vmem>> -> memref<100xi32, #tpu.memory_space<vmem>>
      %dma_start3A_223 = arith.constant 0 : i32
      %dma_start3A_224 = arith.constant 0 : i32
      %dma_start3A_225 = tpu.memref_slice %arg4[%dma_start3A_223, %dma_start3A_224] : memref<10000x16xf32, #tpu.memory_space<hbm>> -> memref<10000x16xf32, #tpu.memory_space<hbm>>
      tpu.enqueue_indirect_dma source(%dma_start3A_225 : memref<10000x16xf32, #tpu.memory_space<hbm>>) target(%dma_start3A_219 : memref<100x16xf32, #tpu.memory_space<vmem>>) offsets(%dma_start3A_222 : memref<100xi32, #tpu.memory_space<vmem>>) semaphore(%arg12 : memref<!tpu.dma_semaphore, #tpu.memory_space<semaphore_mem>>)
      %dma_start3A_226 = arith.constant 10 : i32
      %dma_start3A_227 = arith.constant 1000 : i32
      %dma_start3A_228 = arith.constant 0 : i32
      %dma_start3A_229 = tpu.memref_slice %arg11[%dma_start3A_227, %dma_start3A_228] : memref<2000x16xf32, #tpu.memory_space<vmem>> -> memref<100x16xf32, #tpu.memory_space<vmem>>
      %dma_start3A_230 = arith.constant 0 : i32
      %dma_start3A_231 = tpu.memref_slice %arg9[%dma_start3A_226, %dma_start3A_230] : memref<20x100xi32, #tpu.memory_space<vmem>> -> memref<1x100xi32, #tpu.memory_space<vmem>>
      %dma_start3A_232 = tpu.memref_squeeze %dma_start3A_231 : memref<1x100xi32, #tpu.memory_space<vmem>> -> memref<100xi32, #tpu.memory_space<vmem>>
      %dma_start3A_233 = arith.constant 0 : i32
      %dma_start3A_234 = arith.constant 0 : i32
      %dma_start3A_235 = tpu.memref_slice %arg5[%dma_start3A_233, %dma_start3A_234] : memref<10000x16xf32, #tpu.memory_space<hbm>> -> memref<10000x16xf32, #tpu.memory_space<hbm>>
      tpu.enqueue_indirect_dma source(%dma_start3A_235 : memref<10000x16xf32, #tpu.memory_space<hbm>>) target(%dma_start3A_229 : memref<100x16xf32, #tpu.memory_space<vmem>>) offsets(%dma_start3A_232 : memref<100xi32, #tpu.memory_space<vmem>>) semaphore(%arg12 : memref<!tpu.dma_semaphore, #tpu.memory_space<semaphore_mem>>)
      %dma_start3A_236 = arith.constant 11 : i32
      %dma_start3A_237 = arith.constant 1100 : i32
      %dma_start3A_238 = arith.constant 0 : i32
      %dma_start3A_239 = tpu.memref_slice %arg10[%dma_start3A_237, %dma_start3A_238] : memref<2000x16xf32, #tpu.memory_space<vmem>> -> memref<100x16xf32, #tpu.memory_space<vmem>>
      %dma_start3A_240 = arith.constant 0 : i32
      %dma_start3A_241 = tpu.memref_slice %arg8[%dma_start3A_236, %dma_start3A_240] : memref<20x100xi32, #tpu.memory_space<vmem>> -> memref<1x100xi32, #tpu.memory_space<vmem>>
      %dma_start3A_242 = tpu.memref_squeeze %dma_start3A_241 : memref<1x100xi32, #tpu.memory_space<vmem>> -> memref<100xi32, #tpu.memory_space<vmem>>
      %dma_start3A_243 = arith.constant 0 : i32
      %dma_start3A_244 = arith.constant 0 : i32
      %dma_start3A_245 = tpu.memref_slice %arg4[%dma_start3A_243, %dma_start3A_244] : memref<10000x16xf32, #tpu.memory_space<hbm>> -> memref<10000x16xf32, #tpu.memory_space<hbm>>
      tpu.enqueue_indirect_dma source(%dma_start3A_245 : memref<10000x16xf32, #tpu.memory_space<hbm>>) target(%dma_start3A_239 : memref<100x16xf32, #tpu.memory_space<vmem>>) offsets(%dma_start3A_242 : memref<100xi32, #tpu.memory_space<vmem>>) semaphore(%arg12 : memref<!tpu.dma_semaphore, #tpu.memory_space<semaphore_mem>>)
      %dma_start3A_246 = arith.constant 11 : i32
      %dma_start3A_247 = arith.constant 1100 : i32
      %dma_start3A_248 = arith.constant 0 : i32
      %dma_start3A_249 = tpu.memref_slice %arg11[%dma_start3A_247, %dma_start3A_248] : memref<2000x16xf32, #tpu.memory_space<vmem>> -> memref<100x16xf32, #tpu.memory_space<vmem>>
      %dma_start3A_250 = arith.constant 0 : i32
      %dma_start3A_251 = tpu.memref_slice %arg9[%dma_start3A_246, %dma_start3A_250] : memref<20x100xi32, #tpu.memory_space<vmem>> -> memref<1x100xi32, #tpu.memory_space<vmem>>
      %dma_start3A_252 = tpu.memref_squeeze %dma_start3A_251 : memref<1x100xi32, #tpu.memory_space<vmem>> -> memref<100xi32, #tpu.memory_space<vmem>>
      %dma_start3A_253 = arith.constant 0 : i32
      %dma_start3A_254 = arith.constant 0 : i32
      %dma_start3A_255 = tpu.memref_slice %arg5[%dma_start3A_253, %dma_start3A_254] : memref<10000x16xf32, #tpu.memory_space<hbm>> -> memref<10000x16xf32, #tpu.memory_space<hbm>>
      tpu.enqueue_indirect_dma source(%dma_start3A_255 : memref<10000x16xf32, #tpu.memory_space<hbm>>) target(%dma_start3A_249 : memref<100x16xf32, #tpu.memory_space<vmem>>) offsets(%dma_start3A_252 : memref<100xi32, #tpu.memory_space<vmem>>) semaphore(%arg12 : memref<!tpu.dma_semaphore, #tpu.memory_space<semaphore_mem>>)
      %dma_start3A_256 = arith.constant 12 : i32
      %dma_start3A_257 = arith.constant 1200 : i32
      %dma_start3A_258 = arith.constant 0 : i32
      %dma_start3A_259 = tpu.memref_slice %arg10[%dma_start3A_257, %dma_start3A_258] : memref<2000x16xf32, #tpu.memory_space<vmem>> -> memref<100x16xf32, #tpu.memory_space<vmem>>
      %dma_start3A_260 = arith.constant 0 : i32
      %dma_start3A_261 = tpu.memref_slice %arg8[%dma_start3A_256, %dma_start3A_260] : memref<20x100xi32, #tpu.memory_space<vmem>> -> memref<1x100xi32, #tpu.memory_space<vmem>>
      %dma_start3A_262 = tpu.memref_squeeze %dma_start3A_261 : memref<1x100xi32, #tpu.memory_space<vmem>> -> memref<100xi32, #tpu.memory_space<vmem>>
      %dma_start3A_263 = arith.constant 0 : i32
      %dma_start3A_264 = arith.constant 0 : i32
      %dma_start3A_265 = tpu.memref_slice %arg4[%dma_start3A_263, %dma_start3A_264] : memref<10000x16xf32, #tpu.memory_space<hbm>> -> memref<10000x16xf32, #tpu.memory_space<hbm>>
      tpu.enqueue_indirect_dma source(%dma_start3A_265 : memref<10000x16xf32, #tpu.memory_space<hbm>>) target(%dma_start3A_259 : memref<100x16xf32, #tpu.memory_space<vmem>>) offsets(%dma_start3A_262 : memref<100xi32, #tpu.memory_space<vmem>>) semaphore(%arg12 : memref<!tpu.dma_semaphore, #tpu.memory_space<semaphore_mem>>)
      %dma_start3A_266 = arith.constant 12 : i32
      %dma_start3A_267 = arith.constant 1200 : i32
      %dma_start3A_268 = arith.constant 0 : i32
      %dma_start3A_269 = tpu.memref_slice %arg11[%dma_start3A_267, %dma_start3A_268] : memref<2000x16xf32, #tpu.memory_space<vmem>> -> memref<100x16xf32, #tpu.memory_space<vmem>>
      %dma_start3A_270 = arith.constant 0 : i32
      %dma_start3A_271 = tpu.memref_slice %arg9[%dma_start3A_266, %dma_start3A_270] : memref<20x100xi32, #tpu.memory_space<vmem>> -> memref<1x100xi32, #tpu.memory_space<vmem>>
      %dma_start3A_272 = tpu.memref_squeeze %dma_start3A_271 : memref<1x100xi32, #tpu.memory_space<vmem>> -> memref<100xi32, #tpu.memory_space<vmem>>
      %dma_start3A_273 = arith.constant 0 : i32
      %dma_start3A_274 = arith.constant 0 : i32
      %dma_start3A_275 = tpu.memref_slice %arg5[%dma_start3A_273, %dma_start3A_274] : memref<10000x16xf32, #tpu.memory_space<hbm>> -> memref<10000x16xf32, #tpu.memory_space<hbm>>
      tpu.enqueue_indirect_dma source(%dma_start3A_275 : memref<10000x16xf32, #tpu.memory_space<hbm>>) target(%dma_start3A_269 : memref<100x16xf32, #tpu.memory_space<vmem>>) offsets(%dma_start3A_272 : memref<100xi32, #tpu.memory_space<vmem>>) semaphore(%arg12 : memref<!tpu.dma_semaphore, #tpu.memory_space<semaphore_mem>>)
      %dma_start3A_276 = arith.constant 13 : i32
      %dma_start3A_277 = arith.constant 1300 : i32
      %dma_start3A_278 = arith.constant 0 : i32
      %dma_start3A_279 = tpu.memref_slice %arg10[%dma_start3A_277, %dma_start3A_278] : memref<2000x16xf32, #tpu.memory_space<vmem>> -> memref<100x16xf32, #tpu.memory_space<vmem>>
      %dma_start3A_280 = arith.constant 0 : i32
      %dma_start3A_281 = tpu.memref_slice %arg8[%dma_start3A_276, %dma_start3A_280] : memref<20x100xi32, #tpu.memory_space<vmem>> -> memref<1x100xi32, #tpu.memory_space<vmem>>
      %dma_start3A_282 = tpu.memref_squeeze %dma_start3A_281 : memref<1x100xi32, #tpu.memory_space<vmem>> -> memref<100xi32, #tpu.memory_space<vmem>>
      %dma_start3A_283 = arith.constant 0 : i32
      %dma_start3A_284 = arith.constant 0 : i32
      %dma_start3A_285 = tpu.memref_slice %arg4[%dma_start3A_283, %dma_start3A_284] : memref<10000x16xf32, #tpu.memory_space<hbm>> -> memref<10000x16xf32, #tpu.memory_space<hbm>>
      tpu.enqueue_indirect_dma source(%dma_start3A_285 : memref<10000x16xf32, #tpu.memory_space<hbm>>) target(%dma_start3A_279 : memref<100x16xf32, #tpu.memory_space<vmem>>) offsets(%dma_start3A_282 : memref<100xi32, #tpu.memory_space<vmem>>) semaphore(%arg12 : memref<!tpu.dma_semaphore, #tpu.memory_space<semaphore_mem>>)
      %dma_start3A_286 = arith.constant 13 : i32
      %dma_start3A_287 = arith.constant 1300 : i32
      %dma_start3A_288 = arith.constant 0 : i32
      %dma_start3A_289 = tpu.memref_slice %arg11[%dma_start3A_287, %dma_start3A_288] : memref<2000x16xf32, #tpu.memory_space<vmem>> -> memref<100x16xf32, #tpu.memory_space<vmem>>
      %dma_start3A_290 = arith.constant 0 : i32
      %dma_start3A_291 = tpu.memref_slice %arg9[%dma_start3A_286, %dma_start3A_290] : memref<20x100xi32, #tpu.memory_space<vmem>> -> memref<1x100xi32, #tpu.memory_space<vmem>>
      %dma_start3A_292 = tpu.memref_squeeze %dma_start3A_291 : memref<1x100xi32, #tpu.memory_space<vmem>> -> memref<100xi32, #tpu.memory_space<vmem>>
      %dma_start3A_293 = arith.constant 0 : i32
      %dma_start3A_294 = arith.constant 0 : i32
      %dma_start3A_295 = tpu.memref_slice %arg5[%dma_start3A_293, %dma_start3A_294] : memref<10000x16xf32, #tpu.memory_space<hbm>> -> memref<10000x16xf32, #tpu.memory_space<hbm>>
      tpu.enqueue_indirect_dma source(%dma_start3A_295 : memref<10000x16xf32, #tpu.memory_space<hbm>>) target(%dma_start3A_289 : memref<100x16xf32, #tpu.memory_space<vmem>>) offsets(%dma_start3A_292 : memref<100xi32, #tpu.memory_space<vmem>>) semaphore(%arg12 : memref<!tpu.dma_semaphore, #tpu.memory_space<semaphore_mem>>)
      %dma_start3A_296 = arith.constant 14 : i32
      %dma_start3A_297 = arith.constant 1400 : i32
      %dma_start3A_298 = arith.constant 0 : i32
      %dma_start3A_299 = tpu.memref_slice %arg10[%dma_start3A_297, %dma_start3A_298] : memref<2000x16xf32, #tpu.memory_space<vmem>> -> memref<100x16xf32, #tpu.memory_space<vmem>>
      %dma_start3A_300 = arith.constant 0 : i32
      %dma_start3A_301 = tpu.memref_slice %arg8[%dma_start3A_296, %dma_start3A_300] : memref<20x100xi32, #tpu.memory_space<vmem>> -> memref<1x100xi32, #tpu.memory_space<vmem>>
      %dma_start3A_302 = tpu.memref_squeeze %dma_start3A_301 : memref<1x100xi32, #tpu.memory_space<vmem>> -> memref<100xi32, #tpu.memory_space<vmem>>
      %dma_start3A_303 = arith.constant 0 : i32
      %dma_start3A_304 = arith.constant 0 : i32
      %dma_start3A_305 = tpu.memref_slice %arg4[%dma_start3A_303, %dma_start3A_304] : memref<10000x16xf32, #tpu.memory_space<hbm>> -> memref<10000x16xf32, #tpu.memory_space<hbm>>
      tpu.enqueue_indirect_dma source(%dma_start3A_305 : memref<10000x16xf32, #tpu.memory_space<hbm>>) target(%dma_start3A_299 : memref<100x16xf32, #tpu.memory_space<vmem>>) offsets(%dma_start3A_302 : memref<100xi32, #tpu.memory_space<vmem>>) semaphore(%arg12 : memref<!tpu.dma_semaphore, #tpu.memory_space<semaphore_mem>>)
      %dma_start3A_306 = arith.constant 14 : i32
      %dma_start3A_307 = arith.constant 1400 : i32
      %dma_start3A_308 = arith.constant 0 : i32
      %dma_start3A_309 = tpu.memref_slice %arg11[%dma_start3A_307, %dma_start3A_308] : memref<2000x16xf32, #tpu.memory_space<vmem>> -> memref<100x16xf32, #tpu.memory_space<vmem>>
      %dma_start3A_310 = arith.constant 0 : i32
      %dma_start3A_311 = tpu.memref_slice %arg9[%dma_start3A_306, %dma_start3A_310] : memref<20x100xi32, #tpu.memory_space<vmem>> -> memref<1x100xi32, #tpu.memory_space<vmem>>
      %dma_start3A_312 = tpu.memref_squeeze %dma_start3A_311 : memref<1x100xi32, #tpu.memory_space<vmem>> -> memref<100xi32, #tpu.memory_space<vmem>>
      %dma_start3A_313 = arith.constant 0 : i32
      %dma_start3A_314 = arith.constant 0 : i32
      %dma_start3A_315 = tpu.memref_slice %arg5[%dma_start3A_313, %dma_start3A_314] : memref<10000x16xf32, #tpu.memory_space<hbm>> -> memref<10000x16xf32, #tpu.memory_space<hbm>>
      tpu.enqueue_indirect_dma source(%dma_start3A_315 : memref<10000x16xf32, #tpu.memory_space<hbm>>) target(%dma_start3A_309 : memref<100x16xf32, #tpu.memory_space<vmem>>) offsets(%dma_start3A_312 : memref<100xi32, #tpu.memory_space<vmem>>) semaphore(%arg12 : memref<!tpu.dma_semaphore, #tpu.memory_space<semaphore_mem>>)
      %dma_start3A_316 = arith.constant 15 : i32
      %dma_start3A_317 = arith.constant 1500 : i32
      %dma_start3A_318 = arith.constant 0 : i32
      %dma_start3A_319 = tpu.memref_slice %arg10[%dma_start3A_317, %dma_start3A_318] : memref<2000x16xf32, #tpu.memory_space<vmem>> -> memref<100x16xf32, #tpu.memory_space<vmem>>
      %dma_start3A_320 = arith.constant 0 : i32
      %dma_start3A_321 = tpu.memref_slice %arg8[%dma_start3A_316, %dma_start3A_320] : memref<20x100xi32, #tpu.memory_space<vmem>> -> memref<1x100xi32, #tpu.memory_space<vmem>>
      %dma_start3A_322 = tpu.memref_squeeze %dma_start3A_321 : memref<1x100xi32, #tpu.memory_space<vmem>> -> memref<100xi32, #tpu.memory_space<vmem>>
      %dma_start3A_323 = arith.constant 0 : i32
      %dma_start3A_324 = arith.constant 0 : i32
      %dma_start3A_325 = tpu.memref_slice %arg4[%dma_start3A_323, %dma_start3A_324] : memref<10000x16xf32, #tpu.memory_space<hbm>> -> memref<10000x16xf32, #tpu.memory_space<hbm>>
      tpu.enqueue_indirect_dma source(%dma_start3A_325 : memref<10000x16xf32, #tpu.memory_space<hbm>>) target(%dma_start3A_319 : memref<100x16xf32, #tpu.memory_space<vmem>>) offsets(%dma_start3A_322 : memref<100xi32, #tpu.memory_space<vmem>>) semaphore(%arg12 : memref<!tpu.dma_semaphore, #tpu.memory_space<semaphore_mem>>)
      %dma_start3A_326 = arith.constant 15 : i32
      %dma_start3A_327 = arith.constant 1500 : i32
      %dma_start3A_328 = arith.constant 0 : i32
      %dma_start3A_329 = tpu.memref_slice %arg11[%dma_start3A_327, %dma_start3A_328] : memref<2000x16xf32, #tpu.memory_space<vmem>> -> memref<100x16xf32, #tpu.memory_space<vmem>>
      %dma_start3A_330 = arith.constant 0 : i32
      %dma_start3A_331 = tpu.memref_slice %arg9[%dma_start3A_326, %dma_start3A_330] : memref<20x100xi32, #tpu.memory_space<vmem>> -> memref<1x100xi32, #tpu.memory_space<vmem>>
      %dma_start3A_332 = tpu.memref_squeeze %dma_start3A_331 : memref<1x100xi32, #tpu.memory_space<vmem>> -> memref<100xi32, #tpu.memory_space<vmem>>
      %dma_start3A_333 = arith.constant 0 : i32
      %dma_start3A_334 = arith.constant 0 : i32
      %dma_start3A_335 = tpu.memref_slice %arg5[%dma_start3A_333, %dma_start3A_334] : memref<10000x16xf32, #tpu.memory_space<hbm>> -> memref<10000x16xf32, #tpu.memory_space<hbm>>
      tpu.enqueue_indirect_dma source(%dma_start3A_335 : memref<10000x16xf32, #tpu.memory_space<hbm>>) target(%dma_start3A_329 : memref<100x16xf32, #tpu.memory_space<vmem>>) offsets(%dma_start3A_332 : memref<100xi32, #tpu.memory_space<vmem>>) semaphore(%arg12 : memref<!tpu.dma_semaphore, #tpu.memory_space<semaphore_mem>>)
      %dma_start3A_336 = arith.constant 16 : i32
      %dma_start3A_337 = arith.constant 1600 : i32
      %dma_start3A_338 = arith.constant 0 : i32
      %dma_start3A_339 = tpu.memref_slice %arg10[%dma_start3A_337, %dma_start3A_338] : memref<2000x16xf32, #tpu.memory_space<vmem>> -> memref<100x16xf32, #tpu.memory_space<vmem>>
      %dma_start3A_340 = arith.constant 0 : i32
      %dma_start3A_341 = tpu.memref_slice %arg8[%dma_start3A_336, %dma_start3A_340] : memref<20x100xi32, #tpu.memory_space<vmem>> -> memref<1x100xi32, #tpu.memory_space<vmem>>
      %dma_start3A_342 = tpu.memref_squeeze %dma_start3A_341 : memref<1x100xi32, #tpu.memory_space<vmem>> -> memref<100xi32, #tpu.memory_space<vmem>>
      %dma_start3A_343 = arith.constant 0 : i32
      %dma_start3A_344 = arith.constant 0 : i32
      %dma_start3A_345 = tpu.memref_slice %arg4[%dma_start3A_343, %dma_start3A_344] : memref<10000x16xf32, #tpu.memory_space<hbm>> -> memref<10000x16xf32, #tpu.memory_space<hbm>>
      tpu.enqueue_indirect_dma source(%dma_start3A_345 : memref<10000x16xf32, #tpu.memory_space<hbm>>) target(%dma_start3A_339 : memref<100x16xf32, #tpu.memory_space<vmem>>) offsets(%dma_start3A_342 : memref<100xi32, #tpu.memory_space<vmem>>) semaphore(%arg12 : memref<!tpu.dma_semaphore, #tpu.memory_space<semaphore_mem>>)
      %dma_start3A_346 = arith.constant 16 : i32
      %dma_start3A_347 = arith.constant 1600 : i32
      %dma_start3A_348 = arith.constant 0 : i32
      %dma_start3A_349 = tpu.memref_slice %arg11[%dma_start3A_347, %dma_start3A_348] : memref<2000x16xf32, #tpu.memory_space<vmem>> -> memref<100x16xf32, #tpu.memory_space<vmem>>
      %dma_start3A_350 = arith.constant 0 : i32
      %dma_start3A_351 = tpu.memref_slice %arg9[%dma_start3A_346, %dma_start3A_350] : memref<20x100xi32, #tpu.memory_space<vmem>> -> memref<1x100xi32, #tpu.memory_space<vmem>>
      %dma_start3A_352 = tpu.memref_squeeze %dma_start3A_351 : memref<1x100xi32, #tpu.memory_space<vmem>> -> memref<100xi32, #tpu.memory_space<vmem>>
      %dma_start3A_353 = arith.constant 0 : i32
      %dma_start3A_354 = arith.constant 0 : i32
      %dma_start3A_355 = tpu.memref_slice %arg5[%dma_start3A_353, %dma_start3A_354] : memref<10000x16xf32, #tpu.memory_space<hbm>> -> memref<10000x16xf32, #tpu.memory_space<hbm>>
      tpu.enqueue_indirect_dma source(%dma_start3A_355 : memref<10000x16xf32, #tpu.memory_space<hbm>>) target(%dma_start3A_349 : memref<100x16xf32, #tpu.memory_space<vmem>>) offsets(%dma_start3A_352 : memref<100xi32, #tpu.memory_space<vmem>>) semaphore(%arg12 : memref<!tpu.dma_semaphore, #tpu.memory_space<semaphore_mem>>)
      %dma_start3A_356 = arith.constant 17 : i32
      %dma_start3A_357 = arith.constant 1700 : i32
      %dma_start3A_358 = arith.constant 0 : i32
      %dma_start3A_359 = tpu.memref_slice %arg10[%dma_start3A_357, %dma_start3A_358] : memref<2000x16xf32, #tpu.memory_space<vmem>> -> memref<100x16xf32, #tpu.memory_space<vmem>>
      %dma_start3A_360 = arith.constant 0 : i32
      %dma_start3A_361 = tpu.memref_slice %arg8[%dma_start3A_356, %dma_start3A_360] : memref<20x100xi32, #tpu.memory_space<vmem>> -> memref<1x100xi32, #tpu.memory_space<vmem>>
      %dma_start3A_362 = tpu.memref_squeeze %dma_start3A_361 : memref<1x100xi32, #tpu.memory_space<vmem>> -> memref<100xi32, #tpu.memory_space<vmem>>
      %dma_start3A_363 = arith.constant 0 : i32
      %dma_start3A_364 = arith.constant 0 : i32
      %dma_start3A_365 = tpu.memref_slice %arg4[%dma_start3A_363, %dma_start3A_364] : memref<10000x16xf32, #tpu.memory_space<hbm>> -> memref<10000x16xf32, #tpu.memory_space<hbm>>
      tpu.enqueue_indirect_dma source(%dma_start3A_365 : memref<10000x16xf32, #tpu.memory_space<hbm>>) target(%dma_start3A_359 : memref<100x16xf32, #tpu.memory_space<vmem>>) offsets(%dma_start3A_362 : memref<100xi32, #tpu.memory_space<vmem>>) semaphore(%arg12 : memref<!tpu.dma_semaphore, #tpu.memory_space<semaphore_mem>>)
      %dma_start3A_366 = arith.constant 17 : i32
      %dma_start3A_367 = arith.constant 1700 : i32
      %dma_start3A_368 = arith.constant 0 : i32
      %dma_start3A_369 = tpu.memref_slice %arg11[%dma_start3A_367, %dma_start3A_368] : memref<2000x16xf32, #tpu.memory_space<vmem>> -> memref<100x16xf32, #tpu.memory_space<vmem>>
      %dma_start3A_370 = arith.constant 0 : i32
      %dma_start3A_371 = tpu.memref_slice %arg9[%dma_start3A_366, %dma_start3A_370] : memref<20x100xi32, #tpu.memory_space<vmem>> -> memref<1x100xi32, #tpu.memory_space<vmem>>
      %dma_start3A_372 = tpu.memref_squeeze %dma_start3A_371 : memref<1x100xi32, #tpu.memory_space<vmem>> -> memref<100xi32, #tpu.memory_space<vmem>>
      %dma_start3A_373 = arith.constant 0 : i32
      %dma_start3A_374 = arith.constant 0 : i32
      %dma_start3A_375 = tpu.memref_slice %arg5[%dma_start3A_373, %dma_start3A_374] : memref<10000x16xf32, #tpu.memory_space<hbm>> -> memref<10000x16xf32, #tpu.memory_space<hbm>>
      tpu.enqueue_indirect_dma source(%dma_start3A_375 : memref<10000x16xf32, #tpu.memory_space<hbm>>) target(%dma_start3A_369 : memref<100x16xf32, #tpu.memory_space<vmem>>) offsets(%dma_start3A_372 : memref<100xi32, #tpu.memory_space<vmem>>) semaphore(%arg12 : memref<!tpu.dma_semaphore, #tpu.memory_space<semaphore_mem>>)
      %dma_start3A_376 = arith.constant 18 : i32
      %dma_start3A_377 = arith.constant 1800 : i32
      %dma_start3A_378 = arith.constant 0 : i32
      %dma_start3A_379 = tpu.memref_slice %arg10[%dma_start3A_377, %dma_start3A_378] : memref<2000x16xf32, #tpu.memory_space<vmem>> -> memref<100x16xf32, #tpu.memory_space<vmem>>
      %dma_start3A_380 = arith.constant 0 : i32
      %dma_start3A_381 = tpu.memref_slice %arg8[%dma_start3A_376, %dma_start3A_380] : memref<20x100xi32, #tpu.memory_space<vmem>> -> memref<1x100xi32, #tpu.memory_space<vmem>>
      %dma_start3A_382 = tpu.memref_squeeze %dma_start3A_381 : memref<1x100xi32, #tpu.memory_space<vmem>> -> memref<100xi32, #tpu.memory_space<vmem>>
      %dma_start3A_383 = arith.constant 0 : i32
      %dma_start3A_384 = arith.constant 0 : i32
      %dma_start3A_385 = tpu.memref_slice %arg4[%dma_start3A_383, %dma_start3A_384] : memref<10000x16xf32, #tpu.memory_space<hbm>> -> memref<10000x16xf32, #tpu.memory_space<hbm>>
      tpu.enqueue_indirect_dma source(%dma_start3A_385 : memref<10000x16xf32, #tpu.memory_space<hbm>>) target(%dma_start3A_379 : memref<100x16xf32, #tpu.memory_space<vmem>>) offsets(%dma_start3A_382 : memref<100xi32, #tpu.memory_space<vmem>>) semaphore(%arg12 : memref<!tpu.dma_semaphore, #tpu.memory_space<semaphore_mem>>)
      %dma_start3A_386 = arith.constant 18 : i32
      %dma_start3A_387 = arith.constant 1800 : i32
      %dma_start3A_388 = arith.constant 0 : i32
      %dma_start3A_389 = tpu.memref_slice %arg11[%dma_start3A_387, %dma_start3A_388] : memref<2000x16xf32, #tpu.memory_space<vmem>> -> memref<100x16xf32, #tpu.memory_space<vmem>>
      %dma_start3A_390 = arith.constant 0 : i32
      %dma_start3A_391 = tpu.memref_slice %arg9[%dma_start3A_386, %dma_start3A_390] : memref<20x100xi32, #tpu.memory_space<vmem>> -> memref<1x100xi32, #tpu.memory_space<vmem>>
      %dma_start3A_392 = tpu.memref_squeeze %dma_start3A_391 : memref<1x100xi32, #tpu.memory_space<vmem>> -> memref<100xi32, #tpu.memory_space<vmem>>
      %dma_start3A_393 = arith.constant 0 : i32
      %dma_start3A_394 = arith.constant 0 : i32
      %dma_start3A_395 = tpu.memref_slice %arg5[%dma_start3A_393, %dma_start3A_394] : memref<10000x16xf32, #tpu.memory_space<hbm>> -> memref<10000x16xf32, #tpu.memory_space<hbm>>
      tpu.enqueue_indirect_dma source(%dma_start3A_395 : memref<10000x16xf32, #tpu.memory_space<hbm>>) target(%dma_start3A_389 : memref<100x16xf32, #tpu.memory_space<vmem>>) offsets(%dma_start3A_392 : memref<100xi32, #tpu.memory_space<vmem>>) semaphore(%arg12 : memref<!tpu.dma_semaphore, #tpu.memory_space<semaphore_mem>>)
      %dma_start3A_396 = arith.constant 19 : i32
      %dma_start3A_397 = arith.constant 1900 : i32
      %dma_start3A_398 = arith.constant 0 : i32
      %dma_start3A_399 = tpu.memref_slice %arg10[%dma_start3A_397, %dma_start3A_398] : memref<2000x16xf32, #tpu.memory_space<vmem>> -> memref<100x16xf32, #tpu.memory_space<vmem>>
      %dma_start3A_400 = arith.constant 0 : i32
      %dma_start3A_401 = tpu.memref_slice %arg8[%dma_start3A_396, %dma_start3A_400] : memref<20x100xi32, #tpu.memory_space<vmem>> -> memref<1x100xi32, #tpu.memory_space<vmem>>
      %dma_start3A_402 = tpu.memref_squeeze %dma_start3A_401 : memref<1x100xi32, #tpu.memory_space<vmem>> -> memref<100xi32, #tpu.memory_space<vmem>>
      %dma_start3A_403 = arith.constant 0 : i32
      %dma_start3A_404 = arith.constant 0 : i32
      %dma_start3A_405 = tpu.memref_slice %arg4[%dma_start3A_403, %dma_start3A_404] : memref<10000x16xf32, #tpu.memory_space<hbm>> -> memref<10000x16xf32, #tpu.memory_space<hbm>>
      tpu.enqueue_indirect_dma source(%dma_start3A_405 : memref<10000x16xf32, #tpu.memory_space<hbm>>) target(%dma_start3A_399 : memref<100x16xf32, #tpu.memory_space<vmem>>) offsets(%dma_start3A_402 : memref<100xi32, #tpu.memory_space<vmem>>) semaphore(%arg12 : memref<!tpu.dma_semaphore, #tpu.memory_space<semaphore_mem>>)
      %dma_start3A_406 = arith.constant 19 : i32
      %dma_start3A_407 = arith.constant 1900 : i32
      %dma_start3A_408 = arith.constant 0 : i32
      %dma_start3A_409 = tpu.memref_slice %arg11[%dma_start3A_407, %dma_start3A_408] : memref<2000x16xf32, #tpu.memory_space<vmem>> -> memref<100x16xf32, #tpu.memory_space<vmem>>
      %dma_start3A_410 = arith.constant 0 : i32
      %dma_start3A_411 = tpu.memref_slice %arg9[%dma_start3A_406, %dma_start3A_410] : memref<20x100xi32, #tpu.memory_space<vmem>> -> memref<1x100xi32, #tpu.memory_space<vmem>>
      %dma_start3A_412 = tpu.memref_squeeze %dma_start3A_411 : memref<1x100xi32, #tpu.memory_space<vmem>> -> memref<100xi32, #tpu.memory_space<vmem>>
      %dma_start3A_413 = arith.constant 0 : i32
      %dma_start3A_414 = arith.constant 0 : i32
      %dma_start3A_415 = tpu.memref_slice %arg5[%dma_start3A_413, %dma_start3A_414] : memref<10000x16xf32, #tpu.memory_space<hbm>> -> memref<10000x16xf32, #tpu.memory_space<hbm>>
      tpu.enqueue_indirect_dma source(%dma_start3A_415 : memref<10000x16xf32, #tpu.memory_space<hbm>>) target(%dma_start3A_409 : memref<100x16xf32, #tpu.memory_space<vmem>>) offsets(%dma_start3A_412 : memref<100xi32, #tpu.memory_space<vmem>>) semaphore(%arg12 : memref<!tpu.dma_semaphore, #tpu.memory_space<semaphore_mem>>)
      %dma_wait3A = arith.constant 0 : i32
      %dma_wait3A_416 = arith.constant 0 : i32
      %dma_wait3A_417 = arith.constant 0 : i32
      %dma_wait3A_418 = tpu.memref_slice %arg10[%dma_wait3A_416, %dma_wait3A_417] : memref<2000x16xf32, #tpu.memory_space<vmem>> -> memref<100x16xf32, #tpu.memory_space<vmem>>
      %dma_wait3A_419 = arith.constant 0 : i32
      %dma_wait3A_420 = tpu.memref_slice %arg8[%dma_wait3A, %dma_wait3A_419] : memref<20x100xi32, #tpu.memory_space<vmem>> -> memref<1x100xi32, #tpu.memory_space<vmem>>
      %dma_wait3A_421 = tpu.memref_squeeze %dma_wait3A_420 : memref<1x100xi32, #tpu.memory_space<vmem>> -> memref<100xi32, #tpu.memory_space<vmem>>
      %dma_wait3A_422 = arith.constant 0 : i32
      %dma_wait3A_423 = arith.constant 0 : i32
      %dma_wait3A_424 = tpu.memref_slice %arg4[%dma_wait3A_422, %dma_wait3A_423] : memref<10000x16xf32, #tpu.memory_space<hbm>> -> memref<10000x16xf32, #tpu.memory_space<hbm>>
      tpu.wait_indirect_dma semaphore(%arg12 : memref<!tpu.dma_semaphore, #tpu.memory_space<semaphore_mem>>) src(%dma_wait3A_424 : memref<10000x16xf32, #tpu.memory_space<hbm>>) dst(%dma_wait3A_418 : memref<100x16xf32, #tpu.memory_space<vmem>>)
      %dma_wait3A_425 = arith.constant 0 : i32
      %dma_wait3A_426 = arith.constant 0 : i32
      %dma_wait3A_427 = arith.constant 0 : i32
      %dma_wait3A_428 = tpu.memref_slice %arg11[%dma_wait3A_426, %dma_wait3A_427] : memref<2000x16xf32, #tpu.memory_space<vmem>> -> memref<100x16xf32, #tpu.memory_space<vmem>>
      %dma_wait3A_429 = arith.constant 0 : i32
      %dma_wait3A_430 = tpu.memref_slice %arg9[%dma_wait3A_425, %dma_wait3A_429] : memref<20x100xi32, #tpu.memory_space<vmem>> -> memref<1x100xi32, #tpu.memory_space<vmem>>
      %dma_wait3A_431 = tpu.memref_squeeze %dma_wait3A_430 : memref<1x100xi32, #tpu.memory_space<vmem>> -> memref<100xi32, #tpu.memory_space<vmem>>
      %dma_wait3A_432 = arith.constant 0 : i32
      %dma_wait3A_433 = arith.constant 0 : i32
      %dma_wait3A_434 = tpu.memref_slice %arg5[%dma_wait3A_432, %dma_wait3A_433] : memref<10000x16xf32, #tpu.memory_space<hbm>> -> memref<10000x16xf32, #tpu.memory_space<hbm>>
      tpu.wait_indirect_dma semaphore(%arg12 : memref<!tpu.dma_semaphore, #tpu.memory_space<semaphore_mem>>) src(%dma_wait3A_434 : memref<10000x16xf32, #tpu.memory_space<hbm>>) dst(%dma_wait3A_428 : memref<100x16xf32, #tpu.memory_space<vmem>>)
      %dma_wait3A_435 = arith.constant 1 : i32
      %dma_wait3A_436 = arith.constant 100 : i32
      %dma_wait3A_437 = arith.constant 0 : i32
      %dma_wait3A_438 = tpu.memref_slice %arg10[%dma_wait3A_436, %dma_wait3A_437] : memref<2000x16xf32, #tpu.memory_space<vmem>> -> memref<100x16xf32, #tpu.memory_space<vmem>>
      %dma_wait3A_439 = arith.constant 0 : i32
      %dma_wait3A_440 = tpu.memref_slice %arg8[%dma_wait3A_435, %dma_wait3A_439] : memref<20x100xi32, #tpu.memory_space<vmem>> -> memref<1x100xi32, #tpu.memory_space<vmem>>
      %dma_wait3A_441 = tpu.memref_squeeze %dma_wait3A_440 : memref<1x100xi32, #tpu.memory_space<vmem>> -> memref<100xi32, #tpu.memory_space<vmem>>
      %dma_wait3A_442 = arith.constant 0 : i32
      %dma_wait3A_443 = arith.constant 0 : i32
      %dma_wait3A_444 = tpu.memref_slice %arg4[%dma_wait3A_442, %dma_wait3A_443] : memref<10000x16xf32, #tpu.memory_space<hbm>> -> memref<10000x16xf32, #tpu.memory_space<hbm>>
      tpu.wait_indirect_dma semaphore(%arg12 : memref<!tpu.dma_semaphore, #tpu.memory_space<semaphore_mem>>) src(%dma_wait3A_444 : memref<10000x16xf32, #tpu.memory_space<hbm>>) dst(%dma_wait3A_438 : memref<100x16xf32, #tpu.memory_space<vmem>>)
      %dma_wait3A_445 = arith.constant 1 : i32
      %dma_wait3A_446 = arith.constant 100 : i32
      %dma_wait3A_447 = arith.constant 0 : i32
      %dma_wait3A_448 = tpu.memref_slice %arg11[%dma_wait3A_446, %dma_wait3A_447] : memref<2000x16xf32, #tpu.memory_space<vmem>> -> memref<100x16xf32, #tpu.memory_space<vmem>>
      %dma_wait3A_449 = arith.constant 0 : i32
      %dma_wait3A_450 = tpu.memref_slice %arg9[%dma_wait3A_445, %dma_wait3A_449] : memref<20x100xi32, #tpu.memory_space<vmem>> -> memref<1x100xi32, #tpu.memory_space<vmem>>
      %dma_wait3A_451 = tpu.memref_squeeze %dma_wait3A_450 : memref<1x100xi32, #tpu.memory_space<vmem>> -> memref<100xi32, #tpu.memory_space<vmem>>
      %dma_wait3A_452 = arith.constant 0 : i32
      %dma_wait3A_453 = arith.constant 0 : i32
      %dma_wait3A_454 = tpu.memref_slice %arg5[%dma_wait3A_452, %dma_wait3A_453] : memref<10000x16xf32, #tpu.memory_space<hbm>> -> memref<10000x16xf32, #tpu.memory_space<hbm>>
      tpu.wait_indirect_dma semaphore(%arg12 : memref<!tpu.dma_semaphore, #tpu.memory_space<semaphore_mem>>) src(%dma_wait3A_454 : memref<10000x16xf32, #tpu.memory_space<hbm>>) dst(%dma_wait3A_448 : memref<100x16xf32, #tpu.memory_space<vmem>>)
      %dma_wait3A_455 = arith.constant 2 : i32
      %dma_wait3A_456 = arith.constant 200 : i32
      %dma_wait3A_457 = arith.constant 0 : i32
      %dma_wait3A_458 = tpu.memref_slice %arg10[%dma_wait3A_456, %dma_wait3A_457] : memref<2000x16xf32, #tpu.memory_space<vmem>> -> memref<100x16xf32, #tpu.memory_space<vmem>>
      %dma_wait3A_459 = arith.constant 0 : i32
      %dma_wait3A_460 = tpu.memref_slice %arg8[%dma_wait3A_455, %dma_wait3A_459] : memref<20x100xi32, #tpu.memory_space<vmem>> -> memref<1x100xi32, #tpu.memory_space<vmem>>
      %dma_wait3A_461 = tpu.memref_squeeze %dma_wait3A_460 : memref<1x100xi32, #tpu.memory_space<vmem>> -> memref<100xi32, #tpu.memory_space<vmem>>
      %dma_wait3A_462 = arith.constant 0 : i32
      %dma_wait3A_463 = arith.constant 0 : i32
      %dma_wait3A_464 = tpu.memref_slice %arg4[%dma_wait3A_462, %dma_wait3A_463] : memref<10000x16xf32, #tpu.memory_space<hbm>> -> memref<10000x16xf32, #tpu.memory_space<hbm>>
      tpu.wait_indirect_dma semaphore(%arg12 : memref<!tpu.dma_semaphore, #tpu.memory_space<semaphore_mem>>) src(%dma_wait3A_464 : memref<10000x16xf32, #tpu.memory_space<hbm>>) dst(%dma_wait3A_458 : memref<100x16xf32, #tpu.memory_space<vmem>>)
      %dma_wait3A_465 = arith.constant 2 : i32
      %dma_wait3A_466 = arith.constant 200 : i32
      %dma_wait3A_467 = arith.constant 0 : i32
      %dma_wait3A_468 = tpu.memref_slice %arg11[%dma_wait3A_466, %dma_wait3A_467] : memref<2000x16xf32, #tpu.memory_space<vmem>> -> memref<100x16xf32, #tpu.memory_space<vmem>>
      %dma_wait3A_469 = arith.constant 0 : i32
      %dma_wait3A_470 = tpu.memref_slice %arg9[%dma_wait3A_465, %dma_wait3A_469] : memref<20x100xi32, #tpu.memory_space<vmem>> -> memref<1x100xi32, #tpu.memory_space<vmem>>
      %dma_wait3A_471 = tpu.memref_squeeze %dma_wait3A_470 : memref<1x100xi32, #tpu.memory_space<vmem>> -> memref<100xi32, #tpu.memory_space<vmem>>
      %dma_wait3A_472 = arith.constant 0 : i32
      %dma_wait3A_473 = arith.constant 0 : i32
      %dma_wait3A_474 = tpu.memref_slice %arg5[%dma_wait3A_472, %dma_wait3A_473] : memref<10000x16xf32, #tpu.memory_space<hbm>> -> memref<10000x16xf32, #tpu.memory_space<hbm>>
      tpu.wait_indirect_dma semaphore(%arg12 : memref<!tpu.dma_semaphore, #tpu.memory_space<semaphore_mem>>) src(%dma_wait3A_474 : memref<10000x16xf32, #tpu.memory_space<hbm>>) dst(%dma_wait3A_468 : memref<100x16xf32, #tpu.memory_space<vmem>>)
      %dma_wait3A_475 = arith.constant 3 : i32
      %dma_wait3A_476 = arith.constant 300 : i32
      %dma_wait3A_477 = arith.constant 0 : i32
      %dma_wait3A_478 = tpu.memref_slice %arg10[%dma_wait3A_476, %dma_wait3A_477] : memref<2000x16xf32, #tpu.memory_space<vmem>> -> memref<100x16xf32, #tpu.memory_space<vmem>>
      %dma_wait3A_479 = arith.constant 0 : i32
      %dma_wait3A_480 = tpu.memref_slice %arg8[%dma_wait3A_475, %dma_wait3A_479] : memref<20x100xi32, #tpu.memory_space<vmem>> -> memref<1x100xi32, #tpu.memory_space<vmem>>
      %dma_wait3A_481 = tpu.memref_squeeze %dma_wait3A_480 : memref<1x100xi32, #tpu.memory_space<vmem>> -> memref<100xi32, #tpu.memory_space<vmem>>
      %dma_wait3A_482 = arith.constant 0 : i32
      %dma_wait3A_483 = arith.constant 0 : i32
      %dma_wait3A_484 = tpu.memref_slice %arg4[%dma_wait3A_482, %dma_wait3A_483] : memref<10000x16xf32, #tpu.memory_space<hbm>> -> memref<10000x16xf32, #tpu.memory_space<hbm>>
      tpu.wait_indirect_dma semaphore(%arg12 : memref<!tpu.dma_semaphore, #tpu.memory_space<semaphore_mem>>) src(%dma_wait3A_484 : memref<10000x16xf32, #tpu.memory_space<hbm>>) dst(%dma_wait3A_478 : memref<100x16xf32, #tpu.memory_space<vmem>>)
      %dma_wait3A_485 = arith.constant 3 : i32
      %dma_wait3A_486 = arith.constant 300 : i32
      %dma_wait3A_487 = arith.constant 0 : i32
      %dma_wait3A_488 = tpu.memref_slice %arg11[%dma_wait3A_486, %dma_wait3A_487] : memref<2000x16xf32, #tpu.memory_space<vmem>> -> memref<100x16xf32, #tpu.memory_space<vmem>>
      %dma_wait3A_489 = arith.constant 0 : i32
      %dma_wait3A_490 = tpu.memref_slice %arg9[%dma_wait3A_485, %dma_wait3A_489] : memref<20x100xi32, #tpu.memory_space<vmem>> -> memref<1x100xi32, #tpu.memory_space<vmem>>
      %dma_wait3A_491 = tpu.memref_squeeze %dma_wait3A_490 : memref<1x100xi32, #tpu.memory_space<vmem>> -> memref<100xi32, #tpu.memory_space<vmem>>
      %dma_wait3A_492 = arith.constant 0 : i32
      %dma_wait3A_493 = arith.constant 0 : i32
      %dma_wait3A_494 = tpu.memref_slice %arg5[%dma_wait3A_492, %dma_wait3A_493] : memref<10000x16xf32, #tpu.memory_space<hbm>> -> memref<10000x16xf32, #tpu.memory_space<hbm>>
      tpu.wait_indirect_dma semaphore(%arg12 : memref<!tpu.dma_semaphore, #tpu.memory_space<semaphore_mem>>) src(%dma_wait3A_494 : memref<10000x16xf32, #tpu.memory_space<hbm>>) dst(%dma_wait3A_488 : memref<100x16xf32, #tpu.memory_space<vmem>>)
      %dma_wait3A_495 = arith.constant 4 : i32
      %dma_wait3A_496 = arith.constant 400 : i32
      %dma_wait3A_497 = arith.constant 0 : i32
      %dma_wait3A_498 = tpu.memref_slice %arg10[%dma_wait3A_496, %dma_wait3A_497] : memref<2000x16xf32, #tpu.memory_space<vmem>> -> memref<100x16xf32, #tpu.memory_space<vmem>>
      %dma_wait3A_499 = arith.constant 0 : i32
      %dma_wait3A_500 = tpu.memref_slice %arg8[%dma_wait3A_495, %dma_wait3A_499] : memref<20x100xi32, #tpu.memory_space<vmem>> -> memref<1x100xi32, #tpu.memory_space<vmem>>
      %dma_wait3A_501 = tpu.memref_squeeze %dma_wait3A_500 : memref<1x100xi32, #tpu.memory_space<vmem>> -> memref<100xi32, #tpu.memory_space<vmem>>
      %dma_wait3A_502 = arith.constant 0 : i32
      %dma_wait3A_503 = arith.constant 0 : i32
      %dma_wait3A_504 = tpu.memref_slice %arg4[%dma_wait3A_502, %dma_wait3A_503] : memref<10000x16xf32, #tpu.memory_space<hbm>> -> memref<10000x16xf32, #tpu.memory_space<hbm>>
      tpu.wait_indirect_dma semaphore(%arg12 : memref<!tpu.dma_semaphore, #tpu.memory_space<semaphore_mem>>) src(%dma_wait3A_504 : memref<10000x16xf32, #tpu.memory_space<hbm>>) dst(%dma_wait3A_498 : memref<100x16xf32, #tpu.memory_space<vmem>>)
      %dma_wait3A_505 = arith.constant 4 : i32
      %dma_wait3A_506 = arith.constant 400 : i32
      %dma_wait3A_507 = arith.constant 0 : i32
      %dma_wait3A_508 = tpu.memref_slice %arg11[%dma_wait3A_506, %dma_wait3A_507] : memref<2000x16xf32, #tpu.memory_space<vmem>> -> memref<100x16xf32, #tpu.memory_space<vmem>>
      %dma_wait3A_509 = arith.constant 0 : i32
      %dma_wait3A_510 = tpu.memref_slice %arg9[%dma_wait3A_505, %dma_wait3A_509] : memref<20x100xi32, #tpu.memory_space<vmem>> -> memref<1x100xi32, #tpu.memory_space<vmem>>
      %dma_wait3A_511 = tpu.memref_squeeze %dma_wait3A_510 : memref<1x100xi32, #tpu.memory_space<vmem>> -> memref<100xi32, #tpu.memory_space<vmem>>
      %dma_wait3A_512 = arith.constant 0 : i32
      %dma_wait3A_513 = arith.constant 0 : i32
      %dma_wait3A_514 = tpu.memref_slice %arg5[%dma_wait3A_512, %dma_wait3A_513] : memref<10000x16xf32, #tpu.memory_space<hbm>> -> memref<10000x16xf32, #tpu.memory_space<hbm>>
      tpu.wait_indirect_dma semaphore(%arg12 : memref<!tpu.dma_semaphore, #tpu.memory_space<semaphore_mem>>) src(%dma_wait3A_514 : memref<10000x16xf32, #tpu.memory_space<hbm>>) dst(%dma_wait3A_508 : memref<100x16xf32, #tpu.memory_space<vmem>>)
      %dma_wait3A_515 = arith.constant 5 : i32
      %dma_wait3A_516 = arith.constant 500 : i32
      %dma_wait3A_517 = arith.constant 0 : i32
      %dma_wait3A_518 = tpu.memref_slice %arg10[%dma_wait3A_516, %dma_wait3A_517] : memref<2000x16xf32, #tpu.memory_space<vmem>> -> memref<100x16xf32, #tpu.memory_space<vmem>>
      %dma_wait3A_519 = arith.constant 0 : i32
      %dma_wait3A_520 = tpu.memref_slice %arg8[%dma_wait3A_515, %dma_wait3A_519] : memref<20x100xi32, #tpu.memory_space<vmem>> -> memref<1x100xi32, #tpu.memory_space<vmem>>
      %dma_wait3A_521 = tpu.memref_squeeze %dma_wait3A_520 : memref<1x100xi32, #tpu.memory_space<vmem>> -> memref<100xi32, #tpu.memory_space<vmem>>
      %dma_wait3A_522 = arith.constant 0 : i32
      %dma_wait3A_523 = arith.constant 0 : i32
      %dma_wait3A_524 = tpu.memref_slice %arg4[%dma_wait3A_522, %dma_wait3A_523] : memref<10000x16xf32, #tpu.memory_space<hbm>> -> memref<10000x16xf32, #tpu.memory_space<hbm>>
      tpu.wait_indirect_dma semaphore(%arg12 : memref<!tpu.dma_semaphore, #tpu.memory_space<semaphore_mem>>) src(%dma_wait3A_524 : memref<10000x16xf32, #tpu.memory_space<hbm>>) dst(%dma_wait3A_518 : memref<100x16xf32, #tpu.memory_space<vmem>>)
      %dma_wait3A_525 = arith.constant 5 : i32
      %dma_wait3A_526 = arith.constant 500 : i32
      %dma_wait3A_527 = arith.constant 0 : i32
      %dma_wait3A_528 = tpu.memref_slice %arg11[%dma_wait3A_526, %dma_wait3A_527] : memref<2000x16xf32, #tpu.memory_space<vmem>> -> memref<100x16xf32, #tpu.memory_space<vmem>>
      %dma_wait3A_529 = arith.constant 0 : i32
      %dma_wait3A_530 = tpu.memref_slice %arg9[%dma_wait3A_525, %dma_wait3A_529] : memref<20x100xi32, #tpu.memory_space<vmem>> -> memref<1x100xi32, #tpu.memory_space<vmem>>
      %dma_wait3A_531 = tpu.memref_squeeze %dma_wait3A_530 : memref<1x100xi32, #tpu.memory_space<vmem>> -> memref<100xi32, #tpu.memory_space<vmem>>
      %dma_wait3A_532 = arith.constant 0 : i32
      %dma_wait3A_533 = arith.constant 0 : i32
      %dma_wait3A_534 = tpu.memref_slice %arg5[%dma_wait3A_532, %dma_wait3A_533] : memref<10000x16xf32, #tpu.memory_space<hbm>> -> memref<10000x16xf32, #tpu.memory_space<hbm>>
      tpu.wait_indirect_dma semaphore(%arg12 : memref<!tpu.dma_semaphore, #tpu.memory_space<semaphore_mem>>) src(%dma_wait3A_534 : memref<10000x16xf32, #tpu.memory_space<hbm>>) dst(%dma_wait3A_528 : memref<100x16xf32, #tpu.memory_space<vmem>>)
      %dma_wait3A_535 = arith.constant 6 : i32
      %dma_wait3A_536 = arith.constant 600 : i32
      %dma_wait3A_537 = arith.constant 0 : i32
      %dma_wait3A_538 = tpu.memref_slice %arg10[%dma_wait3A_536, %dma_wait3A_537] : memref<2000x16xf32, #tpu.memory_space<vmem>> -> memref<100x16xf32, #tpu.memory_space<vmem>>
      %dma_wait3A_539 = arith.constant 0 : i32
      %dma_wait3A_540 = tpu.memref_slice %arg8[%dma_wait3A_535, %dma_wait3A_539] : memref<20x100xi32, #tpu.memory_space<vmem>> -> memref<1x100xi32, #tpu.memory_space<vmem>>
      %dma_wait3A_541 = tpu.memref_squeeze %dma_wait3A_540 : memref<1x100xi32, #tpu.memory_space<vmem>> -> memref<100xi32, #tpu.memory_space<vmem>>
      %dma_wait3A_542 = arith.constant 0 : i32
      %dma_wait3A_543 = arith.constant 0 : i32
      %dma_wait3A_544 = tpu.memref_slice %arg4[%dma_wait3A_542, %dma_wait3A_543] : memref<10000x16xf32, #tpu.memory_space<hbm>> -> memref<10000x16xf32, #tpu.memory_space<hbm>>
      tpu.wait_indirect_dma semaphore(%arg12 : memref<!tpu.dma_semaphore, #tpu.memory_space<semaphore_mem>>) src(%dma_wait3A_544 : memref<10000x16xf32, #tpu.memory_space<hbm>>) dst(%dma_wait3A_538 : memref<100x16xf32, #tpu.memory_space<vmem>>)
      %dma_wait3A_545 = arith.constant 6 : i32
      %dma_wait3A_546 = arith.constant 600 : i32
      %dma_wait3A_547 = arith.constant 0 : i32
      %dma_wait3A_548 = tpu.memref_slice %arg11[%dma_wait3A_546, %dma_wait3A_547] : memref<2000x16xf32, #tpu.memory_space<vmem>> -> memref<100x16xf32, #tpu.memory_space<vmem>>
      %dma_wait3A_549 = arith.constant 0 : i32
      %dma_wait3A_550 = tpu.memref_slice %arg9[%dma_wait3A_545, %dma_wait3A_549] : memref<20x100xi32, #tpu.memory_space<vmem>> -> memref<1x100xi32, #tpu.memory_space<vmem>>
      %dma_wait3A_551 = tpu.memref_squeeze %dma_wait3A_550 : memref<1x100xi32, #tpu.memory_space<vmem>> -> memref<100xi32, #tpu.memory_space<vmem>>
      %dma_wait3A_552 = arith.constant 0 : i32
      %dma_wait3A_553 = arith.constant 0 : i32
      %dma_wait3A_554 = tpu.memref_slice %arg5[%dma_wait3A_552, %dma_wait3A_553] : memref<10000x16xf32, #tpu.memory_space<hbm>> -> memref<10000x16xf32, #tpu.memory_space<hbm>>
      tpu.wait_indirect_dma semaphore(%arg12 : memref<!tpu.dma_semaphore, #tpu.memory_space<semaphore_mem>>) src(%dma_wait3A_554 : memref<10000x16xf32, #tpu.memory_space<hbm>>) dst(%dma_wait3A_548 : memref<100x16xf32, #tpu.memory_space<vmem>>)
      %dma_wait3A_555 = arith.constant 7 : i32
      %dma_wait3A_556 = arith.constant 700 : i32
      %dma_wait3A_557 = arith.constant 0 : i32
      %dma_wait3A_558 = tpu.memref_slice %arg10[%dma_wait3A_556, %dma_wait3A_557] : memref<2000x16xf32, #tpu.memory_space<vmem>> -> memref<100x16xf32, #tpu.memory_space<vmem>>
      %dma_wait3A_559 = arith.constant 0 : i32
      %dma_wait3A_560 = tpu.memref_slice %arg8[%dma_wait3A_555, %dma_wait3A_559] : memref<20x100xi32, #tpu.memory_space<vmem>> -> memref<1x100xi32, #tpu.memory_space<vmem>>
      %dma_wait3A_561 = tpu.memref_squeeze %dma_wait3A_560 : memref<1x100xi32, #tpu.memory_space<vmem>> -> memref<100xi32, #tpu.memory_space<vmem>>
      %dma_wait3A_562 = arith.constant 0 : i32
      %dma_wait3A_563 = arith.constant 0 : i32
      %dma_wait3A_564 = tpu.memref_slice %arg4[%dma_wait3A_562, %dma_wait3A_563] : memref<10000x16xf32, #tpu.memory_space<hbm>> -> memref<10000x16xf32, #tpu.memory_space<hbm>>
      tpu.wait_indirect_dma semaphore(%arg12 : memref<!tpu.dma_semaphore, #tpu.memory_space<semaphore_mem>>) src(%dma_wait3A_564 : memref<10000x16xf32, #tpu.memory_space<hbm>>) dst(%dma_wait3A_558 : memref<100x16xf32, #tpu.memory_space<vmem>>)
      %dma_wait3A_565 = arith.constant 7 : i32
      %dma_wait3A_566 = arith.constant 700 : i32
      %dma_wait3A_567 = arith.constant 0 : i32
      %dma_wait3A_568 = tpu.memref_slice %arg11[%dma_wait3A_566, %dma_wait3A_567] : memref<2000x16xf32, #tpu.memory_space<vmem>> -> memref<100x16xf32, #tpu.memory_space<vmem>>
      %dma_wait3A_569 = arith.constant 0 : i32
      %dma_wait3A_570 = tpu.memref_slice %arg9[%dma_wait3A_565, %dma_wait3A_569] : memref<20x100xi32, #tpu.memory_space<vmem>> -> memref<1x100xi32, #tpu.memory_space<vmem>>
      %dma_wait3A_571 = tpu.memref_squeeze %dma_wait3A_570 : memref<1x100xi32, #tpu.memory_space<vmem>> -> memref<100xi32, #tpu.memory_space<vmem>>
      %dma_wait3A_572 = arith.constant 0 : i32
      %dma_wait3A_573 = arith.constant 0 : i32
      %dma_wait3A_574 = tpu.memref_slice %arg5[%dma_wait3A_572, %dma_wait3A_573] : memref<10000x16xf32, #tpu.memory_space<hbm>> -> memref<10000x16xf32, #tpu.memory_space<hbm>>
      tpu.wait_indirect_dma semaphore(%arg12 : memref<!tpu.dma_semaphore, #tpu.memory_space<semaphore_mem>>) src(%dma_wait3A_574 : memref<10000x16xf32, #tpu.memory_space<hbm>>) dst(%dma_wait3A_568 : memref<100x16xf32, #tpu.memory_space<vmem>>)
      %dma_wait3A_575 = arith.constant 8 : i32
      %dma_wait3A_576 = arith.constant 800 : i32
      %dma_wait3A_577 = arith.constant 0 : i32
      %dma_wait3A_578 = tpu.memref_slice %arg10[%dma_wait3A_576, %dma_wait3A_577] : memref<2000x16xf32, #tpu.memory_space<vmem>> -> memref<100x16xf32, #tpu.memory_space<vmem>>
      %dma_wait3A_579 = arith.constant 0 : i32
      %dma_wait3A_580 = tpu.memref_slice %arg8[%dma_wait3A_575, %dma_wait3A_579] : memref<20x100xi32, #tpu.memory_space<vmem>> -> memref<1x100xi32, #tpu.memory_space<vmem>>
      %dma_wait3A_581 = tpu.memref_squeeze %dma_wait3A_580 : memref<1x100xi32, #tpu.memory_space<vmem>> -> memref<100xi32, #tpu.memory_space<vmem>>
      %dma_wait3A_582 = arith.constant 0 : i32
      %dma_wait3A_583 = arith.constant 0 : i32
      %dma_wait3A_584 = tpu.memref_slice %arg4[%dma_wait3A_582, %dma_wait3A_583] : memref<10000x16xf32, #tpu.memory_space<hbm>> -> memref<10000x16xf32, #tpu.memory_space<hbm>>
      tpu.wait_indirect_dma semaphore(%arg12 : memref<!tpu.dma_semaphore, #tpu.memory_space<semaphore_mem>>) src(%dma_wait3A_584 : memref<10000x16xf32, #tpu.memory_space<hbm>>) dst(%dma_wait3A_578 : memref<100x16xf32, #tpu.memory_space<vmem>>)
      %dma_wait3A_585 = arith.constant 8 : i32
      %dma_wait3A_586 = arith.constant 800 : i32
      %dma_wait3A_587 = arith.constant 0 : i32
      %dma_wait3A_588 = tpu.memref_slice %arg11[%dma_wait3A_586, %dma_wait3A_587] : memref<2000x16xf32, #tpu.memory_space<vmem>> -> memref<100x16xf32, #tpu.memory_space<vmem>>
      %dma_wait3A_589 = arith.constant 0 : i32
      %dma_wait3A_590 = tpu.memref_slice %arg9[%dma_wait3A_585, %dma_wait3A_589] : memref<20x100xi32, #tpu.memory_space<vmem>> -> memref<1x100xi32, #tpu.memory_space<vmem>>
      %dma_wait3A_591 = tpu.memref_squeeze %dma_wait3A_590 : memref<1x100xi32, #tpu.memory_space<vmem>> -> memref<100xi32, #tpu.memory_space<vmem>>
      %dma_wait3A_592 = arith.constant 0 : i32
      %dma_wait3A_593 = arith.constant 0 : i32
      %dma_wait3A_594 = tpu.memref_slice %arg5[%dma_wait3A_592, %dma_wait3A_593] : memref<10000x16xf32, #tpu.memory_space<hbm>> -> memref<10000x16xf32, #tpu.memory_space<hbm>>
      tpu.wait_indirect_dma semaphore(%arg12 : memref<!tpu.dma_semaphore, #tpu.memory_space<semaphore_mem>>) src(%dma_wait3A_594 : memref<10000x16xf32, #tpu.memory_space<hbm>>) dst(%dma_wait3A_588 : memref<100x16xf32, #tpu.memory_space<vmem>>)
      %dma_wait3A_595 = arith.constant 9 : i32
      %dma_wait3A_596 = arith.constant 900 : i32
      %dma_wait3A_597 = arith.constant 0 : i32
      %dma_wait3A_598 = tpu.memref_slice %arg10[%dma_wait3A_596, %dma_wait3A_597] : memref<2000x16xf32, #tpu.memory_space<vmem>> -> memref<100x16xf32, #tpu.memory_space<vmem>>
      %dma_wait3A_599 = arith.constant 0 : i32
      %dma_wait3A_600 = tpu.memref_slice %arg8[%dma_wait3A_595, %dma_wait3A_599] : memref<20x100xi32, #tpu.memory_space<vmem>> -> memref<1x100xi32, #tpu.memory_space<vmem>>
      %dma_wait3A_601 = tpu.memref_squeeze %dma_wait3A_600 : memref<1x100xi32, #tpu.memory_space<vmem>> -> memref<100xi32, #tpu.memory_space<vmem>>
      %dma_wait3A_602 = arith.constant 0 : i32
      %dma_wait3A_603 = arith.constant 0 : i32
      %dma_wait3A_604 = tpu.memref_slice %arg4[%dma_wait3A_602, %dma_wait3A_603] : memref<10000x16xf32, #tpu.memory_space<hbm>> -> memref<10000x16xf32, #tpu.memory_space<hbm>>
      tpu.wait_indirect_dma semaphore(%arg12 : memref<!tpu.dma_semaphore, #tpu.memory_space<semaphore_mem>>) src(%dma_wait3A_604 : memref<10000x16xf32, #tpu.memory_space<hbm>>) dst(%dma_wait3A_598 : memref<100x16xf32, #tpu.memory_space<vmem>>)
      %dma_wait3A_605 = arith.constant 9 : i32
      %dma_wait3A_606 = arith.constant 900 : i32
      %dma_wait3A_607 = arith.constant 0 : i32
      %dma_wait3A_608 = tpu.memref_slice %arg11[%dma_wait3A_606, %dma_wait3A_607] : memref<2000x16xf32, #tpu.memory_space<vmem>> -> memref<100x16xf32, #tpu.memory_space<vmem>>
      %dma_wait3A_609 = arith.constant 0 : i32
      %dma_wait3A_610 = tpu.memref_slice %arg9[%dma_wait3A_605, %dma_wait3A_609] : memref<20x100xi32, #tpu.memory_space<vmem>> -> memref<1x100xi32, #tpu.memory_space<vmem>>
      %dma_wait3A_611 = tpu.memref_squeeze %dma_wait3A_610 : memref<1x100xi32, #tpu.memory_space<vmem>> -> memref<100xi32, #tpu.memory_space<vmem>>
      %dma_wait3A_612 = arith.constant 0 : i32
      %dma_wait3A_613 = arith.constant 0 : i32
      %dma_wait3A_614 = tpu.memref_slice %arg5[%dma_wait3A_612, %dma_wait3A_613] : memref<10000x16xf32, #tpu.memory_space<hbm>> -> memref<10000x16xf32, #tpu.memory_space<hbm>>
      tpu.wait_indirect_dma semaphore(%arg12 : memref<!tpu.dma_semaphore, #tpu.memory_space<semaphore_mem>>) src(%dma_wait3A_614 : memref<10000x16xf32, #tpu.memory_space<hbm>>) dst(%dma_wait3A_608 : memref<100x16xf32, #tpu.memory_space<vmem>>)
      %dma_wait3A_615 = arith.constant 10 : i32
      %dma_wait3A_616 = arith.constant 1000 : i32
      %dma_wait3A_617 = arith.constant 0 : i32
      %dma_wait3A_618 = tpu.memref_slice %arg10[%dma_wait3A_616, %dma_wait3A_617] : memref<2000x16xf32, #tpu.memory_space<vmem>> -> memref<100x16xf32, #tpu.memory_space<vmem>>
      %dma_wait3A_619 = arith.constant 0 : i32
      %dma_wait3A_620 = tpu.memref_slice %arg8[%dma_wait3A_615, %dma_wait3A_619] : memref<20x100xi32, #tpu.memory_space<vmem>> -> memref<1x100xi32, #tpu.memory_space<vmem>>
      %dma_wait3A_621 = tpu.memref_squeeze %dma_wait3A_620 : memref<1x100xi32, #tpu.memory_space<vmem>> -> memref<100xi32, #tpu.memory_space<vmem>>
      %dma_wait3A_622 = arith.constant 0 : i32
      %dma_wait3A_623 = arith.constant 0 : i32
      %dma_wait3A_624 = tpu.memref_slice %arg4[%dma_wait3A_622, %dma_wait3A_623] : memref<10000x16xf32, #tpu.memory_space<hbm>> -> memref<10000x16xf32, #tpu.memory_space<hbm>>
      tpu.wait_indirect_dma semaphore(%arg12 : memref<!tpu.dma_semaphore, #tpu.memory_space<semaphore_mem>>) src(%dma_wait3A_624 : memref<10000x16xf32, #tpu.memory_space<hbm>>) dst(%dma_wait3A_618 : memref<100x16xf32, #tpu.memory_space<vmem>>)
      %dma_wait3A_625 = arith.constant 10 : i32
      %dma_wait3A_626 = arith.constant 1000 : i32
      %dma_wait3A_627 = arith.constant 0 : i32
      %dma_wait3A_628 = tpu.memref_slice %arg11[%dma_wait3A_626, %dma_wait3A_627] : memref<2000x16xf32, #tpu.memory_space<vmem>> -> memref<100x16xf32, #tpu.memory_space<vmem>>
      %dma_wait3A_629 = arith.constant 0 : i32
      %dma_wait3A_630 = tpu.memref_slice %arg9[%dma_wait3A_625, %dma_wait3A_629] : memref<20x100xi32, #tpu.memory_space<vmem>> -> memref<1x100xi32, #tpu.memory_space<vmem>>
      %dma_wait3A_631 = tpu.memref_squeeze %dma_wait3A_630 : memref<1x100xi32, #tpu.memory_space<vmem>> -> memref<100xi32, #tpu.memory_space<vmem>>
      %dma_wait3A_632 = arith.constant 0 : i32
      %dma_wait3A_633 = arith.constant 0 : i32
      %dma_wait3A_634 = tpu.memref_slice %arg5[%dma_wait3A_632, %dma_wait3A_633] : memref<10000x16xf32, #tpu.memory_space<hbm>> -> memref<10000x16xf32, #tpu.memory_space<hbm>>
      tpu.wait_indirect_dma semaphore(%arg12 : memref<!tpu.dma_semaphore, #tpu.memory_space<semaphore_mem>>) src(%dma_wait3A_634 : memref<10000x16xf32, #tpu.memory_space<hbm>>) dst(%dma_wait3A_628 : memref<100x16xf32, #tpu.memory_space<vmem>>)
      %dma_wait3A_635 = arith.constant 11 : i32
      %dma_wait3A_636 = arith.constant 1100 : i32
      %dma_wait3A_637 = arith.constant 0 : i32
      %dma_wait3A_638 = tpu.memref_slice %arg10[%dma_wait3A_636, %dma_wait3A_637] : memref<2000x16xf32, #tpu.memory_space<vmem>> -> memref<100x16xf32, #tpu.memory_space<vmem>>
      %dma_wait3A_639 = arith.constant 0 : i32
      %dma_wait3A_640 = tpu.memref_slice %arg8[%dma_wait3A_635, %dma_wait3A_639] : memref<20x100xi32, #tpu.memory_space<vmem>> -> memref<1x100xi32, #tpu.memory_space<vmem>>
      %dma_wait3A_641 = tpu.memref_squeeze %dma_wait3A_640 : memref<1x100xi32, #tpu.memory_space<vmem>> -> memref<100xi32, #tpu.memory_space<vmem>>
      %dma_wait3A_642 = arith.constant 0 : i32
      %dma_wait3A_643 = arith.constant 0 : i32
      %dma_wait3A_644 = tpu.memref_slice %arg4[%dma_wait3A_642, %dma_wait3A_643] : memref<10000x16xf32, #tpu.memory_space<hbm>> -> memref<10000x16xf32, #tpu.memory_space<hbm>>
      tpu.wait_indirect_dma semaphore(%arg12 : memref<!tpu.dma_semaphore, #tpu.memory_space<semaphore_mem>>) src(%dma_wait3A_644 : memref<10000x16xf32, #tpu.memory_space<hbm>>) dst(%dma_wait3A_638 : memref<100x16xf32, #tpu.memory_space<vmem>>)
      %dma_wait3A_645 = arith.constant 11 : i32
      %dma_wait3A_646 = arith.constant 1100 : i32
      %dma_wait3A_647 = arith.constant 0 : i32
      %dma_wait3A_648 = tpu.memref_slice %arg11[%dma_wait3A_646, %dma_wait3A_647] : memref<2000x16xf32, #tpu.memory_space<vmem>> -> memref<100x16xf32, #tpu.memory_space<vmem>>
      %dma_wait3A_649 = arith.constant 0 : i32
      %dma_wait3A_650 = tpu.memref_slice %arg9[%dma_wait3A_645, %dma_wait3A_649] : memref<20x100xi32, #tpu.memory_space<vmem>> -> memref<1x100xi32, #tpu.memory_space<vmem>>
      %dma_wait3A_651 = tpu.memref_squeeze %dma_wait3A_650 : memref<1x100xi32, #tpu.memory_space<vmem>> -> memref<100xi32, #tpu.memory_space<vmem>>
      %dma_wait3A_652 = arith.constant 0 : i32
      %dma_wait3A_653 = arith.constant 0 : i32
      %dma_wait3A_654 = tpu.memref_slice %arg5[%dma_wait3A_652, %dma_wait3A_653] : memref<10000x16xf32, #tpu.memory_space<hbm>> -> memref<10000x16xf32, #tpu.memory_space<hbm>>
      tpu.wait_indirect_dma semaphore(%arg12 : memref<!tpu.dma_semaphore, #tpu.memory_space<semaphore_mem>>) src(%dma_wait3A_654 : memref<10000x16xf32, #tpu.memory_space<hbm>>) dst(%dma_wait3A_648 : memref<100x16xf32, #tpu.memory_space<vmem>>)
      %dma_wait3A_655 = arith.constant 12 : i32
      %dma_wait3A_656 = arith.constant 1200 : i32
      %dma_wait3A_657 = arith.constant 0 : i32
      %dma_wait3A_658 = tpu.memref_slice %arg10[%dma_wait3A_656, %dma_wait3A_657] : memref<2000x16xf32, #tpu.memory_space<vmem>> -> memref<100x16xf32, #tpu.memory_space<vmem>>
      %dma_wait3A_659 = arith.constant 0 : i32
      %dma_wait3A_660 = tpu.memref_slice %arg8[%dma_wait3A_655, %dma_wait3A_659] : memref<20x100xi32, #tpu.memory_space<vmem>> -> memref<1x100xi32, #tpu.memory_space<vmem>>
      %dma_wait3A_661 = tpu.memref_squeeze %dma_wait3A_660 : memref<1x100xi32, #tpu.memory_space<vmem>> -> memref<100xi32, #tpu.memory_space<vmem>>
      %dma_wait3A_662 = arith.constant 0 : i32
      %dma_wait3A_663 = arith.constant 0 : i32
      %dma_wait3A_664 = tpu.memref_slice %arg4[%dma_wait3A_662, %dma_wait3A_663] : memref<10000x16xf32, #tpu.memory_space<hbm>> -> memref<10000x16xf32, #tpu.memory_space<hbm>>
      tpu.wait_indirect_dma semaphore(%arg12 : memref<!tpu.dma_semaphore, #tpu.memory_space<semaphore_mem>>) src(%dma_wait3A_664 : memref<10000x16xf32, #tpu.memory_space<hbm>>) dst(%dma_wait3A_658 : memref<100x16xf32, #tpu.memory_space<vmem>>)
      %dma_wait3A_665 = arith.constant 12 : i32
      %dma_wait3A_666 = arith.constant 1200 : i32
      %dma_wait3A_667 = arith.constant 0 : i32
      %dma_wait3A_668 = tpu.memref_slice %arg11[%dma_wait3A_666, %dma_wait3A_667] : memref<2000x16xf32, #tpu.memory_space<vmem>> -> memref<100x16xf32, #tpu.memory_space<vmem>>
      %dma_wait3A_669 = arith.constant 0 : i32
      %dma_wait3A_670 = tpu.memref_slice %arg9[%dma_wait3A_665, %dma_wait3A_669] : memref<20x100xi32, #tpu.memory_space<vmem>> -> memref<1x100xi32, #tpu.memory_space<vmem>>
      %dma_wait3A_671 = tpu.memref_squeeze %dma_wait3A_670 : memref<1x100xi32, #tpu.memory_space<vmem>> -> memref<100xi32, #tpu.memory_space<vmem>>
      %dma_wait3A_672 = arith.constant 0 : i32
      %dma_wait3A_673 = arith.constant 0 : i32
      %dma_wait3A_674 = tpu.memref_slice %arg5[%dma_wait3A_672, %dma_wait3A_673] : memref<10000x16xf32, #tpu.memory_space<hbm>> -> memref<10000x16xf32, #tpu.memory_space<hbm>>
      tpu.wait_indirect_dma semaphore(%arg12 : memref<!tpu.dma_semaphore, #tpu.memory_space<semaphore_mem>>) src(%dma_wait3A_674 : memref<10000x16xf32, #tpu.memory_space<hbm>>) dst(%dma_wait3A_668 : memref<100x16xf32, #tpu.memory_space<vmem>>)
      %dma_wait3A_675 = arith.constant 13 : i32
      %dma_wait3A_676 = arith.constant 1300 : i32
      %dma_wait3A_677 = arith.constant 0 : i32
      %dma_wait3A_678 = tpu.memref_slice %arg10[%dma_wait3A_676, %dma_wait3A_677] : memref<2000x16xf32, #tpu.memory_space<vmem>> -> memref<100x16xf32, #tpu.memory_space<vmem>>
      %dma_wait3A_679 = arith.constant 0 : i32
      %dma_wait3A_680 = tpu.memref_slice %arg8[%dma_wait3A_675, %dma_wait3A_679] : memref<20x100xi32, #tpu.memory_space<vmem>> -> memref<1x100xi32, #tpu.memory_space<vmem>>
      %dma_wait3A_681 = tpu.memref_squeeze %dma_wait3A_680 : memref<1x100xi32, #tpu.memory_space<vmem>> -> memref<100xi32, #tpu.memory_space<vmem>>
      %dma_wait3A_682 = arith.constant 0 : i32
      %dma_wait3A_683 = arith.constant 0 : i32
      %dma_wait3A_684 = tpu.memref_slice %arg4[%dma_wait3A_682, %dma_wait3A_683] : memref<10000x16xf32, #tpu.memory_space<hbm>> -> memref<10000x16xf32, #tpu.memory_space<hbm>>
      tpu.wait_indirect_dma semaphore(%arg12 : memref<!tpu.dma_semaphore, #tpu.memory_space<semaphore_mem>>) src(%dma_wait3A_684 : memref<10000x16xf32, #tpu.memory_space<hbm>>) dst(%dma_wait3A_678 : memref<100x16xf32, #tpu.memory_space<vmem>>)
      %dma_wait3A_685 = arith.constant 13 : i32
      %dma_wait3A_686 = arith.constant 1300 : i32
      %dma_wait3A_687 = arith.constant 0 : i32
      %dma_wait3A_688 = tpu.memref_slice %arg11[%dma_wait3A_686, %dma_wait3A_687] : memref<2000x16xf32, #tpu.memory_space<vmem>> -> memref<100x16xf32, #tpu.memory_space<vmem>>
      %dma_wait3A_689 = arith.constant 0 : i32
      %dma_wait3A_690 = tpu.memref_slice %arg9[%dma_wait3A_685, %dma_wait3A_689] : memref<20x100xi32, #tpu.memory_space<vmem>> -> memref<1x100xi32, #tpu.memory_space<vmem>>
      %dma_wait3A_691 = tpu.memref_squeeze %dma_wait3A_690 : memref<1x100xi32, #tpu.memory_space<vmem>> -> memref<100xi32, #tpu.memory_space<vmem>>
      %dma_wait3A_692 = arith.constant 0 : i32
      %dma_wait3A_693 = arith.constant 0 : i32
      %dma_wait3A_694 = tpu.memref_slice %arg5[%dma_wait3A_692, %dma_wait3A_693] : memref<10000x16xf32, #tpu.memory_space<hbm>> -> memref<10000x16xf32, #tpu.memory_space<hbm>>
      tpu.wait_indirect_dma semaphore(%arg12 : memref<!tpu.dma_semaphore, #tpu.memory_space<semaphore_mem>>) src(%dma_wait3A_694 : memref<10000x16xf32, #tpu.memory_space<hbm>>) dst(%dma_wait3A_688 : memref<100x16xf32, #tpu.memory_space<vmem>>)
      %dma_wait3A_695 = arith.constant 14 : i32
      %dma_wait3A_696 = arith.constant 1400 : i32
      %dma_wait3A_697 = arith.constant 0 : i32
      %dma_wait3A_698 = tpu.memref_slice %arg10[%dma_wait3A_696, %dma_wait3A_697] : memref<2000x16xf32, #tpu.memory_space<vmem>> -> memref<100x16xf32, #tpu.memory_space<vmem>>
      %dma_wait3A_699 = arith.constant 0 : i32
      %dma_wait3A_700 = tpu.memref_slice %arg8[%dma_wait3A_695, %dma_wait3A_699] : memref<20x100xi32, #tpu.memory_space<vmem>> -> memref<1x100xi32, #tpu.memory_space<vmem>>
      %dma_wait3A_701 = tpu.memref_squeeze %dma_wait3A_700 : memref<1x100xi32, #tpu.memory_space<vmem>> -> memref<100xi32, #tpu.memory_space<vmem>>
      %dma_wait3A_702 = arith.constant 0 : i32
      %dma_wait3A_703 = arith.constant 0 : i32
      %dma_wait3A_704 = tpu.memref_slice %arg4[%dma_wait3A_702, %dma_wait3A_703] : memref<10000x16xf32, #tpu.memory_space<hbm>> -> memref<10000x16xf32, #tpu.memory_space<hbm>>
      tpu.wait_indirect_dma semaphore(%arg12 : memref<!tpu.dma_semaphore, #tpu.memory_space<semaphore_mem>>) src(%dma_wait3A_704 : memref<10000x16xf32, #tpu.memory_space<hbm>>) dst(%dma_wait3A_698 : memref<100x16xf32, #tpu.memory_space<vmem>>)
      %dma_wait3A_705 = arith.constant 14 : i32
      %dma_wait3A_706 = arith.constant 1400 : i32
      %dma_wait3A_707 = arith.constant 0 : i32
      %dma_wait3A_708 = tpu.memref_slice %arg11[%dma_wait3A_706, %dma_wait3A_707] : memref<2000x16xf32, #tpu.memory_space<vmem>> -> memref<100x16xf32, #tpu.memory_space<vmem>>
      %dma_wait3A_709 = arith.constant 0 : i32
      %dma_wait3A_710 = tpu.memref_slice %arg9[%dma_wait3A_705, %dma_wait3A_709] : memref<20x100xi32, #tpu.memory_space<vmem>> -> memref<1x100xi32, #tpu.memory_space<vmem>>
      %dma_wait3A_711 = tpu.memref_squeeze %dma_wait3A_710 : memref<1x100xi32, #tpu.memory_space<vmem>> -> memref<100xi32, #tpu.memory_space<vmem>>
      %dma_wait3A_712 = arith.constant 0 : i32
      %dma_wait3A_713 = arith.constant 0 : i32
      %dma_wait3A_714 = tpu.memref_slice %arg5[%dma_wait3A_712, %dma_wait3A_713] : memref<10000x16xf32, #tpu.memory_space<hbm>> -> memref<10000x16xf32, #tpu.memory_space<hbm>>
      tpu.wait_indirect_dma semaphore(%arg12 : memref<!tpu.dma_semaphore, #tpu.memory_space<semaphore_mem>>) src(%dma_wait3A_714 : memref<10000x16xf32, #tpu.memory_space<hbm>>) dst(%dma_wait3A_708 : memref<100x16xf32, #tpu.memory_space<vmem>>)
      %dma_wait3A_715 = arith.constant 15 : i32
      %dma_wait3A_716 = arith.constant 1500 : i32
      %dma_wait3A_717 = arith.constant 0 : i32
      %dma_wait3A_718 = tpu.memref_slice %arg10[%dma_wait3A_716, %dma_wait3A_717] : memref<2000x16xf32, #tpu.memory_space<vmem>> -> memref<100x16xf32, #tpu.memory_space<vmem>>
      %dma_wait3A_719 = arith.constant 0 : i32
      %dma_wait3A_720 = tpu.memref_slice %arg8[%dma_wait3A_715, %dma_wait3A_719] : memref<20x100xi32, #tpu.memory_space<vmem>> -> memref<1x100xi32, #tpu.memory_space<vmem>>
      %dma_wait3A_721 = tpu.memref_squeeze %dma_wait3A_720 : memref<1x100xi32, #tpu.memory_space<vmem>> -> memref<100xi32, #tpu.memory_space<vmem>>
      %dma_wait3A_722 = arith.constant 0 : i32
      %dma_wait3A_723 = arith.constant 0 : i32
      %dma_wait3A_724 = tpu.memref_slice %arg4[%dma_wait3A_722, %dma_wait3A_723] : memref<10000x16xf32, #tpu.memory_space<hbm>> -> memref<10000x16xf32, #tpu.memory_space<hbm>>
      tpu.wait_indirect_dma semaphore(%arg12 : memref<!tpu.dma_semaphore, #tpu.memory_space<semaphore_mem>>) src(%dma_wait3A_724 : memref<10000x16xf32, #tpu.memory_space<hbm>>) dst(%dma_wait3A_718 : memref<100x16xf32, #tpu.memory_space<vmem>>)
      %dma_wait3A_725 = arith.constant 15 : i32
      %dma_wait3A_726 = arith.constant 1500 : i32
      %dma_wait3A_727 = arith.constant 0 : i32
      %dma_wait3A_728 = tpu.memref_slice %arg11[%dma_wait3A_726, %dma_wait3A_727] : memref<2000x16xf32, #tpu.memory_space<vmem>> -> memref<100x16xf32, #tpu.memory_space<vmem>>
      %dma_wait3A_729 = arith.constant 0 : i32
      %dma_wait3A_730 = tpu.memref_slice %arg9[%dma_wait3A_725, %dma_wait3A_729] : memref<20x100xi32, #tpu.memory_space<vmem>> -> memref<1x100xi32, #tpu.memory_space<vmem>>
      %dma_wait3A_731 = tpu.memref_squeeze %dma_wait3A_730 : memref<1x100xi32, #tpu.memory_space<vmem>> -> memref<100xi32, #tpu.memory_space<vmem>>
      %dma_wait3A_732 = arith.constant 0 : i32
      %dma_wait3A_733 = arith.constant 0 : i32
      %dma_wait3A_734 = tpu.memref_slice %arg5[%dma_wait3A_732, %dma_wait3A_733] : memref<10000x16xf32, #tpu.memory_space<hbm>> -> memref<10000x16xf32, #tpu.memory_space<hbm>>
      tpu.wait_indirect_dma semaphore(%arg12 : memref<!tpu.dma_semaphore, #tpu.memory_space<semaphore_mem>>) src(%dma_wait3A_734 : memref<10000x16xf32, #tpu.memory_space<hbm>>) dst(%dma_wait3A_728 : memref<100x16xf32, #tpu.memory_space<vmem>>)
      %dma_wait3A_735 = arith.constant 16 : i32
      %dma_wait3A_736 = arith.constant 1600 : i32
      %dma_wait3A_737 = arith.constant 0 : i32
      %dma_wait3A_738 = tpu.memref_slice %arg10[%dma_wait3A_736, %dma_wait3A_737] : memref<2000x16xf32, #tpu.memory_space<vmem>> -> memref<100x16xf32, #tpu.memory_space<vmem>>
      %dma_wait3A_739 = arith.constant 0 : i32
      %dma_wait3A_740 = tpu.memref_slice %arg8[%dma_wait3A_735, %dma_wait3A_739] : memref<20x100xi32, #tpu.memory_space<vmem>> -> memref<1x100xi32, #tpu.memory_space<vmem>>
      %dma_wait3A_741 = tpu.memref_squeeze %dma_wait3A_740 : memref<1x100xi32, #tpu.memory_space<vmem>> -> memref<100xi32, #tpu.memory_space<vmem>>
      %dma_wait3A_742 = arith.constant 0 : i32
      %dma_wait3A_743 = arith.constant 0 : i32
      %dma_wait3A_744 = tpu.memref_slice %arg4[%dma_wait3A_742, %dma_wait3A_743] : memref<10000x16xf32, #tpu.memory_space<hbm>> -> memref<10000x16xf32, #tpu.memory_space<hbm>>
      tpu.wait_indirect_dma semaphore(%arg12 : memref<!tpu.dma_semaphore, #tpu.memory_space<semaphore_mem>>) src(%dma_wait3A_744 : memref<10000x16xf32, #tpu.memory_space<hbm>>) dst(%dma_wait3A_738 : memref<100x16xf32, #tpu.memory_space<vmem>>)
      %dma_wait3A_745 = arith.constant 16 : i32
      %dma_wait3A_746 = arith.constant 1600 : i32
      %dma_wait3A_747 = arith.constant 0 : i32
      %dma_wait3A_748 = tpu.memref_slice %arg11[%dma_wait3A_746, %dma_wait3A_747] : memref<2000x16xf32, #tpu.memory_space<vmem>> -> memref<100x16xf32, #tpu.memory_space<vmem>>
      %dma_wait3A_749 = arith.constant 0 : i32
      %dma_wait3A_750 = tpu.memref_slice %arg9[%dma_wait3A_745, %dma_wait3A_749] : memref<20x100xi32, #tpu.memory_space<vmem>> -> memref<1x100xi32, #tpu.memory_space<vmem>>
      %dma_wait3A_751 = tpu.memref_squeeze %dma_wait3A_750 : memref<1x100xi32, #tpu.memory_space<vmem>> -> memref<100xi32, #tpu.memory_space<vmem>>
      %dma_wait3A_752 = arith.constant 0 : i32
      %dma_wait3A_753 = arith.constant 0 : i32
      %dma_wait3A_754 = tpu.memref_slice %arg5[%dma_wait3A_752, %dma_wait3A_753] : memref<10000x16xf32, #tpu.memory_space<hbm>> -> memref<10000x16xf32, #tpu.memory_space<hbm>>
      tpu.wait_indirect_dma semaphore(%arg12 : memref<!tpu.dma_semaphore, #tpu.memory_space<semaphore_mem>>) src(%dma_wait3A_754 : memref<10000x16xf32, #tpu.memory_space<hbm>>) dst(%dma_wait3A_748 : memref<100x16xf32, #tpu.memory_space<vmem>>)
      %dma_wait3A_755 = arith.constant 17 : i32
      %dma_wait3A_756 = arith.constant 1700 : i32
      %dma_wait3A_757 = arith.constant 0 : i32
      %dma_wait3A_758 = tpu.memref_slice %arg10[%dma_wait3A_756, %dma_wait3A_757] : memref<2000x16xf32, #tpu.memory_space<vmem>> -> memref<100x16xf32, #tpu.memory_space<vmem>>
      %dma_wait3A_759 = arith.constant 0 : i32
      %dma_wait3A_760 = tpu.memref_slice %arg8[%dma_wait3A_755, %dma_wait3A_759] : memref<20x100xi32, #tpu.memory_space<vmem>> -> memref<1x100xi32, #tpu.memory_space<vmem>>
      %dma_wait3A_761 = tpu.memref_squeeze %dma_wait3A_760 : memref<1x100xi32, #tpu.memory_space<vmem>> -> memref<100xi32, #tpu.memory_space<vmem>>
      %dma_wait3A_762 = arith.constant 0 : i32
      %dma_wait3A_763 = arith.constant 0 : i32
      %dma_wait3A_764 = tpu.memref_slice %arg4[%dma_wait3A_762, %dma_wait3A_763] : memref<10000x16xf32, #tpu.memory_space<hbm>> -> memref<10000x16xf32, #tpu.memory_space<hbm>>
      tpu.wait_indirect_dma semaphore(%arg12 : memref<!tpu.dma_semaphore, #tpu.memory_space<semaphore_mem>>) src(%dma_wait3A_764 : memref<10000x16xf32, #tpu.memory_space<hbm>>) dst(%dma_wait3A_758 : memref<100x16xf32, #tpu.memory_space<vmem>>)
      %dma_wait3A_765 = arith.constant 17 : i32
      %dma_wait3A_766 = arith.constant 1700 : i32
      %dma_wait3A_767 = arith.constant 0 : i32
      %dma_wait3A_768 = tpu.memref_slice %arg11[%dma_wait3A_766, %dma_wait3A_767] : memref<2000x16xf32, #tpu.memory_space<vmem>> -> memref<100x16xf32, #tpu.memory_space<vmem>>
      %dma_wait3A_769 = arith.constant 0 : i32
      %dma_wait3A_770 = tpu.memref_slice %arg9[%dma_wait3A_765, %dma_wait3A_769] : memref<20x100xi32, #tpu.memory_space<vmem>> -> memref<1x100xi32, #tpu.memory_space<vmem>>
      %dma_wait3A_771 = tpu.memref_squeeze %dma_wait3A_770 : memref<1x100xi32, #tpu.memory_space<vmem>> -> memref<100xi32, #tpu.memory_space<vmem>>
      %dma_wait3A_772 = arith.constant 0 : i32
      %dma_wait3A_773 = arith.constant 0 : i32
      %dma_wait3A_774 = tpu.memref_slice %arg5[%dma_wait3A_772, %dma_wait3A_773] : memref<10000x16xf32, #tpu.memory_space<hbm>> -> memref<10000x16xf32, #tpu.memory_space<hbm>>
      tpu.wait_indirect_dma semaphore(%arg12 : memref<!tpu.dma_semaphore, #tpu.memory_space<semaphore_mem>>) src(%dma_wait3A_774 : memref<10000x16xf32, #tpu.memory_space<hbm>>) dst(%dma_wait3A_768 : memref<100x16xf32, #tpu.memory_space<vmem>>)
      %dma_wait3A_775 = arith.constant 18 : i32
      %dma_wait3A_776 = arith.constant 1800 : i32
      %dma_wait3A_777 = arith.constant 0 : i32
      %dma_wait3A_778 = tpu.memref_slice %arg10[%dma_wait3A_776, %dma_wait3A_777] : memref<2000x16xf32, #tpu.memory_space<vmem>> -> memref<100x16xf32, #tpu.memory_space<vmem>>
      %dma_wait3A_779 = arith.constant 0 : i32
      %dma_wait3A_780 = tpu.memref_slice %arg8[%dma_wait3A_775, %dma_wait3A_779] : memref<20x100xi32, #tpu.memory_space<vmem>> -> memref<1x100xi32, #tpu.memory_space<vmem>>
      %dma_wait3A_781 = tpu.memref_squeeze %dma_wait3A_780 : memref<1x100xi32, #tpu.memory_space<vmem>> -> memref<100xi32, #tpu.memory_space<vmem>>
      %dma_wait3A_782 = arith.constant 0 : i32
      %dma_wait3A_783 = arith.constant 0 : i32
      %dma_wait3A_784 = tpu.memref_slice %arg4[%dma_wait3A_782, %dma_wait3A_783] : memref<10000x16xf32, #tpu.memory_space<hbm>> -> memref<10000x16xf32, #tpu.memory_space<hbm>>
      tpu.wait_indirect_dma semaphore(%arg12 : memref<!tpu.dma_semaphore, #tpu.memory_space<semaphore_mem>>) src(%dma_wait3A_784 : memref<10000x16xf32, #tpu.memory_space<hbm>>) dst(%dma_wait3A_778 : memref<100x16xf32, #tpu.memory_space<vmem>>)
      %dma_wait3A_785 = arith.constant 18 : i32
      %dma_wait3A_786 = arith.constant 1800 : i32
      %dma_wait3A_787 = arith.constant 0 : i32
      %dma_wait3A_788 = tpu.memref_slice %arg11[%dma_wait3A_786, %dma_wait3A_787] : memref<2000x16xf32, #tpu.memory_space<vmem>> -> memref<100x16xf32, #tpu.memory_space<vmem>>
      %dma_wait3A_789 = arith.constant 0 : i32
      %dma_wait3A_790 = tpu.memref_slice %arg9[%dma_wait3A_785, %dma_wait3A_789] : memref<20x100xi32, #tpu.memory_space<vmem>> -> memref<1x100xi32, #tpu.memory_space<vmem>>
      %dma_wait3A_791 = tpu.memref_squeeze %dma_wait3A_790 : memref<1x100xi32, #tpu.memory_space<vmem>> -> memref<100xi32, #tpu.memory_space<vmem>>
      %dma_wait3A_792 = arith.constant 0 : i32
      %dma_wait3A_793 = arith.constant 0 : i32
      %dma_wait3A_794 = tpu.memref_slice %arg5[%dma_wait3A_792, %dma_wait3A_793] : memref<10000x16xf32, #tpu.memory_space<hbm>> -> memref<10000x16xf32, #tpu.memory_space<hbm>>
      tpu.wait_indirect_dma semaphore(%arg12 : memref<!tpu.dma_semaphore, #tpu.memory_space<semaphore_mem>>) src(%dma_wait3A_794 : memref<10000x16xf32, #tpu.memory_space<hbm>>) dst(%dma_wait3A_788 : memref<100x16xf32, #tpu.memory_space<vmem>>)
      %dma_wait3A_795 = arith.constant 19 : i32
      %dma_wait3A_796 = arith.constant 1900 : i32
      %dma_wait3A_797 = arith.constant 0 : i32
      %dma_wait3A_798 = tpu.memref_slice %arg10[%dma_wait3A_796, %dma_wait3A_797] : memref<2000x16xf32, #tpu.memory_space<vmem>> -> memref<100x16xf32, #tpu.memory_space<vmem>>
      %dma_wait3A_799 = arith.constant 0 : i32
      %dma_wait3A_800 = tpu.memref_slice %arg8[%dma_wait3A_795, %dma_wait3A_799] : memref<20x100xi32, #tpu.memory_space<vmem>> -> memref<1x100xi32, #tpu.memory_space<vmem>>
      %dma_wait3A_801 = tpu.memref_squeeze %dma_wait3A_800 : memref<1x100xi32, #tpu.memory_space<vmem>> -> memref<100xi32, #tpu.memory_space<vmem>>
      %dma_wait3A_802 = arith.constant 0 : i32
      %dma_wait3A_803 = arith.constant 0 : i32
      %dma_wait3A_804 = tpu.memref_slice %arg4[%dma_wait3A_802, %dma_wait3A_803] : memref<10000x16xf32, #tpu.memory_space<hbm>> -> memref<10000x16xf32, #tpu.memory_space<hbm>>
      tpu.wait_indirect_dma semaphore(%arg12 : memref<!tpu.dma_semaphore, #tpu.memory_space<semaphore_mem>>) src(%dma_wait3A_804 : memref<10000x16xf32, #tpu.memory_space<hbm>>) dst(%dma_wait3A_798 : memref<100x16xf32, #tpu.memory_space<vmem>>)
      %dma_wait3A_805 = arith.constant 19 : i32
      %dma_wait3A_806 = arith.constant 1900 : i32
      %dma_wait3A_807 = arith.constant 0 : i32
      %dma_wait3A_808 = tpu.memref_slice %arg11[%dma_wait3A_806, %dma_wait3A_807] : memref<2000x16xf32, #tpu.memory_space<vmem>> -> memref<100x16xf32, #tpu.memory_space<vmem>>
      %dma_wait3A_809 = arith.constant 0 : i32
      %dma_wait3A_810 = tpu.memref_slice %arg9[%dma_wait3A_805, %dma_wait3A_809] : memref<20x100xi32, #tpu.memory_space<vmem>> -> memref<1x100xi32, #tpu.memory_space<vmem>>
      %dma_wait3A_811 = tpu.memref_squeeze %dma_wait3A_810 : memref<1x100xi32, #tpu.memory_space<vmem>> -> memref<100xi32, #tpu.memory_space<vmem>>
      %dma_wait3A_812 = arith.constant 0 : i32
      %dma_wait3A_813 = arith.constant 0 : i32
      %dma_wait3A_814 = tpu.memref_slice %arg5[%dma_wait3A_812, %dma_wait3A_813] : memref<10000x16xf32, #tpu.memory_space<hbm>> -> memref<10000x16xf32, #tpu.memory_space<hbm>>
      tpu.wait_indirect_dma semaphore(%arg12 : memref<!tpu.dma_semaphore, #tpu.memory_space<semaphore_mem>>) src(%dma_wait3A_814 : memref<10000x16xf32, #tpu.memory_space<hbm>>) dst(%dma_wait3A_808 : memref<100x16xf32, #tpu.memory_space<vmem>>)
      "tpu.region"() ({
        %run_scoped3A = tpu.sem_alloc : memref<!tpu.dma_semaphore, #tpu.memory_space<semaphore_mem>>
        %dma_start3A_815 = arith.constant 0 : i32
        %dma_start3A_816 = tpu.memref_slice %arg6[%add3A_11, %dma_start3A_815] : memref<320000x16xf32, #tpu.memory_space<hbm>> -> memref<2000x16xf32, #tpu.memory_space<hbm>>
        %dma_start3A_817 = arith.constant 0 : i32
        %dma_start3A_818 = tpu.memref_slice %arg6[%add3A_11, %dma_start3A_817] : memref<320000x16xf32, #tpu.memory_space<hbm>> -> memref<2000x16xf32, #tpu.memory_space<hbm>>
        tpu.enqueue_dma source(%arg10 : memref<2000x16xf32, #tpu.memory_space<vmem>>) target(%dma_start3A_818 : memref<2000x16xf32, #tpu.memory_space<hbm>>) target_semaphore(%run_scoped3A : memref<!tpu.dma_semaphore, #tpu.memory_space<semaphore_mem>>)
        %dma_wait3A_819 = arith.constant 0 : i32
        %dma_wait3A_820 = tpu.memref_slice %arg6[%add3A_11, %dma_wait3A_819] : memref<320000x16xf32, #tpu.memory_space<hbm>> -> memref<2000x16xf32, #tpu.memory_space<hbm>>
        %dma_wait3A_821 = arith.constant 0 : i32
        %dma_wait3A_822 = tpu.memref_slice %arg6[%add3A_11, %dma_wait3A_821] : memref<320000x16xf32, #tpu.memory_space<hbm>> -> memref<2000x16xf32, #tpu.memory_space<hbm>>
        tpu.wait_dma2 semaphore(%run_scoped3A : memref<!tpu.dma_semaphore, #tpu.memory_space<semaphore_mem>>) src(%arg10 : memref<2000x16xf32, #tpu.memory_space<vmem>>) dst(%dma_wait3A_822 : memref<2000x16xf32, #tpu.memory_space<hbm>>)
        tpu.yield
      }) : () -> ()
      "tpu.region"() ({
        %run_scoped3A = tpu.sem_alloc : memref<!tpu.dma_semaphore, #tpu.memory_space<semaphore_mem>>
        %dma_start3A_815 = arith.constant 0 : i32
        %dma_start3A_816 = tpu.memref_slice %arg7[%add3A_11, %dma_start3A_815] : memref<320000x16xf32, #tpu.memory_space<hbm>> -> memref<2000x16xf32, #tpu.memory_space<hbm>>
        %dma_start3A_817 = arith.constant 0 : i32
        %dma_start3A_818 = tpu.memref_slice %arg7[%add3A_11, %dma_start3A_817] : memref<320000x16xf32, #tpu.memory_space<hbm>> -> memref<2000x16xf32, #tpu.memory_space<hbm>>
        tpu.enqueue_dma source(%arg11 : memref<2000x16xf32, #tpu.memory_space<vmem>>) target(%dma_start3A_818 : memref<2000x16xf32, #tpu.memory_space<hbm>>) target_semaphore(%run_scoped3A : memref<!tpu.dma_semaphore, #tpu.memory_space<semaphore_mem>>)
        %dma_wait3A_819 = arith.constant 0 : i32
        %dma_wait3A_820 = tpu.memref_slice %arg7[%add3A_11, %dma_wait3A_819] : memref<320000x16xf32, #tpu.memory_space<hbm>> -> memref<2000x16xf32, #tpu.memory_space<hbm>>
        %dma_wait3A_821 = arith.constant 0 : i32
        %dma_wait3A_822 = tpu.memref_slice %arg7[%add3A_11, %dma_wait3A_821] : memref<320000x16xf32, #tpu.memory_space<hbm>> -> memref<2000x16xf32, #tpu.memory_space<hbm>>
        tpu.wait_dma2 semaphore(%run_scoped3A : memref<!tpu.dma_semaphore, #tpu.memory_space<semaphore_mem>>) src(%arg11 : memref<2000x16xf32, #tpu.memory_space<vmem>>) dst(%dma_wait3A_822 : memref<2000x16xf32, #tpu.memory_space<hbm>>)
        tpu.yield
      }) : () -> ()
    }
    %scan3A_5 = arith.constant 5 : i32
    return
  }
}

module attributes {stable_mosaic.version = 14 : i64} {
  func.func @_proj_body(%arg0: i32, %arg1: memref<1000x128xf32, #tpu.memory_space<vmem>>, %arg2: memref<128x32xf32, #tpu.memory_space<vmem>>, %arg3: memref<1000x16xf32, #tpu.memory_space<vmem>>, %arg4: memref<1000x16xf32, #tpu.memory_space<vmem>>) attributes {dimension_semantics = [#tpu.dimension_semantics<arbitrary>], iteration_bounds = array<i64: 10>, scalar_prefetch = 0 : i64, scratch_operands = 0 : i64, tpu.core_type = #tpu.core_type<tc>, window_params = [{transform_indices = @transform_0, window_bounds = array<i64: 1000, 128>}, {pipeline_mode = #tpu.pipeline_mode<synchronous>, transform_indices = @transform_1, window_bounds = array<i64: 128, 32>}, {transform_indices = @transform_2, window_bounds = array<i64: 1000, 16>}, {transform_indices = @transform_3, window_bounds = array<i64: 1000, 16>}]} {
    %get3A = arith.constant 0 : index
    %get3A_0 = arith.constant 0 : index
    %get3A_1 = vector.load %arg1[%get3A, %get3A_0] : memref<1000x128xf32, #tpu.memory_space<vmem>>, vector<1000x128xf32>
    %get3A_2 = arith.constant 0 : index
    %get3A_3 = arith.constant 0 : index
    %get3A_4 = vector.load %arg2[%get3A_2, %get3A_3] : memref<128x32xf32, #tpu.memory_space<vmem>>, vector<128x32xf32>
    %dot_general3A = arith.constant dense<0.000000e+00> : vector<1000x32xf32>
    %dot_general3A_5 = tpu.matmul %get3A_1, %get3A_4, %dot_general3A {dimension_numbers = #tpu.dot_dimension_numbers<[1], [0], [0], [1], [0, 0, 1, 1], [], []>, transpose_lhs_hint = false} : vector<1000x128xf32>, vector<128x32xf32>, vector<1000x32xf32> -> vector<1000x32xf32>
    %slice3A = vector.extract_strided_slice %dot_general3A_5 {offsets = [0, 0], sizes = [1000, 16], strides = [1, 1]} : vector<1000x32xf32> to vector<1000x16xf32>
    %swap3A = arith.constant 0 : index
    %swap3A_6 = arith.constant 0 : index
    %swap3A_7 = vector.load %arg3[%swap3A, %swap3A_6] : memref<1000x16xf32, #tpu.memory_space<vmem>>, vector<1000x16xf32>
    tpu.vector_store %arg3[%swap3A, %swap3A_6], %slice3A {strides = array<i32>} : memref<1000x16xf32, #tpu.memory_space<vmem>>, vector<1000x16xf32>,
    %slice3A_8 = vector.extract_strided_slice %dot_general3A_5 {offsets = [0, 16], sizes = [1000, 16], strides = [1, 1]} : vector<1000x32xf32> to vector<1000x16xf32>
    %swap3A_9 = arith.constant 0 : index
    %swap3A_10 = arith.constant 0 : index
    %swap3A_11 = vector.load %arg4[%swap3A_9, %swap3A_10] : memref<1000x16xf32, #tpu.memory_space<vmem>>, vector<1000x16xf32>
    tpu.vector_store %arg4[%swap3A_9, %swap3A_10], %slice3A_8 {strides = array<i32>} : memref<1000x16xf32, #tpu.memory_space<vmem>>, vector<1000x16xf32>,
    return
  }
  func.func @transform_0(%arg0: i32) -> (i32, i32) {
    %c0_i32 = arith.constant 0 : i32
    %c0_i32_0 = arith.constant 0 : i32
    return %arg0, %c0_i32 : i32, i32
  }
  func.func @transform_1(%arg0: i32) -> (i32, i32) {
    %c0_i32 = arith.constant 0 : i32
    %c0_i32_0 = arith.constant 0 : i32
    %c0_i32_1 = arith.constant 0 : i32
    return %c0_i32, %c0_i32_0 : i32, i32
  }
  func.func @transform_2(%arg0: i32) -> (i32, i32) {
    %c0_i32 = arith.constant 0 : i32
    %c0_i32_0 = arith.constant 0 : i32
    return %arg0, %c0_i32 : i32, i32
  }
  func.func @transform_3(%arg0: i32) -> (i32, i32) {
    %c0_i32 = arith.constant 0 : i32
    %c0_i32_0 = arith.constant 0 : i32
    return %arg0, %c0_i32 : i32, i32
  }
}

module attributes {stable_mosaic.version = 14 : i64} {
  func.func @_eln_body(%arg0: i32, %arg1: memref<2000x128xf32, #tpu.memory_space<vmem>>, %arg2: memref<2000x128xf32, #tpu.memory_space<vmem>>, %arg3: memref<2000x128xf32, #tpu.memory_space<vmem>>, %arg4: memref<128x128xf32, #tpu.memory_space<vmem>>, %arg5: memref<128x128xf32, #tpu.memory_space<vmem>>, %arg6: memref<1x128xf32, #tpu.memory_space<vmem>>, %arg7: memref<1x128xf32, #tpu.memory_space<vmem>>, %arg8: memref<1x128xf32, #tpu.memory_space<vmem>>, %arg9: memref<2000x128xf32, #tpu.memory_space<vmem>>) attributes {dimension_semantics = [#tpu.dimension_semantics<arbitrary>], iteration_bounds = array<i64: 20>, scalar_prefetch = 0 : i64, scratch_operands = 0 : i64, tpu.core_type = #tpu.core_type<tc>, window_params = [{transform_indices = @transform_0, window_bounds = array<i64: 2000, 128>}, {transform_indices = @transform_1, window_bounds = array<i64: 2000, 128>}, {transform_indices = @transform_2, window_bounds = array<i64: 2000, 128>}, {pipeline_mode = #tpu.pipeline_mode<synchronous>, transform_indices = @transform_3, window_bounds = array<i64: 128, 128>}, {pipeline_mode = #tpu.pipeline_mode<synchronous>, transform_indices = @transform_4, window_bounds = array<i64: 128, 128>}, {pipeline_mode = #tpu.pipeline_mode<synchronous>, transform_indices = @transform_5, window_bounds = array<i64: 1, 128>}, {pipeline_mode = #tpu.pipeline_mode<synchronous>, transform_indices = @transform_6, window_bounds = array<i64: 1, 128>}, {pipeline_mode = #tpu.pipeline_mode<synchronous>, transform_indices = @transform_7, window_bounds = array<i64: 1, 128>}, {transform_indices = @transform_8, window_bounds = array<i64: 2000, 128>}]} {
    %get3A = arith.constant 0 : index
    %get3A_0 = arith.constant 0 : index
    %get3A_1 = vector.load %arg1[%get3A, %get3A_0] : memref<2000x128xf32, #tpu.memory_space<vmem>>, vector<2000x128xf32>
    %get3A_2 = arith.constant 0 : index
    %get3A_3 = arith.constant 0 : index
    %get3A_4 = vector.load %arg4[%get3A_2, %get3A_3] : memref<128x128xf32, #tpu.memory_space<vmem>>, vector<128x128xf32>
    %dot_general3A = arith.constant dense<0.000000e+00> : vector<2000x128xf32>
    %dot_general3A_5 = tpu.matmul %get3A_1, %get3A_4, %dot_general3A {dimension_numbers = #tpu.dot_dimension_numbers<[1], [0], [0], [1], [0, 0, 1, 1], [], []>, transpose_lhs_hint = false} : vector<2000x128xf32>, vector<128x128xf32>, vector<2000x128xf32> -> vector<2000x128xf32>
    %get3A_6 = arith.constant 0 : index
    %get3A_7 = arith.constant 0 : index
    %get3A_8 = vector.load %arg6[%get3A_6, %get3A_7] : memref<1x128xf32, #tpu.memory_space<vmem>>, vector<1x128xf32>
    %add3A = vector.broadcast %get3A_8 : vector<1x128xf32> to vector<2000x128xf32>
    %add3A_9 = arith.addf %dot_general3A_5, %add3A : vector<2000x128xf32>
    %get3A_10 = arith.constant 0 : index
    %get3A_11 = arith.constant 0 : index
    %get3A_12 = vector.load %arg2[%get3A_10, %get3A_11] : memref<2000x128xf32, #tpu.memory_space<vmem>>, vector<2000x128xf32>
    %add3A_13 = arith.addf %add3A_9, %get3A_12 : vector<2000x128xf32>
    %get3A_14 = arith.constant 0 : index
    %get3A_15 = arith.constant 0 : index
    %get3A_16 = vector.load %arg3[%get3A_14, %get3A_15] : memref<2000x128xf32, #tpu.memory_space<vmem>>, vector<2000x128xf32>
    %add3A_17 = arith.addf %add3A_13, %get3A_16 : vector<2000x128xf32>
    %get3A_18 = arith.constant 0 : index
    %get3A_19 = arith.constant 0 : index
    %get3A_20 = vector.load %arg5[%get3A_18, %get3A_19] : memref<128x128xf32, #tpu.memory_space<vmem>>, vector<128x128xf32>
    %dot_general3A_21 = arith.constant dense<0.000000e+00> : vector<2000x128xf32>
    %dot_general3A_22 = tpu.matmul %add3A_17, %get3A_20, %dot_general3A_21 {dimension_numbers = #tpu.dot_dimension_numbers<[1], [0], [0], [1], [0, 0, 1, 1], [], []>, transpose_lhs_hint = false} : vector<2000x128xf32>, vector<128x128xf32>, vector<2000x128xf32> -> vector<2000x128xf32>
    %sub3A = arith.subf %add3A_17, %dot_general3A_22 : vector<2000x128xf32>
    %mul3A = arith.mulf %sub3A, %sub3A : vector<2000x128xf32>
    %get3A_23 = arith.constant 0 : index
    %get3A_24 = arith.constant 0 : index
    %get3A_25 = vector.load %arg5[%get3A_23, %get3A_24] : memref<128x128xf32, #tpu.memory_space<vmem>>, vector<128x128xf32>
    %dot_general3A_26 = arith.constant dense<0.000000e+00> : vector<2000x128xf32>
    %dot_general3A_27 = tpu.matmul %mul3A, %get3A_25, %dot_general3A_26 {dimension_numbers = #tpu.dot_dimension_numbers<[1], [0], [0], [1], [0, 0, 1, 1], [], []>, transpose_lhs_hint = false} : vector<2000x128xf32>, vector<128x128xf32>, vector<2000x128xf32> -> vector<2000x128xf32>
    %add3A_28 = arith.constant 9.99999974E-6 : f32
    %add3A_29 = vector.broadcast %add3A_28 : f32 to vector<2000x128xf32>
    %add3A_30 = arith.addf %dot_general3A_27, %add3A_29 : vector<2000x128xf32>
    %rsqrt3A = math.rsqrt %add3A_30 : vector<2000x128xf32>
    %mul3A_31 = arith.mulf %sub3A, %rsqrt3A : vector<2000x128xf32>
    %get3A_32 = arith.constant 0 : index
    %get3A_33 = arith.constant 0 : index
    %get3A_34 = vector.load %arg7[%get3A_32, %get3A_33] : memref<1x128xf32, #tpu.memory_space<vmem>>, vector<1x128xf32>
    %mul3A_35 = vector.broadcast %get3A_34 : vector<1x128xf32> to vector<2000x128xf32>
    %mul3A_36 = arith.mulf %mul3A_31, %mul3A_35 : vector<2000x128xf32>
    %get3A_37 = arith.constant 0 : index
    %get3A_38 = arith.constant 0 : index
    %get3A_39 = vector.load %arg8[%get3A_37, %get3A_38] : memref<1x128xf32, #tpu.memory_space<vmem>>, vector<1x128xf32>
    %add3A_40 = vector.broadcast %get3A_39 : vector<1x128xf32> to vector<2000x128xf32>
    %add3A_41 = arith.addf %mul3A_36, %add3A_40 : vector<2000x128xf32>
    %swap3A = arith.constant 0 : index
    %swap3A_42 = arith.constant 0 : index
    %swap3A_43 = vector.load %arg9[%swap3A, %swap3A_42] : memref<2000x128xf32, #tpu.memory_space<vmem>>, vector<2000x128xf32>
    tpu.vector_store %arg9[%swap3A, %swap3A_42], %add3A_41 {strides = array<i32>} : memref<2000x128xf32, #tpu.memory_space<vmem>>, vector<2000x128xf32>,
    return
  }
  func.func @transform_0(%arg0: i32) -> (i32, i32) {
    %c0_i32 = arith.constant 0 : i32
    %c0_i32_0 = arith.constant 0 : i32
    return %arg0, %c0_i32 : i32, i32
  }
  func.func @transform_1(%arg0: i32) -> (i32, i32) {
    %c0_i32 = arith.constant 0 : i32
    %c0_i32_0 = arith.constant 0 : i32
    return %arg0, %c0_i32 : i32, i32
  }
  func.func @transform_2(%arg0: i32) -> (i32, i32) {
    %c0_i32 = arith.constant 0 : i32
    %c0_i32_0 = arith.constant 0 : i32
    return %arg0, %c0_i32 : i32, i32
  }
  func.func @transform_3(%arg0: i32) -> (i32, i32) {
    %c0_i32 = arith.constant 0 : i32
    %c0_i32_0 = arith.constant 0 : i32
    %c0_i32_1 = arith.constant 0 : i32
    return %c0_i32, %c0_i32_0 : i32, i32
  }
  func.func @transform_4(%arg0: i32) -> (i32, i32) {
    %c0_i32 = arith.constant 0 : i32
    %c0_i32_0 = arith.constant 0 : i32
    %c0_i32_1 = arith.constant 0 : i32
    return %c0_i32, %c0_i32_0 : i32, i32
  }
  func.func @transform_5(%arg0: i32) -> (i32, i32) {
    %c0_i32 = arith.constant 0 : i32
    %c0_i32_0 = arith.constant 0 : i32
    %c0_i32_1 = arith.constant 0 : i32
    return %c0_i32, %c0_i32_0 : i32, i32
  }
  func.func @transform_6(%arg0: i32) -> (i32, i32) {
    %c0_i32 = arith.constant 0 : i32
    %c0_i32_0 = arith.constant 0 : i32
    %c0_i32_1 = arith.constant 0 : i32
    return %c0_i32, %c0_i32_0 : i32, i32
  }
  func.func @transform_7(%arg0: i32) -> (i32, i32) {
    %c0_i32 = arith.constant 0 : i32
    %c0_i32_0 = arith.constant 0 : i32
    %c0_i32_1 = arith.constant 0 : i32
    return %c0_i32, %c0_i32_0 : i32, i32
  }
  func.func @transform_8(%arg0: i32) -> (i32, i32) {
    %c0_i32 = arith.constant 0 : i32
    %c0_i32_0 = arith.constant 0 : i32
    return %arg0, %c0_i32 : i32, i32
  }
}

module attributes {stable_mosaic.version = 14 : i64} {
  func.func @_final_body(%arg0: i32, %arg1: memref<400x128xf32, #tpu.memory_space<vmem>>, %arg2: memref<400x32xf32, #tpu.memory_space<vmem>>, %arg3: memref<400x32xf32, #tpu.memory_space<vmem>>, %arg4: memref<128x128xf32, #tpu.memory_space<vmem>>, %arg5: memref<16x128xf32, #tpu.memory_space<vmem>>, %arg6: memref<1x128xf32, #tpu.memory_space<vmem>>, %arg7: memref<1x128xf32, #tpu.memory_space<vmem>>, %arg8: memref<1x128xf32, #tpu.memory_space<vmem>>, %arg9: memref<400x128xf32, #tpu.memory_space<vmem>>) attributes {dimension_semantics = [#tpu.dimension_semantics<arbitrary>], iteration_bounds = array<i64: 25>, scalar_prefetch = 0 : i64, scratch_operands = 0 : i64, tpu.core_type = #tpu.core_type<tc>, window_params = [{transform_indices = @transform_0, window_bounds = array<i64: 400, 128>}, {transform_indices = @transform_1, window_bounds = array<i64: 400, 32>}, {transform_indices = @transform_2, window_bounds = array<i64: 400, 32>}, {pipeline_mode = #tpu.pipeline_mode<synchronous>, transform_indices = @transform_3, window_bounds = array<i64: 128, 128>}, {pipeline_mode = #tpu.pipeline_mode<synchronous>, transform_indices = @transform_4, window_bounds = array<i64: 16, 128>}, {pipeline_mode = #tpu.pipeline_mode<synchronous>, transform_indices = @transform_5, window_bounds = array<i64: 1, 128>}, {pipeline_mode = #tpu.pipeline_mode<synchronous>, transform_indices = @transform_6, window_bounds = array<i64: 1, 128>}, {pipeline_mode = #tpu.pipeline_mode<synchronous>, transform_indices = @transform_7, window_bounds = array<i64: 1, 128>}, {transform_indices = @transform_8, window_bounds = array<i64: 400, 128>}]} {
    %get3A = arith.constant 0 : index
    %get3A_0 = arith.constant 0 : index
    %get3A_1 = vector.load %arg2[%get3A, %get3A_0] : memref<400x32xf32, #tpu.memory_space<vmem>>, vector<400x32xf32>
    %get3A_2 = arith.constant 0 : index
    %get3A_3 = arith.constant 0 : index
    %get3A_4 = vector.load %arg3[%get3A_2, %get3A_3] : memref<400x32xf32, #tpu.memory_space<vmem>>, vector<400x32xf32>
    %add3A = arith.addf %get3A_1, %get3A_4 : vector<400x32xf32>
    %slice3A = vector.extract_strided_slice %add3A {offsets = [0, 0], sizes = [400, 16], strides = [1, 1]} : vector<400x32xf32> to vector<400x16xf32>
    %slice3A_5 = vector.extract_strided_slice %add3A {offsets = [0, 16], sizes = [400, 1], strides = [1, 1]} : vector<400x32xf32> to vector<400x1xf32>
    %add3A_6 = arith.constant 1.000000e-10 : f32
    %add3A_7 = vector.broadcast %add3A_6 : f32 to vector<400x1xf32>
    %add3A_8 = arith.addf %slice3A_5, %add3A_7 : vector<400x1xf32>
    %div3A = vector.broadcast %add3A_8 : vector<400x1xf32> to vector<400x16xf32>
    %div3A_9 = arith.divf %slice3A, %div3A : vector<400x16xf32>
    %get3A_10 = arith.constant 0 : index
    %get3A_11 = arith.constant 0 : index
    %get3A_12 = vector.load %arg1[%get3A_10, %get3A_11] : memref<400x128xf32, #tpu.memory_space<vmem>>, vector<400x128xf32>
    %get3A_13 = arith.constant 0 : index
    %get3A_14 = arith.constant 0 : index
    %get3A_15 = vector.load %arg4[%get3A_13, %get3A_14] : memref<128x128xf32, #tpu.memory_space<vmem>>, vector<128x128xf32>
    %dot_general3A = arith.constant dense<0.000000e+00> : vector<400x128xf32>
    %dot_general3A_16 = tpu.matmul %get3A_12, %get3A_15, %dot_general3A {dimension_numbers = #tpu.dot_dimension_numbers<[1], [0], [0], [1], [0, 0, 1, 1], [], []>, transpose_lhs_hint = false} : vector<400x128xf32>, vector<128x128xf32>, vector<400x128xf32> -> vector<400x128xf32>
    %add3A_17 = arith.addf %get3A_12, %dot_general3A_16 : vector<400x128xf32>
    %get3A_18 = arith.constant 0 : index
    %get3A_19 = arith.constant 0 : index
    %get3A_20 = vector.load %arg5[%get3A_18, %get3A_19] : memref<16x128xf32, #tpu.memory_space<vmem>>, vector<16x128xf32>
    %dot_general3A_21 = arith.constant dense<0.000000e+00> : vector<400x128xf32>
    %dot_general3A_22 = tpu.matmul %div3A_9, %get3A_20, %dot_general3A_21 {dimension_numbers = #tpu.dot_dimension_numbers<[1], [0], [0], [1], [0, 0, 1, 1], [], []>, transpose_lhs_hint = false} : vector<400x16xf32>, vector<16x128xf32>, vector<400x128xf32> -> vector<400x128xf32>
    %add3A_23 = arith.addf %add3A_17, %dot_general3A_22 : vector<400x128xf32>
    %get3A_24 = arith.constant 0 : index
    %get3A_25 = arith.constant 0 : index
    %get3A_26 = vector.load %arg6[%get3A_24, %get3A_25] : memref<1x128xf32, #tpu.memory_space<vmem>>, vector<1x128xf32>
    %add3A_27 = vector.broadcast %get3A_26 : vector<1x128xf32> to vector<400x128xf32>
    %add3A_28 = arith.addf %add3A_23, %add3A_27 : vector<400x128xf32>
    %reduce_sum3A = arith.constant dense<0.000000e+00> : vector<400xf32>
    %reduce_sum3A_29 = vector.multi_reduction <add>, %add3A_28, %reduce_sum3A [1] : vector<400x128xf32> to vector<400xf32>
    %broadcast_in_dim3A = vector.shape_cast %reduce_sum3A_29 : vector<400xf32> to vector<400x1xf32>
    %div3A_30 = arith.constant 1.280000e+02 : f32
    %div3A_31 = vector.broadcast %div3A_30 : f32 to vector<400x1xf32>
    %div3A_32 = arith.divf %broadcast_in_dim3A, %div3A_31 : vector<400x1xf32>
    %sub3A = vector.broadcast %div3A_32 : vector<400x1xf32> to vector<400x128xf32>
    %sub3A_33 = arith.subf %add3A_28, %sub3A : vector<400x128xf32>
    %mul3A = arith.mulf %sub3A_33, %sub3A_33 : vector<400x128xf32>
    %reduce_sum3A_34 = arith.constant dense<0.000000e+00> : vector<400xf32>
    %reduce_sum3A_35 = vector.multi_reduction <add>, %mul3A, %reduce_sum3A_34 [1] : vector<400x128xf32> to vector<400xf32>
    %broadcast_in_dim3A_36 = vector.shape_cast %reduce_sum3A_35 : vector<400xf32> to vector<400x1xf32>
    %div3A_37 = arith.constant 1.280000e+02 : f32
    %div3A_38 = vector.broadcast %div3A_37 : f32 to vector<400x1xf32>
    %div3A_39 = arith.divf %broadcast_in_dim3A_36, %div3A_38 : vector<400x1xf32>
    %add3A_40 = arith.constant 9.99999974E-6 : f32
    %add3A_41 = vector.broadcast %add3A_40 : f32 to vector<400x1xf32>
    %add3A_42 = arith.addf %div3A_39, %add3A_41 : vector<400x1xf32>
    %rsqrt3A = math.rsqrt %add3A_42 : vector<400x1xf32>
    %mul3A_43 = vector.broadcast %rsqrt3A : vector<400x1xf32> to vector<400x128xf32>
    %mul3A_44 = arith.mulf %sub3A_33, %mul3A_43 : vector<400x128xf32>
    %get3A_45 = arith.constant 0 : index
    %get3A_46 = arith.constant 0 : index
    %get3A_47 = vector.load %arg7[%get3A_45, %get3A_46] : memref<1x128xf32, #tpu.memory_space<vmem>>, vector<1x128xf32>
    %mul3A_48 = vector.broadcast %get3A_47 : vector<1x128xf32> to vector<400x128xf32>
    %mul3A_49 = arith.mulf %mul3A_44, %mul3A_48 : vector<400x128xf32>
    %get3A_50 = arith.constant 0 : index
    %get3A_51 = arith.constant 0 : index
    %get3A_52 = vector.load %arg8[%get3A_50, %get3A_51] : memref<1x128xf32, #tpu.memory_space<vmem>>, vector<1x128xf32>
    %add3A_53 = vector.broadcast %get3A_52 : vector<1x128xf32> to vector<400x128xf32>
    %add3A_54 = arith.addf %mul3A_49, %add3A_53 : vector<400x128xf32>
    %swap3A = arith.constant 0 : index
    %swap3A_55 = arith.constant 0 : index
    %swap3A_56 = vector.load %arg9[%swap3A, %swap3A_55] : memref<400x128xf32, #tpu.memory_space<vmem>>, vector<400x128xf32>
    tpu.vector_store %arg9[%swap3A, %swap3A_55], %add3A_54 {strides = array<i32>} : memref<400x128xf32, #tpu.memory_space<vmem>>, vector<400x128xf32>,
    return
  }
  func.func @transform_0(%arg0: i32) -> (i32, i32) {
    %c0_i32 = arith.constant 0 : i32
    %c0_i32_0 = arith.constant 0 : i32
    return %arg0, %c0_i32 : i32, i32
  }
  func.func @transform_1(%arg0: i32) -> (i32, i32) {
    %c0_i32 = arith.constant 0 : i32
    %c0_i32_0 = arith.constant 0 : i32
    return %arg0, %c0_i32 : i32, i32
  }
  func.func @transform_2(%arg0: i32) -> (i32, i32) {
    %c0_i32 = arith.constant 0 : i32
    %c0_i32_0 = arith.constant 0 : i32
    return %arg0, %c0_i32 : i32, i32
  }
  func.func @transform_3(%arg0: i32) -> (i32, i32) {
    %c0_i32 = arith.constant 0 : i32
    %c0_i32_0 = arith.constant 0 : i32
    %c0_i32_1 = arith.constant 0 : i32
    return %c0_i32, %c0_i32_0 : i32, i32
  }
  func.func @transform_4(%arg0: i32) -> (i32, i32) {
    %c0_i32 = arith.constant 0 : i32
    %c0_i32_0 = arith.constant 0 : i32
    %c0_i32_1 = arith.constant 0 : i32
    return %c0_i32, %c0_i32_0 : i32, i32
  }
  func.func @transform_5(%arg0: i32) -> (i32, i32) {
    %c0_i32 = arith.constant 0 : i32
    %c0_i32_0 = arith.constant 0 : i32
    %c0_i32_1 = arith.constant 0 : i32
    return %c0_i32, %c0_i32_0 : i32, i32
  }
  func.func @transform_6(%arg0: i32) -> (i32, i32) {
    %c0_i32 = arith.constant 0 : i32
    %c0_i32_0 = arith.constant 0 : i32
    %c0_i32_1 = arith.constant 0 : i32
    return %c0_i32, %c0_i32_0 : i32, i32
  }
  func.func @transform_7(%arg0: i32) -> (i32, i32) {
    %c0_i32 = arith.constant 0 : i32
    %c0_i32_0 = arith.constant 0 : i32
    %c0_i32_1 = arith.constant 0 : i32
    return %c0_i32, %c0_i32_0 : i32, i32
  }
  func.func @transform_8(%arg0: i32) -> (i32, i32) {
    %c0_i32 = arith.constant 0 : i32
    %c0_i32_0 = arith.constant 0 : i32
    return %arg0, %c0_i32 : i32, i32
  }
}

</mosaic_0001>

<sc_bundles>
// kernel: kernel.10.cloned.1.call-start
scs
__scs_entry_jumppad:
0x0: {  	(pc) =	sbr.rel $0x88, $3  }
0x1: {  	(tag) =	ssettag $0x0;
	lr =	simm.s32 $0x1  }
0x2: {  	[smem:$0x3F96] =	sst lr;
	_ =	strace $0xD0000000  }
0x3: {  	_ = 	snop  }
0x4: {  	_ = 	snop  }
0x5: {  	_ = 	snop  }
0x6: {  	_ = 	snop  }
0x7: {  	_ = 	snop  }
__scs_overlays_trampoline_lowered:
0x8: {  	[smem:$0x3FA5] =	sst s0  }
0x9: {  	[smem:$0x3FA6] =	sst s1  }
0xa: {  	[smem:$0x3FA7] =	sst s2  }
0xb: {  	[smem:$0x3FA8] =	sst s3  }
0xc: {  	[smem:$0x3FA9] =	sst s4  }
0xd: {  	[smem:$0x3FAA] =	sst s5  }
0xe: {  	[smem:$0x3FAB] =	sst s6  }
0xf: {  	[smem:$0x3FAC] =	sst s7  }
0x10: {  	[smem:$0x3FAD] =	sst s8  }
0x11: {  	[smem:$0x3FAE] =	sst s9;
	s0 =	simm.s32 @!p0 $0x0  }
0x12: {  	s1 =	sld [smem:$0x3F94];
	s0 =	simm.s32 @p0 $0x1  }
0x13: {  	[smem:$0x3FAF] =	sst s0;
	s0 =	simm.s32 @!p1 $0x0  }
0x14: {  	s2 =	sld [smem:$0x3F93];
	s0 =	simm.s32 @p1 $0x1  }
0x15: {  	[smem:$0x3FB0] =	sst s0;
	s0 =	simm.s32 @!p2 $0x0  }
0x16: {  	s3 =	sld [smem:$0x3FDB];
	s0 =	simm.s32 @p2 $0x1  }
0x17: {  	s4 =	simm.s32 $0x1BF5;
	[smem:$0x3FB2] =	sst s0  }
0x18: {  	s0 =	sld [smem:$0x3F95];
	_ =	swait.ge [sflag:s4], $0x0  }
0x19: {  	s7 =	sld [smem:$0x3F96]  }
0x1a: {  	s8 =	sadd.s32 $0xFFFFE003, lr  }
0x1b: {  	s9 =	sadd.s32 $0xFFFFFEF7, lr;
	s5 =	simm.s32 $0xFFFFFFFF;
	p2 =	slt.u32 s8, $0xFFFFF086  }
0x1c: {  	p1 =	slt.u32 s9, $0xF7A;
	s5 =	simm.s32 @!p2 $0x0  }
0x1d: {  	s5 =	simm.s32 @p1 $0x1;
	p0 =	seq.s32 s7, s2  }
0x1e: {  	s7 =	smul.u32 @!p0 $0xF7A, s2;
	p2 =	seq.s32 @!p0 s5, $0x0  }
0x1f: {  	s9 =	smul.u32 $0xF7A, s1;
	s8 =	simm.s32 @!p0 $0x1BF5;
	p2 =	por !p2, p0  }
0x20: {  	[sflag:s8] =	ssyncset.s32 @!p0 $0xFFFFF086;
	s6 =	sadd.s32 @!p0 s3, s7;
	s7 =	simm.s32 @!p0 $0x108  }
0x21: {  	s3 =	sadd.s32 s3, s9;
	s6 =	sadd.s32 @!p0 $0x88, s6;
	s7 =	simm.s32 @p2 $0x1082  }
0x22: {  	[simem:s7], [sflag:s8] =	dma.local @!p0 [hbm:s6], $0xF7A  }
0x23: {  	s9 =	sor.u32 $0xD0000000, s2;
	s6 =	simm.s32 $0x108;
	_ =	swait.ge @!p0 [sflag:s8], $0x0  }
0x24: {  	s3 =	sadd.s32 $0x88, s3;
	s6 =	simm.s32 @!p1 $0x1082;
	[sflag:s4] =	ssyncset.s32 $0xFFFFF086  }
0x25: {  	[simem:s6], [sflag:s4] =	dma.local [hbm:s3], $0xF7A  }
0x26: {  	[smem:$0x3F96] =	sst s1;
	(tag) =	ssettag s2;
	_ =	strace s9  }
0x27: {  	s1 =	sld [smem:$0x3FA6]  }
0x28: {  	s2 =	sld [smem:$0x3FA7]  }
0x29: {  	s4 =	sld [smem:$0x3FA9]  }
0x2a: {  	p0 =	seq.s32 s5, $0x0;
	s5 =	sld [smem:$0x3FAA]  }
0x2b: {  	s6 =	sld [smem:$0x3FAB]  }
0x2c: {  	s7 =	sld [smem:$0x3FAC]  }
0x2d: {  	s3 =	simm.s32 $0x108;
	s8 =	sld [smem:$0x3FAD]  }
0x2e: {  	s3 =	simm.s32 @!p0 $0x1082;
	s9 =	sld [smem:$0x3FAE]  }
0x2f: {  	lr =	sadd.s32 s0, s3;
	s0 =	sld [smem:$0x3FA5]  }
0x30: {  	s3 =	sld [smem:$0x3FA8]  }
0x31: {  	[smem:$0x3FB1] =	sst s10  }
0x32: {  	s10 =	sld [smem:$0x3FAF];
	_ =	sdelay $0x3  }
0x33: {  	p0 =	seq.s32 s10, $0x1;
	s10 =	sld [smem:$0x3FB1];
	_ =	sdelay $0x3  }
0x34: {  	[smem:$0x3FB1] =	sst s10  }
0x35: {  	s10 =	sld [smem:$0x3FB0];
	_ =	sdelay $0x3  }
0x36: {  	p1 =	seq.s32 s10, $0x1;
	s10 =	sld [smem:$0x3FB1];
	_ =	sdelay $0x3  }
0x37: {  	[smem:$0x3FB1] =	sst s10  }
0x38: {  	s10 =	sld [smem:$0x3FB2]  }
0x39: {  	_ = 	snop;
	(pc) =	sbr.ind lr, $3  }
0x3a: {  	_ = 	snop  }
0x3b: {  	_ = 	snop  }
0x3c: {  	p2 =	seq.s32 s10, $0x1;
	s10 =	sld [smem:$0x3FB1]  }
0x3d: {  	_ =	shalt  }
0x3e: {  	_ =	shalt  }
0x3f: {  	_ =	shalt  }
0x40: {  	_ =	shalt  }
0x41: {  	_ =	shalt  }
0x42: {  	_ =	shalt  }
0x43: {  	_ =	shalt  }
0x44: {  	_ =	shalt  }
0x45: {  	_ =	shalt  }
0x46: {  	_ =	shalt  }
0x47: {  	_ =	shalt  }
0x48: {  	_ =	shalt  }
0x49: {  	_ =	shalt  }
0x4a: {  	_ =	shalt  }
0x4b: {  	_ =	shalt  }
0x4c: {  	_ =	shalt  }
0x4d: {  	_ =	shalt  }
0x4e: {  	_ =	shalt  }
0x4f: {  	_ =	shalt  }
0x50: {  	_ =	shalt  }
0x51: {  	_ =	shalt  }
0x52: {  	_ =	shalt  }
0x53: {  	_ =	shalt  }
0x54: {  	_ =	shalt  }
0x55: {  	_ =	shalt  }
0x56: {  	_ =	shalt  }
0x57: {  	_ =	shalt  }
0x58: {  	_ =	shalt  }
0x59: {  	_ =	shalt  }
0x5a: {  	_ =	shalt  }
0x5b: {  	_ =	shalt  }
0x5c: {  	_ =	shalt  }
0x5d: {  	_ =	shalt  }
0x5e: {  	_ =	shalt  }
0x5f: {  	_ =	shalt  }
0x60: {  	_ =	shalt  }
0x61: {  	_ =	shalt  }
0x62: {  	_ =	shalt  }
0x63: {  	_ =	shalt  }
0x64: {  	_ =	shalt  }
0x65: {  	_ =	shalt  }
0x66: {  	_ =	shalt  }
0x67: {  	_ =	shalt  }
0x68: {  	_ =	shalt  }
0x69: {  	_ =	shalt  }
0x6a: {  	_ =	shalt  }
0x6b: {  	_ =	shalt  }
0x6c: {  	_ =	shalt  }
0x6d: {  	_ =	shalt  }
0x6e: {  	_ =	shalt  }
0x6f: {  	_ =	shalt  }
0x70: {  	_ =	shalt  }
0x71: {  	_ =	shalt  }
0x72: {  	_ =	shalt  }
0x73: {  	_ =	shalt  }
0x74: {  	_ =	shalt  }
0x75: {  	_ =	shalt  }
0x76: {  	_ =	shalt  }
0x77: {  	_ =	shalt  }
0x78: {  	_ =	shalt  }
0x79: {  	_ =	shalt  }
0x7a: {  	_ =	shalt  }
0x7b: {  	_ =	shalt  }
0x7c: {  	_ =	shalt  }
0x7d: {  	_ =	shalt  }
0x7e: {  	_ =	shalt  }
0x7f: {  	_ =	shalt  }
0x80: {  	_ =	shalt  }
0x81: {  	_ =	shalt  }
0x82: {  	_ =	shalt  }
0x83: {  	_ =	shalt  }
0x84: {  	_ =	shalt  }
0x85: {  	_ =	shalt  }
0x86: {  	_ =	shalt  }
0x87: {  	_ =	shalt  }
.Lfunc_end0:
.L_simem_size_0:
called_computation.1_lowered:
.L_overlay_start_0:
0x88: {  	s2 =	sld [smem:$0x3FD9]  }
0x89: {  	s3 =	sld [smem:$0x3FFE];
	_ =	sdelay $0x1  }
0x8a: {  	s1 =	srdreg.scid  }
0x8b: {  	s0 =	sand.u32 $0x1, s1  }
0x8c: {  	s14 =	sshll.u32 s0, $0xA;
	s2 =	sadd.s32 s3, s2  }
0x8d: {  	s2 =	sadd.s32 s2, s14  }
0x8e: {  	[smem:$0x3FBD] =	sst s2  }
0x8f: {  	_ = 	snop  }
0x90: {  	s2 =	sld [smem:$0x3FD0];
	_ =	sdelay $0x2  }
0x91: {  	s15 =	simm.s32 $0xA;
	s4 =	simm.s32 $0x10  }
0x92: {  	[smem:s4], [sflag:s15] =	dma.local [hbm:s2], $0x1  }
0x93: {  	_ =	swait.eq [sflag:s15], $0x1  }
0x94: {  	[sflag:s15] =	ssyncset.done $0x0  }
0x95: {  	[sflag:s15] =	ssyncadd.s32 $0xFFFFFFFF  }
0x96: {  	s16 =	sld [smem:$0x10];
	(tm) =	ssettm $0x1  }
0x97: {  	s17 =	sld [smem:$0x3FFB];
	_ =	sdelay $0x3  }
0x98: {  	_ =	strace s17  }
0x99: {  	s3 =	sld [smem:$0x3FFC];
	_ =	sdelay $0x3  }
0x9a: {  	_ =	strace s3  }
0x9b: {  	s3 =	sld [smem:$0x3FFD];
	_ =	sdelay $0x3  }
0x9c: {  	_ =	strace s3  }
0x9d: {  	_ =	strace $0x8FFFFFFF  }
0x9e: {  	s18 =	sld [smem:$0x3FDB];
	_ =	sdelay $0x1  }
0x9f: {  	s19 =	simm.s32 $_scs_section_size  }
0xa0: {  	s5 =	simm.s32 $_size__tile_overlayer_lowered;
	s6 =	simm.s32 $_tile_overlayer_lowered  }
0xa1: {  	s22 =	simm.s32 $0x1BFF;
	s21 =	sshll.u32 s6, $0x1;
	s3 =	sadd.s32 s19, s18  }
0xa2: {  	s7 =	simm.s32 $0x0;
	s20 =	sshll.u32 s5, $0x1;
	s5 =	sadd.s32 s21, s3  }
0xa3: {  	[timem:s7], [sflag:s22] =	dma.local [hbm:s5], s20  }
0xa4: {  	_ =	swait.ge [sflag:s22], s20  }
0xa5: {  	s4 =	ssub.s32 $0x0, s20;
	[sflag:s22] =	ssyncset.done $0x0  }
0xa6: {  	[sflag:s22] =	ssyncadd.s32 s4;
	_ =	sdelay $0x1  }
0xa7: {  	s23 =	simm.s32 $0x1B8B  }
0xa8: {  	_ =	swait.ge [sflag:s23], $0x1  }
0xa9: {  	[sflag:s23] =	ssyncset.done $0x0  }
0xaa: {  	s25 =	simm.s32 $0x1B8E;
	s24 =	sld [smem:$0x3FFE];
	[sflag:s23] =	ssyncadd.s32 $0xFFFFFFFF  }
0xab: {  	s26 =	simm.s32 $execute0_lowered;
	[smem:$0x3FD2] =	sst s25  }
0xac: {  	s5 =	sshll.u32 s26, $0x1;
	_ =	strace $0x80000049;
	[dreg:$0x1] =	wrdreg $0xFFFFFFFF  }
0xad: {  	s28 =	simm.s32 $_size_execute0_lowered;
	s3 =	sadd.s32 s3, s5;
	[dreg:$0x0] =	wrdreg $0x0  }
0xae: {  	s5 =	sshll.u32 s28, $0x1;
	[dreg:$0x2] =	wrdreg s3  }
0xaf: {  	[dreg:$0x3] =	wrdreg s5  }
0xb0: {  	[dreg:$0x4] =	wrdreg $0xC0  }
0xb1: {  	_ =	task [dreg:s7], $0x5FFFF  }
0xb2: {  	[dreg:$0x1] =	wrdreg $0xFFFFFFFF  }
0xb3: {  	[dreg:$0x0] =	wrdreg $0x60  }
0xb4: {  	[dreg:$0x2] =	wrdreg s24  }
0xb5: {  	[dreg:$0x3] =	wrdreg s16  }
0xb6: {  	[dreg:$0x4] =	wrdreg $0x15A400  }
0xb7: {  	[dreg:$0x5] =	wrdreg $0x9  }
0xb8: {  	_ =	task.clear_ibuf [dreg:s7], $0x6FFFF;
	_ =	strace $0x90000049  }
0xb9: {  	s29 =	simm.s32 $0x9;
	_ =	strace $0x8000004B  }
0xba: {  	_ =	swait.ge [sflag:s29], $0x1  }
0xbb: {  	[sflag:s29] =	ssyncadd.s32 $0xFFFFFFFF  }
0xbc: {  	_ =	strace $0x9000004B  }
0xbd: {  	_ =	sfence  }
0xbe: {  	s30 =	sld [smem:$0x0];
	_ =	sdelay $0x2  }
0xbf: {  	s31 =	sshll.u32 s1, $0xD;
	s1 =	sshrl.u32 s1, $0x2  }
0xc0: {  	s3 =	sand.u32 $0x4000, s31;
	s1 =	sadd.s32 s1, s30  }
0xc1: {  	s0 =	sor.u32 s3, s0;
	s1 =	sshll.u32 s1, $0x11  }
0xc2: {  	s0 =	sor.u32 s1, s0  }
0xc3: {  	s0 =	sadd.s32 $0x8F2B, s0  }
0xc4: {  	[sflag:s0] =	ssyncadd.remote.s32 $0x1  }
0xc5: {  	_ =	sfence.sel $0xFFFF  }
0xc6: {  	[dreg:$0x0] =	wrdreg $0xFFFFFFFF;
	(pc) =	sbr.abs _section_cstart, $3  }
0xc7: {  	[dreg:$0x1] =	wrdreg $0xFFFFFFFF  }
0xc8: {  	_ =	task.clear_ibuf [dreg:s7], $0x2FFFF;
	_ =	strace $0x9FFFFFFF  }
0xc9: {  	(tm) =	ssettm $0x7FFFFFFF  }
tec
execute0_lowered:
.L_overlay_start_1:
0x0: {  	(tag) =	ssettag $0x1  }
0x1: {  	s0 =	rddreg [dreg:$0x0]  }
0x2: {  	s2 =	rddreg [dreg:$0x1]  }
0x3: {  	s1 =	rddreg [dreg:$0x2];
	s3 =	simm.s32 $0x0;
	s4 =	srdreg.scid  }
0x4: {  	s8 =	stileid.u32;
	s13 =	simm.s32 $0x1;
	s9 =	simm.s32 $0x820  }
0x5: {  	s15 =	simm.s32 $0x64;
	s16 =	simm.s32 $0x1040;
	s18 =	simm.s32 $0x1CC0  }
0x6: {  	s28 =	simm.s32 $0x4240;
	s31 =	simm.s32 $0x4EC0;
	s20 =	simm.s32 $0x7440  }
0x7: {  	s30 =	simm.s32 $0x8D40;
	s10 =	simm.s32 $0x99C0;
	s19 =	simm.s32 $0xA640  }
0x8: {  	s12 =	simm.s32 $0xBF40;
	s17 =	simm.s32 $0xF140;
	s29 =	simm.s32 $0xFDC0  }
0x9: {  	s11 =	simm.s32 $0x0;
	[smem:$0x7FF] =	sst s3;
	s5 =	sadd.s32 $0x1A000, s0  }
0xa: {  	s4 =	sand.u32 $0x1, s4;
	s21 =	smul.u32 $0x5000, s8;
	s6 =	sadd.s32 $0x5800, s0  }
0xb: {  	s0 =	sadd.s32 $0xFC00, s0;
	_ =	strace $0x8000004A;
	[dreg:$0x4] =	wrdreg s5  }
0xc: {  	s8 =	sshll.u32 s8, $0x1;
	[dreg:$0x5] =	wrdreg s6;
	s22 =	ssub.s32 $0x2, s4  }
0xd: {  	s7 =	smul.u32 $0x50000, s4;
	[dreg:$0x6] =	wrdreg s0;
	s4 =	sor.u32 s4, s8  }
0xe: {  	s5 =	simm.s32 $0x0;
	s23 =	sshrl.u32 s22, $0x1;
	s25 =	smul.u32 $0x2710, s4  }
0xf: {  	s8 =	sadd.s32 s21, s1;
	s4 =	smul.u32 $0x64, s4;
	s0 =	ssub.s32 s22, s23  }
0x10: {  	s24 =	sadd.s32 s21, s7;
	s21 =	simm.s32 $0x2940;
	[dreg:$0x7] =	wrdreg s8  }
0x11: {  	s7 =	simm.s32 $0x67C0;
	s22 =	simm.s32 $0xCBC0;
	[dreg:$0x8] =	wrdreg s25  }
0x12: {  	s23 =	simm.s32 $0xE4C0;
	s26 =	sshrl.u32 s24, $0x3;
	[dreg:$0x9] =	wrdreg s4  }
0x13: {  	s0 =	smax.u32 s0, $0x1;
	s24 =	simm.s32 $0x35C0;
	s25 =	simm.s32 $0x80C0  }
0x14: {  	s2 =	sadd.s32 s2, s26;
	[dreg:$0xb] =	wrdreg s0;
	s26 =	simm.s32 $0xB2C0  }
0x15: {  	v0 =	vimm.f32 $0.0e+00;
	v1 =	vimm.f32 $1.000000000e+00;
	s0 =	simm.s32 $0xD840;
	[dreg:$0xa] =	wrdreg s2;
	s2 =	simm.s32 $0x5B40  }
.LBB2_1:
0x16: {  	[dreg:$0xc] =	wrdreg s5;
	s4 =	simm.s32 $0x80;
	s5 =	simm.s32 $0x0  }
.LBB2_2:
0x17: {  	p0 =	sne.s32 s4, $0x13F80;
	[tilespmem:s5+$0x10A40] =	vst v0;
	s6 =	smov.u32 s4;
	s4 =	sadd.s32 $0x80, s4  }
.Ltmp0:
0x18: {  	[tilespmem:s5+$0x10A50] =	vst v0;
	(pc) =	sbr.rel @p0 .LBB2_2-.Ltmp0, $2  }
0x19: {  	_ =	sdelay $0x2  }
0x1a: {  	s5 =	sshra.s32 s6, $0x2  }
0x1b: {  	[tilespmem:s5+$0x10A40] =	vst v0  }
0x1c: {  	[tilespmem:s5+$0x10A50] =	vst v0;
	s4 =	simm.s32 $0x10A40  }
0x1d: {  	[spmem:s8] =	stream.linear.scatter [tilespmem:s4], [sflag:$0x1], $0x5000, $0x38;
	[tilespmem:$0x1AA40] =	vst v63  }
0x1e: {  	_ =	swait.ge [sflag:s13], $0x5000  }
0x1f: {  	[sflag:s13] =	ssyncset.done $0x0  }
0x20: {  	s5 =	simm.s32 $0x10;
	s4 =	simm.s32 $0xC0;
	[sflag:s13] =	ssyncadd.s32 $0xFFFFB000  }
.LBB2_4:
0x21: {  	p0 =	sne.s32 s4, $0x3E7C0;
	[tilespmem:s5+$0x1040] =	vst v1;
	s5 =	smov.u32 s4;
	s4 =	sadd.s32 $0x80, s4  }
.Ltmp1:
0x22: {  	(pc) =	sbr.rel @p0 .LBB2_4-.Ltmp1, $2  }
0x23: {  	_ =	sdelay $0x2  }
0x24: {  	s5 =	sshra.s32 s5, $0x2  }
0x25: {  	[tilespmem:s5+$0x1040] =	vst v1  }
0x26: {  	s4 =	simm.s32 $0x0;
	[bflag:$0x0] =	sbarrier.arrive $0xFFFF  }
.LBB2_6:
0x27: {  	s5 =	smul.u32 $0x14, s4  }
0x28: {  	s6 =	rddreg [dreg:$0x9]  }
0x29: {  	s5 =	sadd.s32 s6, s5  }
0x2a: {  	s5 =	smul.u32 $0xD, s5  }
0x2b: {  	s8 =	rddreg [dreg:$0x5]  }
0x2c: {  	s6 =	sadd.s32 s8, s5  }
0x2d: {  	[tilespmem:s11], [sflag:$0x1] =	stream.linear.gather [hbm4b:s6+s11], $0x820, $0x38;
	[tilespmem:$0x1AA40] =	vst v63  }
0x2e: {  	_ =	swait.ge [sflag:s13], $0x820  }
0x2f: {  	[sflag:s13] =	ssyncset.done $0x0;
	s8 =	rddreg [dreg:$0x6]  }
0x30: {  	s14 =	smul.u32 $0x7D0, s4;
	[sflag:s13] =	ssyncadd.s32 $0xFFFFF7E0;
	s5 =	sadd.s32 s8, s5  }
0x31: {  	[tilespmem:s9], [sflag:$0x1] =	stream.linear.gather [hbm4b:s5+s11], $0x820, $0x38;
	[tilespmem:$0x1AA40] =	vst v63  }
0x32: {  	s9 =	rddreg [dreg:$0x8]  }
0x33: {  	s5 =	sadd.s32 s9, s14;
	_ =	swait.ge [sflag:s13], $0x820  }
0x34: {  	s6 =	simm.s32 $0x1040;
	s5 =	sshll.u32 s5, $0x1;
	s14 =	rddreg [dreg:$0x4]  }
0x35: {  	s8 =	simm.s32 $0x2;
	[sflag:s13] =	ssyncset.done $0x0;
	s5 =	sadd.s32 s14, s5  }
0x36: {  	s9 =	simm.s32 $0x1060;
	[sflag:s13] =	ssyncadd.s32 $0xFFFFF7E0;
	s14 =	sadd.s32 $0x0, s5  }
.LBB2_7:
0x37: {  	[tilespmem:s6], [sflag:$0x1] =	stream.linear.gather [hbm4b:s14+s3], $0x10, $0x38;
	[tilespmem:$0x1AA40] =	vst v63  }
0x38: {  	s14 =	smov.u32 s8;
	s6 =	smov.u32 s9;
	p0 =	sne.s32 s8, $0xF9E  }
.Ltmp2:
0x39: {  	s8 =	sadd.s32 $0x2, s8;
	(pc) =	sbr.rel @p0 .LBB2_7-.Ltmp2, $2  }
0x3a: {  	_ =	sdelay $0x2  }
0x3b: {  	s9 =	sadd.s32 $0x20, s9;
	s14 =	sadd.s32 s14, s5  }
0x3c: {  	[tilespmem:s6], [sflag:$0x1] =	stream.linear.gather [hbm4b:s14+s3], $0x10, $0x38;
	[tilespmem:$0x1AA40] =	vst v63  }
0x3d: {  	_ =	swait.ge [sflag:s13], $0x7D00  }
0x3e: {  	[sflag:s13] =	ssyncset.done $0x0  }
0x3f: {  	[sflag:s13] =	ssyncadd.s32 $0xFFFF8300  }
0x40: {  	[spmem:s1] =	stream.indirect.scatter.add.f32 [tilespmem:s16], [sflag:$0x1], $0x20, s3, s15, $0xb8;
	[tilespmem:$0x1AA40] =	vst v63  }
0x41: {  	_ =	swait.ge [sflag:s13], $0xC80  }
0x42: {  	[sflag:s13] =	ssyncset.done $0x0  }
0x43: {  	s9 =	simm.s32 $0x820;
	[sflag:s13] =	ssyncadd.s32 $0xFFFFF380  }
0x44: {  	[spmem:s1] =	stream.indirect.scatter.add.f32 [tilespmem:s16], [sflag:$0x1], $0x20, s9, s15, $0xb8;
	[tilespmem:$0x1AA40] =	vst v63  }
0x45: {  	_ =	swait.ge [sflag:s13], $0xC80  }
0x46: {  	[sflag:s13] =	ssyncset.done $0x0  }
0x47: {  	s5 =	simm.s32 $0x68;
	[sflag:s13] =	ssyncadd.s32 $0xFFFFF380  }
0x48: {  	[spmem:s1] =	stream.indirect.scatter.add.f32 [tilespmem:s18], [sflag:$0x1], $0x20, s5, s15, $0xb8;
	[tilespmem:$0x1AA40] =	vst v63  }
0x49: {  	_ =	swait.ge [sflag:s13], $0xC80  }
0x4a: {  	[sflag:s13] =	ssyncset.done $0x0  }
0x4b: {  	s14 =	simm.s32 $0x888;
	[sflag:s13] =	ssyncadd.s32 $0xFFFFF380  }
0x4c: {  	[spmem:s1] =	stream.indirect.scatter.add.f32 [tilespmem:s18], [sflag:$0x1], $0x20, s14, s15, $0xb8;
	[tilespmem:$0x1AA40] =	vst v63  }
0x4d: {  	_ =	swait.ge [sflag:s13], $0xC80  }
0x4e: {  	[sflag:s13] =	ssyncset.done $0x0  }
0x4f: {  	s6 =	simm.s32 $0xD0;
	[sflag:s13] =	ssyncadd.s32 $0xFFFFF380  }
0x50: {  	[spmem:s1] =	stream.indirect.scatter.add.f32 [tilespmem:s21], [sflag:$0x1], $0x20, s6, s15, $0xb8;
	[tilespmem:$0x1AA40] =	vst v63  }
0x51: {  	_ =	swait.ge [sflag:s13], $0xC80  }
0x52: {  	[sflag:s13] =	ssyncset.done $0x0  }
0x53: {  	s8 =	simm.s32 $0x8F0;
	[sflag:s13] =	ssyncadd.s32 $0xFFFFF380  }
0x54: {  	[spmem:s1] =	stream.indirect.scatter.add.f32 [tilespmem:s21], [sflag:$0x1], $0x20, s8, s15, $0xb8;
	[tilespmem:$0x1AA40] =	vst v63  }
0x55: {  	_ =	swait.ge [sflag:s13], $0xC80  }
0x56: {  	[sflag:s13] =	ssyncset.done $0x0  }
0x57: {  	s14 =	simm.s32 $0x138;
	[sflag:s13] =	ssyncadd.s32 $0xFFFFF380  }
0x58: {  	[spmem:s1] =	stream.indirect.scatter.add.f32 [tilespmem:s24], [sflag:$0x1], $0x20, s14, s15, $0xb8;
	[tilespmem:$0x1AA40] =	vst v63  }
0x59: {  	_ =	swait.ge [sflag:s13], $0xC80  }
0x5a: {  	[sflag:s13] =	ssyncset.done $0x0  }
0x5b: {  	s6 =	simm.s32 $0x958;
	[sflag:s13] =	ssyncadd.s32 $0xFFFFF380  }
0x5c: {  	[spmem:s1] =	stream.indirect.scatter.add.f32 [tilespmem:s24], [sflag:$0x1], $0x20, s6, s15, $0xb8;
	[tilespmem:$0x1AA40] =	vst v63  }
0x5d: {  	_ =	swait.ge [sflag:s13], $0xC80  }
0x5e: {  	[sflag:s13] =	ssyncset.done $0x0  }
0x5f: {  	s8 =	simm.s32 $0x1A0;
	[sflag:s13] =	ssyncadd.s32 $0xFFFFF380  }
0x60: {  	[spmem:s1] =	stream.indirect.scatter.add.f32 [tilespmem:s28], [sflag:$0x1], $0x20, s8, s15, $0xb8;
	[tilespmem:$0x1AA40] =	vst v63  }
0x61: {  	_ =	swait.ge [sflag:s13], $0xC80  }
0x62: {  	[sflag:s13] =	ssyncset.done $0x0  }
0x63: {  	s14 =	simm.s32 $0x9C0;
	[sflag:s13] =	ssyncadd.s32 $0xFFFFF380  }
0x64: {  	[spmem:s1] =	stream.indirect.scatter.add.f32 [tilespmem:s28], [sflag:$0x1], $0x20, s14, s15, $0xb8;
	[tilespmem:$0x1AA40] =	vst v63  }
0x65: {  	_ =	swait.ge [sflag:s13], $0xC80  }
0x66: {  	[sflag:s13] =	ssyncset.done $0x0  }
0x67: {  	s6 =	simm.s32 $0x208;
	[sflag:s13] =	ssyncadd.s32 $0xFFFFF380  }
0x68: {  	[spmem:s1] =	stream.indirect.scatter.add.f32 [tilespmem:s31], [sflag:$0x1], $0x20, s6, s15, $0xb8;
	[tilespmem:$0x1AA40] =	vst v63  }
0x69: {  	_ =	swait.ge [sflag:s13], $0xC80  }
0x6a: {  	[sflag:s13] =	ssyncset.done $0x0  }
0x6b: {  	s8 =	simm.s32 $0xA28;
	[sflag:s13] =	ssyncadd.s32 $0xFFFFF380  }
0x6c: {  	[spmem:s1] =	stream.indirect.scatter.add.f32 [tilespmem:s31], [sflag:$0x1], $0x20, s8, s15, $0xb8;
	[tilespmem:$0x1AA40] =	vst v63  }
0x6d: {  	_ =	swait.ge [sflag:s13], $0xC80  }
0x6e: {  	[sflag:s13] =	ssyncset.done $0x0  }
0x6f: {  	s14 =	simm.s32 $0x270;
	[sflag:s13] =	ssyncadd.s32 $0xFFFFF380  }
0x70: {  	[spmem:s1] =	stream.indirect.scatter.add.f32 [tilespmem:s2], [sflag:$0x1], $0x20, s14, s15, $0xb8;
	[tilespmem:$0x1AA40] =	vst v63  }
0x71: {  	_ =	swait.ge [sflag:s13], $0xC80  }
0x72: {  	[sflag:s13] =	ssyncset.done $0x0  }
0x73: {  	s6 =	simm.s32 $0xA90;
	[sflag:s13] =	ssyncadd.s32 $0xFFFFF380  }
0x74: {  	[spmem:s1] =	stream.indirect.scatter.add.f32 [tilespmem:s2], [sflag:$0x1], $0x20, s6, s15, $0xb8;
	[tilespmem:$0x1AA40] =	vst v63  }
0x75: {  	_ =	swait.ge [sflag:s13], $0xC80  }
0x76: {  	[sflag:s13] =	ssyncset.done $0x0  }
0x77: {  	s8 =	simm.s32 $0x2D8;
	[sflag:s13] =	ssyncadd.s32 $0xFFFFF380  }
0x78: {  	[spmem:s1] =	stream.indirect.scatter.add.f32 [tilespmem:s7], [sflag:$0x1], $0x20, s8, s15, $0xb8;
	[tilespmem:$0x1AA40] =	vst v63  }
0x79: {  	_ =	swait.ge [sflag:s13], $0xC80  }
0x7a: {  	[sflag:s13] =	ssyncset.done $0x0  }
0x7b: {  	s14 =	simm.s32 $0xAF8;
	[sflag:s13] =	ssyncadd.s32 $0xFFFFF380  }
0x7c: {  	[spmem:s1] =	stream.indirect.scatter.add.f32 [tilespmem:s7], [sflag:$0x1], $0x20, s14, s15, $0xb8;
	[tilespmem:$0x1AA40] =	vst v63  }
0x7d: {  	_ =	swait.ge [sflag:s13], $0xC80  }
0x7e: {  	[sflag:s13] =	ssyncset.done $0x0  }
0x7f: {  	s6 =	simm.s32 $0x340;
	[sflag:s13] =	ssyncadd.s32 $0xFFFFF380  }
0x80: {  	[spmem:s1] =	stream.indirect.scatter.add.f32 [tilespmem:s20], [sflag:$0x1], $0x20, s6, s15, $0xb8;
	[tilespmem:$0x1AA40] =	vst v63  }
0x81: {  	_ =	swait.ge [sflag:s13], $0xC80  }
0x82: {  	[sflag:s13] =	ssyncset.done $0x0  }
0x83: {  	s8 =	simm.s32 $0xB60;
	[sflag:s13] =	ssyncadd.s32 $0xFFFFF380  }
0x84: {  	[spmem:s1] =	stream.indirect.scatter.add.f32 [tilespmem:s20], [sflag:$0x1], $0x20, s8, s15, $0xb8;
	[tilespmem:$0x1AA40] =	vst v63  }
0x85: {  	_ =	swait.ge [sflag:s13], $0xC80  }
0x86: {  	[sflag:s13] =	ssyncset.done $0x0  }
0x87: {  	s14 =	simm.s32 $0x3A8;
	[sflag:s13] =	ssyncadd.s32 $0xFFFFF380  }
0x88: {  	[spmem:s1] =	stream.indirect.scatter.add.f32 [tilespmem:s25], [sflag:$0x1], $0x20, s14, s15, $0xb8;
	[tilespmem:$0x1AA40] =	vst v63  }
0x89: {  	_ =	swait.ge [sflag:s13], $0xC80  }
0x8a: {  	[sflag:s13] =	ssyncset.done $0x0  }
0x8b: {  	s6 =	simm.s32 $0xBC8;
	[sflag:s13] =	ssyncadd.s32 $0xFFFFF380  }
0x8c: {  	[spmem:s1] =	stream.indirect.scatter.add.f32 [tilespmem:s25], [sflag:$0x1], $0x20, s6, s15, $0xb8;
	[tilespmem:$0x1AA40] =	vst v63  }
0x8d: {  	_ =	swait.ge [sflag:s13], $0xC80  }
0x8e: {  	[sflag:s13] =	ssyncset.done $0x0  }
0x8f: {  	s8 =	simm.s32 $0x410;
	[sflag:s13] =	ssyncadd.s32 $0xFFFFF380  }
0x90: {  	[spmem:s1] =	stream.indirect.scatter.add.f32 [tilespmem:s30], [sflag:$0x1], $0x20, s8, s15, $0xb8;
	[tilespmem:$0x1AA40] =	vst v63  }
0x91: {  	_ =	swait.ge [sflag:s13], $0xC80  }
0x92: {  	[sflag:s13] =	ssyncset.done $0x0  }
0x93: {  	s14 =	simm.s32 $0xC30;
	[sflag:s13] =	ssyncadd.s32 $0xFFFFF380  }
0x94: {  	[spmem:s1] =	stream.indirect.scatter.add.f32 [tilespmem:s30], [sflag:$0x1], $0x20, s14, s15, $0xb8;
	[tilespmem:$0x1AA40] =	vst v63  }
0x95: {  	_ =	swait.ge [sflag:s13], $0xC80  }
0x96: {  	[sflag:s13] =	ssyncset.done $0x0  }
0x97: {  	s6 =	simm.s32 $0x478;
	[sflag:s13] =	ssyncadd.s32 $0xFFFFF380  }
0x98: {  	[spmem:s1] =	stream.indirect.scatter.add.f32 [tilespmem:s10], [sflag:$0x1], $0x20, s6, s15, $0xb8;
	[tilespmem:$0x1AA40] =	vst v63  }
0x99: {  	_ =	swait.ge [sflag:s13], $0xC80  }
0x9a: {  	[sflag:s13] =	ssyncset.done $0x0  }
0x9b: {  	s8 =	simm.s32 $0xC98;
	[sflag:s13] =	ssyncadd.s32 $0xFFFFF380  }
0x9c: {  	[spmem:s1] =	stream.indirect.scatter.add.f32 [tilespmem:s10], [sflag:$0x1], $0x20, s8, s15, $0xb8;
	[tilespmem:$0x1AA40] =	vst v63  }
0x9d: {  	_ =	swait.ge [sflag:s13], $0xC80  }
0x9e: {  	[sflag:s13] =	ssyncset.done $0x0  }
0x9f: {  	s14 =	simm.s32 $0x4E0;
	[sflag:s13] =	ssyncadd.s32 $0xFFFFF380  }
0xa0: {  	[spmem:s1] =	stream.indirect.scatter.add.f32 [tilespmem:s19], [sflag:$0x1], $0x20, s14, s15, $0xb8;
	[tilespmem:$0x1AA40] =	vst v63  }
0xa1: {  	_ =	swait.ge [sflag:s13], $0xC80  }
0xa2: {  	[sflag:s13] =	ssyncset.done $0x0  }
0xa3: {  	s6 =	simm.s32 $0xD00;
	[sflag:s13] =	ssyncadd.s32 $0xFFFFF380  }
0xa4: {  	[spmem:s1] =	stream.indirect.scatter.add.f32 [tilespmem:s19], [sflag:$0x1], $0x20, s6, s15, $0xb8;
	[tilespmem:$0x1AA40] =	vst v63  }
0xa5: {  	_ =	swait.ge [sflag:s13], $0xC80  }
0xa6: {  	[sflag:s13] =	ssyncset.done $0x0  }
0xa7: {  	s8 =	simm.s32 $0x548;
	[sflag:s13] =	ssyncadd.s32 $0xFFFFF380  }
0xa8: {  	[spmem:s1] =	stream.indirect.scatter.add.f32 [tilespmem:s26], [sflag:$0x1], $0x20, s8, s15, $0xb8;
	[tilespmem:$0x1AA40] =	vst v63  }
0xa9: {  	_ =	swait.ge [sflag:s13], $0xC80  }
0xaa: {  	[sflag:s13] =	ssyncset.done $0x0  }
0xab: {  	s14 =	simm.s32 $0xD68;
	[sflag:s13] =	ssyncadd.s32 $0xFFFFF380  }
0xac: {  	[spmem:s1] =	stream.indirect.scatter.add.f32 [tilespmem:s26], [sflag:$0x1], $0x20, s14, s15, $0xb8;
	[tilespmem:$0x1AA40] =	vst v63  }
0xad: {  	_ =	swait.ge [sflag:s13], $0xC80  }
0xae: {  	[sflag:s13] =	ssyncset.done $0x0  }
0xaf: {  	s6 =	simm.s32 $0x5B0;
	[sflag:s13] =	ssyncadd.s32 $0xFFFFF380  }
0xb0: {  	[spmem:s1] =	stream.indirect.scatter.add.f32 [tilespmem:s12], [sflag:$0x1], $0x20, s6, s15, $0xb8;
	[tilespmem:$0x1AA40] =	vst v63  }
0xb1: {  	_ =	swait.ge [sflag:s13], $0xC80  }
0xb2: {  	[sflag:s13] =	ssyncset.done $0x0  }
0xb3: {  	s8 =	simm.s32 $0xDD0;
	[sflag:s13] =	ssyncadd.s32 $0xFFFFF380  }
0xb4: {  	[spmem:s1] =	stream.indirect.scatter.add.f32 [tilespmem:s12], [sflag:$0x1], $0x20, s8, s15, $0xb8;
	[tilespmem:$0x1AA40] =	vst v63  }
0xb5: {  	_ =	swait.ge [sflag:s13], $0xC80  }
0xb6: {  	[sflag:s13] =	ssyncset.done $0x0  }
0xb7: {  	s14 =	simm.s32 $0x618;
	[sflag:s13] =	ssyncadd.s32 $0xFFFFF380  }
0xb8: {  	[spmem:s1] =	stream.indirect.scatter.add.f32 [tilespmem:s22], [sflag:$0x1], $0x20, s14, s15, $0xb8;
	[tilespmem:$0x1AA40] =	vst v63  }
0xb9: {  	_ =	swait.ge [sflag:s13], $0xC80  }
0xba: {  	[sflag:s13] =	ssyncset.done $0x0  }
0xbb: {  	s6 =	simm.s32 $0xE38;
	[sflag:s13] =	ssyncadd.s32 $0xFFFFF380  }
0xbc: {  	[spmem:s1] =	stream.indirect.scatter.add.f32 [tilespmem:s22], [sflag:$0x1], $0x20, s6, s15, $0xb8;
	[tilespmem:$0x1AA40] =	vst v63  }
0xbd: {  	_ =	swait.ge [sflag:s13], $0xC80  }
0xbe: {  	[sflag:s13] =	ssyncset.done $0x0  }
0xbf: {  	s8 =	simm.s32 $0x680;
	[sflag:s13] =	ssyncadd.s32 $0xFFFFF380  }
0xc0: {  	[spmem:s1] =	stream.indirect.scatter.add.f32 [tilespmem:s0], [sflag:$0x1], $0x20, s8, s15, $0xb8;
	[tilespmem:$0x1AA40] =	vst v63  }
0xc1: {  	_ =	swait.ge [sflag:s13], $0xC80  }
0xc2: {  	[sflag:s13] =	ssyncset.done $0x0  }
0xc3: {  	s14 =	simm.s32 $0xEA0;
	[sflag:s13] =	ssyncadd.s32 $0xFFFFF380  }
0xc4: {  	[spmem:s1] =	stream.indirect.scatter.add.f32 [tilespmem:s0], [sflag:$0x1], $0x20, s14, s15, $0xb8;
	[tilespmem:$0x1AA40] =	vst v63  }
0xc5: {  	_ =	swait.ge [sflag:s13], $0xC80  }
0xc6: {  	[sflag:s13] =	ssyncset.done $0x0  }
0xc7: {  	s6 =	simm.s32 $0x6E8;
	[sflag:s13] =	ssyncadd.s32 $0xFFFFF380  }
0xc8: {  	[spmem:s1] =	stream.indirect.scatter.add.f32 [tilespmem:s23], [sflag:$0x1], $0x20, s6, s15, $0xb8;
	[tilespmem:$0x1AA40] =	vst v63  }
0xc9: {  	_ =	swait.ge [sflag:s13], $0xC80  }
0xca: {  	[sflag:s13] =	ssyncset.done $0x0  }
0xcb: {  	s8 =	simm.s32 $0xF08;
	[sflag:s13] =	ssyncadd.s32 $0xFFFFF380  }
0xcc: {  	[spmem:s1] =	stream.indirect.scatter.add.f32 [tilespmem:s23], [sflag:$0x1], $0x20, s8, s15, $0xb8;
	[tilespmem:$0x1AA40] =	vst v63  }
0xcd: {  	_ =	swait.ge [sflag:s13], $0xC80  }
0xce: {  	[sflag:s13] =	ssyncset.done $0x0  }
0xcf: {  	s14 =	simm.s32 $0x750;
	[sflag:s13] =	ssyncadd.s32 $0xFFFFF380  }
0xd0: {  	[spmem:s1] =	stream.indirect.scatter.add.f32 [tilespmem:s17], [sflag:$0x1], $0x20, s14, s15, $0xb8;
	[tilespmem:$0x1AA40] =	vst v63  }
0xd1: {  	_ =	swait.ge [sflag:s13], $0xC80  }
0xd2: {  	[sflag:s13] =	ssyncset.done $0x0  }
0xd3: {  	s6 =	simm.s32 $0xF70;
	[sflag:s13] =	ssyncadd.s32 $0xFFFFF380  }
0xd4: {  	[spmem:s1] =	stream.indirect.scatter.add.f32 [tilespmem:s17], [sflag:$0x1], $0x20, s6, s15, $0xb8;
	[tilespmem:$0x1AA40] =	vst v63  }
0xd5: {  	_ =	swait.ge [sflag:s13], $0xC80  }
0xd6: {  	[sflag:s13] =	ssyncset.done $0x0  }
0xd7: {  	s8 =	simm.s32 $0x7B8;
	[sflag:s13] =	ssyncadd.s32 $0xFFFFF380  }
0xd8: {  	[spmem:s1] =	stream.indirect.scatter.add.f32 [tilespmem:s29], [sflag:$0x1], $0x20, s8, s15, $0xb8;
	[tilespmem:$0x1AA40] =	vst v63  }
0xd9: {  	s4 =	sadd.s32 $0x1, s4;
	_ =	swait.ge [sflag:s13], $0xC80  }
0xda: {  	p0 =	sne.s32 s4, $0x5;
	[sflag:s13] =	ssyncset.done $0x0  }
.Ltmp3:
0xdb: {  	s14 =	simm.s32 $0xFD8;
	[sflag:s13] =	ssyncadd.s32 $0xFFFFF380;
	(pc) =	sbr.rel @p0 .LBB2_6-.Ltmp3, $4  }
0xdc: {  	[spmem:s1] =	stream.indirect.scatter.add.f32 [tilespmem:s29], [sflag:$0x1], $0x20, s14, s15, $0xb8;
	[tilespmem:$0x1AA40] =	vst v63  }
0xdd: {  	_ =	swait.ge [sflag:s13], $0xC80  }
0xde: {  	[sflag:s13] =	ssyncset.done $0x0  }
0xdf: {  	[sflag:s13] =	ssyncadd.s32 $0xFFFFF380  }
0xe0: {  	s4 =	stileid.u32;
	[bflag:$0x0] =	sbarrier.arrive $0xFFFF  }
0xe1: {  	s4 =	sshll.u32 s4, $0x6;
	s8 =	rddreg [dreg:$0x7]  }
0xe2: {  	s6 =	rddreg [dreg:$0xa];
	s4 =	sor.u32 $0x1C01, s4;
	s5 =	sshrl.u32 s8, $0x3  }
0xe3: {  	[hbm:s6], [sflag:s4] =	dma.local [spmem:s5], $0xA00  }
0xe4: {  	_ =	swait.ge [sflag:s13], $0xA00  }
0xe5: {  	s6 =	rddreg [dreg:$0xc]  }
0xe6: {  	s14 =	rddreg [dreg:$0xb];
	s5 =	sadd.s32 $0x1, s6  }
0xe7: {  	p0 =	sne.s32 s5, s14  }
.Ltmp4:
0xe8: {  	_ = 	snop;
	(pc) =	sbr.rel @p0 .LBB2_1-.Ltmp4, $3  }
0xe9: {  	_ =	sdelay $0x1  }
0xea: {  	[sflag:s13] =	ssyncset.done $0x0  }
0xeb: {  	[sflag:s13] =	ssyncadd.s32 $0xFFFFF600  }
0xec: {  	_ =	sfence.sel $0x180000  }
0xed: {  	[bflag:$0x0] =	sbarrier.arrive $0xFFFF  }
0xee: {  	_ =	strace $0x9000004A  }
0xef: {  	s0 =	stileid.u32;
	[bflag:$0x2] =	sbarrier.arrive $0xFFFF  }
0xf0: {  	p0 =	sne.s32 s0, $0x0;
	s0 =	rddreg [dreg:$0x3]  }
0xf1: {  	s0 =	sadd.s32 @!p0 $0x100000, s0  }
0xf2: {  	[sflag:s0] =	ssyncadd.tile.s32 @!p0 $0x1;
	_ =	shalt  }
.Lfunc_end2:
_tile_overlayer_lowered:
.L_overlay_start_2:
0xf3: {  	(tag) =	ssettag $0x2  }
0xf4: {  	s0 =	rddreg [dreg:$0x0];
	s2 =	stileid.u32  }
0xf5: {  	s1 =	rddreg [dreg:$0x1];
	p0 =	sne.s32 s2, $0x0  }
0xf6: {  	s3 =	rddreg [dreg:$0x2];
	[bflag:$0x3] =	sbarrier.arrive $0xFFFF;
	s2 =	simm.s32 @!p0 $0x1C01  }
0xf7: {  	[timem:s3], [sflag:s2] =	dma.local @!p0 [hbm:s0], s1  }
0xf8: {  	s0 =	simm.s32 @!p0 $0x1  }
0xf9: {  	_ =	swait.ge @!p0 [sflag:s0], s1  }
0xfa: {  	s1 =	ssub.s32 @!p0 $0x0, s1;
	[sflag:s0] =	ssyncset.done @!p0 $0x0  }
0xfb: {  	[sflag:s0] =	ssyncadd.s32 @!p0 s1  }
0xfc: {  	[bflag:$0x3] =	sbarrier.arrive $0xFFFF  }
0xfd: {  	_ =	shalt  }

// kernel: kernel.7.cloned.1.call-start
scs
__scs_entry_jumppad:
0x0: {  	(pc) =	sbr.rel $0x88, $3  }
0x1: {  	(tag) =	ssettag $0x0;
	lr =	simm.s32 $0x1  }
0x2: {  	[smem:$0x3F96] =	sst lr;
	_ =	strace $0xD0000000  }
0x3: {  	_ = 	snop  }
0x4: {  	_ = 	snop  }
0x5: {  	_ = 	snop  }
0x6: {  	_ = 	snop  }
0x7: {  	_ = 	snop  }
__scs_overlays_trampoline_lowered:
0x8: {  	[smem:$0x3FA5] =	sst s0  }
0x9: {  	[smem:$0x3FA6] =	sst s1  }
0xa: {  	[smem:$0x3FA7] =	sst s2  }
0xb: {  	[smem:$0x3FA8] =	sst s3  }
0xc: {  	[smem:$0x3FA9] =	sst s4  }
0xd: {  	[smem:$0x3FAA] =	sst s5  }
0xe: {  	[smem:$0x3FAB] =	sst s6  }
0xf: {  	[smem:$0x3FAC] =	sst s7  }
0x10: {  	[smem:$0x3FAD] =	sst s8  }
0x11: {  	[smem:$0x3FAE] =	sst s9;
	s0 =	simm.s32 @!p0 $0x0  }
0x12: {  	s1 =	sld [smem:$0x3F94];
	s0 =	simm.s32 @p0 $0x1  }
0x13: {  	[smem:$0x3FAF] =	sst s0;
	s0 =	simm.s32 @!p1 $0x0  }
0x14: {  	s2 =	sld [smem:$0x3F93];
	s0 =	simm.s32 @p1 $0x1  }
0x15: {  	[smem:$0x3FB0] =	sst s0;
	s0 =	simm.s32 @!p2 $0x0  }
0x16: {  	s3 =	sld [smem:$0x3FDB];
	s0 =	simm.s32 @p2 $0x1  }
0x17: {  	s4 =	simm.s32 $0x1BF5;
	[smem:$0x3FB2] =	sst s0  }
0x18: {  	s0 =	sld [smem:$0x3F95];
	_ =	swait.ge [sflag:s4], $0x0  }
0x19: {  	s7 =	sld [smem:$0x3F96]  }
0x1a: {  	s8 =	sadd.s32 $0xFFFFE003, lr  }
0x1b: {  	s9 =	sadd.s32 $0xFFFFFEF7, lr;
	s5 =	simm.s32 $0xFFFFFFFF;
	p2 =	slt.u32 s8, $0xFFFFF086  }
0x1c: {  	p1 =	slt.u32 s9, $0xF7A;
	s5 =	simm.s32 @!p2 $0x0  }
0x1d: {  	s5 =	simm.s32 @p1 $0x1;
	p0 =	seq.s32 s7, s2  }
0x1e: {  	s7 =	smul.u32 @!p0 $0xF7A, s2;
	p2 =	seq.s32 @!p0 s5, $0x0  }
0x1f: {  	s9 =	smul.u32 $0xF7A, s1;
	s8 =	simm.s32 @!p0 $0x1BF5;
	p2 =	por !p2, p0  }
0x20: {  	[sflag:s8] =	ssyncset.s32 @!p0 $0xFFFFF086;
	s6 =	sadd.s32 @!p0 s3, s7;
	s7 =	simm.s32 @!p0 $0x108  }
0x21: {  	s3 =	sadd.s32 s3, s9;
	s6 =	sadd.s32 @!p0 $0x88, s6;
	s7 =	simm.s32 @p2 $0x1082  }
0x22: {  	[simem:s7], [sflag:s8] =	dma.local @!p0 [hbm:s6], $0xF7A  }
0x23: {  	s9 =	sor.u32 $0xD0000000, s2;
	s6 =	simm.s32 $0x108;
	_ =	swait.ge @!p0 [sflag:s8], $0x0  }
0x24: {  	s3 =	sadd.s32 $0x88, s3;
	s6 =	simm.s32 @!p1 $0x1082;
	[sflag:s4] =	ssyncset.s32 $0xFFFFF086  }
0x25: {  	[simem:s6], [sflag:s4] =	dma.local [hbm:s3], $0xF7A  }
0x26: {  	[smem:$0x3F96] =	sst s1;
	(tag) =	ssettag s2;
	_ =	strace s9  }
0x27: {  	s1 =	sld [smem:$0x3FA6]  }
0x28: {  	s2 =	sld [smem:$0x3FA7]  }
0x29: {  	s4 =	sld [smem:$0x3FA9]  }
0x2a: {  	p0 =	seq.s32 s5, $0x0;
	s5 =	sld [smem:$0x3FAA]  }
0x2b: {  	s6 =	sld [smem:$0x3FAB]  }
0x2c: {  	s7 =	sld [smem:$0x3FAC]  }
0x2d: {  	s3 =	simm.s32 $0x108;
	s8 =	sld [smem:$0x3FAD]  }
0x2e: {  	s3 =	simm.s32 @!p0 $0x1082;
	s9 =	sld [smem:$0x3FAE]  }
0x2f: {  	lr =	sadd.s32 s0, s3;
	s0 =	sld [smem:$0x3FA5]  }
0x30: {  	s3 =	sld [smem:$0x3FA8]  }
0x31: {  	[smem:$0x3FB1] =	sst s10  }
0x32: {  	s10 =	sld [smem:$0x3FAF];
	_ =	sdelay $0x3  }
0x33: {  	p0 =	seq.s32 s10, $0x1;
	s10 =	sld [smem:$0x3FB1];
	_ =	sdelay $0x3  }
0x34: {  	[smem:$0x3FB1] =	sst s10  }
0x35: {  	s10 =	sld [smem:$0x3FB0];
	_ =	sdelay $0x3  }
0x36: {  	p1 =	seq.s32 s10, $0x1;
	s10 =	sld [smem:$0x3FB1];
	_ =	sdelay $0x3  }
0x37: {  	[smem:$0x3FB1] =	sst s10  }
0x38: {  	s10 =	sld [smem:$0x3FB2]  }
0x39: {  	_ = 	snop;
	(pc) =	sbr.ind lr, $3  }
0x3a: {  	_ = 	snop  }
0x3b: {  	_ = 	snop  }
0x3c: {  	p2 =	seq.s32 s10, $0x1;
	s10 =	sld [smem:$0x3FB1]  }
0x3d: {  	_ =	shalt  }
0x3e: {  	_ =	shalt  }
0x3f: {  	_ =	shalt  }
0x40: {  	_ =	shalt  }
0x41: {  	_ =	shalt  }
0x42: {  	_ =	shalt  }
0x43: {  	_ =	shalt  }
0x44: {  	_ =	shalt  }
0x45: {  	_ =	shalt  }
0x46: {  	_ =	shalt  }
0x47: {  	_ =	shalt  }
0x48: {  	_ =	shalt  }
0x49: {  	_ =	shalt  }
0x4a: {  	_ =	shalt  }
0x4b: {  	_ =	shalt  }
0x4c: {  	_ =	shalt  }
0x4d: {  	_ =	shalt  }
0x4e: {  	_ =	shalt  }
0x4f: {  	_ =	shalt  }
0x50: {  	_ =	shalt  }
0x51: {  	_ =	shalt  }
0x52: {  	_ =	shalt  }
0x53: {  	_ =	shalt  }
0x54: {  	_ =	shalt  }
0x55: {  	_ =	shalt  }
0x56: {  	_ =	shalt  }
0x57: {  	_ =	shalt  }
0x58: {  	_ =	shalt  }
0x59: {  	_ =	shalt  }
0x5a: {  	_ =	shalt  }
0x5b: {  	_ =	shalt  }
0x5c: {  	_ =	shalt  }
0x5d: {  	_ =	shalt  }
0x5e: {  	_ =	shalt  }
0x5f: {  	_ =	shalt  }
0x60: {  	_ =	shalt  }
0x61: {  	_ =	shalt  }
0x62: {  	_ =	shalt  }
0x63: {  	_ =	shalt  }
0x64: {  	_ =	shalt  }
0x65: {  	_ =	shalt  }
0x66: {  	_ =	shalt  }
0x67: {  	_ =	shalt  }
0x68: {  	_ =	shalt  }
0x69: {  	_ =	shalt  }
0x6a: {  	_ =	shalt  }
0x6b: {  	_ =	shalt  }
0x6c: {  	_ =	shalt  }
0x6d: {  	_ =	shalt  }
0x6e: {  	_ =	shalt  }
0x6f: {  	_ =	shalt  }
0x70: {  	_ =	shalt  }
0x71: {  	_ =	shalt  }
0x72: {  	_ =	shalt  }
0x73: {  	_ =	shalt  }
0x74: {  	_ =	shalt  }
0x75: {  	_ =	shalt  }
0x76: {  	_ =	shalt  }
0x77: {  	_ =	shalt  }
0x78: {  	_ =	shalt  }
0x79: {  	_ =	shalt  }
0x7a: {  	_ =	shalt  }
0x7b: {  	_ =	shalt  }
0x7c: {  	_ =	shalt  }
0x7d: {  	_ =	shalt  }
0x7e: {  	_ =	shalt  }
0x7f: {  	_ =	shalt  }
0x80: {  	_ =	shalt  }
0x81: {  	_ =	shalt  }
0x82: {  	_ =	shalt  }
0x83: {  	_ =	shalt  }
0x84: {  	_ =	shalt  }
0x85: {  	_ =	shalt  }
0x86: {  	_ =	shalt  }
0x87: {  	_ =	shalt  }
.Lfunc_end0:
.L_simem_size_0:
called_computation_lowered:
.L_overlay_start_0:
0x88: {  	s2 =	sld [smem:$0x3FD9]  }
0x89: {  	s3 =	sld [smem:$0x3FFE];
	_ =	sdelay $0x1  }
0x8a: {  	s1 =	srdreg.scid  }
0x8b: {  	s0 =	sand.u32 $0x1, s1  }
0x8c: {  	s14 =	sshll.u32 s0, $0xA;
	s2 =	sadd.s32 s3, s2  }
0x8d: {  	s2 =	sadd.s32 s2, s14  }
0x8e: {  	[smem:$0x3FBD] =	sst s2  }
0x8f: {  	_ = 	snop  }
0x90: {  	s2 =	sld [smem:$0x3FD0];
	_ =	sdelay $0x2  }
0x91: {  	s15 =	simm.s32 $0xA;
	s4 =	simm.s32 $0x10  }
0x92: {  	[smem:s4], [sflag:s15] =	dma.local [hbm:s2], $0x1  }
0x93: {  	_ =	swait.eq [sflag:s15], $0x1  }
0x94: {  	[sflag:s15] =	ssyncset.done $0x0  }
0x95: {  	[sflag:s15] =	ssyncadd.s32 $0xFFFFFFFF  }
0x96: {  	s16 =	sld [smem:$0x10];
	(tm) =	ssettm $0x1  }
0x97: {  	s17 =	sld [smem:$0x3FFB];
	_ =	sdelay $0x3  }
0x98: {  	_ =	strace s17  }
0x99: {  	s3 =	sld [smem:$0x3FFC];
	_ =	sdelay $0x3  }
0x9a: {  	_ =	strace s3  }
0x9b: {  	s3 =	sld [smem:$0x3FFD];
	_ =	sdelay $0x3  }
0x9c: {  	_ =	strace s3  }
0x9d: {  	_ =	strace $0x8FFFFFFF  }
0x9e: {  	s18 =	sld [smem:$0x3FDB];
	_ =	sdelay $0x1  }
0x9f: {  	s19 =	simm.s32 $_scs_section_size  }
0xa0: {  	s5 =	simm.s32 $_size__tile_overlayer_lowered;
	s6 =	simm.s32 $_tile_overlayer_lowered  }
0xa1: {  	s22 =	simm.s32 $0x1BFF;
	s21 =	sshll.u32 s6, $0x1;
	s3 =	sadd.s32 s19, s18  }
0xa2: {  	s7 =	simm.s32 $0x0;
	s20 =	sshll.u32 s5, $0x1;
	s5 =	sadd.s32 s21, s3  }
0xa3: {  	[timem:s7], [sflag:s22] =	dma.local [hbm:s5], s20  }
0xa4: {  	_ =	swait.ge [sflag:s22], s20  }
0xa5: {  	s4 =	ssub.s32 $0x0, s20;
	[sflag:s22] =	ssyncset.done $0x0  }
0xa6: {  	[sflag:s22] =	ssyncadd.s32 s4;
	_ =	sdelay $0x1  }
0xa7: {  	s23 =	simm.s32 $0x1B8B  }
0xa8: {  	_ =	swait.ge [sflag:s23], $0x1  }
0xa9: {  	[sflag:s23] =	ssyncset.done $0x0  }
0xaa: {  	s25 =	simm.s32 $0x1B8E;
	s24 =	sld [smem:$0x3FFE];
	[sflag:s23] =	ssyncadd.s32 $0xFFFFFFFF  }
0xab: {  	s26 =	simm.s32 $execute0_lowered;
	[smem:$0x3FD2] =	sst s25  }
0xac: {  	s5 =	sshll.u32 s26, $0x1;
	_ =	strace $0x80000046;
	[dreg:$0x1] =	wrdreg $0xFFFFFFFF  }
0xad: {  	s28 =	simm.s32 $_size_execute0_lowered;
	s3 =	sadd.s32 s3, s5;
	[dreg:$0x0] =	wrdreg $0x0  }
0xae: {  	s5 =	sshll.u32 s28, $0x1;
	[dreg:$0x2] =	wrdreg s3  }
0xaf: {  	[dreg:$0x3] =	wrdreg s5  }
0xb0: {  	[dreg:$0x4] =	wrdreg $0xC0  }
0xb1: {  	_ =	task [dreg:s7], $0x5FFFF  }
0xb2: {  	[dreg:$0x1] =	wrdreg $0xFFFFFFFF  }
0xb3: {  	[dreg:$0x0] =	wrdreg $0x60  }
0xb4: {  	[dreg:$0x2] =	wrdreg s24  }
0xb5: {  	[dreg:$0x3] =	wrdreg s16  }
0xb6: {  	[dreg:$0x4] =	wrdreg $0x9  }
0xb7: {  	_ =	task.clear_ibuf [dreg:s7], $0x5FFFF;
	_ =	strace $0x90000046  }
0xb8: {  	s29 =	simm.s32 $0x9;
	_ =	strace $0x80000048  }
0xb9: {  	_ =	swait.ge [sflag:s29], $0x1  }
0xba: {  	[sflag:s29] =	ssyncadd.s32 $0xFFFFFFFF  }
0xbb: {  	_ =	strace $0x90000048  }
0xbc: {  	_ =	sfence  }
0xbd: {  	s30 =	sld [smem:$0x0];
	_ =	sdelay $0x2  }
0xbe: {  	s31 =	sshll.u32 s1, $0xD;
	s1 =	sshrl.u32 s1, $0x2  }
0xbf: {  	s3 =	sand.u32 $0x4000, s31;
	s1 =	sadd.s32 s1, s30  }
0xc0: {  	s0 =	sor.u32 s3, s0;
	s1 =	sshll.u32 s1, $0x11  }
0xc1: {  	s0 =	sor.u32 s1, s0  }
0xc2: {  	s0 =	sadd.s32 $0x8F2B, s0  }
0xc3: {  	[sflag:s0] =	ssyncadd.remote.s32 $0x1  }
0xc4: {  	_ =	sfence.sel $0xFFFF  }
0xc5: {  	[dreg:$0x0] =	wrdreg $0xFFFFFFFF;
	(pc) =	sbr.abs _section_cstart, $3  }
0xc6: {  	[dreg:$0x1] =	wrdreg $0xFFFFFFFF  }
0xc7: {  	_ =	task.clear_ibuf [dreg:s7], $0x2FFFF;
	_ =	strace $0x9FFFFFFF  }
0xc8: {  	(tm) =	ssettm $0x7FFFFFFF  }
0xc9: {  	_ =	shalt  }
tec
execute0_lowered:
.L_overlay_start_1:
0x0: {  	(tag) =	ssettag $0x1  }
0x1: {  	s1 =	rddreg [dreg:$0x0]  }
0x2: {  	s15 =	rddreg [dreg:$0x1];
	s5 =	simm.s32 $0x0  }
0x3: {  	s13 =	simm.s32 $0x68;
	[smem:$0x7FF] =	sst s5  }
0x4: {  	s14 =	simm.s32 $0x1680;
	_ =	strace $0x80000047;
	[dreg:$0x5] =	wrdreg s13  }
0x5: {  	s16 =	simm.s32 $0x888;
	[dreg:$0x6] =	wrdreg s14  }
0x6: {  	s17 =	simm.s32 $0x9380;
	[dreg:$0x7] =	wrdreg s16  }
0x7: {  	s18 =	simm.s32 $0xD0;
	[dreg:$0x8] =	wrdreg s17  }
0x8: {  	s19 =	simm.s32 $0x1CC0;
	[dreg:$0x9] =	wrdreg s18  }
0x9: {  	s20 =	simm.s32 $0x8F0;
	[dreg:$0xa] =	wrdreg s19  }
0xa: {  	s21 =	simm.s32 $0x99C0;
	[dreg:$0xb] =	wrdreg s20  }
0xb: {  	s22 =	simm.s32 $0x138;
	[dreg:$0xc] =	wrdreg s21  }
0xc: {  	s23 =	simm.s32 $0x2300;
	[dreg:$0xd] =	wrdreg s22  }
0xd: {  	s24 =	simm.s32 $0x958;
	[dreg:$0xe] =	wrdreg s23  }
0xe: {  	s25 =	simm.s32 $0xA000;
	[dreg:$0xf] =	wrdreg s24  }
0xf: {  	s26 =	simm.s32 $0x1A0;
	[dreg:$0x10] =	wrdreg s25  }
0x10: {  	s29 =	simm.s32 $0x2940;
	[dreg:$0x11] =	wrdreg s26  }
0x11: {  	s30 =	simm.s32 $0x9C0;
	[dreg:$0x12] =	wrdreg s29  }
0x12: {  	s31 =	simm.s32 $0xA640;
	[dreg:$0x13] =	wrdreg s30  }
0x13: {  	s5 =	simm.s32 $0x2F80;
	[dreg:$0x14] =	wrdreg s31  }
0x14: {  	s6 =	simm.s32 $0xA28;
	[dreg:$0x16] =	wrdreg s5  }
0x15: {  	s7 =	simm.s32 $0xAC80;
	[dreg:$0x17] =	wrdreg s6  }
0x16: {  	s8 =	simm.s32 $0x270;
	[dreg:$0x18] =	wrdreg s7  }
0x17: {  	s9 =	simm.s32 $0x35C0;
	[dreg:$0x19] =	wrdreg s8  }
0x18: {  	s10 =	simm.s32 $0xA90;
	[dreg:$0x1a] =	wrdreg s9  }
0x19: {  	s11 =	simm.s32 $0xB2C0;
	[dreg:$0x1b] =	wrdreg s10  }
0x1a: {  	s12 =	simm.s32 $0x2D8;
	[dreg:$0x1c] =	wrdreg s11  }
0x1b: {  	[dreg:$0x1d] =	wrdreg s12;
	s13 =	simm.s32 $0x3C00  }
0x1c: {  	s14 =	simm.s32 $0xAF8;
	[dreg:$0x1e] =	wrdreg s13  }
0x1d: {  	s16 =	simm.s32 $0xB900;
	[dreg:$0x1f] =	wrdreg s14  }
0x1e: {  	s17 =	simm.s32 $0x340;
	[smem:$0x7D8] =	sst s16  }
0x1f: {  	s18 =	simm.s32 $0x4240;
	[smem:$0x7D9] =	sst s17  }
0x20: {  	s19 =	simm.s32 $0xB60;
	[smem:$0x7DA] =	sst s18  }
0x21: {  	s20 =	simm.s32 $0xBF40;
	[smem:$0x7DB] =	sst s19  }
0x22: {  	s21 =	simm.s32 $0x3A8;
	[smem:$0x7DC] =	sst s20  }
0x23: {  	s22 =	simm.s32 $0x4880;
	[smem:$0x7DD] =	sst s21  }
0x24: {  	s23 =	simm.s32 $0xBC8;
	[smem:$0x7DE] =	sst s22  }
0x25: {  	s24 =	simm.s32 $0xC580;
	[smem:$0x7DF] =	sst s23  }
0x26: {  	s25 =	simm.s32 $0x410;
	[smem:$0x7E0] =	sst s24  }
0x27: {  	s26 =	simm.s32 $0x4EC0;
	[smem:$0x7E1] =	sst s25  }
0x28: {  	s29 =	simm.s32 $0xC30;
	[smem:$0x7E2] =	sst s26  }
0x29: {  	s30 =	simm.s32 $0xCBC0;
	[smem:$0x7E3] =	sst s29  }
0x2a: {  	s31 =	simm.s32 $0x478;
	[smem:$0x7E4] =	sst s30  }
0x2b: {  	s5 =	simm.s32 $0xC98;
	[smem:$0x7E5] =	sst s31  }
0x2c: {  	s6 =	simm.s32 $0xD200;
	[smem:$0x7E7] =	sst s5  }
0x2d: {  	s7 =	simm.s32 $0x4E0;
	[smem:$0x7E8] =	sst s6  }
0x2e: {  	s8 =	simm.s32 $0x5B40;
	[smem:$0x7E9] =	sst s7  }
0x2f: {  	s9 =	simm.s32 $0xD00;
	[smem:$0x7EA] =	sst s8  }
0x30: {  	s2 =	stileid.u32;
	s11 =	simm.s32 $0xD840;
	[smem:$0x7EB] =	sst s9  }
0x31: {  	s0 =	srdreg.scid;
	s12 =	simm.s32 $0x548;
	[smem:$0x7EC] =	sst s11  }
0x32: {  	s28 =	simm.s32 $0x1;
	[smem:$0x7ED] =	sst s12;
	s13 =	simm.s32 $0x6180  }
0x33: {  	s3 =	smul.u32 $0xA28, s2;
	s16 =	simm.s32 $0xD68;
	[smem:$0x7EE] =	sst s13  }
0x34: {  	s0 =	sand.u32 $0x1, s0;
	s17 =	simm.s32 $0xDE80;
	[smem:$0x7EF] =	sst s16  }
0x35: {  	s4 =	smul.u32 $0x514, s0;
	s18 =	simm.s32 $0x5B0;
	[smem:$0x7F0] =	sst s17  }
0x36: {  	s10 =	smul.u32 $0x9C40, s2;
	s19 =	simm.s32 $0x67C0;
	[smem:$0x7F1] =	sst s18  }
0x37: {  	s2 =	simm.s32 $0x0;
	s21 =	simm.s32 $0xDD0;
	[smem:$0x7F3] =	sst s19  }
0x38: {  	s3 =	sadd.s32 s3, s1;
	s22 =	simm.s32 $0xE4C0;
	[smem:$0x7F4] =	sst s21  }
0x39: {  	s14 =	ssub.s32 $0x2, s0;
	s24 =	simm.s32 $0x618;
	[smem:$0x7F6] =	sst s22  }
0x3a: {  	s0 =	smul.u32 $0x4E20, s0;
	s25 =	simm.s32 $0x6E00;
	[smem:$0x7F8] =	sst s24  }
0x3b: {  	s26 =	simm.s32 $0xE38;
	s29 =	simm.s32 $0xEB00;
	[smem:$0x7F9] =	sst s25  }
0x3c: {  	s30 =	simm.s32 $0x680;
	s31 =	simm.s32 $0x7440;
	[smem:$0x7FA] =	sst s26  }
0x3d: {  	s8 =	simm.s32 $0xEA0;
	s9 =	simm.s32 $0xF140;
	[smem:$0x7FB] =	sst s29  }
0x3e: {  	s11 =	simm.s32 $0x6E8;
	s12 =	simm.s32 $0x7A80;
	[smem:$0x7FC] =	sst s30  }
0x3f: {  	s3 =	sadd.s32 s4, s3;
	s6 =	sshrl.u32 s14, $0x1;
	[smem:$0x7FD] =	sst s31  }
0x40: {  	s13 =	simm.s32 $0xF08;
	s16 =	simm.s32 $0x750;
	s17 =	simm.s32 $0x80C0  }
0x41: {  	s18 =	simm.s32 $0xF70;
	s21 =	simm.s32 $0x7B8;
	s22 =	simm.s32 $0x8700  }
0x42: {  	s24 =	simm.s32 $0x10400;
	s4 =	sadd.s32 $0x5800, s3;
	s3 =	sadd.s32 $0xFC00, s3  }
0x43: {  	s5 =	ssub.s32 s14, s6;
	[dreg:$0x3] =	wrdreg s4;
	s4 =	simm.s32 $0x208  }
0x44: {  	s6 =	simm.s32 $0x820;
	[dreg:$0x15] =	wrdreg s4;
	s4 =	simm.s32 $0x5500  }
0x45: {  	[smem:$0x7E6] =	sst s4;
	s4 =	sadd.s32 $0x1A000, s1;
	s1 =	sadd.s32 s10, s1  }
0x46: {  	[dreg:$0x4] =	wrdreg s3;
	s20 =	smax.u32 s5, $0x1;
	s0 =	sadd.s32 s0, s1  }
0x47: {  	s14 =	simm.s32 $0xF780;
	[smem:$0x7F2] =	sst s20;
	s23 =	sadd.s32 $0xBB400, s0  }
0x48: {  	s20 =	simm.s32 $0xFDC0;
	s0 =	sadd.s32 $0x1F000, s0;
	[smem:$0x7F5] =	sst s23  }
0x49: {  	s10 =	simm.s32 $0x64;
	[smem:$0x7F7] =	sst s0;
	s23 =	simm.s32 $0xFD8  }
.LBB2_1:
0x4a: {  	[smem:$0x7D7] =	sst s2  }
0x4b: {  	s0 =	rddreg [dreg:$0x3]  }
0x4c: {  	s7 =	simm.s32 $0x0;
	s3 =	simm.s32 $0x2;
	s0 =	sadd.s32 $0x0, s0  }
0x4d: {  	[tilespmem:s7], [sflag:$0x2] =	stream.linear.gather [hbm4b:s0+s7], $0x820, $0x38;
	[tilespmem:$0x10A40] =	vst v63  }
0x4e: {  	_ =	swait.ge [sflag:s3], $0x820  }
0x4f: {  	s19 =	rddreg [dreg:$0x4];
	[sflag:s3] =	ssyncset.done $0x0  }
0x50: {  	[sflag:s3] =	ssyncadd.s32 $0xFFFFF7E0;
	s0 =	sadd.s32 $0x0, s19  }
0x51: {  	[tilespmem:s6], [sflag:$0x2] =	stream.linear.gather [hbm4b:s0+s7], $0x820, $0x38;
	[tilespmem:$0x10A40] =	vst v63  }
0x52: {  	_ =	swait.ge [sflag:s3], $0x820  }
0x53: {  	s0 =	sld [smem:$0x7FD]  }
0x54: {  	s1 =	rddreg [dreg:$0x5]  }
0x55: {  	s25 =	rddreg [dreg:$0x6]  }
0x56: {  	s26 =	rddreg [dreg:$0x8]  }
0x57: {  	s30 =	rddreg [dreg:$0x7]  }
0x58: {  	s31 =	rddreg [dreg:$0xa]  }
0x59: {  	[sflag:s3] =	ssyncset.done $0x0;
	s2 =	rddreg [dreg:$0x9]  }
0x5a: {  	s5 =	simm.s32 $0x1040;
	s19 =	rddreg [dreg:$0xb];
	[sflag:s3] =	ssyncadd.s32 $0xFFFFF7E0  }
0x5b: {  	[tilespmem:s5], [sflag:$0x1] =	stream.indirect.gather [hbm4b:s15+s10], $0x10, s7, s10, $0xb8;
	[tilespmem:$0x10A40] =	vst v63  }
0x5c: {  	s29 =	simm.s32 $0x8D40;
	s7 =	rddreg [dreg:$0xc]  }
0x5d: {  	[tilespmem:s29], [sflag:$0x1] =	stream.indirect.gather [hbm4b:s4+s10], $0x10, s6, s10, $0xb8;
	[tilespmem:$0x10A40] =	vst v63  }
0x5e: {  	s29 =	rddreg [dreg:$0x10]  }
0x5f: {  	s6 =	sld [smem:$0x7F6]  }
0x60: {  	[tilespmem:s25], [sflag:$0x1] =	stream.indirect.gather [hbm4b:s15+s10], $0x10, s1, s10, $0xb8;
	[tilespmem:$0x10A40] =	vst v63  }
0x61: {  	s25 =	rddreg [dreg:$0xe]  }
0x62: {  	[tilespmem:s26], [sflag:$0x1] =	stream.indirect.gather [hbm4b:s4+s10], $0x10, s30, s10, $0xb8;
	[tilespmem:$0x10A40] =	vst v63  }
0x63: {  	s26 =	rddreg [dreg:$0xd]  }
0x64: {  	s30 =	rddreg [dreg:$0xf]  }
0x65: {  	[tilespmem:s31], [sflag:$0x1] =	stream.indirect.gather [hbm4b:s15+s10], $0x10, s2, s10, $0xb8;
	[tilespmem:$0x10A40] =	vst v63  }
0x66: {  	s31 =	rddreg [dreg:$0x12]  }
0x67: {  	s2 =	rddreg [dreg:$0x11]  }
0x68: {  	[tilespmem:s7], [sflag:$0x1] =	stream.indirect.gather [hbm4b:s4+s10], $0x10, s19, s10, $0xb8;
	[tilespmem:$0x10A40] =	vst v63  }
0x69: {  	s7 =	rddreg [dreg:$0x14]  }
0x6a: {  	s19 =	rddreg [dreg:$0x13]  }
0x6b: {  	[tilespmem:s25], [sflag:$0x1] =	stream.indirect.gather [hbm4b:s15+s10], $0x10, s26, s10, $0xb8;
	[tilespmem:$0x10A40] =	vst v63  }
0x6c: {  	s25 =	rddreg [dreg:$0x16]  }
0x6d: {  	s26 =	rddreg [dreg:$0x15]  }
0x6e: {  	[tilespmem:s29], [sflag:$0x1] =	stream.indirect.gather [hbm4b:s4+s10], $0x10, s30, s10, $0xb8;
	[tilespmem:$0x10A40] =	vst v63  }
0x6f: {  	s29 =	rddreg [dreg:$0x18]  }
0x70: {  	s30 =	rddreg [dreg:$0x17]  }
0x71: {  	[tilespmem:s31], [sflag:$0x1] =	stream.indirect.gather [hbm4b:s15+s10], $0x10, s2, s10, $0xb8;
	[tilespmem:$0x10A40] =	vst v63  }
0x72: {  	s31 =	rddreg [dreg:$0x1a]  }
0x73: {  	s2 =	rddreg [dreg:$0x19]  }
0x74: {  	[tilespmem:s7], [sflag:$0x1] =	stream.indirect.gather [hbm4b:s4+s10], $0x10, s19, s10, $0xb8;
	[tilespmem:$0x10A40] =	vst v63  }
0x75: {  	s7 =	rddreg [dreg:$0x1c]  }
0x76: {  	s19 =	rddreg [dreg:$0x1b]  }
0x77: {  	[tilespmem:s25], [sflag:$0x1] =	stream.indirect.gather [hbm4b:s15+s10], $0x10, s26, s10, $0xb8;
	[tilespmem:$0x10A40] =	vst v63  }
0x78: {  	s25 =	rddreg [dreg:$0x1e]  }
0x79: {  	s26 =	rddreg [dreg:$0x1d]  }
0x7a: {  	[tilespmem:s29], [sflag:$0x1] =	stream.indirect.gather [hbm4b:s4+s10], $0x10, s30, s10, $0xb8;
	[tilespmem:$0x10A40] =	vst v63  }
0x7b: {  	s29 =	sld [smem:$0x7D8]  }
0x7c: {  	s30 =	rddreg [dreg:$0x1f]  }
0x7d: {  	[tilespmem:s31], [sflag:$0x1] =	stream.indirect.gather [hbm4b:s15+s10], $0x10, s2, s10, $0xb8;
	[tilespmem:$0x10A40] =	vst v63  }
0x7e: {  	s31 =	sld [smem:$0x7DA]  }
0x7f: {  	s2 =	sld [smem:$0x7D9]  }
0x80: {  	[tilespmem:s7], [sflag:$0x1] =	stream.indirect.gather [hbm4b:s4+s10], $0x10, s19, s10, $0xb8;
	[tilespmem:$0x10A40] =	vst v63  }
0x81: {  	s7 =	sld [smem:$0x7DC]  }
0x82: {  	s19 =	sld [smem:$0x7DB]  }
0x83: {  	[tilespmem:s25], [sflag:$0x1] =	stream.indirect.gather [hbm4b:s15+s10], $0x10, s26, s10, $0xb8;
	[tilespmem:$0x10A40] =	vst v63  }
0x84: {  	s25 =	sld [smem:$0x7DE]  }
0x85: {  	s26 =	sld [smem:$0x7DD]  }
0x86: {  	[tilespmem:s29], [sflag:$0x1] =	stream.indirect.gather [hbm4b:s4+s10], $0x10, s30, s10, $0xb8;
	[tilespmem:$0x10A40] =	vst v63  }
0x87: {  	s29 =	sld [smem:$0x7E0]  }
0x88: {  	s30 =	sld [smem:$0x7DF]  }
0x89: {  	[tilespmem:s31], [sflag:$0x1] =	stream.indirect.gather [hbm4b:s15+s10], $0x10, s2, s10, $0xb8;
	[tilespmem:$0x10A40] =	vst v63  }
0x8a: {  	s31 =	sld [smem:$0x7E2]  }
0x8b: {  	s2 =	sld [smem:$0x7E1]  }
0x8c: {  	[tilespmem:s7], [sflag:$0x1] =	stream.indirect.gather [hbm4b:s4+s10], $0x10, s19, s10, $0xb8;
	[tilespmem:$0x10A40] =	vst v63  }
0x8d: {  	s7 =	sld [smem:$0x7E4]  }
0x8e: {  	s19 =	sld [smem:$0x7E3]  }
0x8f: {  	[tilespmem:s25], [sflag:$0x1] =	stream.indirect.gather [hbm4b:s15+s10], $0x10, s26, s10, $0xb8;
	[tilespmem:$0x10A40] =	vst v63  }
0x90: {  	s25 =	sld [smem:$0x7E6]  }
0x91: {  	s26 =	sld [smem:$0x7E5]  }
0x92: {  	[tilespmem:s29], [sflag:$0x1] =	stream.indirect.gather [hbm4b:s4+s10], $0x10, s30, s10, $0xb8;
	[tilespmem:$0x10A40] =	vst v63  }
0x93: {  	s29 =	sld [smem:$0x7E8]  }
0x94: {  	s30 =	sld [smem:$0x7E7]  }
0x95: {  	[tilespmem:s31], [sflag:$0x1] =	stream.indirect.gather [hbm4b:s15+s10], $0x10, s2, s10, $0xb8;
	[tilespmem:$0x10A40] =	vst v63  }
0x96: {  	s31 =	sld [smem:$0x7EA]  }
0x97: {  	s2 =	sld [smem:$0x7E9]  }
0x98: {  	[tilespmem:s7], [sflag:$0x1] =	stream.indirect.gather [hbm4b:s4+s10], $0x10, s19, s10, $0xb8;
	[tilespmem:$0x10A40] =	vst v63  }
0x99: {  	s7 =	sld [smem:$0x7EC]  }
0x9a: {  	s19 =	sld [smem:$0x7EB]  }
0x9b: {  	[tilespmem:s25], [sflag:$0x1] =	stream.indirect.gather [hbm4b:s15+s10], $0x10, s26, s10, $0xb8;
	[tilespmem:$0x10A40] =	vst v63  }
0x9c: {  	s25 =	sld [smem:$0x7EE]  }
0x9d: {  	s26 =	sld [smem:$0x7ED]  }
0x9e: {  	[tilespmem:s29], [sflag:$0x1] =	stream.indirect.gather [hbm4b:s4+s10], $0x10, s30, s10, $0xb8;
	[tilespmem:$0x10A40] =	vst v63  }
0x9f: {  	s29 =	sld [smem:$0x7F0]  }
0xa0: {  	s30 =	sld [smem:$0x7EF]  }
0xa1: {  	[tilespmem:s31], [sflag:$0x1] =	stream.indirect.gather [hbm4b:s15+s10], $0x10, s2, s10, $0xb8;
	[tilespmem:$0x10A40] =	vst v63  }
0xa2: {  	s31 =	sld [smem:$0x7F3]  }
0xa3: {  	s2 =	sld [smem:$0x7F1]  }
0xa4: {  	[tilespmem:s7], [sflag:$0x1] =	stream.indirect.gather [hbm4b:s4+s10], $0x10, s19, s10, $0xb8;
	[tilespmem:$0x10A40] =	vst v63  }
0xa5: {  	s7 =	sld [smem:$0x7F4]  }
0xa6: {  	[tilespmem:s25], [sflag:$0x1] =	stream.indirect.gather [hbm4b:s15+s10], $0x10, s26, s10, $0xb8;
	[tilespmem:$0x10A40] =	vst v63  }
0xa7: {  	s19 =	sld [smem:$0x7F9]  }
0xa8: {  	[tilespmem:s29], [sflag:$0x1] =	stream.indirect.gather [hbm4b:s4+s10], $0x10, s30, s10, $0xb8;
	[tilespmem:$0x10A40] =	vst v63  }
0xa9: {  	s25 =	sld [smem:$0x7F8]  }
0xaa: {  	[tilespmem:s31], [sflag:$0x1] =	stream.indirect.gather [hbm4b:s15+s10], $0x10, s2, s10, $0xb8;
	[tilespmem:$0x10A40] =	vst v63  }
0xab: {  	s26 =	sld [smem:$0x7FB]  }
0xac: {  	[tilespmem:s6], [sflag:$0x1] =	stream.indirect.gather [hbm4b:s4+s10], $0x10, s7, s10, $0xb8;
	[tilespmem:$0x10A40] =	vst v63  }
0xad: {  	s29 =	sld [smem:$0x7FA]  }
0xae: {  	[tilespmem:s19], [sflag:$0x1] =	stream.indirect.gather [hbm4b:s15+s10], $0x10, s25, s10, $0xb8;
	[tilespmem:$0x10A40] =	vst v63  }
0xaf: {  	s30 =	sld [smem:$0x7FC]  }
0xb0: {  	[tilespmem:s26], [sflag:$0x1] =	stream.indirect.gather [hbm4b:s4+s10], $0x10, s29, s10, $0xb8;
	[tilespmem:$0x10A40] =	vst v63  }
0xb1: {  	_ = 	snop  }
0xb2: {  	[tilespmem:s0], [sflag:$0x1] =	stream.indirect.gather [hbm4b:s15+s10], $0x10, s30, s10, $0xb8;
	[tilespmem:$0x10A40] =	vst v63  }
0xb3: {  	_ = 	snop  }
0xb4: {  	[tilespmem:s9], [sflag:$0x1] =	stream.indirect.gather [hbm4b:s4+s10], $0x10, s8, s10, $0xb8;
	[tilespmem:$0x10A40] =	vst v63  }
0xb5: {  	_ = 	snop  }
0xb6: {  	[tilespmem:s12], [sflag:$0x1] =	stream.indirect.gather [hbm4b:s15+s10], $0x10, s11, s10, $0xb8;
	[tilespmem:$0x10A40] =	vst v63  }
0xb7: {  	_ = 	snop  }
0xb8: {  	[tilespmem:s14], [sflag:$0x1] =	stream.indirect.gather [hbm4b:s4+s10], $0x10, s13, s10, $0xb8;
	[tilespmem:$0x10A40] =	vst v63  }
0xb9: {  	_ = 	snop  }
0xba: {  	[tilespmem:s17], [sflag:$0x1] =	stream.indirect.gather [hbm4b:s15+s10], $0x10, s16, s10, $0xb8;
	[tilespmem:$0x10A40] =	vst v63  }
0xbb: {  	_ = 	snop  }
0xbc: {  	[tilespmem:s20], [sflag:$0x1] =	stream.indirect.gather [hbm4b:s4+s10], $0x10, s18, s10, $0xb8;
	[tilespmem:$0x10A40] =	vst v63  }
0xbd: {  	_ = 	snop  }
0xbe: {  	[tilespmem:s22], [sflag:$0x1] =	stream.indirect.gather [hbm4b:s15+s10], $0x10, s21, s10, $0xb8;
	[tilespmem:$0x10A40] =	vst v63  }
0xbf: {  	_ = 	snop  }
0xc0: {  	[tilespmem:s24], [sflag:$0x1] =	stream.indirect.gather [hbm4b:s4+s10], $0x10, s23, s10, $0xb8;
	[tilespmem:$0x10A40] =	vst v63  }
0xc1: {  	_ =	swait.ge [sflag:s28], $0x640  }
0xc2: {  	[sflag:s28] =	ssyncset.done $0x0  }
0xc3: {  	[sflag:s28] =	ssyncadd.s32 $0xFFFFF9C0  }
0xc4: {  	_ =	swait.ge [sflag:s28], $0x640  }
0xc5: {  	[sflag:s28] =	ssyncset.done $0x0  }
0xc6: {  	[sflag:s28] =	ssyncadd.s32 $0xFFFFF9C0  }
0xc7: {  	_ =	swait.ge [sflag:s28], $0x640  }
0xc8: {  	[sflag:s28] =	ssyncset.done $0x0  }
0xc9: {  	[sflag:s28] =	ssyncadd.s32 $0xFFFFF9C0  }
0xca: {  	_ =	swait.ge [sflag:s28], $0x640  }
0xcb: {  	[sflag:s28] =	ssyncset.done $0x0  }
0xcc: {  	[sflag:s28] =	ssyncadd.s32 $0xFFFFF9C0  }
0xcd: {  	_ =	swait.ge [sflag:s28], $0x640  }
0xce: {  	[sflag:s28] =	ssyncset.done $0x0  }
0xcf: {  	[sflag:s28] =	ssyncadd.s32 $0xFFFFF9C0  }
0xd0: {  	_ =	swait.ge [sflag:s28], $0x640  }
0xd1: {  	[sflag:s28] =	ssyncset.done $0x0  }
0xd2: {  	[sflag:s28] =	ssyncadd.s32 $0xFFFFF9C0  }
0xd3: {  	_ =	swait.ge [sflag:s28], $0x640  }
0xd4: {  	[sflag:s28] =	ssyncset.done $0x0  }
0xd5: {  	[sflag:s28] =	ssyncadd.s32 $0xFFFFF9C0  }
0xd6: {  	_ =	swait.ge [sflag:s28], $0x640  }
0xd7: {  	[sflag:s28] =	ssyncset.done $0x0  }
0xd8: {  	[sflag:s28] =	ssyncadd.s32 $0xFFFFF9C0  }
0xd9: {  	_ =	swait.ge [sflag:s28], $0x640  }
0xda: {  	[sflag:s28] =	ssyncset.done $0x0  }
0xdb: {  	[sflag:s28] =	ssyncadd.s32 $0xFFFFF9C0  }
0xdc: {  	_ =	swait.ge [sflag:s28], $0x640  }
0xdd: {  	[sflag:s28] =	ssyncset.done $0x0  }
0xde: {  	[sflag:s28] =	ssyncadd.s32 $0xFFFFF9C0  }
0xdf: {  	_ =	swait.ge [sflag:s28], $0x640  }
0xe0: {  	[sflag:s28] =	ssyncset.done $0x0  }
0xe1: {  	[sflag:s28] =	ssyncadd.s32 $0xFFFFF9C0  }
0xe2: {  	_ =	swait.ge [sflag:s28], $0x640  }
0xe3: {  	[sflag:s28] =	ssyncset.done $0x0  }
0xe4: {  	[sflag:s28] =	ssyncadd.s32 $0xFFFFF9C0  }
0xe5: {  	_ =	swait.ge [sflag:s28], $0x640  }
0xe6: {  	[sflag:s28] =	ssyncset.done $0x0  }
0xe7: {  	[sflag:s28] =	ssyncadd.s32 $0xFFFFF9C0  }
0xe8: {  	_ =	swait.ge [sflag:s28], $0x640  }
0xe9: {  	[sflag:s28] =	ssyncset.done $0x0  }
0xea: {  	[sflag:s28] =	ssyncadd.s32 $0xFFFFF9C0  }
0xeb: {  	_ =	swait.ge [sflag:s28], $0x640  }
0xec: {  	[sflag:s28] =	ssyncset.done $0x0  }
0xed: {  	[sflag:s28] =	ssyncadd.s32 $0xFFFFF9C0  }
0xee: {  	_ =	swait.ge [sflag:s28], $0x640  }
0xef: {  	[sflag:s28] =	ssyncset.done $0x0  }
0xf0: {  	[sflag:s28] =	ssyncadd.s32 $0xFFFFF9C0  }
0xf1: {  	_ =	swait.ge [sflag:s28], $0x640  }
0xf2: {  	[sflag:s28] =	ssyncset.done $0x0  }
0xf3: {  	[sflag:s28] =	ssyncadd.s32 $0xFFFFF9C0  }
0xf4: {  	_ =	swait.ge [sflag:s28], $0x640  }
0xf5: {  	[sflag:s28] =	ssyncset.done $0x0  }
0xf6: {  	[sflag:s28] =	ssyncadd.s32 $0xFFFFF9C0  }
0xf7: {  	_ =	swait.ge [sflag:s28], $0x640  }
0xf8: {  	[sflag:s28] =	ssyncset.done $0x0  }
0xf9: {  	[sflag:s28] =	ssyncadd.s32 $0xFFFFF9C0  }
0xfa: {  	_ =	swait.ge [sflag:s28], $0x640  }
0xfb: {  	[sflag:s28] =	ssyncset.done $0x0  }
0xfc: {  	[sflag:s28] =	ssyncadd.s32 $0xFFFFF9C0  }
0xfd: {  	_ =	swait.ge [sflag:s28], $0x640  }
0xfe: {  	[sflag:s28] =	ssyncset.done $0x0  }
0xff: {  	[sflag:s28] =	ssyncadd.s32 $0xFFFFF9C0  }
0x100: {  	_ =	swait.ge [sflag:s28], $0x640  }
0x101: {  	[sflag:s28] =	ssyncset.done $0x0  }
0x102: {  	[sflag:s28] =	ssyncadd.s32 $0xFFFFF9C0  }
0x103: {  	_ =	swait.ge [sflag:s28], $0x640  }
0x104: {  	[sflag:s28] =	ssyncset.done $0x0  }
0x105: {  	[sflag:s28] =	ssyncadd.s32 $0xFFFFF9C0  }
0x106: {  	_ =	swait.ge [sflag:s28], $0x640  }
0x107: {  	[sflag:s28] =	ssyncset.done $0x0  }
0x108: {  	[sflag:s28] =	ssyncadd.s32 $0xFFFFF9C0  }
0x109: {  	_ =	swait.ge [sflag:s28], $0x640  }
0x10a: {  	[sflag:s28] =	ssyncset.done $0x0  }
0x10b: {  	[sflag:s28] =	ssyncadd.s32 $0xFFFFF9C0  }
0x10c: {  	_ =	swait.ge [sflag:s28], $0x640  }
0x10d: {  	[sflag:s28] =	ssyncset.done $0x0  }
0x10e: {  	[sflag:s28] =	ssyncadd.s32 $0xFFFFF9C0  }
0x10f: {  	_ =	swait.ge [sflag:s28], $0x640  }
0x110: {  	[sflag:s28] =	ssyncset.done $0x0  }
0x111: {  	[sflag:s28] =	ssyncadd.s32 $0xFFFFF9C0  }
0x112: {  	_ =	swait.ge [sflag:s28], $0x640  }
0x113: {  	[sflag:s28] =	ssyncset.done $0x0  }
0x114: {  	[sflag:s28] =	ssyncadd.s32 $0xFFFFF9C0  }
0x115: {  	_ =	swait.ge [sflag:s28], $0x640  }
0x116: {  	[sflag:s28] =	ssyncset.done $0x0  }
0x117: {  	[sflag:s28] =	ssyncadd.s32 $0xFFFFF9C0  }
0x118: {  	_ =	swait.ge [sflag:s28], $0x640  }
0x119: {  	[sflag:s28] =	ssyncset.done $0x0  }
0x11a: {  	[sflag:s28] =	ssyncadd.s32 $0xFFFFF9C0  }
0x11b: {  	_ =	swait.ge [sflag:s28], $0x640  }
0x11c: {  	[sflag:s28] =	ssyncset.done $0x0  }
0x11d: {  	[sflag:s28] =	ssyncadd.s32 $0xFFFFF9C0  }
0x11e: {  	_ =	swait.ge [sflag:s28], $0x640  }
0x11f: {  	[sflag:s28] =	ssyncset.done $0x0  }
0x120: {  	[sflag:s28] =	ssyncadd.s32 $0xFFFFF9C0  }
0x121: {  	_ =	swait.ge [sflag:s28], $0x640  }
0x122: {  	s31 =	sld [smem:$0x7F5]  }
0x123: {  	s2 =	sld [smem:$0x7F7];
	_ =	sdelay $0x1  }
0x124: {  	s1 =	simm.s32 $0x104;
	[sflag:s28] =	ssyncset.done $0x0  }
0x125: {  	s19 =	smov.u32 s31;
	s7 =	smov.u32 s2;
	s3 =	smov.u32 s31  }
.LBB2_2:
0x126: {  	[sflag:s28] =	ssyncadd.s32 $0xFFFFF9C0  }
0x127: {  	_ =	swait.ge [sflag:s28], $0x640  }
0x128: {  	[sflag:s28] =	ssyncset.done $0x0  }
0x129: {  	[sflag:s28] =	ssyncadd.s32 $0xFFFFF9C0  }
0x12a: {  	_ =	swait.ge [sflag:s28], $0x640  }
0x12b: {  	[sflag:s28] =	ssyncset.done $0x0  }
0x12c: {  	[sflag:s28] =	ssyncadd.s32 $0xFFFFF9C0  }
0x12d: {  	_ =	swait.ge [sflag:s28], $0x640  }
0x12e: {  	[sflag:s28] =	ssyncset.done $0x0  }
0x12f: {  	[sflag:s28] =	ssyncadd.s32 $0xFFFFF9C0  }
0x130: {  	_ =	swait.ge [sflag:s28], $0x640  }
0x131: {  	[sflag:s28] =	ssyncset.done $0x0  }
0x132: {  	[sflag:s28] =	ssyncadd.s32 $0xFFFFF9C0  }
0x133: {  	_ =	swait.ge [sflag:s28], $0x640  }
0x134: {  	[sflag:s28] =	ssyncset.done $0x0  }
0x135: {  	[sflag:s28] =	ssyncadd.s32 $0xFFFFF9C0  }
0x136: {  	_ =	swait.ge [sflag:s28], $0x640  }
0x137: {  	[sflag:s28] =	ssyncset.done $0x0  }
0x138: {  	[sflag:s28] =	ssyncadd.s32 $0xFFFFF9C0  }
0x139: {  	_ =	swait.ge [sflag:s28], $0x640  }
0x13a: {  	s16 =	simm.s32 $0x0;
	[sflag:s28] =	ssyncset.done $0x0  }
0x13b: {  	s17 =	simm.s32 $0x1040;
	s24 =	simm.s32 $0x2;
	[sflag:s28] =	ssyncadd.s32 $0xFFFFF9C0  }
0x13c: {  	[hbm4b:s2+s16] =	stream.linear.scatter [tilespmem:s17], [sflag:$0x2], $0x7D00, $0x38;
	[tilespmem:$0x10A40] =	vst v63  }
0x13d: {  	s7 =	sadd.s32 $0xFA0, s7;
	_ =	swait.ge [sflag:s24], $0x7D00  }
0x13e: {  	s5 =	smov.u32 s7;
	[sflag:s24] =	ssyncset.done $0x0  }
0x13f: {  	s25 =	simm.s32 $0x8D40;
	[smem:$0x7D5] =	sst s5;
	[sflag:s24] =	ssyncadd.s32 $0xFFFF8300  }
0x140: {  	[hbm4b:s3+s16] =	stream.linear.scatter [tilespmem:s25], [sflag:$0x2], $0x7D00, $0x38;
	[tilespmem:$0x10A40] =	vst v63  }
0x141: {  	s19 =	sadd.s32 $0xFA0, s19;
	s0 =	smov.u32 s1;
	_ =	swait.ge [sflag:s24], $0x7D00  }
0x142: {  	s26 =	smov.u32 s19;
	s29 =	rddreg [dreg:$0x3];
	[sflag:s24] =	ssyncset.done $0x0  }
0x143: {  	[smem:$0x7CB] =	sst s26;
	[sflag:s24] =	ssyncadd.s32 $0xFFFF8300;
	s3 =	sadd.s32 s0, s29  }
0x144: {  	[tilespmem:s16], [sflag:$0x2] =	stream.linear.gather [hbm4b:s3+s16], $0x820, $0x38;
	[tilespmem:$0x10A40] =	vst v63  }
0x145: {  	_ =	swait.ge [sflag:s24], $0x820  }
0x146: {  	s30 =	rddreg [dreg:$0x4];
	[sflag:s24] =	ssyncset.done $0x0  }
0x147: {  	s18 =	simm.s32 $0x820;
	[sflag:s24] =	ssyncadd.s32 $0xFFFFF7E0;
	s0 =	sadd.s32 s0, s30  }
0x148: {  	[tilespmem:s18], [sflag:$0x2] =	stream.linear.gather [hbm4b:s0+s16], $0x820, $0x38;
	[tilespmem:$0x10A40] =	vst v63  }
0x149: {  	_ =	swait.ge [sflag:s24], $0x820  }
0x14a: {  	s31 =	sld [smem:$0x7FD]  }
0x14b: {  	s3 =	sld [smem:$0x7FB]  }
0x14c: {  	s5 =	sld [smem:$0x7F9]  }
0x14d: {  	s6 =	sld [smem:$0x7F6]  }
0x14e: {  	s8 =	sld [smem:$0x7F3]  }
0x14f: {  	s9 =	sld [smem:$0x7F0]  }
0x150: {  	s11 =	sld [smem:$0x7EE]  }
0x151: {  	s12 =	sld [smem:$0x7EC]  }
0x152: {  	s13 =	sld [smem:$0x7EA]  }
0x153: {  	s14 =	sld [smem:$0x7E8]  }
0x154: {  	s20 =	sld [smem:$0x7E6]  }
0x155: {  	s21 =	sld [smem:$0x7E4]  }
0x156: {  	s22 =	sld [smem:$0x7E2]  }
0x157: {  	s23 =	sld [smem:$0x7E0]  }
0x158: {  	s25 =	sld [smem:$0x7DC]  }
0x159: {  	s26 =	sld [smem:$0x7DA]  }
0x15a: {  	s30 =	rddreg [dreg:$0x18]  }
0x15b: {  	s0 =	rddreg [dreg:$0x12]  }
0x15c: {  	s2 =	rddreg [dreg:$0x10]  }
0x15d: {  	[sflag:s24] =	ssyncset.done $0x0;
	s29 =	rddreg [dreg:$0xe]  }
0x15e: {  	[sflag:s24] =	ssyncadd.s32 $0xFFFFF7E0;
	s24 =	sld [smem:$0x7DE]  }
0x15f: {  	[tilespmem:s17], [sflag:$0x1] =	stream.indirect.gather [hbm4b:s15+s10], $0x10, s16, s10, $0xb8;
	[tilespmem:$0x10A40] =	vst v63  }
0x160: {  	s17 =	rddreg [dreg:$0xa]  }
0x161: {  	[smem:$0x7D6] =	sst s31  }
0x162: {  	[smem:$0x7D4] =	sst s3  }
0x163: {  	[smem:$0x7D3] =	sst s5  }
0x164: {  	[smem:$0x7D2] =	sst s6  }
0x165: {  	[smem:$0x7D1] =	sst s8  }
0x166: {  	[smem:$0x7D0] =	sst s9  }
0x167: {  	[smem:$0x7CF] =	sst s11  }
0x168: {  	[smem:$0x7CE] =	sst s12  }
0x169: {  	[smem:$0x7CD] =	sst s13  }
0x16a: {  	[smem:$0x7CC] =	sst s14  }
0x16b: {  	s9 =	sld [smem:$0x7D8]  }
0x16c: {  	s11 =	rddreg [dreg:$0x1e]  }
0x16d: {  	s12 =	rddreg [dreg:$0x1c]  }
0x16e: {  	s3 =	rddreg [dreg:$0x1a]  }
0x16f: {  	s31 =	rddreg [dreg:$0x16]  }
0x170: {  	s8 =	rddreg [dreg:$0x14]  }
0x171: {  	s13 =	rddreg [dreg:$0xc]  }
0x172: {  	s14 =	rddreg [dreg:$0x5]  }
0x173: {  	s6 =	rddreg [dreg:$0x6]  }
0x174: {  	s16 =	simm.s32 $0x8D40;
	s5 =	rddreg [dreg:$0x8]  }
0x175: {  	[tilespmem:s16], [sflag:$0x1] =	stream.indirect.gather [hbm4b:s4+s10], $0x10, s18, s10, $0xb8;
	[tilespmem:$0x10A40] =	vst v63  }
0x176: {  	s16 =	rddreg [dreg:$0x7]  }
0x177: {  	s18 =	rddreg [dreg:$0x9]  }
0x178: {  	[tilespmem:s6], [sflag:$0x1] =	stream.indirect.gather [hbm4b:s15+s10], $0x10, s14, s10, $0xb8;
	[tilespmem:$0x10A40] =	vst v63  }
0x179: {  	s6 =	rddreg [dreg:$0x17]  }
0x17a: {  	[tilespmem:s5], [sflag:$0x1] =	stream.indirect.gather [hbm4b:s4+s10], $0x10, s16, s10, $0xb8;
	[tilespmem:$0x10A40] =	vst v63  }
0x17b: {  	s5 =	rddreg [dreg:$0xb]  }
0x17c: {  	[tilespmem:s17], [sflag:$0x1] =	stream.indirect.gather [hbm4b:s15+s10], $0x10, s18, s10, $0xb8;
	[tilespmem:$0x10A40] =	vst v63  }
0x17d: {  	s18 =	rddreg [dreg:$0xd]  }
0x17e: {  	[tilespmem:s13], [sflag:$0x1] =	stream.indirect.gather [hbm4b:s4+s10], $0x10, s5, s10, $0xb8;
	[tilespmem:$0x10A40] =	vst v63  }
0x17f: {  	s5 =	rddreg [dreg:$0xf]  }
0x180: {  	[tilespmem:s29], [sflag:$0x1] =	stream.indirect.gather [hbm4b:s15+s10], $0x10, s18, s10, $0xb8;
	[tilespmem:$0x10A40] =	vst v63  }
0x181: {  	s18 =	rddreg [dreg:$0x11]  }
0x182: {  	s29 =	rddreg [dreg:$0x13]  }
0x183: {  	[tilespmem:s2], [sflag:$0x1] =	stream.indirect.gather [hbm4b:s4+s10], $0x10, s5, s10, $0xb8;
	[tilespmem:$0x10A40] =	vst v63  }
0x184: {  	s5 =	rddreg [dreg:$0x15]  }
0x185: {  	[tilespmem:s0], [sflag:$0x1] =	stream.indirect.gather [hbm4b:s15+s10], $0x10, s18, s10, $0xb8;
	[tilespmem:$0x10A40] =	vst v63  }
0x186: {  	s18 =	rddreg [dreg:$0x19]  }
0x187: {  	[tilespmem:s8], [sflag:$0x1] =	stream.indirect.gather [hbm4b:s4+s10], $0x10, s29, s10, $0xb8;
	[tilespmem:$0x10A40] =	vst v63  }
0x188: {  	s29 =	rddreg [dreg:$0x1b]  }
0x189: {  	[tilespmem:s31], [sflag:$0x1] =	stream.indirect.gather [hbm4b:s15+s10], $0x10, s5, s10, $0xb8;
	[tilespmem:$0x10A40] =	vst v63  }
0x18a: {  	s31 =	rddreg [dreg:$0x1f]  }
0x18b: {  	s5 =	sld [smem:$0x7D9]  }
0x18c: {  	[tilespmem:s30], [sflag:$0x1] =	stream.indirect.gather [hbm4b:s4+s10], $0x10, s6, s10, $0xb8;
	[tilespmem:$0x10A40] =	vst v63  }
0x18d: {  	s30 =	rddreg [dreg:$0x1d]  }
0x18e: {  	s6 =	sld [smem:$0x7DB]  }
0x18f: {  	[tilespmem:s3], [sflag:$0x1] =	stream.indirect.gather [hbm4b:s15+s10], $0x10, s18, s10, $0xb8;
	[tilespmem:$0x10A40] =	vst v63  }
0x190: {  	s18 =	sld [smem:$0x7DD]  }
0x191: {  	[tilespmem:s12], [sflag:$0x1] =	stream.indirect.gather [hbm4b:s4+s10], $0x10, s29, s10, $0xb8;
	[tilespmem:$0x10A40] =	vst v63  }
0x192: {  	s29 =	sld [smem:$0x7E1]  }
0x193: {  	[tilespmem:s11], [sflag:$0x1] =	stream.indirect.gather [hbm4b:s15+s10], $0x10, s30, s10, $0xb8;
	[tilespmem:$0x10A40] =	vst v63  }
0x194: {  	s30 =	sld [smem:$0x7E3]  }
0x195: {  	[tilespmem:s9], [sflag:$0x1] =	stream.indirect.gather [hbm4b:s4+s10], $0x10, s31, s10, $0xb8;
	[tilespmem:$0x10A40] =	vst v63  }
0x196: {  	s31 =	sld [smem:$0x7E5]  }
0x197: {  	[tilespmem:s26], [sflag:$0x1] =	stream.indirect.gather [hbm4b:s15+s10], $0x10, s5, s10, $0xb8;
	[tilespmem:$0x10A40] =	vst v63  }
0x198: {  	s26 =	sld [smem:$0x7DF]  }
0x199: {  	s5 =	sld [smem:$0x7E7]  }
0x19a: {  	[tilespmem:s25], [sflag:$0x1] =	stream.indirect.gather [hbm4b:s4+s10], $0x10, s6, s10, $0xb8;
	[tilespmem:$0x10A40] =	vst v63  }
0x19b: {  	s6 =	sld [smem:$0x7E9]  }
0x19c: {  	[tilespmem:s24], [sflag:$0x1] =	stream.indirect.gather [hbm4b:s15+s10], $0x10, s18, s10, $0xb8;
	[tilespmem:$0x10A40] =	vst v63  }
0x19d: {  	s25 =	sld [smem:$0x7EB]  }
0x19e: {  	[tilespmem:s23], [sflag:$0x1] =	stream.indirect.gather [hbm4b:s4+s10], $0x10, s26, s10, $0xb8;
	[tilespmem:$0x10A40] =	vst v63  }
0x19f: {  	s18 =	sld [smem:$0x7CC]  }
0x1a0: {  	[tilespmem:s22], [sflag:$0x1] =	stream.indirect.gather [hbm4b:s15+s10], $0x10, s29, s10, $0xb8;
	[tilespmem:$0x10A40] =	vst v63  }
0x1a1: {  	s26 =	sld [smem:$0x7CD]  }
0x1a2: {  	[tilespmem:s21], [sflag:$0x1] =	stream.indirect.gather [hbm4b:s4+s10], $0x10, s30, s10, $0xb8;
	[tilespmem:$0x10A40] =	vst v63  }
0x1a3: {  	s29 =	sld [smem:$0x7ED]  }
0x1a4: {  	[tilespmem:s20], [sflag:$0x1] =	stream.indirect.gather [hbm4b:s15+s10], $0x10, s31, s10, $0xb8;
	[tilespmem:$0x10A40] =	vst v63  }
0x1a5: {  	s30 =	sld [smem:$0x7CE]  }
0x1a6: {  	[tilespmem:s18], [sflag:$0x1] =	stream.indirect.gather [hbm4b:s4+s10], $0x10, s5, s10, $0xb8;
	[tilespmem:$0x10A40] =	vst v63  }
0x1a7: {  	s31 =	sld [smem:$0x7EF]  }
0x1a8: {  	[tilespmem:s26], [sflag:$0x1] =	stream.indirect.gather [hbm4b:s15+s10], $0x10, s6, s10, $0xb8;
	[tilespmem:$0x10A40] =	vst v63  }
0x1a9: {  	s6 =	sld [smem:$0x7CF]  }
0x1aa: {  	s26 =	sld [smem:$0x7D0]  }
0x1ab: {  	[tilespmem:s30], [sflag:$0x1] =	stream.indirect.gather [hbm4b:s4+s10], $0x10, s25, s10, $0xb8;
	[tilespmem:$0x10A40] =	vst v63  }
0x1ac: {  	s25 =	sld [smem:$0x7F1]  }
0x1ad: {  	s30 =	sld [smem:$0x7D1]  }
0x1ae: {  	[tilespmem:s6], [sflag:$0x1] =	stream.indirect.gather [hbm4b:s15+s10], $0x10, s29, s10, $0xb8;
	[tilespmem:$0x10A40] =	vst v63  }
0x1af: {  	s29 =	sld [smem:$0x7F4]  }
0x1b0: {  	s6 =	sld [smem:$0x7D2]  }
0x1b1: {  	[tilespmem:s26], [sflag:$0x1] =	stream.indirect.gather [hbm4b:s4+s10], $0x10, s31, s10, $0xb8;
	[tilespmem:$0x10A40] =	vst v63  }
0x1b2: {  	s31 =	sld [smem:$0x7F8]  }
0x1b3: {  	s26 =	sld [smem:$0x7D3]  }
0x1b4: {  	[tilespmem:s30], [sflag:$0x1] =	stream.indirect.gather [hbm4b:s15+s10], $0x10, s25, s10, $0xb8;
	[tilespmem:$0x10A40] =	vst v63  }
0x1b5: {  	s25 =	sld [smem:$0x7FA]  }
0x1b6: {  	s30 =	sld [smem:$0x7D4]  }
0x1b7: {  	[tilespmem:s6], [sflag:$0x1] =	stream.indirect.gather [hbm4b:s4+s10], $0x10, s29, s10, $0xb8;
	[tilespmem:$0x10A40] =	vst v63  }
0x1b8: {  	s29 =	sld [smem:$0x7FC]  }
0x1b9: {  	[tilespmem:s26], [sflag:$0x1] =	stream.indirect.gather [hbm4b:s15+s10], $0x10, s31, s10, $0xb8;
	[tilespmem:$0x10A40] =	vst v63  }
0x1ba: {  	s31 =	sld [smem:$0x7D6]  }
0x1bb: {  	[tilespmem:s30], [sflag:$0x1] =	stream.indirect.gather [hbm4b:s4+s10], $0x10, s25, s10, $0xb8;
	[tilespmem:$0x10A40] =	vst v63  }
0x1bc: {  	_ = 	snop  }
0x1bd: {  	[tilespmem:s31], [sflag:$0x1] =	stream.indirect.gather [hbm4b:s15+s10], $0x10, s29, s10, $0xb8;
	[tilespmem:$0x10A40] =	vst v63  }
0x1be: {  	s8 =	simm.s32 $0xEA0;
	s9 =	simm.s32 $0xF140  }
0x1bf: {  	[tilespmem:s9], [sflag:$0x1] =	stream.indirect.gather [hbm4b:s4+s10], $0x10, s8, s10, $0xb8;
	[tilespmem:$0x10A40] =	vst v63  }
0x1c0: {  	s12 =	simm.s32 $0x7A80;
	s11 =	simm.s32 $0x6E8  }
0x1c1: {  	[tilespmem:s12], [sflag:$0x1] =	stream.indirect.gather [hbm4b:s15+s10], $0x10, s11, s10, $0xb8;
	[tilespmem:$0x10A40] =	vst v63  }
0x1c2: {  	s14 =	simm.s32 $0xF780;
	s13 =	simm.s32 $0xF08  }
0x1c3: {  	[tilespmem:s14], [sflag:$0x1] =	stream.indirect.gather [hbm4b:s4+s10], $0x10, s13, s10, $0xb8;
	[tilespmem:$0x10A40] =	vst v63  }
0x1c4: {  	s16 =	simm.s32 $0x750;
	s17 =	simm.s32 $0x80C0  }
0x1c5: {  	[tilespmem:s17], [sflag:$0x1] =	stream.indirect.gather [hbm4b:s15+s10], $0x10, s16, s10, $0xb8;
	[tilespmem:$0x10A40] =	vst v63  }
0x1c6: {  	s20 =	simm.s32 $0xFDC0;
	s18 =	simm.s32 $0xF70  }
0x1c7: {  	[tilespmem:s20], [sflag:$0x1] =	stream.indirect.gather [hbm4b:s4+s10], $0x10, s18, s10, $0xb8;
	[tilespmem:$0x10A40] =	vst v63  }
0x1c8: {  	s22 =	simm.s32 $0x8700;
	s21 =	simm.s32 $0x7B8  }
0x1c9: {  	[tilespmem:s22], [sflag:$0x1] =	stream.indirect.gather [hbm4b:s15+s10], $0x10, s21, s10, $0xb8;
	[tilespmem:$0x10A40] =	vst v63  }
0x1ca: {  	s2 =	sld [smem:$0x7D5];
	s24 =	simm.s32 $0x10400;
	s23 =	simm.s32 $0xFD8  }
0x1cb: {  	[tilespmem:s24], [sflag:$0x1] =	stream.indirect.gather [hbm4b:s4+s10], $0x10, s23, s10, $0xb8;
	[tilespmem:$0x10A40] =	vst v63  }
0x1cc: {  	s3 =	sld [smem:$0x7CB];
	_ =	swait.ge [sflag:s28], $0x640  }
0x1cd: {  	[sflag:s28] =	ssyncset.done $0x0  }
0x1ce: {  	[sflag:s28] =	ssyncadd.s32 $0xFFFFF9C0  }
0x1cf: {  	_ =	swait.ge [sflag:s28], $0x640  }
0x1d0: {  	[sflag:s28] =	ssyncset.done $0x0  }
0x1d1: {  	[sflag:s28] =	ssyncadd.s32 $0xFFFFF9C0  }
0x1d2: {  	_ =	swait.ge [sflag:s28], $0x640  }
0x1d3: {  	[sflag:s28] =	ssyncset.done $0x0  }
0x1d4: {  	[sflag:s28] =	ssyncadd.s32 $0xFFFFF9C0  }
0x1d5: {  	_ =	swait.ge [sflag:s28], $0x640  }
0x1d6: {  	[sflag:s28] =	ssyncset.done $0x0  }
0x1d7: {  	[sflag:s28] =	ssyncadd.s32 $0xFFFFF9C0  }
0x1d8: {  	_ =	swait.ge [sflag:s28], $0x640  }
0x1d9: {  	[sflag:s28] =	ssyncset.done $0x0  }
0x1da: {  	[sflag:s28] =	ssyncadd.s32 $0xFFFFF9C0  }
0x1db: {  	_ =	swait.ge [sflag:s28], $0x640  }
0x1dc: {  	[sflag:s28] =	ssyncset.done $0x0  }
0x1dd: {  	[sflag:s28] =	ssyncadd.s32 $0xFFFFF9C0  }
0x1de: {  	_ =	swait.ge [sflag:s28], $0x640  }
0x1df: {  	[sflag:s28] =	ssyncset.done $0x0  }
0x1e0: {  	[sflag:s28] =	ssyncadd.s32 $0xFFFFF9C0  }
0x1e1: {  	_ =	swait.ge [sflag:s28], $0x640  }
0x1e2: {  	[sflag:s28] =	ssyncset.done $0x0  }
0x1e3: {  	[sflag:s28] =	ssyncadd.s32 $0xFFFFF9C0  }
0x1e4: {  	_ =	swait.ge [sflag:s28], $0x640  }
0x1e5: {  	[sflag:s28] =	ssyncset.done $0x0  }
0x1e6: {  	[sflag:s28] =	ssyncadd.s32 $0xFFFFF9C0  }
0x1e7: {  	_ =	swait.ge [sflag:s28], $0x640  }
0x1e8: {  	[sflag:s28] =	ssyncset.done $0x0  }
0x1e9: {  	[sflag:s28] =	ssyncadd.s32 $0xFFFFF9C0  }
0x1ea: {  	_ =	swait.ge [sflag:s28], $0x640  }
0x1eb: {  	[sflag:s28] =	ssyncset.done $0x0  }
0x1ec: {  	[sflag:s28] =	ssyncadd.s32 $0xFFFFF9C0  }
0x1ed: {  	_ =	swait.ge [sflag:s28], $0x640  }
0x1ee: {  	[sflag:s28] =	ssyncset.done $0x0  }
0x1ef: {  	[sflag:s28] =	ssyncadd.s32 $0xFFFFF9C0  }
0x1f0: {  	_ =	swait.ge [sflag:s28], $0x640  }
0x1f1: {  	[sflag:s28] =	ssyncset.done $0x0  }
0x1f2: {  	[sflag:s28] =	ssyncadd.s32 $0xFFFFF9C0  }
0x1f3: {  	_ =	swait.ge [sflag:s28], $0x640  }
0x1f4: {  	[sflag:s28] =	ssyncset.done $0x0  }
0x1f5: {  	[sflag:s28] =	ssyncadd.s32 $0xFFFFF9C0  }
0x1f6: {  	_ =	swait.ge [sflag:s28], $0x640  }
0x1f7: {  	[sflag:s28] =	ssyncset.done $0x0  }
0x1f8: {  	[sflag:s28] =	ssyncadd.s32 $0xFFFFF9C0  }
0x1f9: {  	_ =	swait.ge [sflag:s28], $0x640  }
0x1fa: {  	[sflag:s28] =	ssyncset.done $0x0  }
0x1fb: {  	[sflag:s28] =	ssyncadd.s32 $0xFFFFF9C0  }
0x1fc: {  	_ =	swait.ge [sflag:s28], $0x640  }
0x1fd: {  	[sflag:s28] =	ssyncset.done $0x0  }
0x1fe: {  	[sflag:s28] =	ssyncadd.s32 $0xFFFFF9C0  }
0x1ff: {  	_ =	swait.ge [sflag:s28], $0x640  }
0x200: {  	[sflag:s28] =	ssyncset.done $0x0  }
0x201: {  	[sflag:s28] =	ssyncadd.s32 $0xFFFFF9C0  }
0x202: {  	_ =	swait.ge [sflag:s28], $0x640  }
0x203: {  	[sflag:s28] =	ssyncset.done $0x0  }
0x204: {  	[sflag:s28] =	ssyncadd.s32 $0xFFFFF9C0  }
0x205: {  	_ =	swait.ge [sflag:s28], $0x640  }
0x206: {  	[sflag:s28] =	ssyncset.done $0x0  }
0x207: {  	[sflag:s28] =	ssyncadd.s32 $0xFFFFF9C0  }
0x208: {  	_ =	swait.ge [sflag:s28], $0x640  }
0x209: {  	[sflag:s28] =	ssyncset.done $0x0  }
0x20a: {  	[sflag:s28] =	ssyncadd.s32 $0xFFFFF9C0  }
0x20b: {  	_ =	swait.ge [sflag:s28], $0x640  }
0x20c: {  	[sflag:s28] =	ssyncset.done $0x0  }
0x20d: {  	[sflag:s28] =	ssyncadd.s32 $0xFFFFF9C0  }
0x20e: {  	_ =	swait.ge [sflag:s28], $0x640  }
0x20f: {  	[sflag:s28] =	ssyncset.done $0x0  }
0x210: {  	[sflag:s28] =	ssyncadd.s32 $0xFFFFF9C0  }
0x211: {  	_ =	swait.ge [sflag:s28], $0x640  }
0x212: {  	[sflag:s28] =	ssyncset.done $0x0  }
0x213: {  	[sflag:s28] =	ssyncadd.s32 $0xFFFFF9C0  }
0x214: {  	_ =	swait.ge [sflag:s28], $0x640  }
0x215: {  	[sflag:s28] =	ssyncset.done $0x0  }
0x216: {  	[sflag:s28] =	ssyncadd.s32 $0xFFFFF9C0  }
0x217: {  	_ =	swait.ge [sflag:s28], $0x640  }
0x218: {  	[sflag:s28] =	ssyncset.done $0x0  }
0x219: {  	[sflag:s28] =	ssyncadd.s32 $0xFFFFF9C0  }
0x21a: {  	_ =	swait.ge [sflag:s28], $0x640  }
0x21b: {  	[sflag:s28] =	ssyncset.done $0x0  }
0x21c: {  	[sflag:s28] =	ssyncadd.s32 $0xFFFFF9C0  }
0x21d: {  	_ =	swait.ge [sflag:s28], $0x640  }
0x21e: {  	[sflag:s28] =	ssyncset.done $0x0  }
0x21f: {  	[sflag:s28] =	ssyncadd.s32 $0xFFFFF9C0  }
0x220: {  	_ =	swait.ge [sflag:s28], $0x640  }
0x221: {  	[sflag:s28] =	ssyncset.done $0x0  }
0x222: {  	[sflag:s28] =	ssyncadd.s32 $0xFFFFF9C0  }
0x223: {  	_ =	swait.ge [sflag:s28], $0x640  }
0x224: {  	[sflag:s28] =	ssyncset.done $0x0  }
0x225: {  	[sflag:s28] =	ssyncadd.s32 $0xFFFFF9C0  }
0x226: {  	_ =	swait.ge [sflag:s28], $0x640  }
0x227: {  	[sflag:s28] =	ssyncset.done $0x0  }
0x228: {  	p0 =	sne.s32 s1, $0x410;
	[sflag:s28] =	ssyncadd.s32 $0xFFFFF9C0  }
.Ltmp0:
0x229: {  	_ =	swait.ge [sflag:s28], $0x640;
	(pc) =	sbr.rel @p0 .LBB2_2-.Ltmp0, $4  }
0x22a: {  	[sflag:s28] =	ssyncset.done $0x0  }
0x22b: {  	[sflag:s28] =	ssyncadd.s32 $0xFFFFF9C0  }
0x22c: {  	_ =	swait.ge [sflag:s28], $0x640  }
0x22d: {  	s1 =	sadd.s32 $0x104, s1;
	[sflag:s28] =	ssyncset.done $0x0  }
0x22e: {  	[sflag:s28] =	ssyncadd.s32 $0xFFFFF9C0  }
0x22f: {  	_ =	swait.ge [sflag:s28], $0x640  }
0x230: {  	[sflag:s28] =	ssyncset.done $0x0  }
0x231: {  	[sflag:s28] =	ssyncadd.s32 $0xFFFFF9C0  }
0x232: {  	_ =	swait.ge [sflag:s28], $0x640  }
0x233: {  	[sflag:s28] =	ssyncset.done $0x0  }
0x234: {  	[sflag:s28] =	ssyncadd.s32 $0xFFFFF9C0  }
0x235: {  	_ =	swait.ge [sflag:s28], $0x640  }
0x236: {  	[sflag:s28] =	ssyncset.done $0x0  }
0x237: {  	[sflag:s28] =	ssyncadd.s32 $0xFFFFF9C0  }
0x238: {  	_ =	swait.ge [sflag:s28], $0x640  }
0x239: {  	[sflag:s28] =	ssyncset.done $0x0  }
0x23a: {  	[sflag:s28] =	ssyncadd.s32 $0xFFFFF9C0  }
0x23b: {  	_ =	swait.ge [sflag:s28], $0x640  }
0x23c: {  	[sflag:s28] =	ssyncset.done $0x0  }
0x23d: {  	[sflag:s28] =	ssyncadd.s32 $0xFFFFF9C0  }
0x23e: {  	_ =	swait.ge [sflag:s28], $0x640  }
0x23f: {  	[sflag:s28] =	ssyncset.done $0x0  }
0x240: {  	[sflag:s28] =	ssyncadd.s32 $0xFFFFF9C0  }
0x241: {  	_ =	swait.ge [sflag:s28], $0x640  }
0x242: {  	s0 =	simm.s32 $0x0;
	[sflag:s28] =	ssyncset.done $0x0  }
0x243: {  	s1 =	simm.s32 $0x1040;
	s26 =	simm.s32 $0x2;
	[sflag:s28] =	ssyncadd.s32 $0xFFFFF9C0  }
0x244: {  	[hbm4b:s2+s0] =	stream.linear.scatter [tilespmem:s1], [sflag:$0x2], $0x7D00, $0x38;
	[tilespmem:$0x10A40] =	vst v63  }
0x245: {  	_ =	swait.ge [sflag:s26], $0x7D00  }
0x246: {  	[sflag:s26] =	ssyncset.done $0x0  }
0x247: {  	s29 =	simm.s32 $0x8D40;
	[sflag:s26] =	ssyncadd.s32 $0xFFFF8300  }
0x248: {  	[hbm4b:s3+s0] =	stream.linear.scatter [tilespmem:s29], [sflag:$0x2], $0x7D00, $0x38;
	[tilespmem:$0x10A40] =	vst v63  }
0x249: {  	_ =	swait.ge [sflag:s26], $0x7D00  }
0x24a: {  	s30 =	sld [smem:$0x7D7]  }
0x24b: {  	s31 =	sld [smem:$0x7F2];
	_ =	sdelay $0x1  }
0x24c: {  	s2 =	sadd.s32 $0x1, s30  }
0x24d: {  	p0 =	sne.s32 s2, s31  }
.Ltmp1:
0x24e: {  	_ = 	snop;
	(pc) =	sbr.rel @p0 .LBB2_1-.Ltmp1, $3  }
0x24f: {  	_ =	sdelay $0x1  }
0x250: {  	[sflag:s26] =	ssyncset.done $0x0  }
0x251: {  	s6 =	simm.s32 $0x820;
	[sflag:s26] =	ssyncadd.s32 $0xFFFF8300  }
0x252: {  	_ =	sfence.sel $0x180000  }
0x253: {  	[bflag:$0x0] =	sbarrier.arrive $0xFFFF  }
0x254: {  	_ =	strace $0x90000047  }
0x255: {  	s0 =	stileid.u32;
	[bflag:$0x2] =	sbarrier.arrive $0xFFFF  }
0x256: {  	p0 =	sne.s32 s0, $0x0;
	s0 =	rddreg [dreg:$0x2]  }
0x257: {  	s0 =	sadd.s32 @!p0 $0x100000, s0  }
0x258: {  	[sflag:s0] =	ssyncadd.tile.s32 @!p0 $0x1;
	_ =	shalt  }
.Lfunc_end2:
_tile_overlayer_lowered:
.L_overlay_start_2:
0x259: {  	(tag) =	ssettag $0x2  }
0x25a: {  	s0 =	rddreg [dreg:$0x0];
	s2 =	stileid.u32  }
0x25b: {  	s1 =	rddreg [dreg:$0x1];
	p0 =	sne.s32 s2, $0x0  }
0x25c: {  	s3 =	rddreg [dreg:$0x2];
	[bflag:$0x3] =	sbarrier.arrive $0xFFFF;
	s2 =	simm.s32 @!p0 $0x1C02  }
0x25d: {  	[timem:s3], [sflag:s2] =	dma.local @!p0 [hbm:s0], s1  }
0x25e: {  	s0 =	simm.s32 @!p0 $0x2  }
0x25f: {  	_ =	swait.ge @!p0 [sflag:s0], s1  }
0x260: {  	s1 =	ssub.s32 @!p0 $0x0, s1;
	[sflag:s0] =	ssyncset.done @!p0 $0x0  }
0x261: {  	[sflag:s0] =	ssyncadd.s32 @!p0 s1  }
0x262: {  	[bflag:$0x3] =	sbarrier.arrive $0xFFFF  }
0x263: {  	_ =	shalt  }

</sc_bundles>
